<compile_context>
chip_gen: v7x
topology: tpu7x:2x2x1
jax: 0.10.2.dev20260603
libtpu: 0.0.44.dev20260713+nightly
codegen_flags: <defaults>
</compile_context>

<pallas_src>
import functools

import jax
import jax.numpy as jnp
from jax import lax
from jax._src.pallas import core as pl_core
from jax.experimental import pallas as pl
from jax.experimental.pallas import tpu as pltpu
from jax.experimental.pallas import tpu_sc as plsc

_B, _C, _H, _W = 16, 85, 128, 128
_NGT = 50
_NCLS = _C - 5
_HW = _H * _W
_LB = 0.05
_W_OBJ = 1.0 / _HW
_W_CLS = 0.5 / (_HW * _NCLS)
_EPS = 1e-07

_NC, _NS, _L = 2, 16, 16
_NCHUNK = 4
_NPAD = _NCHUNK * _L



_LOG2E = 1.4426950408889634
_LN2 = 0.6931471805599453


_IPB = 2


def _dense_body(p_ref, out_ref):
    x = p_ref[...]
    xo = x[:, 4:5]
    xc = x[:, 5:]
    so = jnp.sum(jnp.log2(1.0 + jnp.exp2(xo * _LOG2E)))
    sc = jnp.sum(jnp.log2(1.0 + jnp.exp2(xc * _LOG2E)))
    val = (_LN2 * _W_OBJ) * so + (_LN2 * _W_CLS) * sc
    out_ref[0] = jnp.full((8, _W), 0.0) + val


def _dense_call(preds):
    nblk = _B // _IPB
    return pl.pallas_call(
        _dense_body,
        grid=(nblk,),
        in_specs=[pl.BlockSpec((_IPB, _C, _H, _W), lambda b: (b, 0, 0, 0))],
        out_specs=pl.BlockSpec((1, 8, _W), lambda b: (b, 0, 0)),
        out_shape=jax.ShapeDtypeStruct((nblk, 8, _W), jnp.float32),
        compiler_params=pltpu.CompilerParams(
            dimension_semantics=("parallel",)),
    )(preds)



def _sc_body(preds_hbm, tgt_hbm, out_hbm,
             ti, tgt_v, i0, i1, i2, i3, i4, i5,
             r0, r1, r2, r3, r4, r5,
             res_v, sem):
    w = lax.axis_index("s") * _NC + lax.axis_index("c")

    @pl.when(w < _B)
    def _work():
        b = w
        iota = lax.iota(jnp.int32, _L)
        tbase = b * (5 * _NGT)
        for f in range(5):
            for i in range(_NCHUNK):
                n = iota + (_L * i)
                g = jnp.minimum(n, _NGT - 1)
                ti[pl.ds(f * _NPAD + _L * i, _L)] = tbase + g * 5 + f
        pltpu.async_copy(tgt_hbm.at[ti], tgt_v, sem).wait()
        base = b * (_C * _HW)
        idx_refs = [i0, i1, i2, i3, i4, i5]
        row_refs = [r0, r1, r2, r3, r4, r5]

        zero_i = jnp.zeros((_L,), jnp.int32)
        one_i = jnp.ones((_L,), jnp.int32)
        tv_l, cell_l, key_l = [], [], []
        for i in range(_NCHUNK):
            n = iota + (_L * i)
            vmask_i = jnp.where(n < _NGT, one_i, zero_i)
            sent_i = jnp.where(n < _NGT, zero_i, -1 - n)
            sl = pl.ds(_L * i, _L)

            def tg(f, i=i):
                return tgt_v[pl.ds(f * _NPAD + _L * i, _L)]

            clsf = tg(0)
            cx = tg(1)
            cy = tg(2)
            gw = tg(3)
            gh = tg(4)
            cls_i = clsf.astype(jnp.int32)
            gi = (cx * float(_W)).astype(jnp.int32)
            gj = (cy * float(_H)).astype(jnp.int32)
            cell = gj * _W + gi
            cellc = jnp.minimum(cell, _HW - 1)
            for j in range(5):
                idx_refs[j][sl] = base + j * _HW + cellc
            idx_refs[5][sl] = base + (5 + cls_i) * _HW + cellc
            cell_l.append(cell * vmask_i + sent_i)
            key_l.append((cell * 128 + cls_i) * vmask_i + sent_i)
            tv_l.append((cx, cy, gw, gh))

        copies = [pltpu.async_copy(preds_hbm.at[idx_refs[j]], row_refs[j], sem)
                  for j in range(6)]

        dup_o = [zero_i] * _NCHUNK
        dup_c = [zero_i] * _NCHUNK
        for m in range(_NGT):
            ic, lane = m // _L, m % _L
            cmv = jnp.full((_L,), cell_l[ic][lane], jnp.int32)
            kmv = jnp.full((_L,), key_l[ic][lane], jnp.int32)
            lat_i = jnp.where(iota > (m - _L * ic), one_i, zero_i)
            dup_o[ic] += jnp.where(cell_l[ic] == cmv, lat_i, zero_i)
            dup_c[ic] += jnp.where(key_l[ic] == kmv, lat_i, zero_i)
            for i in range(ic + 1, _NCHUNK):
                dup_o[i] += jnp.where(cell_l[i] == cmv, one_i, zero_i)
                dup_c[i] += jnp.where(key_l[i] == kmv, one_i, zero_i)

        zerof = jnp.zeros((_L,), jnp.float32)
        onef = jnp.ones((_L,), jnp.float32)
        wbox_l, wo_l, wc_l = [], [], []
        for i in range(_NCHUNK):
            n = iota + (_L * i)
            vmask_f = jnp.where(n < _NGT, onef, zerof)
            wbox_l.append(vmask_f)
            wo_l.append(jnp.where(dup_o[i] == 0, vmask_f, zerof))
            wc_l.append(jnp.where(dup_c[i] == 0, vmask_f, zerof))

        for cp in copies:
            cp.wait()

        box_acc = jnp.zeros((_L,), jnp.float32)
        co_acc = jnp.zeros((_L,), jnp.float32)
        cc_acc = jnp.zeros((_L,), jnp.float32)
        for i in range(_NCHUNK):
            sl = pl.ds(_L * i, _L)
            cx, cy, gw, gh = tv_l[i]

            px = r0[sl]
            py = r1[sl]
            pw = r2[sl]
            ph = r3[sl]
            pobj = r4[sl]
            pcls = r5[sl]

            px1 = px - pw * 0.5
            py1 = py - ph * 0.5
            px2 = px + pw * 0.5
            py2 = py + ph * 0.5
            gx1 = (cx - gw * 0.5) * float(_W)
            gy1 = (cy - gh * 0.5) * float(_H)
            gx2 = (cx + gw * 0.5) * float(_W)
            gy2 = (cy + gh * 0.5) * float(_H)
            ix1 = jnp.maximum(px1, gx1)
            iy1 = jnp.maximum(py1, gy1)
            ix2 = jnp.minimum(px2, gx2)
            iy2 = jnp.minimum(py2, gy2)
            inter = jnp.maximum(ix2 - ix1, 0.0) * jnp.maximum(iy2 - iy1, 0.0)
            area1 = (px2 - px1) * (py2 - py1)
            area2 = (gx2 - gx1) * (gy2 - gy1)
            iou = inter / (area1 + area2 - inter + _EPS)

            box_acc += wbox_l[i] * (1.0 - iou)
            co_acc += wo_l[i] * pobj
            cc_acc += wc_l[i] * pcls

        res_v[...] = _LB * box_acc - _W_OBJ * co_acc - _W_CLS * cc_acc
        pltpu.sync_copy(res_v, out_hbm.at[w])


def _sc_call(preds_flat, targets_t):
    mesh = plsc.VectorSubcoreMesh(core_axis_name="c", subcore_axis_name="s")
    f = functools.partial(
        pl.kernel,
        mesh=mesh,
        out_type=jax.ShapeDtypeStruct((_B, _L), jnp.float32),
        scratch_types=(
            [pltpu.VMEM((5 * _NPAD,), jnp.int32)]
            + [pltpu.VMEM((5 * _NPAD,), jnp.float32)]
            + [pltpu.VMEM((_NPAD,), jnp.int32)] * 6
            + [pltpu.VMEM((_NPAD,), jnp.float32)] * 6
            + [pltpu.VMEM((_L,), jnp.float32)]
            + [pltpu.SemaphoreType.DMA]
        ),
    )(_sc_body)
    return f(preds_flat, targets_t)


def kernel(preds, targets):
    preds = preds.astype(jnp.float32)
    targets = targets.astype(jnp.float32)
    preds_flat = preds.reshape(_B * _C * _HW)
    targets_flat = targets.reshape(_B * _NGT * 5)
    dense = _dense_call(preds)
    parts = _sc_call(preds_flat, targets_flat)
    return jnp.sum(jnp.concatenate([dense[:, 0, 0], parts.reshape(-1)]))

# --- scband reference (transcript-rebuilt; emitter-appended) ---
"""Pipeline reference for scband-detection-loss-89550068121905 (READ-ONLY COPY).

The authoritative reference and input builder live on the scoring server;
editing this copy changes nothing except your own understanding.
"""

import jax, jax.numpy as jnp
import numpy as np

B, C, H, W = 16, 85, 128, 128
N_GT = 50
NUM_CLASSES = C - 5
LAMBDA_BOX, LAMBDA_OBJ, LAMBDA_CLS = 0.05, 1.0, 0.5
EPS = 1e-07


def setup_inputs(seed: int = 0) -> dict:
    key = jax.random.key(seed)
    k1, k2, k3 = jax.random.split(key, 3)
    preds = jax.random.normal(k1, (B, C, H, W), dtype=jnp.float32)
    # targets: [B, N, 5] = [cls, cx, cy, w, h], coords normalized in [0,1)
    cls = jax.random.randint(k2, (B, N_GT, 1), 0, NUM_CLASSES).astype(jnp.float32)
    coords = jax.random.uniform(k3, (B, N_GT, 4), dtype=jnp.float32)
    targets = jnp.concatenate([cls, coords], axis=-1)
    return {"preds": preds, "targets": targets}


def _bce_with_logits(x, z):
    # numerically-stable BCEWithLogits (elementwise, no reduction)
    return jnp.clip(x, 0.0, None) - x * z + jnp.log1p(jnp.exp(-jnp.abs(x)))


def reference(preds, targets):
    b, c, h, w_dim = preds.shape
    nc = c - 5
    p = jnp.transpose(preds, (0, 2, 3, 1)).reshape(b, h * w_dim, c)

    cls_id = targets[..., 0].astype(jnp.int32)            # [B, N]
    cx = targets[..., 1]
    cy = targets[..., 2]
    gw = targets[..., 3]
    gh = targets[..., 4]

    gi = (cx * w_dim).astype(jnp.int32)
    gj = (cy * h).astype(jnp.int32)
    idx = gj * w_dim + gi                                  # [B, N]
    bidx = jnp.broadcast_to(jnp.arange(b)[:, None], idx.shape)

    # scatter targets (overwrite semantics, matching torch indexing assignment)
    obj_tgt = jnp.zeros((b, h * w_dim), dtype=preds.dtype).at[bidx, idx].set(1.0)
    cls_tgt = jnp.zeros((b, h * w_dim, nc), dtype=preds.dtype).at[bidx, idx, cls_id].set(1.0)

    # gather predicted boxes at GT cells
    pb = p[bidx, idx, :]                                   # [B, N, C]
    px, py, pw, ph = pb[..., 0], pb[..., 1], pb[..., 2], pb[..., 3]
    px1 = px - pw / 2
    py1 = py - ph / 2
    px2 = px + pw / 2
    py2 = py + ph / 2
    gx1 = (cx - gw / 2) * w_dim
    gy1 = (cy - gh / 2) * h
    gx2 = (cx + gw / 2) * w_dim
    gy2 = (cy + gh / 2) * h

    ix1 = jnp.maximum(px1, gx1)
    iy1 = jnp.maximum(py1, gy1)
    ix2 = jnp.minimum(px2, gx2)
    iy2 = jnp.minimum(py2, gy2)
    inter = jnp.clip(ix2 - ix1, 0.0, None) * jnp.clip(iy2 - iy1, 0.0, None)
    area1 = (px2 - px1) * (py2 - py1)
    area2 = (gx2 - gx1) * (gy2 - gy1)
    iou = inter / (area1 + area2 - inter + EPS)
    box_loss = jnp.sum(1.0 - iou)

    obj_loss = jnp.sum(jnp.mean(_bce_with_logits(p[:, :, 4], obj_tgt), axis=1))
    cls_loss = jnp.sum(jnp.mean(_bce_with_logits(p[:, :, 5:], cls_tgt), axis=(1, 2)))

    return LAMBDA_BOX * box_loss + LAMBDA_OBJ * obj_loss + LAMBDA_CLS * cls_loss

if __name__ == "__main__":
    import jax
    _d = setup_inputs()
    print(jax.jit(kernel)(*tuple(_d.values())))

</pallas_src>

<mosaic_0001>
#map = affine_map<(d0, d1) -> (0)>
#map1 = affine_map<(d0, d1) -> (0, 0)>
module attributes {stable_mosaic.version = 14 : i64} {
  func.func @_sc_body(%arg0: i32, %arg1: i32, %arg2: memref<22282240xf32, #tpu.memory_space<hbm>>, %arg3: memref<4000xf32, #tpu.memory_space<hbm>>, %arg4: memref<16x16xf32, #tpu.memory_space<hbm>>, %arg5: memref<320xi32, #tpu.memory_space<vmem>>, %arg6: memref<320xf32, #tpu.memory_space<vmem>>, %arg7: memref<64xi32, #tpu.memory_space<vmem>>, %arg8: memref<64xi32, #tpu.memory_space<vmem>>, %arg9: memref<64xi32, #tpu.memory_space<vmem>>, %arg10: memref<64xi32, #tpu.memory_space<vmem>>, %arg11: memref<64xi32, #tpu.memory_space<vmem>>, %arg12: memref<64xi32, #tpu.memory_space<vmem>>, %arg13: memref<64xf32, #tpu.memory_space<vmem>>, %arg14: memref<64xf32, #tpu.memory_space<vmem>>, %arg15: memref<64xf32, #tpu.memory_space<vmem>>, %arg16: memref<64xf32, #tpu.memory_space<vmem>>, %arg17: memref<64xf32, #tpu.memory_space<vmem>>, %arg18: memref<64xf32, #tpu.memory_space<vmem>>, %arg19: memref<16xf32, #tpu.memory_space<vmem>>, %arg20: memref<!tpu.dma_semaphore, #tpu.memory_space<semaphore_mem>>) attributes {dimension_semantics = [#tpu.dimension_semantics<core_parallel>, #tpu.dimension_semantics<subcore_parallel>], iteration_bounds = array<i64: 2, 16>, scalar_prefetch = 0 : i64, scratch_operands = 16 : i64, tpu.core_type = #tpu.core_type<sc_vector_subcore>, window_params = [{transform_indices = #map}, {transform_indices = #map}, {transform_indices = #map1}]} {
    %mul3A = arith.constant 2 : i32
    %mul3A_0 = arith.muli %arg1, %mul3A : i32
    %add3A = arith.addi %mul3A_0, %arg0 : i32
    %lt3A = arith.constant 16 : i32
    %lt3A_1 = arith.cmpi slt, %add3A, %lt3A : i32
    %convert_element_type3A = arith.extui %lt3A_1 : i1 to i32
    %cond3A = arith.constant 0 : i32
    %cond3A_2 = arith.cmpi ne, %convert_element_type3A, %cond3A : i32
    scf.if %cond3A_2 {
      %iota3A = tpu.iota {dimensions = array<i32: 0>} : vector<16xi32>
      %mul3A_3 = arith.constant 250 : i32
      %mul3A_4 = arith.muli %add3A, %mul3A_3 : i32
      %add3A_5 = arith.constant 0 : i32
      %add3A_6 = vector.broadcast %add3A_5 : i32 to vector<16xi32>
      %add3A_7 = arith.addi %iota3A, %add3A_6 : vector<16xi32>
      %min3A = arith.constant 49 : i32
      %min3A_8 = vector.broadcast %min3A : i32 to vector<16xi32>
      %min3A_9 = arith.minsi %add3A_7, %min3A_8 : vector<16xi32>
      %mul3A_10 = arith.constant 5 : i32
      %mul3A_11 = vector.broadcast %mul3A_10 : i32 to vector<16xi32>
      %mul3A_12 = arith.muli %min3A_9, %mul3A_11 : vector<16xi32>
      %add3A_13 = vector.broadcast %mul3A_4 : i32 to vector<16xi32>
      %add3A_14 = arith.addi %add3A_13, %mul3A_12 : vector<16xi32>
      %add3A_15 = arith.constant 0 : i32
      %add3A_16 = vector.broadcast %add3A_15 : i32 to vector<16xi32>
      %add3A_17 = arith.addi %add3A_14, %add3A_16 : vector<16xi32>
      %swap3A = arith.constant 0 : index
      %swap3A_18 = tpu.vector_load %arg5[%swap3A] {strides = array<i32>} : memref<320xi32, #tpu.memory_space<vmem>>, vector<16xi32>,
      %swap3A_19 = vector.shape_cast %swap3A_18 : vector<16xi32> to vector<16xi32>
      %swap3A_20 = vector.shape_cast %add3A_17 : vector<16xi32> to vector<16xi32>
      tpu.vector_store %arg5[%swap3A], %swap3A_20 {strides = array<i32>} : memref<320xi32, #tpu.memory_space<vmem>>, vector<16xi32>,
      %add3A_21 = arith.constant 16 : i32
      %add3A_22 = vector.broadcast %add3A_21 : i32 to vector<16xi32>
      %add3A_23 = arith.addi %iota3A, %add3A_22 : vector<16xi32>
      %min3A_24 = arith.constant 49 : i32
      %min3A_25 = vector.broadcast %min3A_24 : i32 to vector<16xi32>
      %min3A_26 = arith.minsi %add3A_23, %min3A_25 : vector<16xi32>
      %mul3A_27 = arith.constant 5 : i32
      %mul3A_28 = vector.broadcast %mul3A_27 : i32 to vector<16xi32>
      %mul3A_29 = arith.muli %min3A_26, %mul3A_28 : vector<16xi32>
      %add3A_30 = vector.broadcast %mul3A_4 : i32 to vector<16xi32>
      %add3A_31 = arith.addi %add3A_30, %mul3A_29 : vector<16xi32>
      %add3A_32 = arith.constant 0 : i32
      %add3A_33 = vector.broadcast %add3A_32 : i32 to vector<16xi32>
      %add3A_34 = arith.addi %add3A_31, %add3A_33 : vector<16xi32>
      %swap3A_35 = arith.constant 16 : index
      %swap3A_36 = tpu.vector_load %arg5[%swap3A_35] {strides = array<i32>} : memref<320xi32, #tpu.memory_space<vmem>>, vector<16xi32>,
      %swap3A_37 = vector.shape_cast %swap3A_36 : vector<16xi32> to vector<16xi32>
      %swap3A_38 = vector.shape_cast %add3A_34 : vector<16xi32> to vector<16xi32>
      tpu.vector_store %arg5[%swap3A_35], %swap3A_38 {strides = array<i32>} : memref<320xi32, #tpu.memory_space<vmem>>, vector<16xi32>,
      %add3A_39 = arith.constant 32 : i32
      %add3A_40 = vector.broadcast %add3A_39 : i32 to vector<16xi32>
      %add3A_41 = arith.addi %iota3A, %add3A_40 : vector<16xi32>
      %min3A_42 = arith.constant 49 : i32
      %min3A_43 = vector.broadcast %min3A_42 : i32 to vector<16xi32>
      %min3A_44 = arith.minsi %add3A_41, %min3A_43 : vector<16xi32>
      %mul3A_45 = arith.constant 5 : i32
      %mul3A_46 = vector.broadcast %mul3A_45 : i32 to vector<16xi32>
      %mul3A_47 = arith.muli %min3A_44, %mul3A_46 : vector<16xi32>
      %add3A_48 = vector.broadcast %mul3A_4 : i32 to vector<16xi32>
      %add3A_49 = arith.addi %add3A_48, %mul3A_47 : vector<16xi32>
      %add3A_50 = arith.constant 0 : i32
      %add3A_51 = vector.broadcast %add3A_50 : i32 to vector<16xi32>
      %add3A_52 = arith.addi %add3A_49, %add3A_51 : vector<16xi32>
      %swap3A_53 = arith.constant 32 : index
      %swap3A_54 = tpu.vector_load %arg5[%swap3A_53] {strides = array<i32>} : memref<320xi32, #tpu.memory_space<vmem>>, vector<16xi32>,
      %swap3A_55 = vector.shape_cast %swap3A_54 : vector<16xi32> to vector<16xi32>
      %swap3A_56 = vector.shape_cast %add3A_52 : vector<16xi32> to vector<16xi32>
      tpu.vector_store %arg5[%swap3A_53], %swap3A_56 {strides = array<i32>} : memref<320xi32, #tpu.memory_space<vmem>>, vector<16xi32>,
      %add3A_57 = arith.constant 48 : i32
      %add3A_58 = vector.broadcast %add3A_57 : i32 to vector<16xi32>
      %add3A_59 = arith.addi %iota3A, %add3A_58 : vector<16xi32>
      %min3A_60 = arith.constant 49 : i32
      %min3A_61 = vector.broadcast %min3A_60 : i32 to vector<16xi32>
      %min3A_62 = arith.minsi %add3A_59, %min3A_61 : vector<16xi32>
      %mul3A_63 = arith.constant 5 : i32
      %mul3A_64 = vector.broadcast %mul3A_63 : i32 to vector<16xi32>
      %mul3A_65 = arith.muli %min3A_62, %mul3A_64 : vector<16xi32>
      %add3A_66 = vector.broadcast %mul3A_4 : i32 to vector<16xi32>
      %add3A_67 = arith.addi %add3A_66, %mul3A_65 : vector<16xi32>
      %add3A_68 = arith.constant 0 : i32
      %add3A_69 = vector.broadcast %add3A_68 : i32 to vector<16xi32>
      %add3A_70 = arith.addi %add3A_67, %add3A_69 : vector<16xi32>
      %swap3A_71 = arith.constant 48 : index
      %swap3A_72 = tpu.vector_load %arg5[%swap3A_71] {strides = array<i32>} : memref<320xi32, #tpu.memory_space<vmem>>, vector<16xi32>,
      %swap3A_73 = vector.shape_cast %swap3A_72 : vector<16xi32> to vector<16xi32>
      %swap3A_74 = vector.shape_cast %add3A_70 : vector<16xi32> to vector<16xi32>
      tpu.vector_store %arg5[%swap3A_71], %swap3A_74 {strides = array<i32>} : memref<320xi32, #tpu.memory_space<vmem>>, vector<16xi32>,
      %add3A_75 = arith.constant 0 : i32
      %add3A_76 = vector.broadcast %add3A_75 : i32 to vector<16xi32>
      %add3A_77 = arith.addi %iota3A, %add3A_76 : vector<16xi32>
      %min3A_78 = arith.constant 49 : i32
      %min3A_79 = vector.broadcast %min3A_78 : i32 to vector<16xi32>
      %min3A_80 = arith.minsi %add3A_77, %min3A_79 : vector<16xi32>
      %mul3A_81 = arith.constant 5 : i32
      %mul3A_82 = vector.broadcast %mul3A_81 : i32 to vector<16xi32>
      %mul3A_83 = arith.muli %min3A_80, %mul3A_82 : vector<16xi32>
      %add3A_84 = vector.broadcast %mul3A_4 : i32 to vector<16xi32>
      %add3A_85 = arith.addi %add3A_84, %mul3A_83 : vector<16xi32>
      %add3A_86 = arith.constant 1 : i32
      %add3A_87 = vector.broadcast %add3A_86 : i32 to vector<16xi32>
      %add3A_88 = arith.addi %add3A_85, %add3A_87 : vector<16xi32>
      %swap3A_89 = arith.constant 64 : index
      %swap3A_90 = tpu.vector_load %arg5[%swap3A_89] {strides = array<i32>} : memref<320xi32, #tpu.memory_space<vmem>>, vector<16xi32>,
      %swap3A_91 = vector.shape_cast %swap3A_90 : vector<16xi32> to vector<16xi32>
      %swap3A_92 = vector.shape_cast %add3A_88 : vector<16xi32> to vector<16xi32>
      tpu.vector_store %arg5[%swap3A_89], %swap3A_92 {strides = array<i32>} : memref<320xi32, #tpu.memory_space<vmem>>, vector<16xi32>,
      %add3A_93 = arith.constant 16 : i32
      %add3A_94 = vector.broadcast %add3A_93 : i32 to vector<16xi32>
      %add3A_95 = arith.addi %iota3A, %add3A_94 : vector<16xi32>
      %min3A_96 = arith.constant 49 : i32
      %min3A_97 = vector.broadcast %min3A_96 : i32 to vector<16xi32>
      %min3A_98 = arith.minsi %add3A_95, %min3A_97 : vector<16xi32>
      %mul3A_99 = arith.constant 5 : i32
      %mul3A_100 = vector.broadcast %mul3A_99 : i32 to vector<16xi32>
      %mul3A_101 = arith.muli %min3A_98, %mul3A_100 : vector<16xi32>
      %add3A_102 = vector.broadcast %mul3A_4 : i32 to vector<16xi32>
      %add3A_103 = arith.addi %add3A_102, %mul3A_101 : vector<16xi32>
      %add3A_104 = arith.constant 1 : i32
      %add3A_105 = vector.broadcast %add3A_104 : i32 to vector<16xi32>
      %add3A_106 = arith.addi %add3A_103, %add3A_105 : vector<16xi32>
      %swap3A_107 = arith.constant 80 : index
      %swap3A_108 = tpu.vector_load %arg5[%swap3A_107] {strides = array<i32>} : memref<320xi32, #tpu.memory_space<vmem>>, vector<16xi32>,
      %swap3A_109 = vector.shape_cast %swap3A_108 : vector<16xi32> to vector<16xi32>
      %swap3A_110 = vector.shape_cast %add3A_106 : vector<16xi32> to vector<16xi32>
      tpu.vector_store %arg5[%swap3A_107], %swap3A_110 {strides = array<i32>} : memref<320xi32, #tpu.memory_space<vmem>>, vector<16xi32>,
      %add3A_111 = arith.constant 32 : i32
      %add3A_112 = vector.broadcast %add3A_111 : i32 to vector<16xi32>
      %add3A_113 = arith.addi %iota3A, %add3A_112 : vector<16xi32>
      %min3A_114 = arith.constant 49 : i32
      %min3A_115 = vector.broadcast %min3A_114 : i32 to vector<16xi32>
      %min3A_116 = arith.minsi %add3A_113, %min3A_115 : vector<16xi32>
      %mul3A_117 = arith.constant 5 : i32
      %mul3A_118 = vector.broadcast %mul3A_117 : i32 to vector<16xi32>
      %mul3A_119 = arith.muli %min3A_116, %mul3A_118 : vector<16xi32>
      %add3A_120 = vector.broadcast %mul3A_4 : i32 to vector<16xi32>
      %add3A_121 = arith.addi %add3A_120, %mul3A_119 : vector<16xi32>
      %add3A_122 = arith.constant 1 : i32
      %add3A_123 = vector.broadcast %add3A_122 : i32 to vector<16xi32>
      %add3A_124 = arith.addi %add3A_121, %add3A_123 : vector<16xi32>
      %swap3A_125 = arith.constant 96 : index
      %swap3A_126 = tpu.vector_load %arg5[%swap3A_125] {strides = array<i32>} : memref<320xi32, #tpu.memory_space<vmem>>, vector<16xi32>,
      %swap3A_127 = vector.shape_cast %swap3A_126 : vector<16xi32> to vector<16xi32>
      %swap3A_128 = vector.shape_cast %add3A_124 : vector<16xi32> to vector<16xi32>
      tpu.vector_store %arg5[%swap3A_125], %swap3A_128 {strides = array<i32>} : memref<320xi32, #tpu.memory_space<vmem>>, vector<16xi32>,
      %add3A_129 = arith.constant 48 : i32
      %add3A_130 = vector.broadcast %add3A_129 : i32 to vector<16xi32>
      %add3A_131 = arith.addi %iota3A, %add3A_130 : vector<16xi32>
      %min3A_132 = arith.constant 49 : i32
      %min3A_133 = vector.broadcast %min3A_132 : i32 to vector<16xi32>
      %min3A_134 = arith.minsi %add3A_131, %min3A_133 : vector<16xi32>
      %mul3A_135 = arith.constant 5 : i32
      %mul3A_136 = vector.broadcast %mul3A_135 : i32 to vector<16xi32>
      %mul3A_137 = arith.muli %min3A_134, %mul3A_136 : vector<16xi32>
      %add3A_138 = vector.broadcast %mul3A_4 : i32 to vector<16xi32>
      %add3A_139 = arith.addi %add3A_138, %mul3A_137 : vector<16xi32>
      %add3A_140 = arith.constant 1 : i32
      %add3A_141 = vector.broadcast %add3A_140 : i32 to vector<16xi32>
      %add3A_142 = arith.addi %add3A_139, %add3A_141 : vector<16xi32>
      %swap3A_143 = arith.constant 112 : index
      %swap3A_144 = tpu.vector_load %arg5[%swap3A_143] {strides = array<i32>} : memref<320xi32, #tpu.memory_space<vmem>>, vector<16xi32>,
      %swap3A_145 = vector.shape_cast %swap3A_144 : vector<16xi32> to vector<16xi32>
      %swap3A_146 = vector.shape_cast %add3A_142 : vector<16xi32> to vector<16xi32>
      tpu.vector_store %arg5[%swap3A_143], %swap3A_146 {strides = array<i32>} : memref<320xi32, #tpu.memory_space<vmem>>, vector<16xi32>,
      %add3A_147 = arith.constant 0 : i32
      %add3A_148 = vector.broadcast %add3A_147 : i32 to vector<16xi32>
      %add3A_149 = arith.addi %iota3A, %add3A_148 : vector<16xi32>
      %min3A_150 = arith.constant 49 : i32
      %min3A_151 = vector.broadcast %min3A_150 : i32 to vector<16xi32>
      %min3A_152 = arith.minsi %add3A_149, %min3A_151 : vector<16xi32>
      %mul3A_153 = arith.constant 5 : i32
      %mul3A_154 = vector.broadcast %mul3A_153 : i32 to vector<16xi32>
      %mul3A_155 = arith.muli %min3A_152, %mul3A_154 : vector<16xi32>
      %add3A_156 = vector.broadcast %mul3A_4 : i32 to vector<16xi32>
      %add3A_157 = arith.addi %add3A_156, %mul3A_155 : vector<16xi32>
      %add3A_158 = arith.constant 2 : i32
      %add3A_159 = vector.broadcast %add3A_158 : i32 to vector<16xi32>
      %add3A_160 = arith.addi %add3A_157, %add3A_159 : vector<16xi32>
      %swap3A_161 = arith.constant 128 : index
      %swap3A_162 = tpu.vector_load %arg5[%swap3A_161] {strides = array<i32>} : memref<320xi32, #tpu.memory_space<vmem>>, vector<16xi32>,
      %swap3A_163 = vector.shape_cast %swap3A_162 : vector<16xi32> to vector<16xi32>
      %swap3A_164 = vector.shape_cast %add3A_160 : vector<16xi32> to vector<16xi32>
      tpu.vector_store %arg5[%swap3A_161], %swap3A_164 {strides = array<i32>} : memref<320xi32, #tpu.memory_space<vmem>>, vector<16xi32>,
      %add3A_165 = arith.constant 16 : i32
      %add3A_166 = vector.broadcast %add3A_165 : i32 to vector<16xi32>
      %add3A_167 = arith.addi %iota3A, %add3A_166 : vector<16xi32>
      %min3A_168 = arith.constant 49 : i32
      %min3A_169 = vector.broadcast %min3A_168 : i32 to vector<16xi32>
      %min3A_170 = arith.minsi %add3A_167, %min3A_169 : vector<16xi32>
      %mul3A_171 = arith.constant 5 : i32
      %mul3A_172 = vector.broadcast %mul3A_171 : i32 to vector<16xi32>
      %mul3A_173 = arith.muli %min3A_170, %mul3A_172 : vector<16xi32>
      %add3A_174 = vector.broadcast %mul3A_4 : i32 to vector<16xi32>
      %add3A_175 = arith.addi %add3A_174, %mul3A_173 : vector<16xi32>
      %add3A_176 = arith.constant 2 : i32
      %add3A_177 = vector.broadcast %add3A_176 : i32 to vector<16xi32>
      %add3A_178 = arith.addi %add3A_175, %add3A_177 : vector<16xi32>
      %swap3A_179 = arith.constant 144 : index
      %swap3A_180 = tpu.vector_load %arg5[%swap3A_179] {strides = array<i32>} : memref<320xi32, #tpu.memory_space<vmem>>, vector<16xi32>,
      %swap3A_181 = vector.shape_cast %swap3A_180 : vector<16xi32> to vector<16xi32>
      %swap3A_182 = vector.shape_cast %add3A_178 : vector<16xi32> to vector<16xi32>
      tpu.vector_store %arg5[%swap3A_179], %swap3A_182 {strides = array<i32>} : memref<320xi32, #tpu.memory_space<vmem>>, vector<16xi32>,
      %add3A_183 = arith.constant 32 : i32
      %add3A_184 = vector.broadcast %add3A_183 : i32 to vector<16xi32>
      %add3A_185 = arith.addi %iota3A, %add3A_184 : vector<16xi32>
      %min3A_186 = arith.constant 49 : i32
      %min3A_187 = vector.broadcast %min3A_186 : i32 to vector<16xi32>
      %min3A_188 = arith.minsi %add3A_185, %min3A_187 : vector<16xi32>
      %mul3A_189 = arith.constant 5 : i32
      %mul3A_190 = vector.broadcast %mul3A_189 : i32 to vector<16xi32>
      %mul3A_191 = arith.muli %min3A_188, %mul3A_190 : vector<16xi32>
      %add3A_192 = vector.broadcast %mul3A_4 : i32 to vector<16xi32>
      %add3A_193 = arith.addi %add3A_192, %mul3A_191 : vector<16xi32>
      %add3A_194 = arith.constant 2 : i32
      %add3A_195 = vector.broadcast %add3A_194 : i32 to vector<16xi32>
      %add3A_196 = arith.addi %add3A_193, %add3A_195 : vector<16xi32>
      %swap3A_197 = arith.constant 160 : index
      %swap3A_198 = tpu.vector_load %arg5[%swap3A_197] {strides = array<i32>} : memref<320xi32, #tpu.memory_space<vmem>>, vector<16xi32>,
      %swap3A_199 = vector.shape_cast %swap3A_198 : vector<16xi32> to vector<16xi32>
      %swap3A_200 = vector.shape_cast %add3A_196 : vector<16xi32> to vector<16xi32>
      tpu.vector_store %arg5[%swap3A_197], %swap3A_200 {strides = array<i32>} : memref<320xi32, #tpu.memory_space<vmem>>, vector<16xi32>,
      %add3A_201 = arith.constant 48 : i32
      %add3A_202 = vector.broadcast %add3A_201 : i32 to vector<16xi32>
      %add3A_203 = arith.addi %iota3A, %add3A_202 : vector<16xi32>
      %min3A_204 = arith.constant 49 : i32
      %min3A_205 = vector.broadcast %min3A_204 : i32 to vector<16xi32>
      %min3A_206 = arith.minsi %add3A_203, %min3A_205 : vector<16xi32>
      %mul3A_207 = arith.constant 5 : i32
      %mul3A_208 = vector.broadcast %mul3A_207 : i32 to vector<16xi32>
      %mul3A_209 = arith.muli %min3A_206, %mul3A_208 : vector<16xi32>
      %add3A_210 = vector.broadcast %mul3A_4 : i32 to vector<16xi32>
      %add3A_211 = arith.addi %add3A_210, %mul3A_209 : vector<16xi32>
      %add3A_212 = arith.constant 2 : i32
      %add3A_213 = vector.broadcast %add3A_212 : i32 to vector<16xi32>
      %add3A_214 = arith.addi %add3A_211, %add3A_213 : vector<16xi32>
      %swap3A_215 = arith.constant 176 : index
      %swap3A_216 = tpu.vector_load %arg5[%swap3A_215] {strides = array<i32>} : memref<320xi32, #tpu.memory_space<vmem>>, vector<16xi32>,
      %swap3A_217 = vector.shape_cast %swap3A_216 : vector<16xi32> to vector<16xi32>
      %swap3A_218 = vector.shape_cast %add3A_214 : vector<16xi32> to vector<16xi32>
      tpu.vector_store %arg5[%swap3A_215], %swap3A_218 {strides = array<i32>} : memref<320xi32, #tpu.memory_space<vmem>>, vector<16xi32>,
      %add3A_219 = arith.constant 0 : i32
      %add3A_220 = vector.broadcast %add3A_219 : i32 to vector<16xi32>
      %add3A_221 = arith.addi %iota3A, %add3A_220 : vector<16xi32>
      %min3A_222 = arith.constant 49 : i32
      %min3A_223 = vector.broadcast %min3A_222 : i32 to vector<16xi32>
      %min3A_224 = arith.minsi %add3A_221, %min3A_223 : vector<16xi32>
      %mul3A_225 = arith.constant 5 : i32
      %mul3A_226 = vector.broadcast %mul3A_225 : i32 to vector<16xi32>
      %mul3A_227 = arith.muli %min3A_224, %mul3A_226 : vector<16xi32>
      %add3A_228 = vector.broadcast %mul3A_4 : i32 to vector<16xi32>
      %add3A_229 = arith.addi %add3A_228, %mul3A_227 : vector<16xi32>
      %add3A_230 = arith.constant 3 : i32
      %add3A_231 = vector.broadcast %add3A_230 : i32 to vector<16xi32>
      %add3A_232 = arith.addi %add3A_229, %add3A_231 : vector<16xi32>
      %swap3A_233 = arith.constant 192 : index
      %swap3A_234 = tpu.vector_load %arg5[%swap3A_233] {strides = array<i32>} : memref<320xi32, #tpu.memory_space<vmem>>, vector<16xi32>,
      %swap3A_235 = vector.shape_cast %swap3A_234 : vector<16xi32> to vector<16xi32>
      %swap3A_236 = vector.shape_cast %add3A_232 : vector<16xi32> to vector<16xi32>
      tpu.vector_store %arg5[%swap3A_233], %swap3A_236 {strides = array<i32>} : memref<320xi32, #tpu.memory_space<vmem>>, vector<16xi32>,
      %add3A_237 = arith.constant 16 : i32
      %add3A_238 = vector.broadcast %add3A_237 : i32 to vector<16xi32>
      %add3A_239 = arith.addi %iota3A, %add3A_238 : vector<16xi32>
      %min3A_240 = arith.constant 49 : i32
      %min3A_241 = vector.broadcast %min3A_240 : i32 to vector<16xi32>
      %min3A_242 = arith.minsi %add3A_239, %min3A_241 : vector<16xi32>
      %mul3A_243 = arith.constant 5 : i32
      %mul3A_244 = vector.broadcast %mul3A_243 : i32 to vector<16xi32>
      %mul3A_245 = arith.muli %min3A_242, %mul3A_244 : vector<16xi32>
      %add3A_246 = vector.broadcast %mul3A_4 : i32 to vector<16xi32>
      %add3A_247 = arith.addi %add3A_246, %mul3A_245 : vector<16xi32>
      %add3A_248 = arith.constant 3 : i32
      %add3A_249 = vector.broadcast %add3A_248 : i32 to vector<16xi32>
      %add3A_250 = arith.addi %add3A_247, %add3A_249 : vector<16xi32>
      %swap3A_251 = arith.constant 208 : index
      %swap3A_252 = tpu.vector_load %arg5[%swap3A_251] {strides = array<i32>} : memref<320xi32, #tpu.memory_space<vmem>>, vector<16xi32>,
      %swap3A_253 = vector.shape_cast %swap3A_252 : vector<16xi32> to vector<16xi32>
      %swap3A_254 = vector.shape_cast %add3A_250 : vector<16xi32> to vector<16xi32>
      tpu.vector_store %arg5[%swap3A_251], %swap3A_254 {strides = array<i32>} : memref<320xi32, #tpu.memory_space<vmem>>, vector<16xi32>,
      %add3A_255 = arith.constant 32 : i32
      %add3A_256 = vector.broadcast %add3A_255 : i32 to vector<16xi32>
      %add3A_257 = arith.addi %iota3A, %add3A_256 : vector<16xi32>
      %min3A_258 = arith.constant 49 : i32
      %min3A_259 = vector.broadcast %min3A_258 : i32 to vector<16xi32>
      %min3A_260 = arith.minsi %add3A_257, %min3A_259 : vector<16xi32>
      %mul3A_261 = arith.constant 5 : i32
      %mul3A_262 = vector.broadcast %mul3A_261 : i32 to vector<16xi32>
      %mul3A_263 = arith.muli %min3A_260, %mul3A_262 : vector<16xi32>
      %add3A_264 = vector.broadcast %mul3A_4 : i32 to vector<16xi32>
      %add3A_265 = arith.addi %add3A_264, %mul3A_263 : vector<16xi32>
      %add3A_266 = arith.constant 3 : i32
      %add3A_267 = vector.broadcast %add3A_266 : i32 to vector<16xi32>
      %add3A_268 = arith.addi %add3A_265, %add3A_267 : vector<16xi32>
      %swap3A_269 = arith.constant 224 : index
      %swap3A_270 = tpu.vector_load %arg5[%swap3A_269] {strides = array<i32>} : memref<320xi32, #tpu.memory_space<vmem>>, vector<16xi32>,
      %swap3A_271 = vector.shape_cast %swap3A_270 : vector<16xi32> to vector<16xi32>
      %swap3A_272 = vector.shape_cast %add3A_268 : vector<16xi32> to vector<16xi32>
      tpu.vector_store %arg5[%swap3A_269], %swap3A_272 {strides = array<i32>} : memref<320xi32, #tpu.memory_space<vmem>>, vector<16xi32>,
      %add3A_273 = arith.constant 48 : i32
      %add3A_274 = vector.broadcast %add3A_273 : i32 to vector<16xi32>
      %add3A_275 = arith.addi %iota3A, %add3A_274 : vector<16xi32>
      %min3A_276 = arith.constant 49 : i32
      %min3A_277 = vector.broadcast %min3A_276 : i32 to vector<16xi32>
      %min3A_278 = arith.minsi %add3A_275, %min3A_277 : vector<16xi32>
      %mul3A_279 = arith.constant 5 : i32
      %mul3A_280 = vector.broadcast %mul3A_279 : i32 to vector<16xi32>
      %mul3A_281 = arith.muli %min3A_278, %mul3A_280 : vector<16xi32>
      %add3A_282 = vector.broadcast %mul3A_4 : i32 to vector<16xi32>
      %add3A_283 = arith.addi %add3A_282, %mul3A_281 : vector<16xi32>
      %add3A_284 = arith.constant 3 : i32
      %add3A_285 = vector.broadcast %add3A_284 : i32 to vector<16xi32>
      %add3A_286 = arith.addi %add3A_283, %add3A_285 : vector<16xi32>
      %swap3A_287 = arith.constant 240 : index
      %swap3A_288 = tpu.vector_load %arg5[%swap3A_287] {strides = array<i32>} : memref<320xi32, #tpu.memory_space<vmem>>, vector<16xi32>,
      %swap3A_289 = vector.shape_cast %swap3A_288 : vector<16xi32> to vector<16xi32>
      %swap3A_290 = vector.shape_cast %add3A_286 : vector<16xi32> to vector<16xi32>
      tpu.vector_store %arg5[%swap3A_287], %swap3A_290 {strides = array<i32>} : memref<320xi32, #tpu.memory_space<vmem>>, vector<16xi32>,
      %add3A_291 = arith.constant 0 : i32
      %add3A_292 = vector.broadcast %add3A_291 : i32 to vector<16xi32>
      %add3A_293 = arith.addi %iota3A, %add3A_292 : vector<16xi32>
      %min3A_294 = arith.constant 49 : i32
      %min3A_295 = vector.broadcast %min3A_294 : i32 to vector<16xi32>
      %min3A_296 = arith.minsi %add3A_293, %min3A_295 : vector<16xi32>
      %mul3A_297 = arith.constant 5 : i32
      %mul3A_298 = vector.broadcast %mul3A_297 : i32 to vector<16xi32>
      %mul3A_299 = arith.muli %min3A_296, %mul3A_298 : vector<16xi32>
      %add3A_300 = vector.broadcast %mul3A_4 : i32 to vector<16xi32>
      %add3A_301 = arith.addi %add3A_300, %mul3A_299 : vector<16xi32>
      %add3A_302 = arith.constant 4 : i32
      %add3A_303 = vector.broadcast %add3A_302 : i32 to vector<16xi32>
      %add3A_304 = arith.addi %add3A_301, %add3A_303 : vector<16xi32>
      %swap3A_305 = arith.constant 256 : index
      %swap3A_306 = tpu.vector_load %arg5[%swap3A_305] {strides = array<i32>} : memref<320xi32, #tpu.memory_space<vmem>>, vector<16xi32>,
      %swap3A_307 = vector.shape_cast %swap3A_306 : vector<16xi32> to vector<16xi32>
      %swap3A_308 = vector.shape_cast %add3A_304 : vector<16xi32> to vector<16xi32>
      tpu.vector_store %arg5[%swap3A_305], %swap3A_308 {strides = array<i32>} : memref<320xi32, #tpu.memory_space<vmem>>, vector<16xi32>,
      %add3A_309 = arith.constant 16 : i32
      %add3A_310 = vector.broadcast %add3A_309 : i32 to vector<16xi32>
      %add3A_311 = arith.addi %iota3A, %add3A_310 : vector<16xi32>
      %min3A_312 = arith.constant 49 : i32
      %min3A_313 = vector.broadcast %min3A_312 : i32 to vector<16xi32>
      %min3A_314 = arith.minsi %add3A_311, %min3A_313 : vector<16xi32>
      %mul3A_315 = arith.constant 5 : i32
      %mul3A_316 = vector.broadcast %mul3A_315 : i32 to vector<16xi32>
      %mul3A_317 = arith.muli %min3A_314, %mul3A_316 : vector<16xi32>
      %add3A_318 = vector.broadcast %mul3A_4 : i32 to vector<16xi32>
      %add3A_319 = arith.addi %add3A_318, %mul3A_317 : vector<16xi32>
      %add3A_320 = arith.constant 4 : i32
      %add3A_321 = vector.broadcast %add3A_320 : i32 to vector<16xi32>
      %add3A_322 = arith.addi %add3A_319, %add3A_321 : vector<16xi32>
      %swap3A_323 = arith.constant 272 : index
      %swap3A_324 = tpu.vector_load %arg5[%swap3A_323] {strides = array<i32>} : memref<320xi32, #tpu.memory_space<vmem>>, vector<16xi32>,
      %swap3A_325 = vector.shape_cast %swap3A_324 : vector<16xi32> to vector<16xi32>
      %swap3A_326 = vector.shape_cast %add3A_322 : vector<16xi32> to vector<16xi32>
      tpu.vector_store %arg5[%swap3A_323], %swap3A_326 {strides = array<i32>} : memref<320xi32, #tpu.memory_space<vmem>>, vector<16xi32>,
      %add3A_327 = arith.constant 32 : i32
      %add3A_328 = vector.broadcast %add3A_327 : i32 to vector<16xi32>
      %add3A_329 = arith.addi %iota3A, %add3A_328 : vector<16xi32>
      %min3A_330 = arith.constant 49 : i32
      %min3A_331 = vector.broadcast %min3A_330 : i32 to vector<16xi32>
      %min3A_332 = arith.minsi %add3A_329, %min3A_331 : vector<16xi32>
      %mul3A_333 = arith.constant 5 : i32
      %mul3A_334 = vector.broadcast %mul3A_333 : i32 to vector<16xi32>
      %mul3A_335 = arith.muli %min3A_332, %mul3A_334 : vector<16xi32>
      %add3A_336 = vector.broadcast %mul3A_4 : i32 to vector<16xi32>
      %add3A_337 = arith.addi %add3A_336, %mul3A_335 : vector<16xi32>
      %add3A_338 = arith.constant 4 : i32
      %add3A_339 = vector.broadcast %add3A_338 : i32 to vector<16xi32>
      %add3A_340 = arith.addi %add3A_337, %add3A_339 : vector<16xi32>
      %swap3A_341 = arith.constant 288 : index
      %swap3A_342 = tpu.vector_load %arg5[%swap3A_341] {strides = array<i32>} : memref<320xi32, #tpu.memory_space<vmem>>, vector<16xi32>,
      %swap3A_343 = vector.shape_cast %swap3A_342 : vector<16xi32> to vector<16xi32>
      %swap3A_344 = vector.shape_cast %add3A_340 : vector<16xi32> to vector<16xi32>
      tpu.vector_store %arg5[%swap3A_341], %swap3A_344 {strides = array<i32>} : memref<320xi32, #tpu.memory_space<vmem>>, vector<16xi32>,
      %add3A_345 = arith.constant 48 : i32
      %add3A_346 = vector.broadcast %add3A_345 : i32 to vector<16xi32>
      %add3A_347 = arith.addi %iota3A, %add3A_346 : vector<16xi32>
      %min3A_348 = arith.constant 49 : i32
      %min3A_349 = vector.broadcast %min3A_348 : i32 to vector<16xi32>
      %min3A_350 = arith.minsi %add3A_347, %min3A_349 : vector<16xi32>
      %mul3A_351 = arith.constant 5 : i32
      %mul3A_352 = vector.broadcast %mul3A_351 : i32 to vector<16xi32>
      %mul3A_353 = arith.muli %min3A_350, %mul3A_352 : vector<16xi32>
      %add3A_354 = vector.broadcast %mul3A_4 : i32 to vector<16xi32>
      %add3A_355 = arith.addi %add3A_354, %mul3A_353 : vector<16xi32>
      %add3A_356 = arith.constant 4 : i32
      %add3A_357 = vector.broadcast %add3A_356 : i32 to vector<16xi32>
      %add3A_358 = arith.addi %add3A_355, %add3A_357 : vector<16xi32>
      %swap3A_359 = arith.constant 304 : index
      %swap3A_360 = tpu.vector_load %arg5[%swap3A_359] {strides = array<i32>} : memref<320xi32, #tpu.memory_space<vmem>>, vector<16xi32>,
      %swap3A_361 = vector.shape_cast %swap3A_360 : vector<16xi32> to vector<16xi32>
      %swap3A_362 = vector.shape_cast %add3A_358 : vector<16xi32> to vector<16xi32>
      tpu.vector_store %arg5[%swap3A_359], %swap3A_362 {strides = array<i32>} : memref<320xi32, #tpu.memory_space<vmem>>, vector<16xi32>,
      %dma_start3A = arith.constant 0 : i32
      %dma_start3A_363 = tpu.memref_slice %arg3[%dma_start3A] : memref<4000xf32, #tpu.memory_space<hbm>> -> memref<4000xf32, #tpu.memory_space<hbm>>
      tpu.enqueue_indirect_dma source(%dma_start3A_363 : memref<4000xf32, #tpu.memory_space<hbm>>) target(%arg6 : memref<320xf32, #tpu.memory_space<vmem>>) offsets(%arg5 : memref<320xi32, #tpu.memory_space<vmem>>) semaphore(%arg20 : memref<!tpu.dma_semaphore, #tpu.memory_space<semaphore_mem>>)
      %dma_wait3A = arith.constant 0 : i32
      %dma_wait3A_364 = tpu.memref_slice %arg3[%dma_wait3A] : memref<4000xf32, #tpu.memory_space<hbm>> -> memref<4000xf32, #tpu.memory_space<hbm>>
      tpu.wait_indirect_dma semaphore(%arg20 : memref<!tpu.dma_semaphore, #tpu.memory_space<semaphore_mem>>) src(%dma_wait3A_364 : memref<4000xf32, #tpu.memory_space<hbm>>) dst(%arg6 : memref<320xf32, #tpu.memory_space<vmem>>)
      %mul3A_365 = arith.constant 1392640 : i32
      %mul3A_366 = arith.muli %add3A, %mul3A_365 : i32
      %broadcast_in_dim3A = arith.constant 0 : i32
      %broadcast_in_dim3A_367 = vector.broadcast %broadcast_in_dim3A : i32 to vector<16xi32>
      %broadcast_in_dim3A_368 = arith.constant 1 : i32
      %broadcast_in_dim3A_369 = vector.broadcast %broadcast_in_dim3A_368 : i32 to vector<16xi32>
      %add3A_370 = arith.constant 0 : i32
      %add3A_371 = vector.broadcast %add3A_370 : i32 to vector<16xi32>
      %add3A_372 = arith.addi %iota3A, %add3A_371 : vector<16xi32>
      %lt3A_373 = arith.constant 50 : i32
      %lt3A_374 = vector.broadcast %lt3A_373 : i32 to vector<16xi32>
      %lt3A_375 = arith.cmpi slt, %add3A_372, %lt3A_374 : vector<16xi32>
      %select_n3A = arith.select %lt3A_375, %broadcast_in_dim3A_369, %broadcast_in_dim3A_367 : vector<16xi1>, vector<16xi32>
      %lt3A_376 = arith.constant 50 : i32
      %lt3A_377 = vector.broadcast %lt3A_376 : i32 to vector<16xi32>
      %lt3A_378 = arith.cmpi slt, %add3A_372, %lt3A_377 : vector<16xi32>
      %sub3A = arith.constant -1 : i32
      %sub3A_379 = vector.broadcast %sub3A : i32 to vector<16xi32>
      %sub3A_380 = arith.subi %sub3A_379, %add3A_372 : vector<16xi32>
      %select_n3A_381 = arith.select %lt3A_378, %broadcast_in_dim3A_367, %sub3A_380 : vector<16xi1>, vector<16xi32>
      %get3A = arith.constant 0 : index
      %get3A_382 = tpu.vector_load %arg6[%get3A] {strides = array<i32>} : memref<320xf32, #tpu.memory_space<vmem>>, vector<16xf32>,
      %get3A_383 = vector.shape_cast %get3A_382 : vector<16xf32> to vector<16xf32>
      %get3A_384 = arith.constant 64 : index
      %get3A_385 = tpu.vector_load %arg6[%get3A_384] {strides = array<i32>} : memref<320xf32, #tpu.memory_space<vmem>>, vector<16xf32>,
      %get3A_386 = vector.shape_cast %get3A_385 : vector<16xf32> to vector<16xf32>
      %get3A_387 = arith.constant 128 : index
      %get3A_388 = tpu.vector_load %arg6[%get3A_387] {strides = array<i32>} : memref<320xf32, #tpu.memory_space<vmem>>, vector<16xf32>,
      %get3A_389 = vector.shape_cast %get3A_388 : vector<16xf32> to vector<16xf32>
      %get3A_390 = arith.constant 192 : index
      %get3A_391 = tpu.vector_load %arg6[%get3A_390] {strides = array<i32>} : memref<320xf32, #tpu.memory_space<vmem>>, vector<16xf32>,
      %get3A_392 = vector.shape_cast %get3A_391 : vector<16xf32> to vector<16xf32>
      %get3A_393 = arith.constant 256 : index
      %get3A_394 = tpu.vector_load %arg6[%get3A_393] {strides = array<i32>} : memref<320xf32, #tpu.memory_space<vmem>>, vector<16xf32>,
      %get3A_395 = vector.shape_cast %get3A_394 : vector<16xf32> to vector<16xf32>
      %convert_element_type3A_396 = arith.fptosi %get3A_383 : vector<16xf32> to vector<16xi32>
      %mul3A_397 = arith.constant 1.280000e+02 : f32
      %mul3A_398 = vector.broadcast %mul3A_397 : f32 to vector<16xf32>
      %mul3A_399 = arith.mulf %get3A_386, %mul3A_398 : vector<16xf32>
      %convert_element_type3A_400 = arith.fptosi %mul3A_399 : vector<16xf32> to vector<16xi32>
      %mul3A_401 = arith.constant 1.280000e+02 : f32
      %mul3A_402 = vector.broadcast %mul3A_401 : f32 to vector<16xf32>
      %mul3A_403 = arith.mulf %get3A_389, %mul3A_402 : vector<16xf32>
      %convert_element_type3A_404 = arith.fptosi %mul3A_403 : vector<16xf32> to vector<16xi32>
      %mul3A_405 = arith.constant 128 : i32
      %mul3A_406 = vector.broadcast %mul3A_405 : i32 to vector<16xi32>
      %mul3A_407 = arith.muli %convert_element_type3A_404, %mul3A_406 : vector<16xi32>
      %add3A_408 = arith.addi %mul3A_407, %convert_element_type3A_400 : vector<16xi32>
      %min3A_409 = arith.constant 16383 : i32
      %min3A_410 = vector.broadcast %min3A_409 : i32 to vector<16xi32>
      %min3A_411 = arith.minsi %add3A_408, %min3A_410 : vector<16xi32>
      %add3A_412 = arith.constant 0 : i32
      %add3A_413 = arith.addi %mul3A_366, %add3A_412 : i32
      %add3A_414 = vector.broadcast %add3A_413 : i32 to vector<16xi32>
      %add3A_415 = arith.addi %add3A_414, %min3A_411 : vector<16xi32>
      %swap3A_416 = arith.constant 0 : index
      %swap3A_417 = tpu.vector_load %arg7[%swap3A_416] {strides = array<i32>} : memref<64xi32, #tpu.memory_space<vmem>>, vector<16xi32>,
      %swap3A_418 = vector.shape_cast %swap3A_417 : vector<16xi32> to vector<16xi32>
      %swap3A_419 = vector.shape_cast %add3A_415 : vector<16xi32> to vector<16xi32>
      tpu.vector_store %arg7[%swap3A_416], %swap3A_419 {strides = array<i32>} : memref<64xi32, #tpu.memory_space<vmem>>, vector<16xi32>,
      %add3A_420 = arith.constant 16384 : i32
      %add3A_421 = arith.addi %mul3A_366, %add3A_420 : i32
      %add3A_422 = vector.broadcast %add3A_421 : i32 to vector<16xi32>
      %add3A_423 = arith.addi %add3A_422, %min3A_411 : vector<16xi32>
      %swap3A_424 = arith.constant 0 : index
      %swap3A_425 = tpu.vector_load %arg8[%swap3A_424] {strides = array<i32>} : memref<64xi32, #tpu.memory_space<vmem>>, vector<16xi32>,
      %swap3A_426 = vector.shape_cast %swap3A_425 : vector<16xi32> to vector<16xi32>
      %swap3A_427 = vector.shape_cast %add3A_423 : vector<16xi32> to vector<16xi32>
      tpu.vector_store %arg8[%swap3A_424], %swap3A_427 {strides = array<i32>} : memref<64xi32, #tpu.memory_space<vmem>>, vector<16xi32>,
      %add3A_428 = arith.constant 32768 : i32
      %add3A_429 = arith.addi %mul3A_366, %add3A_428 : i32
      %add3A_430 = vector.broadcast %add3A_429 : i32 to vector<16xi32>
      %add3A_431 = arith.addi %add3A_430, %min3A_411 : vector<16xi32>
      %swap3A_432 = arith.constant 0 : index
      %swap3A_433 = tpu.vector_load %arg9[%swap3A_432] {strides = array<i32>} : memref<64xi32, #tpu.memory_space<vmem>>, vector<16xi32>,
      %swap3A_434 = vector.shape_cast %swap3A_433 : vector<16xi32> to vector<16xi32>
      %swap3A_435 = vector.shape_cast %add3A_431 : vector<16xi32> to vector<16xi32>
      tpu.vector_store %arg9[%swap3A_432], %swap3A_435 {strides = array<i32>} : memref<64xi32, #tpu.memory_space<vmem>>, vector<16xi32>,
      %add3A_436 = arith.constant 49152 : i32
      %add3A_437 = arith.addi %mul3A_366, %add3A_436 : i32
      %add3A_438 = vector.broadcast %add3A_437 : i32 to vector<16xi32>
      %add3A_439 = arith.addi %add3A_438, %min3A_411 : vector<16xi32>
      %swap3A_440 = arith.constant 0 : index
      %swap3A_441 = tpu.vector_load %arg10[%swap3A_440] {strides = array<i32>} : memref<64xi32, #tpu.memory_space<vmem>>, vector<16xi32>,
      %swap3A_442 = vector.shape_cast %swap3A_441 : vector<16xi32> to vector<16xi32>
      %swap3A_443 = vector.shape_cast %add3A_439 : vector<16xi32> to vector<16xi32>
      tpu.vector_store %arg10[%swap3A_440], %swap3A_443 {strides = array<i32>} : memref<64xi32, #tpu.memory_space<vmem>>, vector<16xi32>,
      %add3A_444 = arith.constant 65536 : i32
      %add3A_445 = arith.addi %mul3A_366, %add3A_444 : i32
      %add3A_446 = vector.broadcast %add3A_445 : i32 to vector<16xi32>
      %add3A_447 = arith.addi %add3A_446, %min3A_411 : vector<16xi32>
      %swap3A_448 = arith.constant 0 : index
      %swap3A_449 = tpu.vector_load %arg11[%swap3A_448] {strides = array<i32>} : memref<64xi32, #tpu.memory_space<vmem>>, vector<16xi32>,
      %swap3A_450 = vector.shape_cast %swap3A_449 : vector<16xi32> to vector<16xi32>
      %swap3A_451 = vector.shape_cast %add3A_447 : vector<16xi32> to vector<16xi32>
      tpu.vector_store %arg11[%swap3A_448], %swap3A_451 {strides = array<i32>} : memref<64xi32, #tpu.memory_space<vmem>>, vector<16xi32>,
      %add3A_452 = arith.constant 5 : i32
      %add3A_453 = vector.broadcast %add3A_452 : i32 to vector<16xi32>
      %add3A_454 = arith.addi %add3A_453, %convert_element_type3A_396 : vector<16xi32>
      %mul3A_455 = arith.constant 16384 : i32
      %mul3A_456 = vector.broadcast %mul3A_455 : i32 to vector<16xi32>
      %mul3A_457 = arith.muli %add3A_454, %mul3A_456 : vector<16xi32>
      %add3A_458 = vector.broadcast %mul3A_366 : i32 to vector<16xi32>
      %add3A_459 = arith.addi %add3A_458, %mul3A_457 : vector<16xi32>
      %add3A_460 = arith.addi %add3A_459, %min3A_411 : vector<16xi32>
      %swap3A_461 = arith.constant 0 : index
      %swap3A_462 = tpu.vector_load %arg12[%swap3A_461] {strides = array<i32>} : memref<64xi32, #tpu.memory_space<vmem>>, vector<16xi32>,
      %swap3A_463 = vector.shape_cast %swap3A_462 : vector<16xi32> to vector<16xi32>
      %swap3A_464 = vector.shape_cast %add3A_460 : vector<16xi32> to vector<16xi32>
      tpu.vector_store %arg12[%swap3A_461], %swap3A_464 {strides = array<i32>} : memref<64xi32, #tpu.memory_space<vmem>>, vector<16xi32>,
      %mul3A_465 = arith.muli %add3A_408, %select_n3A : vector<16xi32>
      %add3A_466 = arith.addi %mul3A_465, %select_n3A_381 : vector<16xi32>
      %mul3A_467 = arith.constant 128 : i32
      %mul3A_468 = vector.broadcast %mul3A_467 : i32 to vector<16xi32>
      %mul3A_469 = arith.muli %add3A_408, %mul3A_468 : vector<16xi32>
      %add3A_470 = arith.addi %mul3A_469, %convert_element_type3A_396 : vector<16xi32>
      %mul3A_471 = arith.muli %add3A_470, %select_n3A : vector<16xi32>
      %add3A_472 = arith.addi %mul3A_471, %select_n3A_381 : vector<16xi32>
      %add3A_473 = arith.constant 16 : i32
      %add3A_474 = vector.broadcast %add3A_473 : i32 to vector<16xi32>
      %add3A_475 = arith.addi %iota3A, %add3A_474 : vector<16xi32>
      %lt3A_476 = arith.constant 50 : i32
      %lt3A_477 = vector.broadcast %lt3A_476 : i32 to vector<16xi32>
      %lt3A_478 = arith.cmpi slt, %add3A_475, %lt3A_477 : vector<16xi32>
      %select_n3A_479 = arith.select %lt3A_478, %broadcast_in_dim3A_369, %broadcast_in_dim3A_367 : vector<16xi1>, vector<16xi32>
      %lt3A_480 = arith.constant 50 : i32
      %lt3A_481 = vector.broadcast %lt3A_480 : i32 to vector<16xi32>
      %lt3A_482 = arith.cmpi slt, %add3A_475, %lt3A_481 : vector<16xi32>
      %sub3A_483 = arith.constant -1 : i32
      %sub3A_484 = vector.broadcast %sub3A_483 : i32 to vector<16xi32>
      %sub3A_485 = arith.subi %sub3A_484, %add3A_475 : vector<16xi32>
      %select_n3A_486 = arith.select %lt3A_482, %broadcast_in_dim3A_367, %sub3A_485 : vector<16xi1>, vector<16xi32>
      %get3A_487 = arith.constant 16 : index
      %get3A_488 = tpu.vector_load %arg6[%get3A_487] {strides = array<i32>} : memref<320xf32, #tpu.memory_space<vmem>>, vector<16xf32>,
      %get3A_489 = vector.shape_cast %get3A_488 : vector<16xf32> to vector<16xf32>
      %get3A_490 = arith.constant 80 : index
      %get3A_491 = tpu.vector_load %arg6[%get3A_490] {strides = array<i32>} : memref<320xf32, #tpu.memory_space<vmem>>, vector<16xf32>,
      %get3A_492 = vector.shape_cast %get3A_491 : vector<16xf32> to vector<16xf32>
      %get3A_493 = arith.constant 144 : index
      %get3A_494 = tpu.vector_load %arg6[%get3A_493] {strides = array<i32>} : memref<320xf32, #tpu.memory_space<vmem>>, vector<16xf32>,
      %get3A_495 = vector.shape_cast %get3A_494 : vector<16xf32> to vector<16xf32>
      %get3A_496 = arith.constant 208 : index
      %get3A_497 = tpu.vector_load %arg6[%get3A_496] {strides = array<i32>} : memref<320xf32, #tpu.memory_space<vmem>>, vector<16xf32>,
      %get3A_498 = vector.shape_cast %get3A_497 : vector<16xf32> to vector<16xf32>
      %get3A_499 = arith.constant 272 : index
      %get3A_500 = tpu.vector_load %arg6[%get3A_499] {strides = array<i32>} : memref<320xf32, #tpu.memory_space<vmem>>, vector<16xf32>,
      %get3A_501 = vector.shape_cast %get3A_500 : vector<16xf32> to vector<16xf32>
      %convert_element_type3A_502 = arith.fptosi %get3A_489 : vector<16xf32> to vector<16xi32>
      %mul3A_503 = arith.constant 1.280000e+02 : f32
      %mul3A_504 = vector.broadcast %mul3A_503 : f32 to vector<16xf32>
      %mul3A_505 = arith.mulf %get3A_492, %mul3A_504 : vector<16xf32>
      %convert_element_type3A_506 = arith.fptosi %mul3A_505 : vector<16xf32> to vector<16xi32>
      %mul3A_507 = arith.constant 1.280000e+02 : f32
      %mul3A_508 = vector.broadcast %mul3A_507 : f32 to vector<16xf32>
      %mul3A_509 = arith.mulf %get3A_495, %mul3A_508 : vector<16xf32>
      %convert_element_type3A_510 = arith.fptosi %mul3A_509 : vector<16xf32> to vector<16xi32>
      %mul3A_511 = arith.constant 128 : i32
      %mul3A_512 = vector.broadcast %mul3A_511 : i32 to vector<16xi32>
      %mul3A_513 = arith.muli %convert_element_type3A_510, %mul3A_512 : vector<16xi32>
      %add3A_514 = arith.addi %mul3A_513, %convert_element_type3A_506 : vector<16xi32>
      %min3A_515 = arith.constant 16383 : i32
      %min3A_516 = vector.broadcast %min3A_515 : i32 to vector<16xi32>
      %min3A_517 = arith.minsi %add3A_514, %min3A_516 : vector<16xi32>
      %add3A_518 = arith.constant 0 : i32
      %add3A_519 = arith.addi %mul3A_366, %add3A_518 : i32
      %add3A_520 = vector.broadcast %add3A_519 : i32 to vector<16xi32>
      %add3A_521 = arith.addi %add3A_520, %min3A_517 : vector<16xi32>
      %swap3A_522 = arith.constant 16 : index
      %swap3A_523 = tpu.vector_load %arg7[%swap3A_522] {strides = array<i32>} : memref<64xi32, #tpu.memory_space<vmem>>, vector<16xi32>,
      %swap3A_524 = vector.shape_cast %swap3A_523 : vector<16xi32> to vector<16xi32>
      %swap3A_525 = vector.shape_cast %add3A_521 : vector<16xi32> to vector<16xi32>
      tpu.vector_store %arg7[%swap3A_522], %swap3A_525 {strides = array<i32>} : memref<64xi32, #tpu.memory_space<vmem>>, vector<16xi32>,
      %add3A_526 = arith.constant 16384 : i32
      %add3A_527 = arith.addi %mul3A_366, %add3A_526 : i32
      %add3A_528 = vector.broadcast %add3A_527 : i32 to vector<16xi32>
      %add3A_529 = arith.addi %add3A_528, %min3A_517 : vector<16xi32>
      %swap3A_530 = arith.constant 16 : index
      %swap3A_531 = tpu.vector_load %arg8[%swap3A_530] {strides = array<i32>} : memref<64xi32, #tpu.memory_space<vmem>>, vector<16xi32>,
      %swap3A_532 = vector.shape_cast %swap3A_531 : vector<16xi32> to vector<16xi32>
      %swap3A_533 = vector.shape_cast %add3A_529 : vector<16xi32> to vector<16xi32>
      tpu.vector_store %arg8[%swap3A_530], %swap3A_533 {strides = array<i32>} : memref<64xi32, #tpu.memory_space<vmem>>, vector<16xi32>,
      %add3A_534 = arith.constant 32768 : i32
      %add3A_535 = arith.addi %mul3A_366, %add3A_534 : i32
      %add3A_536 = vector.broadcast %add3A_535 : i32 to vector<16xi32>
      %add3A_537 = arith.addi %add3A_536, %min3A_517 : vector<16xi32>
      %swap3A_538 = arith.constant 16 : index
      %swap3A_539 = tpu.vector_load %arg9[%swap3A_538] {strides = array<i32>} : memref<64xi32, #tpu.memory_space<vmem>>, vector<16xi32>,
      %swap3A_540 = vector.shape_cast %swap3A_539 : vector<16xi32> to vector<16xi32>
      %swap3A_541 = vector.shape_cast %add3A_537 : vector<16xi32> to vector<16xi32>
      tpu.vector_store %arg9[%swap3A_538], %swap3A_541 {strides = array<i32>} : memref<64xi32, #tpu.memory_space<vmem>>, vector<16xi32>,
      %add3A_542 = arith.constant 49152 : i32
      %add3A_543 = arith.addi %mul3A_366, %add3A_542 : i32
      %add3A_544 = vector.broadcast %add3A_543 : i32 to vector<16xi32>
      %add3A_545 = arith.addi %add3A_544, %min3A_517 : vector<16xi32>
      %swap3A_546 = arith.constant 16 : index
      %swap3A_547 = tpu.vector_load %arg10[%swap3A_546] {strides = array<i32>} : memref<64xi32, #tpu.memory_space<vmem>>, vector<16xi32>,
      %swap3A_548 = vector.shape_cast %swap3A_547 : vector<16xi32> to vector<16xi32>
      %swap3A_549 = vector.shape_cast %add3A_545 : vector<16xi32> to vector<16xi32>
      tpu.vector_store %arg10[%swap3A_546], %swap3A_549 {strides = array<i32>} : memref<64xi32, #tpu.memory_space<vmem>>, vector<16xi32>,
      %add3A_550 = arith.constant 65536 : i32
      %add3A_551 = arith.addi %mul3A_366, %add3A_550 : i32
      %add3A_552 = vector.broadcast %add3A_551 : i32 to vector<16xi32>
      %add3A_553 = arith.addi %add3A_552, %min3A_517 : vector<16xi32>
      %swap3A_554 = arith.constant 16 : index
      %swap3A_555 = tpu.vector_load %arg11[%swap3A_554] {strides = array<i32>} : memref<64xi32, #tpu.memory_space<vmem>>, vector<16xi32>,
      %swap3A_556 = vector.shape_cast %swap3A_555 : vector<16xi32> to vector<16xi32>
      %swap3A_557 = vector.shape_cast %add3A_553 : vector<16xi32> to vector<16xi32>
      tpu.vector_store %arg11[%swap3A_554], %swap3A_557 {strides = array<i32>} : memref<64xi32, #tpu.memory_space<vmem>>, vector<16xi32>,
      %add3A_558 = arith.constant 5 : i32
      %add3A_559 = vector.broadcast %add3A_558 : i32 to vector<16xi32>
      %add3A_560 = arith.addi %add3A_559, %convert_element_type3A_502 : vector<16xi32>
      %mul3A_561 = arith.constant 16384 : i32
      %mul3A_562 = vector.broadcast %mul3A_561 : i32 to vector<16xi32>
      %mul3A_563 = arith.muli %add3A_560, %mul3A_562 : vector<16xi32>
      %add3A_564 = vector.broadcast %mul3A_366 : i32 to vector<16xi32>
      %add3A_565 = arith.addi %add3A_564, %mul3A_563 : vector<16xi32>
      %add3A_566 = arith.addi %add3A_565, %min3A_517 : vector<16xi32>
      %swap3A_567 = arith.constant 16 : index
      %swap3A_568 = tpu.vector_load %arg12[%swap3A_567] {strides = array<i32>} : memref<64xi32, #tpu.memory_space<vmem>>, vector<16xi32>,
      %swap3A_569 = vector.shape_cast %swap3A_568 : vector<16xi32> to vector<16xi32>
      %swap3A_570 = vector.shape_cast %add3A_566 : vector<16xi32> to vector<16xi32>
      tpu.vector_store %arg12[%swap3A_567], %swap3A_570 {strides = array<i32>} : memref<64xi32, #tpu.memory_space<vmem>>, vector<16xi32>,
      %mul3A_571 = arith.muli %add3A_514, %select_n3A_479 : vector<16xi32>
      %add3A_572 = arith.addi %mul3A_571, %select_n3A_486 : vector<16xi32>
      %mul3A_573 = arith.constant 128 : i32
      %mul3A_574 = vector.broadcast %mul3A_573 : i32 to vector<16xi32>
      %mul3A_575 = arith.muli %add3A_514, %mul3A_574 : vector<16xi32>
      %add3A_576 = arith.addi %mul3A_575, %convert_element_type3A_502 : vector<16xi32>
      %mul3A_577 = arith.muli %add3A_576, %select_n3A_479 : vector<16xi32>
      %add3A_578 = arith.addi %mul3A_577, %select_n3A_486 : vector<16xi32>
      %add3A_579 = arith.constant 32 : i32
      %add3A_580 = vector.broadcast %add3A_579 : i32 to vector<16xi32>
      %add3A_581 = arith.addi %iota3A, %add3A_580 : vector<16xi32>
      %lt3A_582 = arith.constant 50 : i32
      %lt3A_583 = vector.broadcast %lt3A_582 : i32 to vector<16xi32>
      %lt3A_584 = arith.cmpi slt, %add3A_581, %lt3A_583 : vector<16xi32>
      %select_n3A_585 = arith.select %lt3A_584, %broadcast_in_dim3A_369, %broadcast_in_dim3A_367 : vector<16xi1>, vector<16xi32>
      %lt3A_586 = arith.constant 50 : i32
      %lt3A_587 = vector.broadcast %lt3A_586 : i32 to vector<16xi32>
      %lt3A_588 = arith.cmpi slt, %add3A_581, %lt3A_587 : vector<16xi32>
      %sub3A_589 = arith.constant -1 : i32
      %sub3A_590 = vector.broadcast %sub3A_589 : i32 to vector<16xi32>
      %sub3A_591 = arith.subi %sub3A_590, %add3A_581 : vector<16xi32>
      %select_n3A_592 = arith.select %lt3A_588, %broadcast_in_dim3A_367, %sub3A_591 : vector<16xi1>, vector<16xi32>
      %get3A_593 = arith.constant 32 : index
      %get3A_594 = tpu.vector_load %arg6[%get3A_593] {strides = array<i32>} : memref<320xf32, #tpu.memory_space<vmem>>, vector<16xf32>,
      %get3A_595 = vector.shape_cast %get3A_594 : vector<16xf32> to vector<16xf32>
      %get3A_596 = arith.constant 96 : index
      %get3A_597 = tpu.vector_load %arg6[%get3A_596] {strides = array<i32>} : memref<320xf32, #tpu.memory_space<vmem>>, vector<16xf32>,
      %get3A_598 = vector.shape_cast %get3A_597 : vector<16xf32> to vector<16xf32>
      %get3A_599 = arith.constant 160 : index
      %get3A_600 = tpu.vector_load %arg6[%get3A_599] {strides = array<i32>} : memref<320xf32, #tpu.memory_space<vmem>>, vector<16xf32>,
      %get3A_601 = vector.shape_cast %get3A_600 : vector<16xf32> to vector<16xf32>
      %get3A_602 = arith.constant 224 : index
      %get3A_603 = tpu.vector_load %arg6[%get3A_602] {strides = array<i32>} : memref<320xf32, #tpu.memory_space<vmem>>, vector<16xf32>,
      %get3A_604 = vector.shape_cast %get3A_603 : vector<16xf32> to vector<16xf32>
      %get3A_605 = arith.constant 288 : index
      %get3A_606 = tpu.vector_load %arg6[%get3A_605] {strides = array<i32>} : memref<320xf32, #tpu.memory_space<vmem>>, vector<16xf32>,
      %get3A_607 = vector.shape_cast %get3A_606 : vector<16xf32> to vector<16xf32>
      %convert_element_type3A_608 = arith.fptosi %get3A_595 : vector<16xf32> to vector<16xi32>
      %mul3A_609 = arith.constant 1.280000e+02 : f32
      %mul3A_610 = vector.broadcast %mul3A_609 : f32 to vector<16xf32>
      %mul3A_611 = arith.mulf %get3A_598, %mul3A_610 : vector<16xf32>
      %convert_element_type3A_612 = arith.fptosi %mul3A_611 : vector<16xf32> to vector<16xi32>
      %mul3A_613 = arith.constant 1.280000e+02 : f32
      %mul3A_614 = vector.broadcast %mul3A_613 : f32 to vector<16xf32>
      %mul3A_615 = arith.mulf %get3A_601, %mul3A_614 : vector<16xf32>
      %convert_element_type3A_616 = arith.fptosi %mul3A_615 : vector<16xf32> to vector<16xi32>
      %mul3A_617 = arith.constant 128 : i32
      %mul3A_618 = vector.broadcast %mul3A_617 : i32 to vector<16xi32>
      %mul3A_619 = arith.muli %convert_element_type3A_616, %mul3A_618 : vector<16xi32>
      %add3A_620 = arith.addi %mul3A_619, %convert_element_type3A_612 : vector<16xi32>
      %min3A_621 = arith.constant 16383 : i32
      %min3A_622 = vector.broadcast %min3A_621 : i32 to vector<16xi32>
      %min3A_623 = arith.minsi %add3A_620, %min3A_622 : vector<16xi32>
      %add3A_624 = arith.constant 0 : i32
      %add3A_625 = arith.addi %mul3A_366, %add3A_624 : i32
      %add3A_626 = vector.broadcast %add3A_625 : i32 to vector<16xi32>
      %add3A_627 = arith.addi %add3A_626, %min3A_623 : vector<16xi32>
      %swap3A_628 = arith.constant 32 : index
      %swap3A_629 = tpu.vector_load %arg7[%swap3A_628] {strides = array<i32>} : memref<64xi32, #tpu.memory_space<vmem>>, vector<16xi32>,
      %swap3A_630 = vector.shape_cast %swap3A_629 : vector<16xi32> to vector<16xi32>
      %swap3A_631 = vector.shape_cast %add3A_627 : vector<16xi32> to vector<16xi32>
      tpu.vector_store %arg7[%swap3A_628], %swap3A_631 {strides = array<i32>} : memref<64xi32, #tpu.memory_space<vmem>>, vector<16xi32>,
      %add3A_632 = arith.constant 16384 : i32
      %add3A_633 = arith.addi %mul3A_366, %add3A_632 : i32
      %add3A_634 = vector.broadcast %add3A_633 : i32 to vector<16xi32>
      %add3A_635 = arith.addi %add3A_634, %min3A_623 : vector<16xi32>
      %swap3A_636 = arith.constant 32 : index
      %swap3A_637 = tpu.vector_load %arg8[%swap3A_636] {strides = array<i32>} : memref<64xi32, #tpu.memory_space<vmem>>, vector<16xi32>,
      %swap3A_638 = vector.shape_cast %swap3A_637 : vector<16xi32> to vector<16xi32>
      %swap3A_639 = vector.shape_cast %add3A_635 : vector<16xi32> to vector<16xi32>
      tpu.vector_store %arg8[%swap3A_636], %swap3A_639 {strides = array<i32>} : memref<64xi32, #tpu.memory_space<vmem>>, vector<16xi32>,
      %add3A_640 = arith.constant 32768 : i32
      %add3A_641 = arith.addi %mul3A_366, %add3A_640 : i32
      %add3A_642 = vector.broadcast %add3A_641 : i32 to vector<16xi32>
      %add3A_643 = arith.addi %add3A_642, %min3A_623 : vector<16xi32>
      %swap3A_644 = arith.constant 32 : index
      %swap3A_645 = tpu.vector_load %arg9[%swap3A_644] {strides = array<i32>} : memref<64xi32, #tpu.memory_space<vmem>>, vector<16xi32>,
      %swap3A_646 = vector.shape_cast %swap3A_645 : vector<16xi32> to vector<16xi32>
      %swap3A_647 = vector.shape_cast %add3A_643 : vector<16xi32> to vector<16xi32>
      tpu.vector_store %arg9[%swap3A_644], %swap3A_647 {strides = array<i32>} : memref<64xi32, #tpu.memory_space<vmem>>, vector<16xi32>,
      %add3A_648 = arith.constant 49152 : i32
      %add3A_649 = arith.addi %mul3A_366, %add3A_648 : i32
      %add3A_650 = vector.broadcast %add3A_649 : i32 to vector<16xi32>
      %add3A_651 = arith.addi %add3A_650, %min3A_623 : vector<16xi32>
      %swap3A_652 = arith.constant 32 : index
      %swap3A_653 = tpu.vector_load %arg10[%swap3A_652] {strides = array<i32>} : memref<64xi32, #tpu.memory_space<vmem>>, vector<16xi32>,
      %swap3A_654 = vector.shape_cast %swap3A_653 : vector<16xi32> to vector<16xi32>
      %swap3A_655 = vector.shape_cast %add3A_651 : vector<16xi32> to vector<16xi32>
      tpu.vector_store %arg10[%swap3A_652], %swap3A_655 {strides = array<i32>} : memref<64xi32, #tpu.memory_space<vmem>>, vector<16xi32>,
      %add3A_656 = arith.constant 65536 : i32
      %add3A_657 = arith.addi %mul3A_366, %add3A_656 : i32
      %add3A_658 = vector.broadcast %add3A_657 : i32 to vector<16xi32>
      %add3A_659 = arith.addi %add3A_658, %min3A_623 : vector<16xi32>
      %swap3A_660 = arith.constant 32 : index
      %swap3A_661 = tpu.vector_load %arg11[%swap3A_660] {strides = array<i32>} : memref<64xi32, #tpu.memory_space<vmem>>, vector<16xi32>,
      %swap3A_662 = vector.shape_cast %swap3A_661 : vector<16xi32> to vector<16xi32>
      %swap3A_663 = vector.shape_cast %add3A_659 : vector<16xi32> to vector<16xi32>
      tpu.vector_store %arg11[%swap3A_660], %swap3A_663 {strides = array<i32>} : memref<64xi32, #tpu.memory_space<vmem>>, vector<16xi32>,
      %add3A_664 = arith.constant 5 : i32
      %add3A_665 = vector.broadcast %add3A_664 : i32 to vector<16xi32>
      %add3A_666 = arith.addi %add3A_665, %convert_element_type3A_608 : vector<16xi32>
      %mul3A_667 = arith.constant 16384 : i32
      %mul3A_668 = vector.broadcast %mul3A_667 : i32 to vector<16xi32>
      %mul3A_669 = arith.muli %add3A_666, %mul3A_668 : vector<16xi32>
      %add3A_670 = vector.broadcast %mul3A_366 : i32 to vector<16xi32>
      %add3A_671 = arith.addi %add3A_670, %mul3A_669 : vector<16xi32>
      %add3A_672 = arith.addi %add3A_671, %min3A_623 : vector<16xi32>
      %swap3A_673 = arith.constant 32 : index
      %swap3A_674 = tpu.vector_load %arg12[%swap3A_673] {strides = array<i32>} : memref<64xi32, #tpu.memory_space<vmem>>, vector<16xi32>,
      %swap3A_675 = vector.shape_cast %swap3A_674 : vector<16xi32> to vector<16xi32>
      %swap3A_676 = vector.shape_cast %add3A_672 : vector<16xi32> to vector<16xi32>
      tpu.vector_store %arg12[%swap3A_673], %swap3A_676 {strides = array<i32>} : memref<64xi32, #tpu.memory_space<vmem>>, vector<16xi32>,
      %mul3A_677 = arith.muli %add3A_620, %select_n3A_585 : vector<16xi32>
      %add3A_678 = arith.addi %mul3A_677, %select_n3A_592 : vector<16xi32>
      %mul3A_679 = arith.constant 128 : i32
      %mul3A_680 = vector.broadcast %mul3A_679 : i32 to vector<16xi32>
      %mul3A_681 = arith.muli %add3A_620, %mul3A_680 : vector<16xi32>
      %add3A_682 = arith.addi %mul3A_681, %convert_element_type3A_608 : vector<16xi32>
      %mul3A_683 = arith.muli %add3A_682, %select_n3A_585 : vector<16xi32>
      %add3A_684 = arith.addi %mul3A_683, %select_n3A_592 : vector<16xi32>
      %add3A_685 = arith.constant 48 : i32
      %add3A_686 = vector.broadcast %add3A_685 : i32 to vector<16xi32>
      %add3A_687 = arith.addi %iota3A, %add3A_686 : vector<16xi32>
      %lt3A_688 = arith.constant 50 : i32
      %lt3A_689 = vector.broadcast %lt3A_688 : i32 to vector<16xi32>
      %lt3A_690 = arith.cmpi slt, %add3A_687, %lt3A_689 : vector<16xi32>
      %select_n3A_691 = arith.select %lt3A_690, %broadcast_in_dim3A_369, %broadcast_in_dim3A_367 : vector<16xi1>, vector<16xi32>
      %lt3A_692 = arith.constant 50 : i32
      %lt3A_693 = vector.broadcast %lt3A_692 : i32 to vector<16xi32>
      %lt3A_694 = arith.cmpi slt, %add3A_687, %lt3A_693 : vector<16xi32>
      %sub3A_695 = arith.constant -1 : i32
      %sub3A_696 = vector.broadcast %sub3A_695 : i32 to vector<16xi32>
      %sub3A_697 = arith.subi %sub3A_696, %add3A_687 : vector<16xi32>
      %select_n3A_698 = arith.select %lt3A_694, %broadcast_in_dim3A_367, %sub3A_697 : vector<16xi1>, vector<16xi32>
      %get3A_699 = arith.constant 48 : index
      %get3A_700 = tpu.vector_load %arg6[%get3A_699] {strides = array<i32>} : memref<320xf32, #tpu.memory_space<vmem>>, vector<16xf32>,
      %get3A_701 = vector.shape_cast %get3A_700 : vector<16xf32> to vector<16xf32>
      %get3A_702 = arith.constant 112 : index
      %get3A_703 = tpu.vector_load %arg6[%get3A_702] {strides = array<i32>} : memref<320xf32, #tpu.memory_space<vmem>>, vector<16xf32>,
      %get3A_704 = vector.shape_cast %get3A_703 : vector<16xf32> to vector<16xf32>
      %get3A_705 = arith.constant 176 : index
      %get3A_706 = tpu.vector_load %arg6[%get3A_705] {strides = array<i32>} : memref<320xf32, #tpu.memory_space<vmem>>, vector<16xf32>,
      %get3A_707 = vector.shape_cast %get3A_706 : vector<16xf32> to vector<16xf32>
      %get3A_708 = arith.constant 240 : index
      %get3A_709 = tpu.vector_load %arg6[%get3A_708] {strides = array<i32>} : memref<320xf32, #tpu.memory_space<vmem>>, vector<16xf32>,
      %get3A_710 = vector.shape_cast %get3A_709 : vector<16xf32> to vector<16xf32>
      %get3A_711 = arith.constant 304 : index
      %get3A_712 = tpu.vector_load %arg6[%get3A_711] {strides = array<i32>} : memref<320xf32, #tpu.memory_space<vmem>>, vector<16xf32>,
      %get3A_713 = vector.shape_cast %get3A_712 : vector<16xf32> to vector<16xf32>
      %convert_element_type3A_714 = arith.fptosi %get3A_701 : vector<16xf32> to vector<16xi32>
      %mul3A_715 = arith.constant 1.280000e+02 : f32
      %mul3A_716 = vector.broadcast %mul3A_715 : f32 to vector<16xf32>
      %mul3A_717 = arith.mulf %get3A_704, %mul3A_716 : vector<16xf32>
      %convert_element_type3A_718 = arith.fptosi %mul3A_717 : vector<16xf32> to vector<16xi32>
      %mul3A_719 = arith.constant 1.280000e+02 : f32
      %mul3A_720 = vector.broadcast %mul3A_719 : f32 to vector<16xf32>
      %mul3A_721 = arith.mulf %get3A_707, %mul3A_720 : vector<16xf32>
      %convert_element_type3A_722 = arith.fptosi %mul3A_721 : vector<16xf32> to vector<16xi32>
      %mul3A_723 = arith.constant 128 : i32
      %mul3A_724 = vector.broadcast %mul3A_723 : i32 to vector<16xi32>
      %mul3A_725 = arith.muli %convert_element_type3A_722, %mul3A_724 : vector<16xi32>
      %add3A_726 = arith.addi %mul3A_725, %convert_element_type3A_718 : vector<16xi32>
      %min3A_727 = arith.constant 16383 : i32
      %min3A_728 = vector.broadcast %min3A_727 : i32 to vector<16xi32>
      %min3A_729 = arith.minsi %add3A_726, %min3A_728 : vector<16xi32>
      %add3A_730 = arith.constant 0 : i32
      %add3A_731 = arith.addi %mul3A_366, %add3A_730 : i32
      %add3A_732 = vector.broadcast %add3A_731 : i32 to vector<16xi32>
      %add3A_733 = arith.addi %add3A_732, %min3A_729 : vector<16xi32>
      %swap3A_734 = arith.constant 48 : index
      %swap3A_735 = tpu.vector_load %arg7[%swap3A_734] {strides = array<i32>} : memref<64xi32, #tpu.memory_space<vmem>>, vector<16xi32>,
      %swap3A_736 = vector.shape_cast %swap3A_735 : vector<16xi32> to vector<16xi32>
      %swap3A_737 = vector.shape_cast %add3A_733 : vector<16xi32> to vector<16xi32>
      tpu.vector_store %arg7[%swap3A_734], %swap3A_737 {strides = array<i32>} : memref<64xi32, #tpu.memory_space<vmem>>, vector<16xi32>,
      %add3A_738 = arith.constant 16384 : i32
      %add3A_739 = arith.addi %mul3A_366, %add3A_738 : i32
      %add3A_740 = vector.broadcast %add3A_739 : i32 to vector<16xi32>
      %add3A_741 = arith.addi %add3A_740, %min3A_729 : vector<16xi32>
      %swap3A_742 = arith.constant 48 : index
      %swap3A_743 = tpu.vector_load %arg8[%swap3A_742] {strides = array<i32>} : memref<64xi32, #tpu.memory_space<vmem>>, vector<16xi32>,
      %swap3A_744 = vector.shape_cast %swap3A_743 : vector<16xi32> to vector<16xi32>
      %swap3A_745 = vector.shape_cast %add3A_741 : vector<16xi32> to vector<16xi32>
      tpu.vector_store %arg8[%swap3A_742], %swap3A_745 {strides = array<i32>} : memref<64xi32, #tpu.memory_space<vmem>>, vector<16xi32>,
      %add3A_746 = arith.constant 32768 : i32
      %add3A_747 = arith.addi %mul3A_366, %add3A_746 : i32
      %add3A_748 = vector.broadcast %add3A_747 : i32 to vector<16xi32>
      %add3A_749 = arith.addi %add3A_748, %min3A_729 : vector<16xi32>
      %swap3A_750 = arith.constant 48 : index
      %swap3A_751 = tpu.vector_load %arg9[%swap3A_750] {strides = array<i32>} : memref<64xi32, #tpu.memory_space<vmem>>, vector<16xi32>,
      %swap3A_752 = vector.shape_cast %swap3A_751 : vector<16xi32> to vector<16xi32>
      %swap3A_753 = vector.shape_cast %add3A_749 : vector<16xi32> to vector<16xi32>
      tpu.vector_store %arg9[%swap3A_750], %swap3A_753 {strides = array<i32>} : memref<64xi32, #tpu.memory_space<vmem>>, vector<16xi32>,
      %add3A_754 = arith.constant 49152 : i32
      %add3A_755 = arith.addi %mul3A_366, %add3A_754 : i32
      %add3A_756 = vector.broadcast %add3A_755 : i32 to vector<16xi32>
      %add3A_757 = arith.addi %add3A_756, %min3A_729 : vector<16xi32>
      %swap3A_758 = arith.constant 48 : index
      %swap3A_759 = tpu.vector_load %arg10[%swap3A_758] {strides = array<i32>} : memref<64xi32, #tpu.memory_space<vmem>>, vector<16xi32>,
      %swap3A_760 = vector.shape_cast %swap3A_759 : vector<16xi32> to vector<16xi32>
      %swap3A_761 = vector.shape_cast %add3A_757 : vector<16xi32> to vector<16xi32>
      tpu.vector_store %arg10[%swap3A_758], %swap3A_761 {strides = array<i32>} : memref<64xi32, #tpu.memory_space<vmem>>, vector<16xi32>,
      %add3A_762 = arith.constant 65536 : i32
      %add3A_763 = arith.addi %mul3A_366, %add3A_762 : i32
      %add3A_764 = vector.broadcast %add3A_763 : i32 to vector<16xi32>
      %add3A_765 = arith.addi %add3A_764, %min3A_729 : vector<16xi32>
      %swap3A_766 = arith.constant 48 : index
      %swap3A_767 = tpu.vector_load %arg11[%swap3A_766] {strides = array<i32>} : memref<64xi32, #tpu.memory_space<vmem>>, vector<16xi32>,
      %swap3A_768 = vector.shape_cast %swap3A_767 : vector<16xi32> to vector<16xi32>
      %swap3A_769 = vector.shape_cast %add3A_765 : vector<16xi32> to vector<16xi32>
      tpu.vector_store %arg11[%swap3A_766], %swap3A_769 {strides = array<i32>} : memref<64xi32, #tpu.memory_space<vmem>>, vector<16xi32>,
      %add3A_770 = arith.constant 5 : i32
      %add3A_771 = vector.broadcast %add3A_770 : i32 to vector<16xi32>
      %add3A_772 = arith.addi %add3A_771, %convert_element_type3A_714 : vector<16xi32>
      %mul3A_773 = arith.constant 16384 : i32
      %mul3A_774 = vector.broadcast %mul3A_773 : i32 to vector<16xi32>
      %mul3A_775 = arith.muli %add3A_772, %mul3A_774 : vector<16xi32>
      %add3A_776 = vector.broadcast %mul3A_366 : i32 to vector<16xi32>
      %add3A_777 = arith.addi %add3A_776, %mul3A_775 : vector<16xi32>
      %add3A_778 = arith.addi %add3A_777, %min3A_729 : vector<16xi32>
      %swap3A_779 = arith.constant 48 : index
      %swap3A_780 = tpu.vector_load %arg12[%swap3A_779] {strides = array<i32>} : memref<64xi32, #tpu.memory_space<vmem>>, vector<16xi32>,
      %swap3A_781 = vector.shape_cast %swap3A_780 : vector<16xi32> to vector<16xi32>
      %swap3A_782 = vector.shape_cast %add3A_778 : vector<16xi32> to vector<16xi32>
      tpu.vector_store %arg12[%swap3A_779], %swap3A_782 {strides = array<i32>} : memref<64xi32, #tpu.memory_space<vmem>>, vector<16xi32>,
      %mul3A_783 = arith.muli %add3A_726, %select_n3A_691 : vector<16xi32>
      %add3A_784 = arith.addi %mul3A_783, %select_n3A_698 : vector<16xi32>
      %mul3A_785 = arith.constant 128 : i32
      %mul3A_786 = vector.broadcast %mul3A_785 : i32 to vector<16xi32>
      %mul3A_787 = arith.muli %add3A_726, %mul3A_786 : vector<16xi32>
      %add3A_788 = arith.addi %mul3A_787, %convert_element_type3A_714 : vector<16xi32>
      %mul3A_789 = arith.muli %add3A_788, %select_n3A_691 : vector<16xi32>
      %add3A_790 = arith.addi %mul3A_789, %select_n3A_698 : vector<16xi32>
      %dma_start3A_791 = arith.constant 0 : i32
      %dma_start3A_792 = tpu.memref_slice %arg2[%dma_start3A_791] : memref<22282240xf32, #tpu.memory_space<hbm>> -> memref<22282240xf32, #tpu.memory_space<hbm>>
      tpu.enqueue_indirect_dma source(%dma_start3A_792 : memref<22282240xf32, #tpu.memory_space<hbm>>) target(%arg13 : memref<64xf32, #tpu.memory_space<vmem>>) offsets(%arg7 : memref<64xi32, #tpu.memory_space<vmem>>) semaphore(%arg20 : memref<!tpu.dma_semaphore, #tpu.memory_space<semaphore_mem>>)
      %dma_start3A_793 = arith.constant 0 : i32
      %dma_start3A_794 = tpu.memref_slice %arg2[%dma_start3A_793] : memref<22282240xf32, #tpu.memory_space<hbm>> -> memref<22282240xf32, #tpu.memory_space<hbm>>
      tpu.enqueue_indirect_dma source(%dma_start3A_794 : memref<22282240xf32, #tpu.memory_space<hbm>>) target(%arg14 : memref<64xf32, #tpu.memory_space<vmem>>) offsets(%arg8 : memref<64xi32, #tpu.memory_space<vmem>>) semaphore(%arg20 : memref<!tpu.dma_semaphore, #tpu.memory_space<semaphore_mem>>)
      %dma_start3A_795 = arith.constant 0 : i32
      %dma_start3A_796 = tpu.memref_slice %arg2[%dma_start3A_795] : memref<22282240xf32, #tpu.memory_space<hbm>> -> memref<22282240xf32, #tpu.memory_space<hbm>>
      tpu.enqueue_indirect_dma source(%dma_start3A_796 : memref<22282240xf32, #tpu.memory_space<hbm>>) target(%arg15 : memref<64xf32, #tpu.memory_space<vmem>>) offsets(%arg9 : memref<64xi32, #tpu.memory_space<vmem>>) semaphore(%arg20 : memref<!tpu.dma_semaphore, #tpu.memory_space<semaphore_mem>>)
      %dma_start3A_797 = arith.constant 0 : i32
      %dma_start3A_798 = tpu.memref_slice %arg2[%dma_start3A_797] : memref<22282240xf32, #tpu.memory_space<hbm>> -> memref<22282240xf32, #tpu.memory_space<hbm>>
      tpu.enqueue_indirect_dma source(%dma_start3A_798 : memref<22282240xf32, #tpu.memory_space<hbm>>) target(%arg16 : memref<64xf32, #tpu.memory_space<vmem>>) offsets(%arg10 : memref<64xi32, #tpu.memory_space<vmem>>) semaphore(%arg20 : memref<!tpu.dma_semaphore, #tpu.memory_space<semaphore_mem>>)
      %dma_start3A_799 = arith.constant 0 : i32
      %dma_start3A_800 = tpu.memref_slice %arg2[%dma_start3A_799] : memref<22282240xf32, #tpu.memory_space<hbm>> -> memref<22282240xf32, #tpu.memory_space<hbm>>
      tpu.enqueue_indirect_dma source(%dma_start3A_800 : memref<22282240xf32, #tpu.memory_space<hbm>>) target(%arg17 : memref<64xf32, #tpu.memory_space<vmem>>) offsets(%arg11 : memref<64xi32, #tpu.memory_space<vmem>>) semaphore(%arg20 : memref<!tpu.dma_semaphore, #tpu.memory_space<semaphore_mem>>)
      %dma_start3A_801 = arith.constant 0 : i32
      %dma_start3A_802 = tpu.memref_slice %arg2[%dma_start3A_801] : memref<22282240xf32, #tpu.memory_space<hbm>> -> memref<22282240xf32, #tpu.memory_space<hbm>>
      tpu.enqueue_indirect_dma source(%dma_start3A_802 : memref<22282240xf32, #tpu.memory_space<hbm>>) target(%arg18 : memref<64xf32, #tpu.memory_space<vmem>>) offsets(%arg12 : memref<64xi32, #tpu.memory_space<vmem>>) semaphore(%arg20 : memref<!tpu.dma_semaphore, #tpu.memory_space<semaphore_mem>>)
      %slice3A = vector.extract_strided_slice %add3A_466 {offsets = [0], sizes = [1], strides = [1]} : vector<16xi32> to vector<1xi32>
      %squeeze3A = vector.extract %slice3A[0] : i32 from vector<1xi32>
      %broadcast_in_dim3A_803 = vector.broadcast %squeeze3A : i32 to vector<16xi32>
      %slice3A_804 = vector.extract_strided_slice %add3A_472 {offsets = [0], sizes = [1], strides = [1]} : vector<16xi32> to vector<1xi32>
      %squeeze3A_805 = vector.extract %slice3A_804[0] : i32 from vector<1xi32>
      %broadcast_in_dim3A_806 = vector.broadcast %squeeze3A_805 : i32 to vector<16xi32>
      %gt3A = arith.constant 0 : i32
      %gt3A_807 = vector.broadcast %gt3A : i32 to vector<16xi32>
      %gt3A_808 = arith.cmpi sgt, %iota3A, %gt3A_807 : vector<16xi32>
      %select_n3A_809 = arith.select %gt3A_808, %broadcast_in_dim3A_369, %broadcast_in_dim3A_367 : vector<16xi1>, vector<16xi32>
      %eq3A = arith.cmpi eq, %add3A_466, %broadcast_in_dim3A_803 : vector<16xi32>
      %select_n3A_810 = arith.select %eq3A, %select_n3A_809, %broadcast_in_dim3A_367 : vector<16xi1>, vector<16xi32>
      %add3A_811 = arith.addi %broadcast_in_dim3A_367, %select_n3A_810 : vector<16xi32>
      %eq3A_812 = arith.cmpi eq, %add3A_472, %broadcast_in_dim3A_806 : vector<16xi32>
      %select_n3A_813 = arith.select %eq3A_812, %select_n3A_809, %broadcast_in_dim3A_367 : vector<16xi1>, vector<16xi32>
      %add3A_814 = arith.addi %broadcast_in_dim3A_367, %select_n3A_813 : vector<16xi32>
      %eq3A_815 = arith.cmpi eq, %add3A_572, %broadcast_in_dim3A_803 : vector<16xi32>
      %select_n3A_816 = arith.select %eq3A_815, %broadcast_in_dim3A_369, %broadcast_in_dim3A_367 : vector<16xi1>, vector<16xi32>
      %add3A_817 = arith.addi %broadcast_in_dim3A_367, %select_n3A_816 : vector<16xi32>
      %eq3A_818 = arith.cmpi eq, %add3A_578, %broadcast_in_dim3A_806 : vector<16xi32>
      %select_n3A_819 = arith.select %eq3A_818, %broadcast_in_dim3A_369, %broadcast_in_dim3A_367 : vector<16xi1>, vector<16xi32>
      %add3A_820 = arith.addi %broadcast_in_dim3A_367, %select_n3A_819 : vector<16xi32>
      %eq3A_821 = arith.cmpi eq, %add3A_678, %broadcast_in_dim3A_803 : vector<16xi32>
      %select_n3A_822 = arith.select %eq3A_821, %broadcast_in_dim3A_369, %broadcast_in_dim3A_367 : vector<16xi1>, vector<16xi32>
      %add3A_823 = arith.addi %broadcast_in_dim3A_367, %select_n3A_822 : vector<16xi32>
      %eq3A_824 = arith.cmpi eq, %add3A_684, %broadcast_in_dim3A_806 : vector<16xi32>
      %select_n3A_825 = arith.select %eq3A_824, %broadcast_in_dim3A_369, %broadcast_in_dim3A_367 : vector<16xi1>, vector<16xi32>
      %add3A_826 = arith.addi %broadcast_in_dim3A_367, %select_n3A_825 : vector<16xi32>
      %eq3A_827 = arith.cmpi eq, %add3A_784, %broadcast_in_dim3A_803 : vector<16xi32>
      %select_n3A_828 = arith.select %eq3A_827, %broadcast_in_dim3A_369, %broadcast_in_dim3A_367 : vector<16xi1>, vector<16xi32>
      %add3A_829 = arith.addi %broadcast_in_dim3A_367, %select_n3A_828 : vector<16xi32>
      %eq3A_830 = arith.cmpi eq, %add3A_790, %broadcast_in_dim3A_806 : vector<16xi32>
      %select_n3A_831 = arith.select %eq3A_830, %broadcast_in_dim3A_369, %broadcast_in_dim3A_367 : vector<16xi1>, vector<16xi32>
      %add3A_832 = arith.addi %broadcast_in_dim3A_367, %select_n3A_831 : vector<16xi32>
      %slice3A_833 = vector.extract_strided_slice %add3A_466 {offsets = [1], sizes = [1], strides = [1]} : vector<16xi32> to vector<1xi32>
      %squeeze3A_834 = vector.extract %slice3A_833[0] : i32 from vector<1xi32>
      %broadcast_in_dim3A_835 = vector.broadcast %squeeze3A_834 : i32 to vector<16xi32>
      %slice3A_836 = vector.extract_strided_slice %add3A_472 {offsets = [1], sizes = [1], strides = [1]} : vector<16xi32> to vector<1xi32>
      %squeeze3A_837 = vector.extract %slice3A_836[0] : i32 from vector<1xi32>
      %broadcast_in_dim3A_838 = vector.broadcast %squeeze3A_837 : i32 to vector<16xi32>
      %gt3A_839 = arith.constant 1 : i32
      %gt3A_840 = vector.broadcast %gt3A_839 : i32 to vector<16xi32>
      %gt3A_841 = arith.cmpi sgt, %iota3A, %gt3A_840 : vector<16xi32>
      %select_n3A_842 = arith.select %gt3A_841, %broadcast_in_dim3A_369, %broadcast_in_dim3A_367 : vector<16xi1>, vector<16xi32>
      %eq3A_843 = arith.cmpi eq, %add3A_466, %broadcast_in_dim3A_835 : vector<16xi32>
      %select_n3A_844 = arith.select %eq3A_843, %select_n3A_842, %broadcast_in_dim3A_367 : vector<16xi1>, vector<16xi32>
      %add3A_845 = arith.addi %add3A_811, %select_n3A_844 : vector<16xi32>
      %eq3A_846 = arith.cmpi eq, %add3A_472, %broadcast_in_dim3A_838 : vector<16xi32>
      %select_n3A_847 = arith.select %eq3A_846, %select_n3A_842, %broadcast_in_dim3A_367 : vector<16xi1>, vector<16xi32>
      %add3A_848 = arith.addi %add3A_814, %select_n3A_847 : vector<16xi32>
      %eq3A_849 = arith.cmpi eq, %add3A_572, %broadcast_in_dim3A_835 : vector<16xi32>
      %select_n3A_850 = arith.select %eq3A_849, %broadcast_in_dim3A_369, %broadcast_in_dim3A_367 : vector<16xi1>, vector<16xi32>
      %add3A_851 = arith.addi %add3A_817, %select_n3A_850 : vector<16xi32>
      %eq3A_852 = arith.cmpi eq, %add3A_578, %broadcast_in_dim3A_838 : vector<16xi32>
      %select_n3A_853 = arith.select %eq3A_852, %broadcast_in_dim3A_369, %broadcast_in_dim3A_367 : vector<16xi1>, vector<16xi32>
      %add3A_854 = arith.addi %add3A_820, %select_n3A_853 : vector<16xi32>
      %eq3A_855 = arith.cmpi eq, %add3A_678, %broadcast_in_dim3A_835 : vector<16xi32>
      %select_n3A_856 = arith.select %eq3A_855, %broadcast_in_dim3A_369, %broadcast_in_dim3A_367 : vector<16xi1>, vector<16xi32>
      %add3A_857 = arith.addi %add3A_823, %select_n3A_856 : vector<16xi32>
      %eq3A_858 = arith.cmpi eq, %add3A_684, %broadcast_in_dim3A_838 : vector<16xi32>
      %select_n3A_859 = arith.select %eq3A_858, %broadcast_in_dim3A_369, %broadcast_in_dim3A_367 : vector<16xi1>, vector<16xi32>
      %add3A_860 = arith.addi %add3A_826, %select_n3A_859 : vector<16xi32>
      %eq3A_861 = arith.cmpi eq, %add3A_784, %broadcast_in_dim3A_835 : vector<16xi32>
      %select_n3A_862 = arith.select %eq3A_861, %broadcast_in_dim3A_369, %broadcast_in_dim3A_367 : vector<16xi1>, vector<16xi32>
      %add3A_863 = arith.addi %add3A_829, %select_n3A_862 : vector<16xi32>
      %eq3A_864 = arith.cmpi eq, %add3A_790, %broadcast_in_dim3A_838 : vector<16xi32>
      %select_n3A_865 = arith.select %eq3A_864, %broadcast_in_dim3A_369, %broadcast_in_dim3A_367 : vector<16xi1>, vector<16xi32>
      %add3A_866 = arith.addi %add3A_832, %select_n3A_865 : vector<16xi32>
      %slice3A_867 = vector.extract_strided_slice %add3A_466 {offsets = [2], sizes = [1], strides = [1]} : vector<16xi32> to vector<1xi32>
      %squeeze3A_868 = vector.extract %slice3A_867[0] : i32 from vector<1xi32>
      %broadcast_in_dim3A_869 = vector.broadcast %squeeze3A_868 : i32 to vector<16xi32>
      %slice3A_870 = vector.extract_strided_slice %add3A_472 {offsets = [2], sizes = [1], strides = [1]} : vector<16xi32> to vector<1xi32>
      %squeeze3A_871 = vector.extract %slice3A_870[0] : i32 from vector<1xi32>
      %broadcast_in_dim3A_872 = vector.broadcast %squeeze3A_871 : i32 to vector<16xi32>
      %gt3A_873 = arith.constant 2 : i32
      %gt3A_874 = vector.broadcast %gt3A_873 : i32 to vector<16xi32>
      %gt3A_875 = arith.cmpi sgt, %iota3A, %gt3A_874 : vector<16xi32>
      %select_n3A_876 = arith.select %gt3A_875, %broadcast_in_dim3A_369, %broadcast_in_dim3A_367 : vector<16xi1>, vector<16xi32>
      %eq3A_877 = arith.cmpi eq, %add3A_466, %broadcast_in_dim3A_869 : vector<16xi32>
      %select_n3A_878 = arith.select %eq3A_877, %select_n3A_876, %broadcast_in_dim3A_367 : vector<16xi1>, vector<16xi32>
      %add3A_879 = arith.addi %add3A_845, %select_n3A_878 : vector<16xi32>
      %eq3A_880 = arith.cmpi eq, %add3A_472, %broadcast_in_dim3A_872 : vector<16xi32>
      %select_n3A_881 = arith.select %eq3A_880, %select_n3A_876, %broadcast_in_dim3A_367 : vector<16xi1>, vector<16xi32>
      %add3A_882 = arith.addi %add3A_848, %select_n3A_881 : vector<16xi32>
      %eq3A_883 = arith.cmpi eq, %add3A_572, %broadcast_in_dim3A_869 : vector<16xi32>
      %select_n3A_884 = arith.select %eq3A_883, %broadcast_in_dim3A_369, %broadcast_in_dim3A_367 : vector<16xi1>, vector<16xi32>
      %add3A_885 = arith.addi %add3A_851, %select_n3A_884 : vector<16xi32>
      %eq3A_886 = arith.cmpi eq, %add3A_578, %broadcast_in_dim3A_872 : vector<16xi32>
      %select_n3A_887 = arith.select %eq3A_886, %broadcast_in_dim3A_369, %broadcast_in_dim3A_367 : vector<16xi1>, vector<16xi32>
      %add3A_888 = arith.addi %add3A_854, %select_n3A_887 : vector<16xi32>
      %eq3A_889 = arith.cmpi eq, %add3A_678, %broadcast_in_dim3A_869 : vector<16xi32>
      %select_n3A_890 = arith.select %eq3A_889, %broadcast_in_dim3A_369, %broadcast_in_dim3A_367 : vector<16xi1>, vector<16xi32>
      %add3A_891 = arith.addi %add3A_857, %select_n3A_890 : vector<16xi32>
      %eq3A_892 = arith.cmpi eq, %add3A_684, %broadcast_in_dim3A_872 : vector<16xi32>
      %select_n3A_893 = arith.select %eq3A_892, %broadcast_in_dim3A_369, %broadcast_in_dim3A_367 : vector<16xi1>, vector<16xi32>
      %add3A_894 = arith.addi %add3A_860, %select_n3A_893 : vector<16xi32>
      %eq3A_895 = arith.cmpi eq, %add3A_784, %broadcast_in_dim3A_869 : vector<16xi32>
      %select_n3A_896 = arith.select %eq3A_895, %broadcast_in_dim3A_369, %broadcast_in_dim3A_367 : vector<16xi1>, vector<16xi32>
      %add3A_897 = arith.addi %add3A_863, %select_n3A_896 : vector<16xi32>
      %eq3A_898 = arith.cmpi eq, %add3A_790, %broadcast_in_dim3A_872 : vector<16xi32>
      %select_n3A_899 = arith.select %eq3A_898, %broadcast_in_dim3A_369, %broadcast_in_dim3A_367 : vector<16xi1>, vector<16xi32>
      %add3A_900 = arith.addi %add3A_866, %select_n3A_899 : vector<16xi32>
      %slice3A_901 = vector.extract_strided_slice %add3A_466 {offsets = [3], sizes = [1], strides = [1]} : vector<16xi32> to vector<1xi32>
      %squeeze3A_902 = vector.extract %slice3A_901[0] : i32 from vector<1xi32>
      %broadcast_in_dim3A_903 = vector.broadcast %squeeze3A_902 : i32 to vector<16xi32>
      %slice3A_904 = vector.extract_strided_slice %add3A_472 {offsets = [3], sizes = [1], strides = [1]} : vector<16xi32> to vector<1xi32>
      %squeeze3A_905 = vector.extract %slice3A_904[0] : i32 from vector<1xi32>
      %broadcast_in_dim3A_906 = vector.broadcast %squeeze3A_905 : i32 to vector<16xi32>
      %gt3A_907 = arith.constant 3 : i32
      %gt3A_908 = vector.broadcast %gt3A_907 : i32 to vector<16xi32>
      %gt3A_909 = arith.cmpi sgt, %iota3A, %gt3A_908 : vector<16xi32>
      %select_n3A_910 = arith.select %gt3A_909, %broadcast_in_dim3A_369, %broadcast_in_dim3A_367 : vector<16xi1>, vector<16xi32>
      %eq3A_911 = arith.cmpi eq, %add3A_466, %broadcast_in_dim3A_903 : vector<16xi32>
      %select_n3A_912 = arith.select %eq3A_911, %select_n3A_910, %broadcast_in_dim3A_367 : vector<16xi1>, vector<16xi32>
      %add3A_913 = arith.addi %add3A_879, %select_n3A_912 : vector<16xi32>
      %eq3A_914 = arith.cmpi eq, %add3A_472, %broadcast_in_dim3A_906 : vector<16xi32>
      %select_n3A_915 = arith.select %eq3A_914, %select_n3A_910, %broadcast_in_dim3A_367 : vector<16xi1>, vector<16xi32>
      %add3A_916 = arith.addi %add3A_882, %select_n3A_915 : vector<16xi32>
      %eq3A_917 = arith.cmpi eq, %add3A_572, %broadcast_in_dim3A_903 : vector<16xi32>
      %select_n3A_918 = arith.select %eq3A_917, %broadcast_in_dim3A_369, %broadcast_in_dim3A_367 : vector<16xi1>, vector<16xi32>
      %add3A_919 = arith.addi %add3A_885, %select_n3A_918 : vector<16xi32>
      %eq3A_920 = arith.cmpi eq, %add3A_578, %broadcast_in_dim3A_906 : vector<16xi32>
      %select_n3A_921 = arith.select %eq3A_920, %broadcast_in_dim3A_369, %broadcast_in_dim3A_367 : vector<16xi1>, vector<16xi32>
      %add3A_922 = arith.addi %add3A_888, %select_n3A_921 : vector<16xi32>
      %eq3A_923 = arith.cmpi eq, %add3A_678, %broadcast_in_dim3A_903 : vector<16xi32>
      %select_n3A_924 = arith.select %eq3A_923, %broadcast_in_dim3A_369, %broadcast_in_dim3A_367 : vector<16xi1>, vector<16xi32>
      %add3A_925 = arith.addi %add3A_891, %select_n3A_924 : vector<16xi32>
      %eq3A_926 = arith.cmpi eq, %add3A_684, %broadcast_in_dim3A_906 : vector<16xi32>
      %select_n3A_927 = arith.select %eq3A_926, %broadcast_in_dim3A_369, %broadcast_in_dim3A_367 : vector<16xi1>, vector<16xi32>
      %add3A_928 = arith.addi %add3A_894, %select_n3A_927 : vector<16xi32>
      %eq3A_929 = arith.cmpi eq, %add3A_784, %broadcast_in_dim3A_903 : vector<16xi32>
      %select_n3A_930 = arith.select %eq3A_929, %broadcast_in_dim3A_369, %broadcast_in_dim3A_367 : vector<16xi1>, vector<16xi32>
      %add3A_931 = arith.addi %add3A_897, %select_n3A_930 : vector<16xi32>
      %eq3A_932 = arith.cmpi eq, %add3A_790, %broadcast_in_dim3A_906 : vector<16xi32>
      %select_n3A_933 = arith.select %eq3A_932, %broadcast_in_dim3A_369, %broadcast_in_dim3A_367 : vector<16xi1>, vector<16xi32>
      %add3A_934 = arith.addi %add3A_900, %select_n3A_933 : vector<16xi32>
      %slice3A_935 = vector.extract_strided_slice %add3A_466 {offsets = [4], sizes = [1], strides = [1]} : vector<16xi32> to vector<1xi32>
      %squeeze3A_936 = vector.extract %slice3A_935[0] : i32 from vector<1xi32>
      %broadcast_in_dim3A_937 = vector.broadcast %squeeze3A_936 : i32 to vector<16xi32>
      %slice3A_938 = vector.extract_strided_slice %add3A_472 {offsets = [4], sizes = [1], strides = [1]} : vector<16xi32> to vector<1xi32>
      %squeeze3A_939 = vector.extract %slice3A_938[0] : i32 from vector<1xi32>
      %broadcast_in_dim3A_940 = vector.broadcast %squeeze3A_939 : i32 to vector<16xi32>
      %gt3A_941 = arith.constant 4 : i32
      %gt3A_942 = vector.broadcast %gt3A_941 : i32 to vector<16xi32>
      %gt3A_943 = arith.cmpi sgt, %iota3A, %gt3A_942 : vector<16xi32>
      %select_n3A_944 = arith.select %gt3A_943, %broadcast_in_dim3A_369, %broadcast_in_dim3A_367 : vector<16xi1>, vector<16xi32>
      %eq3A_945 = arith.cmpi eq, %add3A_466, %broadcast_in_dim3A_937 : vector<16xi32>
      %select_n3A_946 = arith.select %eq3A_945, %select_n3A_944, %broadcast_in_dim3A_367 : vector<16xi1>, vector<16xi32>
      %add3A_947 = arith.addi %add3A_913, %select_n3A_946 : vector<16xi32>
      %eq3A_948 = arith.cmpi eq, %add3A_472, %broadcast_in_dim3A_940 : vector<16xi32>
      %select_n3A_949 = arith.select %eq3A_948, %select_n3A_944, %broadcast_in_dim3A_367 : vector<16xi1>, vector<16xi32>
      %add3A_950 = arith.addi %add3A_916, %select_n3A_949 : vector<16xi32>
      %eq3A_951 = arith.cmpi eq, %add3A_572, %broadcast_in_dim3A_937 : vector<16xi32>
      %select_n3A_952 = arith.select %eq3A_951, %broadcast_in_dim3A_369, %broadcast_in_dim3A_367 : vector<16xi1>, vector<16xi32>
      %add3A_953 = arith.addi %add3A_919, %select_n3A_952 : vector<16xi32>
      %eq3A_954 = arith.cmpi eq, %add3A_578, %broadcast_in_dim3A_940 : vector<16xi32>
      %select_n3A_955 = arith.select %eq3A_954, %broadcast_in_dim3A_369, %broadcast_in_dim3A_367 : vector<16xi1>, vector<16xi32>
      %add3A_956 = arith.addi %add3A_922, %select_n3A_955 : vector<16xi32>
      %eq3A_957 = arith.cmpi eq, %add3A_678, %broadcast_in_dim3A_937 : vector<16xi32>
      %select_n3A_958 = arith.select %eq3A_957, %broadcast_in_dim3A_369, %broadcast_in_dim3A_367 : vector<16xi1>, vector<16xi32>
      %add3A_959 = arith.addi %add3A_925, %select_n3A_958 : vector<16xi32>
      %eq3A_960 = arith.cmpi eq, %add3A_684, %broadcast_in_dim3A_940 : vector<16xi32>
      %select_n3A_961 = arith.select %eq3A_960, %broadcast_in_dim3A_369, %broadcast_in_dim3A_367 : vector<16xi1>, vector<16xi32>
      %add3A_962 = arith.addi %add3A_928, %select_n3A_961 : vector<16xi32>
      %eq3A_963 = arith.cmpi eq, %add3A_784, %broadcast_in_dim3A_937 : vector<16xi32>
      %select_n3A_964 = arith.select %eq3A_963, %broadcast_in_dim3A_369, %broadcast_in_dim3A_367 : vector<16xi1>, vector<16xi32>
      %add3A_965 = arith.addi %add3A_931, %select_n3A_964 : vector<16xi32>
      %eq3A_966 = arith.cmpi eq, %add3A_790, %broadcast_in_dim3A_940 : vector<16xi32>
      %select_n3A_967 = arith.select %eq3A_966, %broadcast_in_dim3A_369, %broadcast_in_dim3A_367 : vector<16xi1>, vector<16xi32>
      %add3A_968 = arith.addi %add3A_934, %select_n3A_967 : vector<16xi32>
      %slice3A_969 = vector.extract_strided_slice %add3A_466 {offsets = [5], sizes = [1], strides = [1]} : vector<16xi32> to vector<1xi32>
      %squeeze3A_970 = vector.extract %slice3A_969[0] : i32 from vector<1xi32>
      %broadcast_in_dim3A_971 = vector.broadcast %squeeze3A_970 : i32 to vector<16xi32>
      %slice3A_972 = vector.extract_strided_slice %add3A_472 {offsets = [5], sizes = [1], strides = [1]} : vector<16xi32> to vector<1xi32>
      %squeeze3A_973 = vector.extract %slice3A_972[0] : i32 from vector<1xi32>
      %broadcast_in_dim3A_974 = vector.broadcast %squeeze3A_973 : i32 to vector<16xi32>
      %gt3A_975 = arith.constant 5 : i32
      %gt3A_976 = vector.broadcast %gt3A_975 : i32 to vector<16xi32>
      %gt3A_977 = arith.cmpi sgt, %iota3A, %gt3A_976 : vector<16xi32>
      %select_n3A_978 = arith.select %gt3A_977, %broadcast_in_dim3A_369, %broadcast_in_dim3A_367 : vector<16xi1>, vector<16xi32>
      %eq3A_979 = arith.cmpi eq, %add3A_466, %broadcast_in_dim3A_971 : vector<16xi32>
      %select_n3A_980 = arith.select %eq3A_979, %select_n3A_978, %broadcast_in_dim3A_367 : vector<16xi1>, vector<16xi32>
      %add3A_981 = arith.addi %add3A_947, %select_n3A_980 : vector<16xi32>
      %eq3A_982 = arith.cmpi eq, %add3A_472, %broadcast_in_dim3A_974 : vector<16xi32>
      %select_n3A_983 = arith.select %eq3A_982, %select_n3A_978, %broadcast_in_dim3A_367 : vector<16xi1>, vector<16xi32>
      %add3A_984 = arith.addi %add3A_950, %select_n3A_983 : vector<16xi32>
      %eq3A_985 = arith.cmpi eq, %add3A_572, %broadcast_in_dim3A_971 : vector<16xi32>
      %select_n3A_986 = arith.select %eq3A_985, %broadcast_in_dim3A_369, %broadcast_in_dim3A_367 : vector<16xi1>, vector<16xi32>
      %add3A_987 = arith.addi %add3A_953, %select_n3A_986 : vector<16xi32>
      %eq3A_988 = arith.cmpi eq, %add3A_578, %broadcast_in_dim3A_974 : vector<16xi32>
      %select_n3A_989 = arith.select %eq3A_988, %broadcast_in_dim3A_369, %broadcast_in_dim3A_367 : vector<16xi1>, vector<16xi32>
      %add3A_990 = arith.addi %add3A_956, %select_n3A_989 : vector<16xi32>
      %eq3A_991 = arith.cmpi eq, %add3A_678, %broadcast_in_dim3A_971 : vector<16xi32>
      %select_n3A_992 = arith.select %eq3A_991, %broadcast_in_dim3A_369, %broadcast_in_dim3A_367 : vector<16xi1>, vector<16xi32>
      %add3A_993 = arith.addi %add3A_959, %select_n3A_992 : vector<16xi32>
      %eq3A_994 = arith.cmpi eq, %add3A_684, %broadcast_in_dim3A_974 : vector<16xi32>
      %select_n3A_995 = arith.select %eq3A_994, %broadcast_in_dim3A_369, %broadcast_in_dim3A_367 : vector<16xi1>, vector<16xi32>
      %add3A_996 = arith.addi %add3A_962, %select_n3A_995 : vector<16xi32>
      %eq3A_997 = arith.cmpi eq, %add3A_784, %broadcast_in_dim3A_971 : vector<16xi32>
      %select_n3A_998 = arith.select %eq3A_997, %broadcast_in_dim3A_369, %broadcast_in_dim3A_367 : vector<16xi1>, vector<16xi32>
      %add3A_999 = arith.addi %add3A_965, %select_n3A_998 : vector<16xi32>
      %eq3A_1000 = arith.cmpi eq, %add3A_790, %broadcast_in_dim3A_974 : vector<16xi32>
      %select_n3A_1001 = arith.select %eq3A_1000, %broadcast_in_dim3A_369, %broadcast_in_dim3A_367 : vector<16xi1>, vector<16xi32>
      %add3A_1002 = arith.addi %add3A_968, %select_n3A_1001 : vector<16xi32>
      %slice3A_1003 = vector.extract_strided_slice %add3A_466 {offsets = [6], sizes = [1], strides = [1]} : vector<16xi32> to vector<1xi32>
      %squeeze3A_1004 = vector.extract %slice3A_1003[0] : i32 from vector<1xi32>
      %broadcast_in_dim3A_1005 = vector.broadcast %squeeze3A_1004 : i32 to vector<16xi32>
      %slice3A_1006 = vector.extract_strided_slice %add3A_472 {offsets = [6], sizes = [1], strides = [1]} : vector<16xi32> to vector<1xi32>
      %squeeze3A_1007 = vector.extract %slice3A_1006[0] : i32 from vector<1xi32>
      %broadcast_in_dim3A_1008 = vector.broadcast %squeeze3A_1007 : i32 to vector<16xi32>
      %gt3A_1009 = arith.constant 6 : i32
      %gt3A_1010 = vector.broadcast %gt3A_1009 : i32 to vector<16xi32>
      %gt3A_1011 = arith.cmpi sgt, %iota3A, %gt3A_1010 : vector<16xi32>
      %select_n3A_1012 = arith.select %gt3A_1011, %broadcast_in_dim3A_369, %broadcast_in_dim3A_367 : vector<16xi1>, vector<16xi32>
      %eq3A_1013 = arith.cmpi eq, %add3A_466, %broadcast_in_dim3A_1005 : vector<16xi32>
      %select_n3A_1014 = arith.select %eq3A_1013, %select_n3A_1012, %broadcast_in_dim3A_367 : vector<16xi1>, vector<16xi32>
      %add3A_1015 = arith.addi %add3A_981, %select_n3A_1014 : vector<16xi32>
      %eq3A_1016 = arith.cmpi eq, %add3A_472, %broadcast_in_dim3A_1008 : vector<16xi32>
      %select_n3A_1017 = arith.select %eq3A_1016, %select_n3A_1012, %broadcast_in_dim3A_367 : vector<16xi1>, vector<16xi32>
      %add3A_1018 = arith.addi %add3A_984, %select_n3A_1017 : vector<16xi32>
      %eq3A_1019 = arith.cmpi eq, %add3A_572, %broadcast_in_dim3A_1005 : vector<16xi32>
      %select_n3A_1020 = arith.select %eq3A_1019, %broadcast_in_dim3A_369, %broadcast_in_dim3A_367 : vector<16xi1>, vector<16xi32>
      %add3A_1021 = arith.addi %add3A_987, %select_n3A_1020 : vector<16xi32>
      %eq3A_1022 = arith.cmpi eq, %add3A_578, %broadcast_in_dim3A_1008 : vector<16xi32>
      %select_n3A_1023 = arith.select %eq3A_1022, %broadcast_in_dim3A_369, %broadcast_in_dim3A_367 : vector<16xi1>, vector<16xi32>
      %add3A_1024 = arith.addi %add3A_990, %select_n3A_1023 : vector<16xi32>
      %eq3A_1025 = arith.cmpi eq, %add3A_678, %broadcast_in_dim3A_1005 : vector<16xi32>
      %select_n3A_1026 = arith.select %eq3A_1025, %broadcast_in_dim3A_369, %broadcast_in_dim3A_367 : vector<16xi1>, vector<16xi32>
      %add3A_1027 = arith.addi %add3A_993, %select_n3A_1026 : vector<16xi32>
      %eq3A_1028 = arith.cmpi eq, %add3A_684, %broadcast_in_dim3A_1008 : vector<16xi32>
      %select_n3A_1029 = arith.select %eq3A_1028, %broadcast_in_dim3A_369, %broadcast_in_dim3A_367 : vector<16xi1>, vector<16xi32>
      %add3A_1030 = arith.addi %add3A_996, %select_n3A_1029 : vector<16xi32>
      %eq3A_1031 = arith.cmpi eq, %add3A_784, %broadcast_in_dim3A_1005 : vector<16xi32>
      %select_n3A_1032 = arith.select %eq3A_1031, %broadcast_in_dim3A_369, %broadcast_in_dim3A_367 : vector<16xi1>, vector<16xi32>
      %add3A_1033 = arith.addi %add3A_999, %select_n3A_1032 : vector<16xi32>
      %eq3A_1034 = arith.cmpi eq, %add3A_790, %broadcast_in_dim3A_1008 : vector<16xi32>
      %select_n3A_1035 = arith.select %eq3A_1034, %broadcast_in_dim3A_369, %broadcast_in_dim3A_367 : vector<16xi1>, vector<16xi32>
      %add3A_1036 = arith.addi %add3A_1002, %select_n3A_1035 : vector<16xi32>
      %slice3A_1037 = vector.extract_strided_slice %add3A_466 {offsets = [7], sizes = [1], strides = [1]} : vector<16xi32> to vector<1xi32>
      %squeeze3A_1038 = vector.extract %slice3A_1037[0] : i32 from vector<1xi32>
      %broadcast_in_dim3A_1039 = vector.broadcast %squeeze3A_1038 : i32 to vector<16xi32>
      %slice3A_1040 = vector.extract_strided_slice %add3A_472 {offsets = [7], sizes = [1], strides = [1]} : vector<16xi32> to vector<1xi32>
      %squeeze3A_1041 = vector.extract %slice3A_1040[0] : i32 from vector<1xi32>
      %broadcast_in_dim3A_1042 = vector.broadcast %squeeze3A_1041 : i32 to vector<16xi32>
      %gt3A_1043 = arith.constant 7 : i32
      %gt3A_1044 = vector.broadcast %gt3A_1043 : i32 to vector<16xi32>
      %gt3A_1045 = arith.cmpi sgt, %iota3A, %gt3A_1044 : vector<16xi32>
      %select_n3A_1046 = arith.select %gt3A_1045, %broadcast_in_dim3A_369, %broadcast_in_dim3A_367 : vector<16xi1>, vector<16xi32>
      %eq3A_1047 = arith.cmpi eq, %add3A_466, %broadcast_in_dim3A_1039 : vector<16xi32>
      %select_n3A_1048 = arith.select %eq3A_1047, %select_n3A_1046, %broadcast_in_dim3A_367 : vector<16xi1>, vector<16xi32>
      %add3A_1049 = arith.addi %add3A_1015, %select_n3A_1048 : vector<16xi32>
      %eq3A_1050 = arith.cmpi eq, %add3A_472, %broadcast_in_dim3A_1042 : vector<16xi32>
      %select_n3A_1051 = arith.select %eq3A_1050, %select_n3A_1046, %broadcast_in_dim3A_367 : vector<16xi1>, vector<16xi32>
      %add3A_1052 = arith.addi %add3A_1018, %select_n3A_1051 : vector<16xi32>
      %eq3A_1053 = arith.cmpi eq, %add3A_572, %broadcast_in_dim3A_1039 : vector<16xi32>
      %select_n3A_1054 = arith.select %eq3A_1053, %broadcast_in_dim3A_369, %broadcast_in_dim3A_367 : vector<16xi1>, vector<16xi32>
      %add3A_1055 = arith.addi %add3A_1021, %select_n3A_1054 : vector<16xi32>
      %eq3A_1056 = arith.cmpi eq, %add3A_578, %broadcast_in_dim3A_1042 : vector<16xi32>
      %select_n3A_1057 = arith.select %eq3A_1056, %broadcast_in_dim3A_369, %broadcast_in_dim3A_367 : vector<16xi1>, vector<16xi32>
      %add3A_1058 = arith.addi %add3A_1024, %select_n3A_1057 : vector<16xi32>
      %eq3A_1059 = arith.cmpi eq, %add3A_678, %broadcast_in_dim3A_1039 : vector<16xi32>
      %select_n3A_1060 = arith.select %eq3A_1059, %broadcast_in_dim3A_369, %broadcast_in_dim3A_367 : vector<16xi1>, vector<16xi32>
      %add3A_1061 = arith.addi %add3A_1027, %select_n3A_1060 : vector<16xi32>
      %eq3A_1062 = arith.cmpi eq, %add3A_684, %broadcast_in_dim3A_1042 : vector<16xi32>
      %select_n3A_1063 = arith.select %eq3A_1062, %broadcast_in_dim3A_369, %broadcast_in_dim3A_367 : vector<16xi1>, vector<16xi32>
      %add3A_1064 = arith.addi %add3A_1030, %select_n3A_1063 : vector<16xi32>
      %eq3A_1065 = arith.cmpi eq, %add3A_784, %broadcast_in_dim3A_1039 : vector<16xi32>
      %select_n3A_1066 = arith.select %eq3A_1065, %broadcast_in_dim3A_369, %broadcast_in_dim3A_367 : vector<16xi1>, vector<16xi32>
      %add3A_1067 = arith.addi %add3A_1033, %select_n3A_1066 : vector<16xi32>
      %eq3A_1068 = arith.cmpi eq, %add3A_790, %broadcast_in_dim3A_1042 : vector<16xi32>
      %select_n3A_1069 = arith.select %eq3A_1068, %broadcast_in_dim3A_369, %broadcast_in_dim3A_367 : vector<16xi1>, vector<16xi32>
      %add3A_1070 = arith.addi %add3A_1036, %select_n3A_1069 : vector<16xi32>
      %slice3A_1071 = vector.extract_strided_slice %add3A_466 {offsets = [8], sizes = [1], strides = [1]} : vector<16xi32> to vector<1xi32>
      %squeeze3A_1072 = vector.extract %slice3A_1071[0] : i32 from vector<1xi32>
      %broadcast_in_dim3A_1073 = vector.broadcast %squeeze3A_1072 : i32 to vector<16xi32>
      %slice3A_1074 = vector.extract_strided_slice %add3A_472 {offsets = [8], sizes = [1], strides = [1]} : vector<16xi32> to vector<1xi32>
      %squeeze3A_1075 = vector.extract %slice3A_1074[0] : i32 from vector<1xi32>
      %broadcast_in_dim3A_1076 = vector.broadcast %squeeze3A_1075 : i32 to vector<16xi32>
      %gt3A_1077 = arith.constant 8 : i32
      %gt3A_1078 = vector.broadcast %gt3A_1077 : i32 to vector<16xi32>
      %gt3A_1079 = arith.cmpi sgt, %iota3A, %gt3A_1078 : vector<16xi32>
      %select_n3A_1080 = arith.select %gt3A_1079, %broadcast_in_dim3A_369, %broadcast_in_dim3A_367 : vector<16xi1>, vector<16xi32>
      %eq3A_1081 = arith.cmpi eq, %add3A_466, %broadcast_in_dim3A_1073 : vector<16xi32>
      %select_n3A_1082 = arith.select %eq3A_1081, %select_n3A_1080, %broadcast_in_dim3A_367 : vector<16xi1>, vector<16xi32>
      %add3A_1083 = arith.addi %add3A_1049, %select_n3A_1082 : vector<16xi32>
      %eq3A_1084 = arith.cmpi eq, %add3A_472, %broadcast_in_dim3A_1076 : vector<16xi32>
      %select_n3A_1085 = arith.select %eq3A_1084, %select_n3A_1080, %broadcast_in_dim3A_367 : vector<16xi1>, vector<16xi32>
      %add3A_1086 = arith.addi %add3A_1052, %select_n3A_1085 : vector<16xi32>
      %eq3A_1087 = arith.cmpi eq, %add3A_572, %broadcast_in_dim3A_1073 : vector<16xi32>
      %select_n3A_1088 = arith.select %eq3A_1087, %broadcast_in_dim3A_369, %broadcast_in_dim3A_367 : vector<16xi1>, vector<16xi32>
      %add3A_1089 = arith.addi %add3A_1055, %select_n3A_1088 : vector<16xi32>
      %eq3A_1090 = arith.cmpi eq, %add3A_578, %broadcast_in_dim3A_1076 : vector<16xi32>
      %select_n3A_1091 = arith.select %eq3A_1090, %broadcast_in_dim3A_369, %broadcast_in_dim3A_367 : vector<16xi1>, vector<16xi32>
      %add3A_1092 = arith.addi %add3A_1058, %select_n3A_1091 : vector<16xi32>
      %eq3A_1093 = arith.cmpi eq, %add3A_678, %broadcast_in_dim3A_1073 : vector<16xi32>
      %select_n3A_1094 = arith.select %eq3A_1093, %broadcast_in_dim3A_369, %broadcast_in_dim3A_367 : vector<16xi1>, vector<16xi32>
      %add3A_1095 = arith.addi %add3A_1061, %select_n3A_1094 : vector<16xi32>
      %eq3A_1096 = arith.cmpi eq, %add3A_684, %broadcast_in_dim3A_1076 : vector<16xi32>
      %select_n3A_1097 = arith.select %eq3A_1096, %broadcast_in_dim3A_369, %broadcast_in_dim3A_367 : vector<16xi1>, vector<16xi32>
      %add3A_1098 = arith.addi %add3A_1064, %select_n3A_1097 : vector<16xi32>
      %eq3A_1099 = arith.cmpi eq, %add3A_784, %broadcast_in_dim3A_1073 : vector<16xi32>
      %select_n3A_1100 = arith.select %eq3A_1099, %broadcast_in_dim3A_369, %broadcast_in_dim3A_367 : vector<16xi1>, vector<16xi32>
      %add3A_1101 = arith.addi %add3A_1067, %select_n3A_1100 : vector<16xi32>
      %eq3A_1102 = arith.cmpi eq, %add3A_790, %broadcast_in_dim3A_1076 : vector<16xi32>
      %select_n3A_1103 = arith.select %eq3A_1102, %broadcast_in_dim3A_369, %broadcast_in_dim3A_367 : vector<16xi1>, vector<16xi32>
      %add3A_1104 = arith.addi %add3A_1070, %select_n3A_1103 : vector<16xi32>
      %slice3A_1105 = vector.extract_strided_slice %add3A_466 {offsets = [9], sizes = [1], strides = [1]} : vector<16xi32> to vector<1xi32>
      %squeeze3A_1106 = vector.extract %slice3A_1105[0] : i32 from vector<1xi32>
      %broadcast_in_dim3A_1107 = vector.broadcast %squeeze3A_1106 : i32 to vector<16xi32>
      %slice3A_1108 = vector.extract_strided_slice %add3A_472 {offsets = [9], sizes = [1], strides = [1]} : vector<16xi32> to vector<1xi32>
      %squeeze3A_1109 = vector.extract %slice3A_1108[0] : i32 from vector<1xi32>
      %broadcast_in_dim3A_1110 = vector.broadcast %squeeze3A_1109 : i32 to vector<16xi32>
      %gt3A_1111 = arith.constant 9 : i32
      %gt3A_1112 = vector.broadcast %gt3A_1111 : i32 to vector<16xi32>
      %gt3A_1113 = arith.cmpi sgt, %iota3A, %gt3A_1112 : vector<16xi32>
      %select_n3A_1114 = arith.select %gt3A_1113, %broadcast_in_dim3A_369, %broadcast_in_dim3A_367 : vector<16xi1>, vector<16xi32>
      %eq3A_1115 = arith.cmpi eq, %add3A_466, %broadcast_in_dim3A_1107 : vector<16xi32>
      %select_n3A_1116 = arith.select %eq3A_1115, %select_n3A_1114, %broadcast_in_dim3A_367 : vector<16xi1>, vector<16xi32>
      %add3A_1117 = arith.addi %add3A_1083, %select_n3A_1116 : vector<16xi32>
      %eq3A_1118 = arith.cmpi eq, %add3A_472, %broadcast_in_dim3A_1110 : vector<16xi32>
      %select_n3A_1119 = arith.select %eq3A_1118, %select_n3A_1114, %broadcast_in_dim3A_367 : vector<16xi1>, vector<16xi32>
      %add3A_1120 = arith.addi %add3A_1086, %select_n3A_1119 : vector<16xi32>
      %eq3A_1121 = arith.cmpi eq, %add3A_572, %broadcast_in_dim3A_1107 : vector<16xi32>
      %select_n3A_1122 = arith.select %eq3A_1121, %broadcast_in_dim3A_369, %broadcast_in_dim3A_367 : vector<16xi1>, vector<16xi32>
      %add3A_1123 = arith.addi %add3A_1089, %select_n3A_1122 : vector<16xi32>
      %eq3A_1124 = arith.cmpi eq, %add3A_578, %broadcast_in_dim3A_1110 : vector<16xi32>
      %select_n3A_1125 = arith.select %eq3A_1124, %broadcast_in_dim3A_369, %broadcast_in_dim3A_367 : vector<16xi1>, vector<16xi32>
      %add3A_1126 = arith.addi %add3A_1092, %select_n3A_1125 : vector<16xi32>
      %eq3A_1127 = arith.cmpi eq, %add3A_678, %broadcast_in_dim3A_1107 : vector<16xi32>
      %select_n3A_1128 = arith.select %eq3A_1127, %broadcast_in_dim3A_369, %broadcast_in_dim3A_367 : vector<16xi1>, vector<16xi32>
      %add3A_1129 = arith.addi %add3A_1095, %select_n3A_1128 : vector<16xi32>
      %eq3A_1130 = arith.cmpi eq, %add3A_684, %broadcast_in_dim3A_1110 : vector<16xi32>
      %select_n3A_1131 = arith.select %eq3A_1130, %broadcast_in_dim3A_369, %broadcast_in_dim3A_367 : vector<16xi1>, vector<16xi32>
      %add3A_1132 = arith.addi %add3A_1098, %select_n3A_1131 : vector<16xi32>
      %eq3A_1133 = arith.cmpi eq, %add3A_784, %broadcast_in_dim3A_1107 : vector<16xi32>
      %select_n3A_1134 = arith.select %eq3A_1133, %broadcast_in_dim3A_369, %broadcast_in_dim3A_367 : vector<16xi1>, vector<16xi32>
      %add3A_1135 = arith.addi %add3A_1101, %select_n3A_1134 : vector<16xi32>
      %eq3A_1136 = arith.cmpi eq, %add3A_790, %broadcast_in_dim3A_1110 : vector<16xi32>
      %select_n3A_1137 = arith.select %eq3A_1136, %broadcast_in_dim3A_369, %broadcast_in_dim3A_367 : vector<16xi1>, vector<16xi32>
      %add3A_1138 = arith.addi %add3A_1104, %select_n3A_1137 : vector<16xi32>
      %slice3A_1139 = vector.extract_strided_slice %add3A_466 {offsets = [10], sizes = [1], strides = [1]} : vector<16xi32> to vector<1xi32>
      %squeeze3A_1140 = vector.extract %slice3A_1139[0] : i32 from vector<1xi32>
      %broadcast_in_dim3A_1141 = vector.broadcast %squeeze3A_1140 : i32 to vector<16xi32>
      %slice3A_1142 = vector.extract_strided_slice %add3A_472 {offsets = [10], sizes = [1], strides = [1]} : vector<16xi32> to vector<1xi32>
      %squeeze3A_1143 = vector.extract %slice3A_1142[0] : i32 from vector<1xi32>
      %broadcast_in_dim3A_1144 = vector.broadcast %squeeze3A_1143 : i32 to vector<16xi32>
      %gt3A_1145 = arith.constant 10 : i32
      %gt3A_1146 = vector.broadcast %gt3A_1145 : i32 to vector<16xi32>
      %gt3A_1147 = arith.cmpi sgt, %iota3A, %gt3A_1146 : vector<16xi32>
      %select_n3A_1148 = arith.select %gt3A_1147, %broadcast_in_dim3A_369, %broadcast_in_dim3A_367 : vector<16xi1>, vector<16xi32>
      %eq3A_1149 = arith.cmpi eq, %add3A_466, %broadcast_in_dim3A_1141 : vector<16xi32>
      %select_n3A_1150 = arith.select %eq3A_1149, %select_n3A_1148, %broadcast_in_dim3A_367 : vector<16xi1>, vector<16xi32>
      %add3A_1151 = arith.addi %add3A_1117, %select_n3A_1150 : vector<16xi32>
      %eq3A_1152 = arith.cmpi eq, %add3A_472, %broadcast_in_dim3A_1144 : vector<16xi32>
      %select_n3A_1153 = arith.select %eq3A_1152, %select_n3A_1148, %broadcast_in_dim3A_367 : vector<16xi1>, vector<16xi32>
      %add3A_1154 = arith.addi %add3A_1120, %select_n3A_1153 : vector<16xi32>
      %eq3A_1155 = arith.cmpi eq, %add3A_572, %broadcast_in_dim3A_1141 : vector<16xi32>
      %select_n3A_1156 = arith.select %eq3A_1155, %broadcast_in_dim3A_369, %broadcast_in_dim3A_367 : vector<16xi1>, vector<16xi32>
      %add3A_1157 = arith.addi %add3A_1123, %select_n3A_1156 : vector<16xi32>
      %eq3A_1158 = arith.cmpi eq, %add3A_578, %broadcast_in_dim3A_1144 : vector<16xi32>
      %select_n3A_1159 = arith.select %eq3A_1158, %broadcast_in_dim3A_369, %broadcast_in_dim3A_367 : vector<16xi1>, vector<16xi32>
      %add3A_1160 = arith.addi %add3A_1126, %select_n3A_1159 : vector<16xi32>
      %eq3A_1161 = arith.cmpi eq, %add3A_678, %broadcast_in_dim3A_1141 : vector<16xi32>
      %select_n3A_1162 = arith.select %eq3A_1161, %broadcast_in_dim3A_369, %broadcast_in_dim3A_367 : vector<16xi1>, vector<16xi32>
      %add3A_1163 = arith.addi %add3A_1129, %select_n3A_1162 : vector<16xi32>
      %eq3A_1164 = arith.cmpi eq, %add3A_684, %broadcast_in_dim3A_1144 : vector<16xi32>
      %select_n3A_1165 = arith.select %eq3A_1164, %broadcast_in_dim3A_369, %broadcast_in_dim3A_367 : vector<16xi1>, vector<16xi32>
      %add3A_1166 = arith.addi %add3A_1132, %select_n3A_1165 : vector<16xi32>
      %eq3A_1167 = arith.cmpi eq, %add3A_784, %broadcast_in_dim3A_1141 : vector<16xi32>
      %select_n3A_1168 = arith.select %eq3A_1167, %broadcast_in_dim3A_369, %broadcast_in_dim3A_367 : vector<16xi1>, vector<16xi32>
      %add3A_1169 = arith.addi %add3A_1135, %select_n3A_1168 : vector<16xi32>
      %eq3A_1170 = arith.cmpi eq, %add3A_790, %broadcast_in_dim3A_1144 : vector<16xi32>
      %select_n3A_1171 = arith.select %eq3A_1170, %broadcast_in_dim3A_369, %broadcast_in_dim3A_367 : vector<16xi1>, vector<16xi32>
      %add3A_1172 = arith.addi %add3A_1138, %select_n3A_1171 : vector<16xi32>
      %slice3A_1173 = vector.extract_strided_slice %add3A_466 {offsets = [11], sizes = [1], strides = [1]} : vector<16xi32> to vector<1xi32>
      %squeeze3A_1174 = vector.extract %slice3A_1173[0] : i32 from vector<1xi32>
      %broadcast_in_dim3A_1175 = vector.broadcast %squeeze3A_1174 : i32 to vector<16xi32>
      %slice3A_1176 = vector.extract_strided_slice %add3A_472 {offsets = [11], sizes = [1], strides = [1]} : vector<16xi32> to vector<1xi32>
      %squeeze3A_1177 = vector.extract %slice3A_1176[0] : i32 from vector<1xi32>
      %broadcast_in_dim3A_1178 = vector.broadcast %squeeze3A_1177 : i32 to vector<16xi32>
      %gt3A_1179 = arith.constant 11 : i32
      %gt3A_1180 = vector.broadcast %gt3A_1179 : i32 to vector<16xi32>
      %gt3A_1181 = arith.cmpi sgt, %iota3A, %gt3A_1180 : vector<16xi32>
      %select_n3A_1182 = arith.select %gt3A_1181, %broadcast_in_dim3A_369, %broadcast_in_dim3A_367 : vector<16xi1>, vector<16xi32>
      %eq3A_1183 = arith.cmpi eq, %add3A_466, %broadcast_in_dim3A_1175 : vector<16xi32>
      %select_n3A_1184 = arith.select %eq3A_1183, %select_n3A_1182, %broadcast_in_dim3A_367 : vector<16xi1>, vector<16xi32>
      %add3A_1185 = arith.addi %add3A_1151, %select_n3A_1184 : vector<16xi32>
      %eq3A_1186 = arith.cmpi eq, %add3A_472, %broadcast_in_dim3A_1178 : vector<16xi32>
      %select_n3A_1187 = arith.select %eq3A_1186, %select_n3A_1182, %broadcast_in_dim3A_367 : vector<16xi1>, vector<16xi32>
      %add3A_1188 = arith.addi %add3A_1154, %select_n3A_1187 : vector<16xi32>
      %eq3A_1189 = arith.cmpi eq, %add3A_572, %broadcast_in_dim3A_1175 : vector<16xi32>
      %select_n3A_1190 = arith.select %eq3A_1189, %broadcast_in_dim3A_369, %broadcast_in_dim3A_367 : vector<16xi1>, vector<16xi32>
      %add3A_1191 = arith.addi %add3A_1157, %select_n3A_1190 : vector<16xi32>
      %eq3A_1192 = arith.cmpi eq, %add3A_578, %broadcast_in_dim3A_1178 : vector<16xi32>
      %select_n3A_1193 = arith.select %eq3A_1192, %broadcast_in_dim3A_369, %broadcast_in_dim3A_367 : vector<16xi1>, vector<16xi32>
      %add3A_1194 = arith.addi %add3A_1160, %select_n3A_1193 : vector<16xi32>
      %eq3A_1195 = arith.cmpi eq, %add3A_678, %broadcast_in_dim3A_1175 : vector<16xi32>
      %select_n3A_1196 = arith.select %eq3A_1195, %broadcast_in_dim3A_369, %broadcast_in_dim3A_367 : vector<16xi1>, vector<16xi32>
      %add3A_1197 = arith.addi %add3A_1163, %select_n3A_1196 : vector<16xi32>
      %eq3A_1198 = arith.cmpi eq, %add3A_684, %broadcast_in_dim3A_1178 : vector<16xi32>
      %select_n3A_1199 = arith.select %eq3A_1198, %broadcast_in_dim3A_369, %broadcast_in_dim3A_367 : vector<16xi1>, vector<16xi32>
      %add3A_1200 = arith.addi %add3A_1166, %select_n3A_1199 : vector<16xi32>
      %eq3A_1201 = arith.cmpi eq, %add3A_784, %broadcast_in_dim3A_1175 : vector<16xi32>
      %select_n3A_1202 = arith.select %eq3A_1201, %broadcast_in_dim3A_369, %broadcast_in_dim3A_367 : vector<16xi1>, vector<16xi32>
      %add3A_1203 = arith.addi %add3A_1169, %select_n3A_1202 : vector<16xi32>
      %eq3A_1204 = arith.cmpi eq, %add3A_790, %broadcast_in_dim3A_1178 : vector<16xi32>
      %select_n3A_1205 = arith.select %eq3A_1204, %broadcast_in_dim3A_369, %broadcast_in_dim3A_367 : vector<16xi1>, vector<16xi32>
      %add3A_1206 = arith.addi %add3A_1172, %select_n3A_1205 : vector<16xi32>
      %slice3A_1207 = vector.extract_strided_slice %add3A_466 {offsets = [12], sizes = [1], strides = [1]} : vector<16xi32> to vector<1xi32>
      %squeeze3A_1208 = vector.extract %slice3A_1207[0] : i32 from vector<1xi32>
      %broadcast_in_dim3A_1209 = vector.broadcast %squeeze3A_1208 : i32 to vector<16xi32>
      %slice3A_1210 = vector.extract_strided_slice %add3A_472 {offsets = [12], sizes = [1], strides = [1]} : vector<16xi32> to vector<1xi32>
      %squeeze3A_1211 = vector.extract %slice3A_1210[0] : i32 from vector<1xi32>
      %broadcast_in_dim3A_1212 = vector.broadcast %squeeze3A_1211 : i32 to vector<16xi32>
      %gt3A_1213 = arith.constant 12 : i32
      %gt3A_1214 = vector.broadcast %gt3A_1213 : i32 to vector<16xi32>
      %gt3A_1215 = arith.cmpi sgt, %iota3A, %gt3A_1214 : vector<16xi32>
      %select_n3A_1216 = arith.select %gt3A_1215, %broadcast_in_dim3A_369, %broadcast_in_dim3A_367 : vector<16xi1>, vector<16xi32>
      %eq3A_1217 = arith.cmpi eq, %add3A_466, %broadcast_in_dim3A_1209 : vector<16xi32>
      %select_n3A_1218 = arith.select %eq3A_1217, %select_n3A_1216, %broadcast_in_dim3A_367 : vector<16xi1>, vector<16xi32>
      %add3A_1219 = arith.addi %add3A_1185, %select_n3A_1218 : vector<16xi32>
      %eq3A_1220 = arith.cmpi eq, %add3A_472, %broadcast_in_dim3A_1212 : vector<16xi32>
      %select_n3A_1221 = arith.select %eq3A_1220, %select_n3A_1216, %broadcast_in_dim3A_367 : vector<16xi1>, vector<16xi32>
      %add3A_1222 = arith.addi %add3A_1188, %select_n3A_1221 : vector<16xi32>
      %eq3A_1223 = arith.cmpi eq, %add3A_572, %broadcast_in_dim3A_1209 : vector<16xi32>
      %select_n3A_1224 = arith.select %eq3A_1223, %broadcast_in_dim3A_369, %broadcast_in_dim3A_367 : vector<16xi1>, vector<16xi32>
      %add3A_1225 = arith.addi %add3A_1191, %select_n3A_1224 : vector<16xi32>
      %eq3A_1226 = arith.cmpi eq, %add3A_578, %broadcast_in_dim3A_1212 : vector<16xi32>
      %select_n3A_1227 = arith.select %eq3A_1226, %broadcast_in_dim3A_369, %broadcast_in_dim3A_367 : vector<16xi1>, vector<16xi32>
      %add3A_1228 = arith.addi %add3A_1194, %select_n3A_1227 : vector<16xi32>
      %eq3A_1229 = arith.cmpi eq, %add3A_678, %broadcast_in_dim3A_1209 : vector<16xi32>
      %select_n3A_1230 = arith.select %eq3A_1229, %broadcast_in_dim3A_369, %broadcast_in_dim3A_367 : vector<16xi1>, vector<16xi32>
      %add3A_1231 = arith.addi %add3A_1197, %select_n3A_1230 : vector<16xi32>
      %eq3A_1232 = arith.cmpi eq, %add3A_684, %broadcast_in_dim3A_1212 : vector<16xi32>
      %select_n3A_1233 = arith.select %eq3A_1232, %broadcast_in_dim3A_369, %broadcast_in_dim3A_367 : vector<16xi1>, vector<16xi32>
      %add3A_1234 = arith.addi %add3A_1200, %select_n3A_1233 : vector<16xi32>
      %eq3A_1235 = arith.cmpi eq, %add3A_784, %broadcast_in_dim3A_1209 : vector<16xi32>
      %select_n3A_1236 = arith.select %eq3A_1235, %broadcast_in_dim3A_369, %broadcast_in_dim3A_367 : vector<16xi1>, vector<16xi32>
      %add3A_1237 = arith.addi %add3A_1203, %select_n3A_1236 : vector<16xi32>
      %eq3A_1238 = arith.cmpi eq, %add3A_790, %broadcast_in_dim3A_1212 : vector<16xi32>
      %select_n3A_1239 = arith.select %eq3A_1238, %broadcast_in_dim3A_369, %broadcast_in_dim3A_367 : vector<16xi1>, vector<16xi32>
      %add3A_1240 = arith.addi %add3A_1206, %select_n3A_1239 : vector<16xi32>
      %slice3A_1241 = vector.extract_strided_slice %add3A_466 {offsets = [13], sizes = [1], strides = [1]} : vector<16xi32> to vector<1xi32>
      %squeeze3A_1242 = vector.extract %slice3A_1241[0] : i32 from vector<1xi32>
      %broadcast_in_dim3A_1243 = vector.broadcast %squeeze3A_1242 : i32 to vector<16xi32>
      %slice3A_1244 = vector.extract_strided_slice %add3A_472 {offsets = [13], sizes = [1], strides = [1]} : vector<16xi32> to vector<1xi32>
      %squeeze3A_1245 = vector.extract %slice3A_1244[0] : i32 from vector<1xi32>
      %broadcast_in_dim3A_1246 = vector.broadcast %squeeze3A_1245 : i32 to vector<16xi32>
      %gt3A_1247 = arith.constant 13 : i32
      %gt3A_1248 = vector.broadcast %gt3A_1247 : i32 to vector<16xi32>
      %gt3A_1249 = arith.cmpi sgt, %iota3A, %gt3A_1248 : vector<16xi32>
      %select_n3A_1250 = arith.select %gt3A_1249, %broadcast_in_dim3A_369, %broadcast_in_dim3A_367 : vector<16xi1>, vector<16xi32>
      %eq3A_1251 = arith.cmpi eq, %add3A_466, %broadcast_in_dim3A_1243 : vector<16xi32>
      %select_n3A_1252 = arith.select %eq3A_1251, %select_n3A_1250, %broadcast_in_dim3A_367 : vector<16xi1>, vector<16xi32>
      %add3A_1253 = arith.addi %add3A_1219, %select_n3A_1252 : vector<16xi32>
      %eq3A_1254 = arith.cmpi eq, %add3A_472, %broadcast_in_dim3A_1246 : vector<16xi32>
      %select_n3A_1255 = arith.select %eq3A_1254, %select_n3A_1250, %broadcast_in_dim3A_367 : vector<16xi1>, vector<16xi32>
      %add3A_1256 = arith.addi %add3A_1222, %select_n3A_1255 : vector<16xi32>
      %eq3A_1257 = arith.cmpi eq, %add3A_572, %broadcast_in_dim3A_1243 : vector<16xi32>
      %select_n3A_1258 = arith.select %eq3A_1257, %broadcast_in_dim3A_369, %broadcast_in_dim3A_367 : vector<16xi1>, vector<16xi32>
      %add3A_1259 = arith.addi %add3A_1225, %select_n3A_1258 : vector<16xi32>
      %eq3A_1260 = arith.cmpi eq, %add3A_578, %broadcast_in_dim3A_1246 : vector<16xi32>
      %select_n3A_1261 = arith.select %eq3A_1260, %broadcast_in_dim3A_369, %broadcast_in_dim3A_367 : vector<16xi1>, vector<16xi32>
      %add3A_1262 = arith.addi %add3A_1228, %select_n3A_1261 : vector<16xi32>
      %eq3A_1263 = arith.cmpi eq, %add3A_678, %broadcast_in_dim3A_1243 : vector<16xi32>
      %select_n3A_1264 = arith.select %eq3A_1263, %broadcast_in_dim3A_369, %broadcast_in_dim3A_367 : vector<16xi1>, vector<16xi32>
      %add3A_1265 = arith.addi %add3A_1231, %select_n3A_1264 : vector<16xi32>
      %eq3A_1266 = arith.cmpi eq, %add3A_684, %broadcast_in_dim3A_1246 : vector<16xi32>
      %select_n3A_1267 = arith.select %eq3A_1266, %broadcast_in_dim3A_369, %broadcast_in_dim3A_367 : vector<16xi1>, vector<16xi32>
      %add3A_1268 = arith.addi %add3A_1234, %select_n3A_1267 : vector<16xi32>
      %eq3A_1269 = arith.cmpi eq, %add3A_784, %broadcast_in_dim3A_1243 : vector<16xi32>
      %select_n3A_1270 = arith.select %eq3A_1269, %broadcast_in_dim3A_369, %broadcast_in_dim3A_367 : vector<16xi1>, vector<16xi32>
      %add3A_1271 = arith.addi %add3A_1237, %select_n3A_1270 : vector<16xi32>
      %eq3A_1272 = arith.cmpi eq, %add3A_790, %broadcast_in_dim3A_1246 : vector<16xi32>
      %select_n3A_1273 = arith.select %eq3A_1272, %broadcast_in_dim3A_369, %broadcast_in_dim3A_367 : vector<16xi1>, vector<16xi32>
      %add3A_1274 = arith.addi %add3A_1240, %select_n3A_1273 : vector<16xi32>
      %slice3A_1275 = vector.extract_strided_slice %add3A_466 {offsets = [14], sizes = [1], strides = [1]} : vector<16xi32> to vector<1xi32>
      %squeeze3A_1276 = vector.extract %slice3A_1275[0] : i32 from vector<1xi32>
      %broadcast_in_dim3A_1277 = vector.broadcast %squeeze3A_1276 : i32 to vector<16xi32>
      %slice3A_1278 = vector.extract_strided_slice %add3A_472 {offsets = [14], sizes = [1], strides = [1]} : vector<16xi32> to vector<1xi32>
      %squeeze3A_1279 = vector.extract %slice3A_1278[0] : i32 from vector<1xi32>
      %broadcast_in_dim3A_1280 = vector.broadcast %squeeze3A_1279 : i32 to vector<16xi32>
      %gt3A_1281 = arith.constant 14 : i32
      %gt3A_1282 = vector.broadcast %gt3A_1281 : i32 to vector<16xi32>
      %gt3A_1283 = arith.cmpi sgt, %iota3A, %gt3A_1282 : vector<16xi32>
      %select_n3A_1284 = arith.select %gt3A_1283, %broadcast_in_dim3A_369, %broadcast_in_dim3A_367 : vector<16xi1>, vector<16xi32>
      %eq3A_1285 = arith.cmpi eq, %add3A_466, %broadcast_in_dim3A_1277 : vector<16xi32>
      %select_n3A_1286 = arith.select %eq3A_1285, %select_n3A_1284, %broadcast_in_dim3A_367 : vector<16xi1>, vector<16xi32>
      %add3A_1287 = arith.addi %add3A_1253, %select_n3A_1286 : vector<16xi32>
      %eq3A_1288 = arith.cmpi eq, %add3A_472, %broadcast_in_dim3A_1280 : vector<16xi32>
      %select_n3A_1289 = arith.select %eq3A_1288, %select_n3A_1284, %broadcast_in_dim3A_367 : vector<16xi1>, vector<16xi32>
      %add3A_1290 = arith.addi %add3A_1256, %select_n3A_1289 : vector<16xi32>
      %eq3A_1291 = arith.cmpi eq, %add3A_572, %broadcast_in_dim3A_1277 : vector<16xi32>
      %select_n3A_1292 = arith.select %eq3A_1291, %broadcast_in_dim3A_369, %broadcast_in_dim3A_367 : vector<16xi1>, vector<16xi32>
      %add3A_1293 = arith.addi %add3A_1259, %select_n3A_1292 : vector<16xi32>
      %eq3A_1294 = arith.cmpi eq, %add3A_578, %broadcast_in_dim3A_1280 : vector<16xi32>
      %select_n3A_1295 = arith.select %eq3A_1294, %broadcast_in_dim3A_369, %broadcast_in_dim3A_367 : vector<16xi1>, vector<16xi32>
      %add3A_1296 = arith.addi %add3A_1262, %select_n3A_1295 : vector<16xi32>
      %eq3A_1297 = arith.cmpi eq, %add3A_678, %broadcast_in_dim3A_1277 : vector<16xi32>
      %select_n3A_1298 = arith.select %eq3A_1297, %broadcast_in_dim3A_369, %broadcast_in_dim3A_367 : vector<16xi1>, vector<16xi32>
      %add3A_1299 = arith.addi %add3A_1265, %select_n3A_1298 : vector<16xi32>
      %eq3A_1300 = arith.cmpi eq, %add3A_684, %broadcast_in_dim3A_1280 : vector<16xi32>
      %select_n3A_1301 = arith.select %eq3A_1300, %broadcast_in_dim3A_369, %broadcast_in_dim3A_367 : vector<16xi1>, vector<16xi32>
      %add3A_1302 = arith.addi %add3A_1268, %select_n3A_1301 : vector<16xi32>
      %eq3A_1303 = arith.cmpi eq, %add3A_784, %broadcast_in_dim3A_1277 : vector<16xi32>
      %select_n3A_1304 = arith.select %eq3A_1303, %broadcast_in_dim3A_369, %broadcast_in_dim3A_367 : vector<16xi1>, vector<16xi32>
      %add3A_1305 = arith.addi %add3A_1271, %select_n3A_1304 : vector<16xi32>
      %eq3A_1306 = arith.cmpi eq, %add3A_790, %broadcast_in_dim3A_1280 : vector<16xi32>
      %select_n3A_1307 = arith.select %eq3A_1306, %broadcast_in_dim3A_369, %broadcast_in_dim3A_367 : vector<16xi1>, vector<16xi32>
      %add3A_1308 = arith.addi %add3A_1274, %select_n3A_1307 : vector<16xi32>
      %slice3A_1309 = vector.extract_strided_slice %add3A_466 {offsets = [15], sizes = [1], strides = [1]} : vector<16xi32> to vector<1xi32>
      %squeeze3A_1310 = vector.extract %slice3A_1309[0] : i32 from vector<1xi32>
      %broadcast_in_dim3A_1311 = vector.broadcast %squeeze3A_1310 : i32 to vector<16xi32>
      %slice3A_1312 = vector.extract_strided_slice %add3A_472 {offsets = [15], sizes = [1], strides = [1]} : vector<16xi32> to vector<1xi32>
      %squeeze3A_1313 = vector.extract %slice3A_1312[0] : i32 from vector<1xi32>
      %broadcast_in_dim3A_1314 = vector.broadcast %squeeze3A_1313 : i32 to vector<16xi32>
      %gt3A_1315 = arith.constant 15 : i32
      %gt3A_1316 = vector.broadcast %gt3A_1315 : i32 to vector<16xi32>
      %gt3A_1317 = arith.cmpi sgt, %iota3A, %gt3A_1316 : vector<16xi32>
      %select_n3A_1318 = arith.select %gt3A_1317, %broadcast_in_dim3A_369, %broadcast_in_dim3A_367 : vector<16xi1>, vector<16xi32>
      %eq3A_1319 = arith.cmpi eq, %add3A_466, %broadcast_in_dim3A_1311 : vector<16xi32>
      %select_n3A_1320 = arith.select %eq3A_1319, %select_n3A_1318, %broadcast_in_dim3A_367 : vector<16xi1>, vector<16xi32>
      %add3A_1321 = arith.addi %add3A_1287, %select_n3A_1320 : vector<16xi32>
      %eq3A_1322 = arith.cmpi eq, %add3A_472, %broadcast_in_dim3A_1314 : vector<16xi32>
      %select_n3A_1323 = arith.select %eq3A_1322, %select_n3A_1318, %broadcast_in_dim3A_367 : vector<16xi1>, vector<16xi32>
      %add3A_1324 = arith.addi %add3A_1290, %select_n3A_1323 : vector<16xi32>
      %eq3A_1325 = arith.cmpi eq, %add3A_572, %broadcast_in_dim3A_1311 : vector<16xi32>
      %select_n3A_1326 = arith.select %eq3A_1325, %broadcast_in_dim3A_369, %broadcast_in_dim3A_367 : vector<16xi1>, vector<16xi32>
      %add3A_1327 = arith.addi %add3A_1293, %select_n3A_1326 : vector<16xi32>
      %eq3A_1328 = arith.cmpi eq, %add3A_578, %broadcast_in_dim3A_1314 : vector<16xi32>
      %select_n3A_1329 = arith.select %eq3A_1328, %broadcast_in_dim3A_369, %broadcast_in_dim3A_367 : vector<16xi1>, vector<16xi32>
      %add3A_1330 = arith.addi %add3A_1296, %select_n3A_1329 : vector<16xi32>
      %eq3A_1331 = arith.cmpi eq, %add3A_678, %broadcast_in_dim3A_1311 : vector<16xi32>
      %select_n3A_1332 = arith.select %eq3A_1331, %broadcast_in_dim3A_369, %broadcast_in_dim3A_367 : vector<16xi1>, vector<16xi32>
      %add3A_1333 = arith.addi %add3A_1299, %select_n3A_1332 : vector<16xi32>
      %eq3A_1334 = arith.cmpi eq, %add3A_684, %broadcast_in_dim3A_1314 : vector<16xi32>
      %select_n3A_1335 = arith.select %eq3A_1334, %broadcast_in_dim3A_369, %broadcast_in_dim3A_367 : vector<16xi1>, vector<16xi32>
      %add3A_1336 = arith.addi %add3A_1302, %select_n3A_1335 : vector<16xi32>
      %eq3A_1337 = arith.cmpi eq, %add3A_784, %broadcast_in_dim3A_1311 : vector<16xi32>
      %select_n3A_1338 = arith.select %eq3A_1337, %broadcast_in_dim3A_369, %broadcast_in_dim3A_367 : vector<16xi1>, vector<16xi32>
      %add3A_1339 = arith.addi %add3A_1305, %select_n3A_1338 : vector<16xi32>
      %eq3A_1340 = arith.cmpi eq, %add3A_790, %broadcast_in_dim3A_1314 : vector<16xi32>
      %select_n3A_1341 = arith.select %eq3A_1340, %broadcast_in_dim3A_369, %broadcast_in_dim3A_367 : vector<16xi1>, vector<16xi32>
      %add3A_1342 = arith.addi %add3A_1308, %select_n3A_1341 : vector<16xi32>
      %slice3A_1343 = vector.extract_strided_slice %add3A_572 {offsets = [0], sizes = [1], strides = [1]} : vector<16xi32> to vector<1xi32>
      %squeeze3A_1344 = vector.extract %slice3A_1343[0] : i32 from vector<1xi32>
      %broadcast_in_dim3A_1345 = vector.broadcast %squeeze3A_1344 : i32 to vector<16xi32>
      %slice3A_1346 = vector.extract_strided_slice %add3A_578 {offsets = [0], sizes = [1], strides = [1]} : vector<16xi32> to vector<1xi32>
      %squeeze3A_1347 = vector.extract %slice3A_1346[0] : i32 from vector<1xi32>
      %broadcast_in_dim3A_1348 = vector.broadcast %squeeze3A_1347 : i32 to vector<16xi32>
      %gt3A_1349 = arith.constant 0 : i32
      %gt3A_1350 = vector.broadcast %gt3A_1349 : i32 to vector<16xi32>
      %gt3A_1351 = arith.cmpi sgt, %iota3A, %gt3A_1350 : vector<16xi32>
      %select_n3A_1352 = arith.select %gt3A_1351, %broadcast_in_dim3A_369, %broadcast_in_dim3A_367 : vector<16xi1>, vector<16xi32>
      %eq3A_1353 = arith.cmpi eq, %add3A_572, %broadcast_in_dim3A_1345 : vector<16xi32>
      %select_n3A_1354 = arith.select %eq3A_1353, %select_n3A_1352, %broadcast_in_dim3A_367 : vector<16xi1>, vector<16xi32>
      %add3A_1355 = arith.addi %add3A_1327, %select_n3A_1354 : vector<16xi32>
      %eq3A_1356 = arith.cmpi eq, %add3A_578, %broadcast_in_dim3A_1348 : vector<16xi32>
      %select_n3A_1357 = arith.select %eq3A_1356, %select_n3A_1352, %broadcast_in_dim3A_367 : vector<16xi1>, vector<16xi32>
      %add3A_1358 = arith.addi %add3A_1330, %select_n3A_1357 : vector<16xi32>
      %eq3A_1359 = arith.cmpi eq, %add3A_678, %broadcast_in_dim3A_1345 : vector<16xi32>
      %select_n3A_1360 = arith.select %eq3A_1359, %broadcast_in_dim3A_369, %broadcast_in_dim3A_367 : vector<16xi1>, vector<16xi32>
      %add3A_1361 = arith.addi %add3A_1333, %select_n3A_1360 : vector<16xi32>
      %eq3A_1362 = arith.cmpi eq, %add3A_684, %broadcast_in_dim3A_1348 : vector<16xi32>
      %select_n3A_1363 = arith.select %eq3A_1362, %broadcast_in_dim3A_369, %broadcast_in_dim3A_367 : vector<16xi1>, vector<16xi32>
      %add3A_1364 = arith.addi %add3A_1336, %select_n3A_1363 : vector<16xi32>
      %eq3A_1365 = arith.cmpi eq, %add3A_784, %broadcast_in_dim3A_1345 : vector<16xi32>
      %select_n3A_1366 = arith.select %eq3A_1365, %broadcast_in_dim3A_369, %broadcast_in_dim3A_367 : vector<16xi1>, vector<16xi32>
      %add3A_1367 = arith.addi %add3A_1339, %select_n3A_1366 : vector<16xi32>
      %eq3A_1368 = arith.cmpi eq, %add3A_790, %broadcast_in_dim3A_1348 : vector<16xi32>
      %select_n3A_1369 = arith.select %eq3A_1368, %broadcast_in_dim3A_369, %broadcast_in_dim3A_367 : vector<16xi1>, vector<16xi32>
      %add3A_1370 = arith.addi %add3A_1342, %select_n3A_1369 : vector<16xi32>
      %slice3A_1371 = vector.extract_strided_slice %add3A_572 {offsets = [1], sizes = [1], strides = [1]} : vector<16xi32> to vector<1xi32>
      %squeeze3A_1372 = vector.extract %slice3A_1371[0] : i32 from vector<1xi32>
      %broadcast_in_dim3A_1373 = vector.broadcast %squeeze3A_1372 : i32 to vector<16xi32>
      %slice3A_1374 = vector.extract_strided_slice %add3A_578 {offsets = [1], sizes = [1], strides = [1]} : vector<16xi32> to vector<1xi32>
      %squeeze3A_1375 = vector.extract %slice3A_1374[0] : i32 from vector<1xi32>
      %broadcast_in_dim3A_1376 = vector.broadcast %squeeze3A_1375 : i32 to vector<16xi32>
      %gt3A_1377 = arith.constant 1 : i32
      %gt3A_1378 = vector.broadcast %gt3A_1377 : i32 to vector<16xi32>
      %gt3A_1379 = arith.cmpi sgt, %iota3A, %gt3A_1378 : vector<16xi32>
      %select_n3A_1380 = arith.select %gt3A_1379, %broadcast_in_dim3A_369, %broadcast_in_dim3A_367 : vector<16xi1>, vector<16xi32>
      %eq3A_1381 = arith.cmpi eq, %add3A_572, %broadcast_in_dim3A_1373 : vector<16xi32>
      %select_n3A_1382 = arith.select %eq3A_1381, %select_n3A_1380, %broadcast_in_dim3A_367 : vector<16xi1>, vector<16xi32>
      %add3A_1383 = arith.addi %add3A_1355, %select_n3A_1382 : vector<16xi32>
      %eq3A_1384 = arith.cmpi eq, %add3A_578, %broadcast_in_dim3A_1376 : vector<16xi32>
      %select_n3A_1385 = arith.select %eq3A_1384, %select_n3A_1380, %broadcast_in_dim3A_367 : vector<16xi1>, vector<16xi32>
      %add3A_1386 = arith.addi %add3A_1358, %select_n3A_1385 : vector<16xi32>
      %eq3A_1387 = arith.cmpi eq, %add3A_678, %broadcast_in_dim3A_1373 : vector<16xi32>
      %select_n3A_1388 = arith.select %eq3A_1387, %broadcast_in_dim3A_369, %broadcast_in_dim3A_367 : vector<16xi1>, vector<16xi32>
      %add3A_1389 = arith.addi %add3A_1361, %select_n3A_1388 : vector<16xi32>
      %eq3A_1390 = arith.cmpi eq, %add3A_684, %broadcast_in_dim3A_1376 : vector<16xi32>
      %select_n3A_1391 = arith.select %eq3A_1390, %broadcast_in_dim3A_369, %broadcast_in_dim3A_367 : vector<16xi1>, vector<16xi32>
      %add3A_1392 = arith.addi %add3A_1364, %select_n3A_1391 : vector<16xi32>
      %eq3A_1393 = arith.cmpi eq, %add3A_784, %broadcast_in_dim3A_1373 : vector<16xi32>
      %select_n3A_1394 = arith.select %eq3A_1393, %broadcast_in_dim3A_369, %broadcast_in_dim3A_367 : vector<16xi1>, vector<16xi32>
      %add3A_1395 = arith.addi %add3A_1367, %select_n3A_1394 : vector<16xi32>
      %eq3A_1396 = arith.cmpi eq, %add3A_790, %broadcast_in_dim3A_1376 : vector<16xi32>
      %select_n3A_1397 = arith.select %eq3A_1396, %broadcast_in_dim3A_369, %broadcast_in_dim3A_367 : vector<16xi1>, vector<16xi32>
      %add3A_1398 = arith.addi %add3A_1370, %select_n3A_1397 : vector<16xi32>
      %slice3A_1399 = vector.extract_strided_slice %add3A_572 {offsets = [2], sizes = [1], strides = [1]} : vector<16xi32> to vector<1xi32>
      %squeeze3A_1400 = vector.extract %slice3A_1399[0] : i32 from vector<1xi32>
      %broadcast_in_dim3A_1401 = vector.broadcast %squeeze3A_1400 : i32 to vector<16xi32>
      %slice3A_1402 = vector.extract_strided_slice %add3A_578 {offsets = [2], sizes = [1], strides = [1]} : vector<16xi32> to vector<1xi32>
      %squeeze3A_1403 = vector.extract %slice3A_1402[0] : i32 from vector<1xi32>
      %broadcast_in_dim3A_1404 = vector.broadcast %squeeze3A_1403 : i32 to vector<16xi32>
      %gt3A_1405 = arith.constant 2 : i32
      %gt3A_1406 = vector.broadcast %gt3A_1405 : i32 to vector<16xi32>
      %gt3A_1407 = arith.cmpi sgt, %iota3A, %gt3A_1406 : vector<16xi32>
      %select_n3A_1408 = arith.select %gt3A_1407, %broadcast_in_dim3A_369, %broadcast_in_dim3A_367 : vector<16xi1>, vector<16xi32>
      %eq3A_1409 = arith.cmpi eq, %add3A_572, %broadcast_in_dim3A_1401 : vector<16xi32>
      %select_n3A_1410 = arith.select %eq3A_1409, %select_n3A_1408, %broadcast_in_dim3A_367 : vector<16xi1>, vector<16xi32>
      %add3A_1411 = arith.addi %add3A_1383, %select_n3A_1410 : vector<16xi32>
      %eq3A_1412 = arith.cmpi eq, %add3A_578, %broadcast_in_dim3A_1404 : vector<16xi32>
      %select_n3A_1413 = arith.select %eq3A_1412, %select_n3A_1408, %broadcast_in_dim3A_367 : vector<16xi1>, vector<16xi32>
      %add3A_1414 = arith.addi %add3A_1386, %select_n3A_1413 : vector<16xi32>
      %eq3A_1415 = arith.cmpi eq, %add3A_678, %broadcast_in_dim3A_1401 : vector<16xi32>
      %select_n3A_1416 = arith.select %eq3A_1415, %broadcast_in_dim3A_369, %broadcast_in_dim3A_367 : vector<16xi1>, vector<16xi32>
      %add3A_1417 = arith.addi %add3A_1389, %select_n3A_1416 : vector<16xi32>
      %eq3A_1418 = arith.cmpi eq, %add3A_684, %broadcast_in_dim3A_1404 : vector<16xi32>
      %select_n3A_1419 = arith.select %eq3A_1418, %broadcast_in_dim3A_369, %broadcast_in_dim3A_367 : vector<16xi1>, vector<16xi32>
      %add3A_1420 = arith.addi %add3A_1392, %select_n3A_1419 : vector<16xi32>
      %eq3A_1421 = arith.cmpi eq, %add3A_784, %broadcast_in_dim3A_1401 : vector<16xi32>
      %select_n3A_1422 = arith.select %eq3A_1421, %broadcast_in_dim3A_369, %broadcast_in_dim3A_367 : vector<16xi1>, vector<16xi32>
      %add3A_1423 = arith.addi %add3A_1395, %select_n3A_1422 : vector<16xi32>
      %eq3A_1424 = arith.cmpi eq, %add3A_790, %broadcast_in_dim3A_1404 : vector<16xi32>
      %select_n3A_1425 = arith.select %eq3A_1424, %broadcast_in_dim3A_369, %broadcast_in_dim3A_367 : vector<16xi1>, vector<16xi32>
      %add3A_1426 = arith.addi %add3A_1398, %select_n3A_1425 : vector<16xi32>
      %slice3A_1427 = vector.extract_strided_slice %add3A_572 {offsets = [3], sizes = [1], strides = [1]} : vector<16xi32> to vector<1xi32>
      %squeeze3A_1428 = vector.extract %slice3A_1427[0] : i32 from vector<1xi32>
      %broadcast_in_dim3A_1429 = vector.broadcast %squeeze3A_1428 : i32 to vector<16xi32>
      %slice3A_1430 = vector.extract_strided_slice %add3A_578 {offsets = [3], sizes = [1], strides = [1]} : vector<16xi32> to vector<1xi32>
      %squeeze3A_1431 = vector.extract %slice3A_1430[0] : i32 from vector<1xi32>
      %broadcast_in_dim3A_1432 = vector.broadcast %squeeze3A_1431 : i32 to vector<16xi32>
      %gt3A_1433 = arith.constant 3 : i32
      %gt3A_1434 = vector.broadcast %gt3A_1433 : i32 to vector<16xi32>
      %gt3A_1435 = arith.cmpi sgt, %iota3A, %gt3A_1434 : vector<16xi32>
      %select_n3A_1436 = arith.select %gt3A_1435, %broadcast_in_dim3A_369, %broadcast_in_dim3A_367 : vector<16xi1>, vector<16xi32>
      %eq3A_1437 = arith.cmpi eq, %add3A_572, %broadcast_in_dim3A_1429 : vector<16xi32>
      %select_n3A_1438 = arith.select %eq3A_1437, %select_n3A_1436, %broadcast_in_dim3A_367 : vector<16xi1>, vector<16xi32>
      %add3A_1439 = arith.addi %add3A_1411, %select_n3A_1438 : vector<16xi32>
      %eq3A_1440 = arith.cmpi eq, %add3A_578, %broadcast_in_dim3A_1432 : vector<16xi32>
      %select_n3A_1441 = arith.select %eq3A_1440, %select_n3A_1436, %broadcast_in_dim3A_367 : vector<16xi1>, vector<16xi32>
      %add3A_1442 = arith.addi %add3A_1414, %select_n3A_1441 : vector<16xi32>
      %eq3A_1443 = arith.cmpi eq, %add3A_678, %broadcast_in_dim3A_1429 : vector<16xi32>
      %select_n3A_1444 = arith.select %eq3A_1443, %broadcast_in_dim3A_369, %broadcast_in_dim3A_367 : vector<16xi1>, vector<16xi32>
      %add3A_1445 = arith.addi %add3A_1417, %select_n3A_1444 : vector<16xi32>
      %eq3A_1446 = arith.cmpi eq, %add3A_684, %broadcast_in_dim3A_1432 : vector<16xi32>
      %select_n3A_1447 = arith.select %eq3A_1446, %broadcast_in_dim3A_369, %broadcast_in_dim3A_367 : vector<16xi1>, vector<16xi32>
      %add3A_1448 = arith.addi %add3A_1420, %select_n3A_1447 : vector<16xi32>
      %eq3A_1449 = arith.cmpi eq, %add3A_784, %broadcast_in_dim3A_1429 : vector<16xi32>
      %select_n3A_1450 = arith.select %eq3A_1449, %broadcast_in_dim3A_369, %broadcast_in_dim3A_367 : vector<16xi1>, vector<16xi32>
      %add3A_1451 = arith.addi %add3A_1423, %select_n3A_1450 : vector<16xi32>
      %eq3A_1452 = arith.cmpi eq, %add3A_790, %broadcast_in_dim3A_1432 : vector<16xi32>
      %select_n3A_1453 = arith.select %eq3A_1452, %broadcast_in_dim3A_369, %broadcast_in_dim3A_367 : vector<16xi1>, vector<16xi32>
      %add3A_1454 = arith.addi %add3A_1426, %select_n3A_1453 : vector<16xi32>
      %slice3A_1455 = vector.extract_strided_slice %add3A_572 {offsets = [4], sizes = [1], strides = [1]} : vector<16xi32> to vector<1xi32>
      %squeeze3A_1456 = vector.extract %slice3A_1455[0] : i32 from vector<1xi32>
      %broadcast_in_dim3A_1457 = vector.broadcast %squeeze3A_1456 : i32 to vector<16xi32>
      %slice3A_1458 = vector.extract_strided_slice %add3A_578 {offsets = [4], sizes = [1], strides = [1]} : vector<16xi32> to vector<1xi32>
      %squeeze3A_1459 = vector.extract %slice3A_1458[0] : i32 from vector<1xi32>
      %broadcast_in_dim3A_1460 = vector.broadcast %squeeze3A_1459 : i32 to vector<16xi32>
      %gt3A_1461 = arith.constant 4 : i32
      %gt3A_1462 = vector.broadcast %gt3A_1461 : i32 to vector<16xi32>
      %gt3A_1463 = arith.cmpi sgt, %iota3A, %gt3A_1462 : vector<16xi32>
      %select_n3A_1464 = arith.select %gt3A_1463, %broadcast_in_dim3A_369, %broadcast_in_dim3A_367 : vector<16xi1>, vector<16xi32>
      %eq3A_1465 = arith.cmpi eq, %add3A_572, %broadcast_in_dim3A_1457 : vector<16xi32>
      %select_n3A_1466 = arith.select %eq3A_1465, %select_n3A_1464, %broadcast_in_dim3A_367 : vector<16xi1>, vector<16xi32>
      %add3A_1467 = arith.addi %add3A_1439, %select_n3A_1466 : vector<16xi32>
      %eq3A_1468 = arith.cmpi eq, %add3A_578, %broadcast_in_dim3A_1460 : vector<16xi32>
      %select_n3A_1469 = arith.select %eq3A_1468, %select_n3A_1464, %broadcast_in_dim3A_367 : vector<16xi1>, vector<16xi32>
      %add3A_1470 = arith.addi %add3A_1442, %select_n3A_1469 : vector<16xi32>
      %eq3A_1471 = arith.cmpi eq, %add3A_678, %broadcast_in_dim3A_1457 : vector<16xi32>
      %select_n3A_1472 = arith.select %eq3A_1471, %broadcast_in_dim3A_369, %broadcast_in_dim3A_367 : vector<16xi1>, vector<16xi32>
      %add3A_1473 = arith.addi %add3A_1445, %select_n3A_1472 : vector<16xi32>
      %eq3A_1474 = arith.cmpi eq, %add3A_684, %broadcast_in_dim3A_1460 : vector<16xi32>
      %select_n3A_1475 = arith.select %eq3A_1474, %broadcast_in_dim3A_369, %broadcast_in_dim3A_367 : vector<16xi1>, vector<16xi32>
      %add3A_1476 = arith.addi %add3A_1448, %select_n3A_1475 : vector<16xi32>
      %eq3A_1477 = arith.cmpi eq, %add3A_784, %broadcast_in_dim3A_1457 : vector<16xi32>
      %select_n3A_1478 = arith.select %eq3A_1477, %broadcast_in_dim3A_369, %broadcast_in_dim3A_367 : vector<16xi1>, vector<16xi32>
      %add3A_1479 = arith.addi %add3A_1451, %select_n3A_1478 : vector<16xi32>
      %eq3A_1480 = arith.cmpi eq, %add3A_790, %broadcast_in_dim3A_1460 : vector<16xi32>
      %select_n3A_1481 = arith.select %eq3A_1480, %broadcast_in_dim3A_369, %broadcast_in_dim3A_367 : vector<16xi1>, vector<16xi32>
      %add3A_1482 = arith.addi %add3A_1454, %select_n3A_1481 : vector<16xi32>
      %slice3A_1483 = vector.extract_strided_slice %add3A_572 {offsets = [5], sizes = [1], strides = [1]} : vector<16xi32> to vector<1xi32>
      %squeeze3A_1484 = vector.extract %slice3A_1483[0] : i32 from vector<1xi32>
      %broadcast_in_dim3A_1485 = vector.broadcast %squeeze3A_1484 : i32 to vector<16xi32>
      %slice3A_1486 = vector.extract_strided_slice %add3A_578 {offsets = [5], sizes = [1], strides = [1]} : vector<16xi32> to vector<1xi32>
      %squeeze3A_1487 = vector.extract %slice3A_1486[0] : i32 from vector<1xi32>
      %broadcast_in_dim3A_1488 = vector.broadcast %squeeze3A_1487 : i32 to vector<16xi32>
      %gt3A_1489 = arith.constant 5 : i32
      %gt3A_1490 = vector.broadcast %gt3A_1489 : i32 to vector<16xi32>
      %gt3A_1491 = arith.cmpi sgt, %iota3A, %gt3A_1490 : vector<16xi32>
      %select_n3A_1492 = arith.select %gt3A_1491, %broadcast_in_dim3A_369, %broadcast_in_dim3A_367 : vector<16xi1>, vector<16xi32>
      %eq3A_1493 = arith.cmpi eq, %add3A_572, %broadcast_in_dim3A_1485 : vector<16xi32>
      %select_n3A_1494 = arith.select %eq3A_1493, %select_n3A_1492, %broadcast_in_dim3A_367 : vector<16xi1>, vector<16xi32>
      %add3A_1495 = arith.addi %add3A_1467, %select_n3A_1494 : vector<16xi32>
      %eq3A_1496 = arith.cmpi eq, %add3A_578, %broadcast_in_dim3A_1488 : vector<16xi32>
      %select_n3A_1497 = arith.select %eq3A_1496, %select_n3A_1492, %broadcast_in_dim3A_367 : vector<16xi1>, vector<16xi32>
      %add3A_1498 = arith.addi %add3A_1470, %select_n3A_1497 : vector<16xi32>
      %eq3A_1499 = arith.cmpi eq, %add3A_678, %broadcast_in_dim3A_1485 : vector<16xi32>
      %select_n3A_1500 = arith.select %eq3A_1499, %broadcast_in_dim3A_369, %broadcast_in_dim3A_367 : vector<16xi1>, vector<16xi32>
      %add3A_1501 = arith.addi %add3A_1473, %select_n3A_1500 : vector<16xi32>
      %eq3A_1502 = arith.cmpi eq, %add3A_684, %broadcast_in_dim3A_1488 : vector<16xi32>
      %select_n3A_1503 = arith.select %eq3A_1502, %broadcast_in_dim3A_369, %broadcast_in_dim3A_367 : vector<16xi1>, vector<16xi32>
      %add3A_1504 = arith.addi %add3A_1476, %select_n3A_1503 : vector<16xi32>
      %eq3A_1505 = arith.cmpi eq, %add3A_784, %broadcast_in_dim3A_1485 : vector<16xi32>
      %select_n3A_1506 = arith.select %eq3A_1505, %broadcast_in_dim3A_369, %broadcast_in_dim3A_367 : vector<16xi1>, vector<16xi32>
      %add3A_1507 = arith.addi %add3A_1479, %select_n3A_1506 : vector<16xi32>
      %eq3A_1508 = arith.cmpi eq, %add3A_790, %broadcast_in_dim3A_1488 : vector<16xi32>
      %select_n3A_1509 = arith.select %eq3A_1508, %broadcast_in_dim3A_369, %broadcast_in_dim3A_367 : vector<16xi1>, vector<16xi32>
      %add3A_1510 = arith.addi %add3A_1482, %select_n3A_1509 : vector<16xi32>
      %slice3A_1511 = vector.extract_strided_slice %add3A_572 {offsets = [6], sizes = [1], strides = [1]} : vector<16xi32> to vector<1xi32>
      %squeeze3A_1512 = vector.extract %slice3A_1511[0] : i32 from vector<1xi32>
      %broadcast_in_dim3A_1513 = vector.broadcast %squeeze3A_1512 : i32 to vector<16xi32>
      %slice3A_1514 = vector.extract_strided_slice %add3A_578 {offsets = [6], sizes = [1], strides = [1]} : vector<16xi32> to vector<1xi32>
      %squeeze3A_1515 = vector.extract %slice3A_1514[0] : i32 from vector<1xi32>
      %broadcast_in_dim3A_1516 = vector.broadcast %squeeze3A_1515 : i32 to vector<16xi32>
      %gt3A_1517 = arith.constant 6 : i32
      %gt3A_1518 = vector.broadcast %gt3A_1517 : i32 to vector<16xi32>
      %gt3A_1519 = arith.cmpi sgt, %iota3A, %gt3A_1518 : vector<16xi32>
      %select_n3A_1520 = arith.select %gt3A_1519, %broadcast_in_dim3A_369, %broadcast_in_dim3A_367 : vector<16xi1>, vector<16xi32>
      %eq3A_1521 = arith.cmpi eq, %add3A_572, %broadcast_in_dim3A_1513 : vector<16xi32>
      %select_n3A_1522 = arith.select %eq3A_1521, %select_n3A_1520, %broadcast_in_dim3A_367 : vector<16xi1>, vector<16xi32>
      %add3A_1523 = arith.addi %add3A_1495, %select_n3A_1522 : vector<16xi32>
      %eq3A_1524 = arith.cmpi eq, %add3A_578, %broadcast_in_dim3A_1516 : vector<16xi32>
      %select_n3A_1525 = arith.select %eq3A_1524, %select_n3A_1520, %broadcast_in_dim3A_367 : vector<16xi1>, vector<16xi32>
      %add3A_1526 = arith.addi %add3A_1498, %select_n3A_1525 : vector<16xi32>
      %eq3A_1527 = arith.cmpi eq, %add3A_678, %broadcast_in_dim3A_1513 : vector<16xi32>
      %select_n3A_1528 = arith.select %eq3A_1527, %broadcast_in_dim3A_369, %broadcast_in_dim3A_367 : vector<16xi1>, vector<16xi32>
      %add3A_1529 = arith.addi %add3A_1501, %select_n3A_1528 : vector<16xi32>
      %eq3A_1530 = arith.cmpi eq, %add3A_684, %broadcast_in_dim3A_1516 : vector<16xi32>
      %select_n3A_1531 = arith.select %eq3A_1530, %broadcast_in_dim3A_369, %broadcast_in_dim3A_367 : vector<16xi1>, vector<16xi32>
      %add3A_1532 = arith.addi %add3A_1504, %select_n3A_1531 : vector<16xi32>
      %eq3A_1533 = arith.cmpi eq, %add3A_784, %broadcast_in_dim3A_1513 : vector<16xi32>
      %select_n3A_1534 = arith.select %eq3A_1533, %broadcast_in_dim3A_369, %broadcast_in_dim3A_367 : vector<16xi1>, vector<16xi32>
      %add3A_1535 = arith.addi %add3A_1507, %select_n3A_1534 : vector<16xi32>
      %eq3A_1536 = arith.cmpi eq, %add3A_790, %broadcast_in_dim3A_1516 : vector<16xi32>
      %select_n3A_1537 = arith.select %eq3A_1536, %broadcast_in_dim3A_369, %broadcast_in_dim3A_367 : vector<16xi1>, vector<16xi32>
      %add3A_1538 = arith.addi %add3A_1510, %select_n3A_1537 : vector<16xi32>
      %slice3A_1539 = vector.extract_strided_slice %add3A_572 {offsets = [7], sizes = [1], strides = [1]} : vector<16xi32> to vector<1xi32>
      %squeeze3A_1540 = vector.extract %slice3A_1539[0] : i32 from vector<1xi32>
      %broadcast_in_dim3A_1541 = vector.broadcast %squeeze3A_1540 : i32 to vector<16xi32>
      %slice3A_1542 = vector.extract_strided_slice %add3A_578 {offsets = [7], sizes = [1], strides = [1]} : vector<16xi32> to vector<1xi32>
      %squeeze3A_1543 = vector.extract %slice3A_1542[0] : i32 from vector<1xi32>
      %broadcast_in_dim3A_1544 = vector.broadcast %squeeze3A_1543 : i32 to vector<16xi32>
      %gt3A_1545 = arith.constant 7 : i32
      %gt3A_1546 = vector.broadcast %gt3A_1545 : i32 to vector<16xi32>
      %gt3A_1547 = arith.cmpi sgt, %iota3A, %gt3A_1546 : vector<16xi32>
      %select_n3A_1548 = arith.select %gt3A_1547, %broadcast_in_dim3A_369, %broadcast_in_dim3A_367 : vector<16xi1>, vector<16xi32>
      %eq3A_1549 = arith.cmpi eq, %add3A_572, %broadcast_in_dim3A_1541 : vector<16xi32>
      %select_n3A_1550 = arith.select %eq3A_1549, %select_n3A_1548, %broadcast_in_dim3A_367 : vector<16xi1>, vector<16xi32>
      %add3A_1551 = arith.addi %add3A_1523, %select_n3A_1550 : vector<16xi32>
      %eq3A_1552 = arith.cmpi eq, %add3A_578, %broadcast_in_dim3A_1544 : vector<16xi32>
      %select_n3A_1553 = arith.select %eq3A_1552, %select_n3A_1548, %broadcast_in_dim3A_367 : vector<16xi1>, vector<16xi32>
      %add3A_1554 = arith.addi %add3A_1526, %select_n3A_1553 : vector<16xi32>
      %eq3A_1555 = arith.cmpi eq, %add3A_678, %broadcast_in_dim3A_1541 : vector<16xi32>
      %select_n3A_1556 = arith.select %eq3A_1555, %broadcast_in_dim3A_369, %broadcast_in_dim3A_367 : vector<16xi1>, vector<16xi32>
      %add3A_1557 = arith.addi %add3A_1529, %select_n3A_1556 : vector<16xi32>
      %eq3A_1558 = arith.cmpi eq, %add3A_684, %broadcast_in_dim3A_1544 : vector<16xi32>
      %select_n3A_1559 = arith.select %eq3A_1558, %broadcast_in_dim3A_369, %broadcast_in_dim3A_367 : vector<16xi1>, vector<16xi32>
      %add3A_1560 = arith.addi %add3A_1532, %select_n3A_1559 : vector<16xi32>
      %eq3A_1561 = arith.cmpi eq, %add3A_784, %broadcast_in_dim3A_1541 : vector<16xi32>
      %select_n3A_1562 = arith.select %eq3A_1561, %broadcast_in_dim3A_369, %broadcast_in_dim3A_367 : vector<16xi1>, vector<16xi32>
      %add3A_1563 = arith.addi %add3A_1535, %select_n3A_1562 : vector<16xi32>
      %eq3A_1564 = arith.cmpi eq, %add3A_790, %broadcast_in_dim3A_1544 : vector<16xi32>
      %select_n3A_1565 = arith.select %eq3A_1564, %broadcast_in_dim3A_369, %broadcast_in_dim3A_367 : vector<16xi1>, vector<16xi32>
      %add3A_1566 = arith.addi %add3A_1538, %select_n3A_1565 : vector<16xi32>
      %slice3A_1567 = vector.extract_strided_slice %add3A_572 {offsets = [8], sizes = [1], strides = [1]} : vector<16xi32> to vector<1xi32>
      %squeeze3A_1568 = vector.extract %slice3A_1567[0] : i32 from vector<1xi32>
      %broadcast_in_dim3A_1569 = vector.broadcast %squeeze3A_1568 : i32 to vector<16xi32>
      %slice3A_1570 = vector.extract_strided_slice %add3A_578 {offsets = [8], sizes = [1], strides = [1]} : vector<16xi32> to vector<1xi32>
      %squeeze3A_1571 = vector.extract %slice3A_1570[0] : i32 from vector<1xi32>
      %broadcast_in_dim3A_1572 = vector.broadcast %squeeze3A_1571 : i32 to vector<16xi32>
      %gt3A_1573 = arith.constant 8 : i32
      %gt3A_1574 = vector.broadcast %gt3A_1573 : i32 to vector<16xi32>
      %gt3A_1575 = arith.cmpi sgt, %iota3A, %gt3A_1574 : vector<16xi32>
      %select_n3A_1576 = arith.select %gt3A_1575, %broadcast_in_dim3A_369, %broadcast_in_dim3A_367 : vector<16xi1>, vector<16xi32>
      %eq3A_1577 = arith.cmpi eq, %add3A_572, %broadcast_in_dim3A_1569 : vector<16xi32>
      %select_n3A_1578 = arith.select %eq3A_1577, %select_n3A_1576, %broadcast_in_dim3A_367 : vector<16xi1>, vector<16xi32>
      %add3A_1579 = arith.addi %add3A_1551, %select_n3A_1578 : vector<16xi32>
      %eq3A_1580 = arith.cmpi eq, %add3A_578, %broadcast_in_dim3A_1572 : vector<16xi32>
      %select_n3A_1581 = arith.select %eq3A_1580, %select_n3A_1576, %broadcast_in_dim3A_367 : vector<16xi1>, vector<16xi32>
      %add3A_1582 = arith.addi %add3A_1554, %select_n3A_1581 : vector<16xi32>
      %eq3A_1583 = arith.cmpi eq, %add3A_678, %broadcast_in_dim3A_1569 : vector<16xi32>
      %select_n3A_1584 = arith.select %eq3A_1583, %broadcast_in_dim3A_369, %broadcast_in_dim3A_367 : vector<16xi1>, vector<16xi32>
      %add3A_1585 = arith.addi %add3A_1557, %select_n3A_1584 : vector<16xi32>
      %eq3A_1586 = arith.cmpi eq, %add3A_684, %broadcast_in_dim3A_1572 : vector<16xi32>
      %select_n3A_1587 = arith.select %eq3A_1586, %broadcast_in_dim3A_369, %broadcast_in_dim3A_367 : vector<16xi1>, vector<16xi32>
      %add3A_1588 = arith.addi %add3A_1560, %select_n3A_1587 : vector<16xi32>
      %eq3A_1589 = arith.cmpi eq, %add3A_784, %broadcast_in_dim3A_1569 : vector<16xi32>
      %select_n3A_1590 = arith.select %eq3A_1589, %broadcast_in_dim3A_369, %broadcast_in_dim3A_367 : vector<16xi1>, vector<16xi32>
      %add3A_1591 = arith.addi %add3A_1563, %select_n3A_1590 : vector<16xi32>
      %eq3A_1592 = arith.cmpi eq, %add3A_790, %broadcast_in_dim3A_1572 : vector<16xi32>
      %select_n3A_1593 = arith.select %eq3A_1592, %broadcast_in_dim3A_369, %broadcast_in_dim3A_367 : vector<16xi1>, vector<16xi32>
      %add3A_1594 = arith.addi %add3A_1566, %select_n3A_1593 : vector<16xi32>
      %slice3A_1595 = vector.extract_strided_slice %add3A_572 {offsets = [9], sizes = [1], strides = [1]} : vector<16xi32> to vector<1xi32>
      %squeeze3A_1596 = vector.extract %slice3A_1595[0] : i32 from vector<1xi32>
      %broadcast_in_dim3A_1597 = vector.broadcast %squeeze3A_1596 : i32 to vector<16xi32>
      %slice3A_1598 = vector.extract_strided_slice %add3A_578 {offsets = [9], sizes = [1], strides = [1]} : vector<16xi32> to vector<1xi32>
      %squeeze3A_1599 = vector.extract %slice3A_1598[0] : i32 from vector<1xi32>
      %broadcast_in_dim3A_1600 = vector.broadcast %squeeze3A_1599 : i32 to vector<16xi32>
      %gt3A_1601 = arith.constant 9 : i32
      %gt3A_1602 = vector.broadcast %gt3A_1601 : i32 to vector<16xi32>
      %gt3A_1603 = arith.cmpi sgt, %iota3A, %gt3A_1602 : vector<16xi32>
      %select_n3A_1604 = arith.select %gt3A_1603, %broadcast_in_dim3A_369, %broadcast_in_dim3A_367 : vector<16xi1>, vector<16xi32>
      %eq3A_1605 = arith.cmpi eq, %add3A_572, %broadcast_in_dim3A_1597 : vector<16xi32>
      %select_n3A_1606 = arith.select %eq3A_1605, %select_n3A_1604, %broadcast_in_dim3A_367 : vector<16xi1>, vector<16xi32>
      %add3A_1607 = arith.addi %add3A_1579, %select_n3A_1606 : vector<16xi32>
      %eq3A_1608 = arith.cmpi eq, %add3A_578, %broadcast_in_dim3A_1600 : vector<16xi32>
      %select_n3A_1609 = arith.select %eq3A_1608, %select_n3A_1604, %broadcast_in_dim3A_367 : vector<16xi1>, vector<16xi32>
      %add3A_1610 = arith.addi %add3A_1582, %select_n3A_1609 : vector<16xi32>
      %eq3A_1611 = arith.cmpi eq, %add3A_678, %broadcast_in_dim3A_1597 : vector<16xi32>
      %select_n3A_1612 = arith.select %eq3A_1611, %broadcast_in_dim3A_369, %broadcast_in_dim3A_367 : vector<16xi1>, vector<16xi32>
      %add3A_1613 = arith.addi %add3A_1585, %select_n3A_1612 : vector<16xi32>
      %eq3A_1614 = arith.cmpi eq, %add3A_684, %broadcast_in_dim3A_1600 : vector<16xi32>
      %select_n3A_1615 = arith.select %eq3A_1614, %broadcast_in_dim3A_369, %broadcast_in_dim3A_367 : vector<16xi1>, vector<16xi32>
      %add3A_1616 = arith.addi %add3A_1588, %select_n3A_1615 : vector<16xi32>
      %eq3A_1617 = arith.cmpi eq, %add3A_784, %broadcast_in_dim3A_1597 : vector<16xi32>
      %select_n3A_1618 = arith.select %eq3A_1617, %broadcast_in_dim3A_369, %broadcast_in_dim3A_367 : vector<16xi1>, vector<16xi32>
      %add3A_1619 = arith.addi %add3A_1591, %select_n3A_1618 : vector<16xi32>
      %eq3A_1620 = arith.cmpi eq, %add3A_790, %broadcast_in_dim3A_1600 : vector<16xi32>
      %select_n3A_1621 = arith.select %eq3A_1620, %broadcast_in_dim3A_369, %broadcast_in_dim3A_367 : vector<16xi1>, vector<16xi32>
      %add3A_1622 = arith.addi %add3A_1594, %select_n3A_1621 : vector<16xi32>
      %slice3A_1623 = vector.extract_strided_slice %add3A_572 {offsets = [10], sizes = [1], strides = [1]} : vector<16xi32> to vector<1xi32>
      %squeeze3A_1624 = vector.extract %slice3A_1623[0] : i32 from vector<1xi32>
      %broadcast_in_dim3A_1625 = vector.broadcast %squeeze3A_1624 : i32 to vector<16xi32>
      %slice3A_1626 = vector.extract_strided_slice %add3A_578 {offsets = [10], sizes = [1], strides = [1]} : vector<16xi32> to vector<1xi32>
      %squeeze3A_1627 = vector.extract %slice3A_1626[0] : i32 from vector<1xi32>
      %broadcast_in_dim3A_1628 = vector.broadcast %squeeze3A_1627 : i32 to vector<16xi32>
      %gt3A_1629 = arith.constant 10 : i32
      %gt3A_1630 = vector.broadcast %gt3A_1629 : i32 to vector<16xi32>
      %gt3A_1631 = arith.cmpi sgt, %iota3A, %gt3A_1630 : vector<16xi32>
      %select_n3A_1632 = arith.select %gt3A_1631, %broadcast_in_dim3A_369, %broadcast_in_dim3A_367 : vector<16xi1>, vector<16xi32>
      %eq3A_1633 = arith.cmpi eq, %add3A_572, %broadcast_in_dim3A_1625 : vector<16xi32>
      %select_n3A_1634 = arith.select %eq3A_1633, %select_n3A_1632, %broadcast_in_dim3A_367 : vector<16xi1>, vector<16xi32>
      %add3A_1635 = arith.addi %add3A_1607, %select_n3A_1634 : vector<16xi32>
      %eq3A_1636 = arith.cmpi eq, %add3A_578, %broadcast_in_dim3A_1628 : vector<16xi32>
      %select_n3A_1637 = arith.select %eq3A_1636, %select_n3A_1632, %broadcast_in_dim3A_367 : vector<16xi1>, vector<16xi32>
      %add3A_1638 = arith.addi %add3A_1610, %select_n3A_1637 : vector<16xi32>
      %eq3A_1639 = arith.cmpi eq, %add3A_678, %broadcast_in_dim3A_1625 : vector<16xi32>
      %select_n3A_1640 = arith.select %eq3A_1639, %broadcast_in_dim3A_369, %broadcast_in_dim3A_367 : vector<16xi1>, vector<16xi32>
      %add3A_1641 = arith.addi %add3A_1613, %select_n3A_1640 : vector<16xi32>
      %eq3A_1642 = arith.cmpi eq, %add3A_684, %broadcast_in_dim3A_1628 : vector<16xi32>
      %select_n3A_1643 = arith.select %eq3A_1642, %broadcast_in_dim3A_369, %broadcast_in_dim3A_367 : vector<16xi1>, vector<16xi32>
      %add3A_1644 = arith.addi %add3A_1616, %select_n3A_1643 : vector<16xi32>
      %eq3A_1645 = arith.cmpi eq, %add3A_784, %broadcast_in_dim3A_1625 : vector<16xi32>
      %select_n3A_1646 = arith.select %eq3A_1645, %broadcast_in_dim3A_369, %broadcast_in_dim3A_367 : vector<16xi1>, vector<16xi32>
      %add3A_1647 = arith.addi %add3A_1619, %select_n3A_1646 : vector<16xi32>
      %eq3A_1648 = arith.cmpi eq, %add3A_790, %broadcast_in_dim3A_1628 : vector<16xi32>
      %select_n3A_1649 = arith.select %eq3A_1648, %broadcast_in_dim3A_369, %broadcast_in_dim3A_367 : vector<16xi1>, vector<16xi32>
      %add3A_1650 = arith.addi %add3A_1622, %select_n3A_1649 : vector<16xi32>
      %slice3A_1651 = vector.extract_strided_slice %add3A_572 {offsets = [11], sizes = [1], strides = [1]} : vector<16xi32> to vector<1xi32>
      %squeeze3A_1652 = vector.extract %slice3A_1651[0] : i32 from vector<1xi32>
      %broadcast_in_dim3A_1653 = vector.broadcast %squeeze3A_1652 : i32 to vector<16xi32>
      %slice3A_1654 = vector.extract_strided_slice %add3A_578 {offsets = [11], sizes = [1], strides = [1]} : vector<16xi32> to vector<1xi32>
      %squeeze3A_1655 = vector.extract %slice3A_1654[0] : i32 from vector<1xi32>
      %broadcast_in_dim3A_1656 = vector.broadcast %squeeze3A_1655 : i32 to vector<16xi32>
      %gt3A_1657 = arith.constant 11 : i32
      %gt3A_1658 = vector.broadcast %gt3A_1657 : i32 to vector<16xi32>
      %gt3A_1659 = arith.cmpi sgt, %iota3A, %gt3A_1658 : vector<16xi32>
      %select_n3A_1660 = arith.select %gt3A_1659, %broadcast_in_dim3A_369, %broadcast_in_dim3A_367 : vector<16xi1>, vector<16xi32>
      %eq3A_1661 = arith.cmpi eq, %add3A_572, %broadcast_in_dim3A_1653 : vector<16xi32>
      %select_n3A_1662 = arith.select %eq3A_1661, %select_n3A_1660, %broadcast_in_dim3A_367 : vector<16xi1>, vector<16xi32>
      %add3A_1663 = arith.addi %add3A_1635, %select_n3A_1662 : vector<16xi32>
      %eq3A_1664 = arith.cmpi eq, %add3A_578, %broadcast_in_dim3A_1656 : vector<16xi32>
      %select_n3A_1665 = arith.select %eq3A_1664, %select_n3A_1660, %broadcast_in_dim3A_367 : vector<16xi1>, vector<16xi32>
      %add3A_1666 = arith.addi %add3A_1638, %select_n3A_1665 : vector<16xi32>
      %eq3A_1667 = arith.cmpi eq, %add3A_678, %broadcast_in_dim3A_1653 : vector<16xi32>
      %select_n3A_1668 = arith.select %eq3A_1667, %broadcast_in_dim3A_369, %broadcast_in_dim3A_367 : vector<16xi1>, vector<16xi32>
      %add3A_1669 = arith.addi %add3A_1641, %select_n3A_1668 : vector<16xi32>
      %eq3A_1670 = arith.cmpi eq, %add3A_684, %broadcast_in_dim3A_1656 : vector<16xi32>
      %select_n3A_1671 = arith.select %eq3A_1670, %broadcast_in_dim3A_369, %broadcast_in_dim3A_367 : vector<16xi1>, vector<16xi32>
      %add3A_1672 = arith.addi %add3A_1644, %select_n3A_1671 : vector<16xi32>
      %eq3A_1673 = arith.cmpi eq, %add3A_784, %broadcast_in_dim3A_1653 : vector<16xi32>
      %select_n3A_1674 = arith.select %eq3A_1673, %broadcast_in_dim3A_369, %broadcast_in_dim3A_367 : vector<16xi1>, vector<16xi32>
      %add3A_1675 = arith.addi %add3A_1647, %select_n3A_1674 : vector<16xi32>
      %eq3A_1676 = arith.cmpi eq, %add3A_790, %broadcast_in_dim3A_1656 : vector<16xi32>
      %select_n3A_1677 = arith.select %eq3A_1676, %broadcast_in_dim3A_369, %broadcast_in_dim3A_367 : vector<16xi1>, vector<16xi32>
      %add3A_1678 = arith.addi %add3A_1650, %select_n3A_1677 : vector<16xi32>
      %slice3A_1679 = vector.extract_strided_slice %add3A_572 {offsets = [12], sizes = [1], strides = [1]} : vector<16xi32> to vector<1xi32>
      %squeeze3A_1680 = vector.extract %slice3A_1679[0] : i32 from vector<1xi32>
      %broadcast_in_dim3A_1681 = vector.broadcast %squeeze3A_1680 : i32 to vector<16xi32>
      %slice3A_1682 = vector.extract_strided_slice %add3A_578 {offsets = [12], sizes = [1], strides = [1]} : vector<16xi32> to vector<1xi32>
      %squeeze3A_1683 = vector.extract %slice3A_1682[0] : i32 from vector<1xi32>
      %broadcast_in_dim3A_1684 = vector.broadcast %squeeze3A_1683 : i32 to vector<16xi32>
      %gt3A_1685 = arith.constant 12 : i32
      %gt3A_1686 = vector.broadcast %gt3A_1685 : i32 to vector<16xi32>
      %gt3A_1687 = arith.cmpi sgt, %iota3A, %gt3A_1686 : vector<16xi32>
      %select_n3A_1688 = arith.select %gt3A_1687, %broadcast_in_dim3A_369, %broadcast_in_dim3A_367 : vector<16xi1>, vector<16xi32>
      %eq3A_1689 = arith.cmpi eq, %add3A_572, %broadcast_in_dim3A_1681 : vector<16xi32>
      %select_n3A_1690 = arith.select %eq3A_1689, %select_n3A_1688, %broadcast_in_dim3A_367 : vector<16xi1>, vector<16xi32>
      %add3A_1691 = arith.addi %add3A_1663, %select_n3A_1690 : vector<16xi32>
      %eq3A_1692 = arith.cmpi eq, %add3A_578, %broadcast_in_dim3A_1684 : vector<16xi32>
      %select_n3A_1693 = arith.select %eq3A_1692, %select_n3A_1688, %broadcast_in_dim3A_367 : vector<16xi1>, vector<16xi32>
      %add3A_1694 = arith.addi %add3A_1666, %select_n3A_1693 : vector<16xi32>
      %eq3A_1695 = arith.cmpi eq, %add3A_678, %broadcast_in_dim3A_1681 : vector<16xi32>
      %select_n3A_1696 = arith.select %eq3A_1695, %broadcast_in_dim3A_369, %broadcast_in_dim3A_367 : vector<16xi1>, vector<16xi32>
      %add3A_1697 = arith.addi %add3A_1669, %select_n3A_1696 : vector<16xi32>
      %eq3A_1698 = arith.cmpi eq, %add3A_684, %broadcast_in_dim3A_1684 : vector<16xi32>
      %select_n3A_1699 = arith.select %eq3A_1698, %broadcast_in_dim3A_369, %broadcast_in_dim3A_367 : vector<16xi1>, vector<16xi32>
      %add3A_1700 = arith.addi %add3A_1672, %select_n3A_1699 : vector<16xi32>
      %eq3A_1701 = arith.cmpi eq, %add3A_784, %broadcast_in_dim3A_1681 : vector<16xi32>
      %select_n3A_1702 = arith.select %eq3A_1701, %broadcast_in_dim3A_369, %broadcast_in_dim3A_367 : vector<16xi1>, vector<16xi32>
      %add3A_1703 = arith.addi %add3A_1675, %select_n3A_1702 : vector<16xi32>
      %eq3A_1704 = arith.cmpi eq, %add3A_790, %broadcast_in_dim3A_1684 : vector<16xi32>
      %select_n3A_1705 = arith.select %eq3A_1704, %broadcast_in_dim3A_369, %broadcast_in_dim3A_367 : vector<16xi1>, vector<16xi32>
      %add3A_1706 = arith.addi %add3A_1678, %select_n3A_1705 : vector<16xi32>
      %slice3A_1707 = vector.extract_strided_slice %add3A_572 {offsets = [13], sizes = [1], strides = [1]} : vector<16xi32> to vector<1xi32>
      %squeeze3A_1708 = vector.extract %slice3A_1707[0] : i32 from vector<1xi32>
      %broadcast_in_dim3A_1709 = vector.broadcast %squeeze3A_1708 : i32 to vector<16xi32>
      %slice3A_1710 = vector.extract_strided_slice %add3A_578 {offsets = [13], sizes = [1], strides = [1]} : vector<16xi32> to vector<1xi32>
      %squeeze3A_1711 = vector.extract %slice3A_1710[0] : i32 from vector<1xi32>
      %broadcast_in_dim3A_1712 = vector.broadcast %squeeze3A_1711 : i32 to vector<16xi32>
      %gt3A_1713 = arith.constant 13 : i32
      %gt3A_1714 = vector.broadcast %gt3A_1713 : i32 to vector<16xi32>
      %gt3A_1715 = arith.cmpi sgt, %iota3A, %gt3A_1714 : vector<16xi32>
      %select_n3A_1716 = arith.select %gt3A_1715, %broadcast_in_dim3A_369, %broadcast_in_dim3A_367 : vector<16xi1>, vector<16xi32>
      %eq3A_1717 = arith.cmpi eq, %add3A_572, %broadcast_in_dim3A_1709 : vector<16xi32>
      %select_n3A_1718 = arith.select %eq3A_1717, %select_n3A_1716, %broadcast_in_dim3A_367 : vector<16xi1>, vector<16xi32>
      %add3A_1719 = arith.addi %add3A_1691, %select_n3A_1718 : vector<16xi32>
      %eq3A_1720 = arith.cmpi eq, %add3A_578, %broadcast_in_dim3A_1712 : vector<16xi32>
      %select_n3A_1721 = arith.select %eq3A_1720, %select_n3A_1716, %broadcast_in_dim3A_367 : vector<16xi1>, vector<16xi32>
      %add3A_1722 = arith.addi %add3A_1694, %select_n3A_1721 : vector<16xi32>
      %eq3A_1723 = arith.cmpi eq, %add3A_678, %broadcast_in_dim3A_1709 : vector<16xi32>
      %select_n3A_1724 = arith.select %eq3A_1723, %broadcast_in_dim3A_369, %broadcast_in_dim3A_367 : vector<16xi1>, vector<16xi32>
      %add3A_1725 = arith.addi %add3A_1697, %select_n3A_1724 : vector<16xi32>
      %eq3A_1726 = arith.cmpi eq, %add3A_684, %broadcast_in_dim3A_1712 : vector<16xi32>
      %select_n3A_1727 = arith.select %eq3A_1726, %broadcast_in_dim3A_369, %broadcast_in_dim3A_367 : vector<16xi1>, vector<16xi32>
      %add3A_1728 = arith.addi %add3A_1700, %select_n3A_1727 : vector<16xi32>
      %eq3A_1729 = arith.cmpi eq, %add3A_784, %broadcast_in_dim3A_1709 : vector<16xi32>
      %select_n3A_1730 = arith.select %eq3A_1729, %broadcast_in_dim3A_369, %broadcast_in_dim3A_367 : vector<16xi1>, vector<16xi32>
      %add3A_1731 = arith.addi %add3A_1703, %select_n3A_1730 : vector<16xi32>
      %eq3A_1732 = arith.cmpi eq, %add3A_790, %broadcast_in_dim3A_1712 : vector<16xi32>
      %select_n3A_1733 = arith.select %eq3A_1732, %broadcast_in_dim3A_369, %broadcast_in_dim3A_367 : vector<16xi1>, vector<16xi32>
      %add3A_1734 = arith.addi %add3A_1706, %select_n3A_1733 : vector<16xi32>
      %slice3A_1735 = vector.extract_strided_slice %add3A_572 {offsets = [14], sizes = [1], strides = [1]} : vector<16xi32> to vector<1xi32>
      %squeeze3A_1736 = vector.extract %slice3A_1735[0] : i32 from vector<1xi32>
      %broadcast_in_dim3A_1737 = vector.broadcast %squeeze3A_1736 : i32 to vector<16xi32>
      %slice3A_1738 = vector.extract_strided_slice %add3A_578 {offsets = [14], sizes = [1], strides = [1]} : vector<16xi32> to vector<1xi32>
      %squeeze3A_1739 = vector.extract %slice3A_1738[0] : i32 from vector<1xi32>
      %broadcast_in_dim3A_1740 = vector.broadcast %squeeze3A_1739 : i32 to vector<16xi32>
      %gt3A_1741 = arith.constant 14 : i32
      %gt3A_1742 = vector.broadcast %gt3A_1741 : i32 to vector<16xi32>
      %gt3A_1743 = arith.cmpi sgt, %iota3A, %gt3A_1742 : vector<16xi32>
      %select_n3A_1744 = arith.select %gt3A_1743, %broadcast_in_dim3A_369, %broadcast_in_dim3A_367 : vector<16xi1>, vector<16xi32>
      %eq3A_1745 = arith.cmpi eq, %add3A_572, %broadcast_in_dim3A_1737 : vector<16xi32>
      %select_n3A_1746 = arith.select %eq3A_1745, %select_n3A_1744, %broadcast_in_dim3A_367 : vector<16xi1>, vector<16xi32>
      %add3A_1747 = arith.addi %add3A_1719, %select_n3A_1746 : vector<16xi32>
      %eq3A_1748 = arith.cmpi eq, %add3A_578, %broadcast_in_dim3A_1740 : vector<16xi32>
      %select_n3A_1749 = arith.select %eq3A_1748, %select_n3A_1744, %broadcast_in_dim3A_367 : vector<16xi1>, vector<16xi32>
      %add3A_1750 = arith.addi %add3A_1722, %select_n3A_1749 : vector<16xi32>
      %eq3A_1751 = arith.cmpi eq, %add3A_678, %broadcast_in_dim3A_1737 : vector<16xi32>
      %select_n3A_1752 = arith.select %eq3A_1751, %broadcast_in_dim3A_369, %broadcast_in_dim3A_367 : vector<16xi1>, vector<16xi32>
      %add3A_1753 = arith.addi %add3A_1725, %select_n3A_1752 : vector<16xi32>
      %eq3A_1754 = arith.cmpi eq, %add3A_684, %broadcast_in_dim3A_1740 : vector<16xi32>
      %select_n3A_1755 = arith.select %eq3A_1754, %broadcast_in_dim3A_369, %broadcast_in_dim3A_367 : vector<16xi1>, vector<16xi32>
      %add3A_1756 = arith.addi %add3A_1728, %select_n3A_1755 : vector<16xi32>
      %eq3A_1757 = arith.cmpi eq, %add3A_784, %broadcast_in_dim3A_1737 : vector<16xi32>
      %select_n3A_1758 = arith.select %eq3A_1757, %broadcast_in_dim3A_369, %broadcast_in_dim3A_367 : vector<16xi1>, vector<16xi32>
      %add3A_1759 = arith.addi %add3A_1731, %select_n3A_1758 : vector<16xi32>
      %eq3A_1760 = arith.cmpi eq, %add3A_790, %broadcast_in_dim3A_1740 : vector<16xi32>
      %select_n3A_1761 = arith.select %eq3A_1760, %broadcast_in_dim3A_369, %broadcast_in_dim3A_367 : vector<16xi1>, vector<16xi32>
      %add3A_1762 = arith.addi %add3A_1734, %select_n3A_1761 : vector<16xi32>
      %slice3A_1763 = vector.extract_strided_slice %add3A_572 {offsets = [15], sizes = [1], strides = [1]} : vector<16xi32> to vector<1xi32>
      %squeeze3A_1764 = vector.extract %slice3A_1763[0] : i32 from vector<1xi32>
      %broadcast_in_dim3A_1765 = vector.broadcast %squeeze3A_1764 : i32 to vector<16xi32>
      %slice3A_1766 = vector.extract_strided_slice %add3A_578 {offsets = [15], sizes = [1], strides = [1]} : vector<16xi32> to vector<1xi32>
      %squeeze3A_1767 = vector.extract %slice3A_1766[0] : i32 from vector<1xi32>
      %broadcast_in_dim3A_1768 = vector.broadcast %squeeze3A_1767 : i32 to vector<16xi32>
      %gt3A_1769 = arith.constant 15 : i32
      %gt3A_1770 = vector.broadcast %gt3A_1769 : i32 to vector<16xi32>
      %gt3A_1771 = arith.cmpi sgt, %iota3A, %gt3A_1770 : vector<16xi32>
      %select_n3A_1772 = arith.select %gt3A_1771, %broadcast_in_dim3A_369, %broadcast_in_dim3A_367 : vector<16xi1>, vector<16xi32>
      %eq3A_1773 = arith.cmpi eq, %add3A_572, %broadcast_in_dim3A_1765 : vector<16xi32>
      %select_n3A_1774 = arith.select %eq3A_1773, %select_n3A_1772, %broadcast_in_dim3A_367 : vector<16xi1>, vector<16xi32>
      %add3A_1775 = arith.addi %add3A_1747, %select_n3A_1774 : vector<16xi32>
      %eq3A_1776 = arith.cmpi eq, %add3A_578, %broadcast_in_dim3A_1768 : vector<16xi32>
      %select_n3A_1777 = arith.select %eq3A_1776, %select_n3A_1772, %broadcast_in_dim3A_367 : vector<16xi1>, vector<16xi32>
      %add3A_1778 = arith.addi %add3A_1750, %select_n3A_1777 : vector<16xi32>
      %eq3A_1779 = arith.cmpi eq, %add3A_678, %broadcast_in_dim3A_1765 : vector<16xi32>
      %select_n3A_1780 = arith.select %eq3A_1779, %broadcast_in_dim3A_369, %broadcast_in_dim3A_367 : vector<16xi1>, vector<16xi32>
      %add3A_1781 = arith.addi %add3A_1753, %select_n3A_1780 : vector<16xi32>
      %eq3A_1782 = arith.cmpi eq, %add3A_684, %broadcast_in_dim3A_1768 : vector<16xi32>
      %select_n3A_1783 = arith.select %eq3A_1782, %broadcast_in_dim3A_369, %broadcast_in_dim3A_367 : vector<16xi1>, vector<16xi32>
      %add3A_1784 = arith.addi %add3A_1756, %select_n3A_1783 : vector<16xi32>
      %eq3A_1785 = arith.cmpi eq, %add3A_784, %broadcast_in_dim3A_1765 : vector<16xi32>
      %select_n3A_1786 = arith.select %eq3A_1785, %broadcast_in_dim3A_369, %broadcast_in_dim3A_367 : vector<16xi1>, vector<16xi32>
      %add3A_1787 = arith.addi %add3A_1759, %select_n3A_1786 : vector<16xi32>
      %eq3A_1788 = arith.cmpi eq, %add3A_790, %broadcast_in_dim3A_1768 : vector<16xi32>
      %select_n3A_1789 = arith.select %eq3A_1788, %broadcast_in_dim3A_369, %broadcast_in_dim3A_367 : vector<16xi1>, vector<16xi32>
      %add3A_1790 = arith.addi %add3A_1762, %select_n3A_1789 : vector<16xi32>
      %slice3A_1791 = vector.extract_strided_slice %add3A_678 {offsets = [0], sizes = [1], strides = [1]} : vector<16xi32> to vector<1xi32>
      %squeeze3A_1792 = vector.extract %slice3A_1791[0] : i32 from vector<1xi32>
      %broadcast_in_dim3A_1793 = vector.broadcast %squeeze3A_1792 : i32 to vector<16xi32>
      %slice3A_1794 = vector.extract_strided_slice %add3A_684 {offsets = [0], sizes = [1], strides = [1]} : vector<16xi32> to vector<1xi32>
      %squeeze3A_1795 = vector.extract %slice3A_1794[0] : i32 from vector<1xi32>
      %broadcast_in_dim3A_1796 = vector.broadcast %squeeze3A_1795 : i32 to vector<16xi32>
      %gt3A_1797 = arith.constant 0 : i32
      %gt3A_1798 = vector.broadcast %gt3A_1797 : i32 to vector<16xi32>
      %gt3A_1799 = arith.cmpi sgt, %iota3A, %gt3A_1798 : vector<16xi32>
      %select_n3A_1800 = arith.select %gt3A_1799, %broadcast_in_dim3A_369, %broadcast_in_dim3A_367 : vector<16xi1>, vector<16xi32>
      %eq3A_1801 = arith.cmpi eq, %add3A_678, %broadcast_in_dim3A_1793 : vector<16xi32>
      %select_n3A_1802 = arith.select %eq3A_1801, %select_n3A_1800, %broadcast_in_dim3A_367 : vector<16xi1>, vector<16xi32>
      %add3A_1803 = arith.addi %add3A_1781, %select_n3A_1802 : vector<16xi32>
      %eq3A_1804 = arith.cmpi eq, %add3A_684, %broadcast_in_dim3A_1796 : vector<16xi32>
      %select_n3A_1805 = arith.select %eq3A_1804, %select_n3A_1800, %broadcast_in_dim3A_367 : vector<16xi1>, vector<16xi32>
      %add3A_1806 = arith.addi %add3A_1784, %select_n3A_1805 : vector<16xi32>
      %eq3A_1807 = arith.cmpi eq, %add3A_784, %broadcast_in_dim3A_1793 : vector<16xi32>
      %select_n3A_1808 = arith.select %eq3A_1807, %broadcast_in_dim3A_369, %broadcast_in_dim3A_367 : vector<16xi1>, vector<16xi32>
      %add3A_1809 = arith.addi %add3A_1787, %select_n3A_1808 : vector<16xi32>
      %eq3A_1810 = arith.cmpi eq, %add3A_790, %broadcast_in_dim3A_1796 : vector<16xi32>
      %select_n3A_1811 = arith.select %eq3A_1810, %broadcast_in_dim3A_369, %broadcast_in_dim3A_367 : vector<16xi1>, vector<16xi32>
      %add3A_1812 = arith.addi %add3A_1790, %select_n3A_1811 : vector<16xi32>
      %slice3A_1813 = vector.extract_strided_slice %add3A_678 {offsets = [1], sizes = [1], strides = [1]} : vector<16xi32> to vector<1xi32>
      %squeeze3A_1814 = vector.extract %slice3A_1813[0] : i32 from vector<1xi32>
      %broadcast_in_dim3A_1815 = vector.broadcast %squeeze3A_1814 : i32 to vector<16xi32>
      %slice3A_1816 = vector.extract_strided_slice %add3A_684 {offsets = [1], sizes = [1], strides = [1]} : vector<16xi32> to vector<1xi32>
      %squeeze3A_1817 = vector.extract %slice3A_1816[0] : i32 from vector<1xi32>
      %broadcast_in_dim3A_1818 = vector.broadcast %squeeze3A_1817 : i32 to vector<16xi32>
      %gt3A_1819 = arith.constant 1 : i32
      %gt3A_1820 = vector.broadcast %gt3A_1819 : i32 to vector<16xi32>
      %gt3A_1821 = arith.cmpi sgt, %iota3A, %gt3A_1820 : vector<16xi32>
      %select_n3A_1822 = arith.select %gt3A_1821, %broadcast_in_dim3A_369, %broadcast_in_dim3A_367 : vector<16xi1>, vector<16xi32>
      %eq3A_1823 = arith.cmpi eq, %add3A_678, %broadcast_in_dim3A_1815 : vector<16xi32>
      %select_n3A_1824 = arith.select %eq3A_1823, %select_n3A_1822, %broadcast_in_dim3A_367 : vector<16xi1>, vector<16xi32>
      %add3A_1825 = arith.addi %add3A_1803, %select_n3A_1824 : vector<16xi32>
      %eq3A_1826 = arith.cmpi eq, %add3A_684, %broadcast_in_dim3A_1818 : vector<16xi32>
      %select_n3A_1827 = arith.select %eq3A_1826, %select_n3A_1822, %broadcast_in_dim3A_367 : vector<16xi1>, vector<16xi32>
      %add3A_1828 = arith.addi %add3A_1806, %select_n3A_1827 : vector<16xi32>
      %eq3A_1829 = arith.cmpi eq, %add3A_784, %broadcast_in_dim3A_1815 : vector<16xi32>
      %select_n3A_1830 = arith.select %eq3A_1829, %broadcast_in_dim3A_369, %broadcast_in_dim3A_367 : vector<16xi1>, vector<16xi32>
      %add3A_1831 = arith.addi %add3A_1809, %select_n3A_1830 : vector<16xi32>
      %eq3A_1832 = arith.cmpi eq, %add3A_790, %broadcast_in_dim3A_1818 : vector<16xi32>
      %select_n3A_1833 = arith.select %eq3A_1832, %broadcast_in_dim3A_369, %broadcast_in_dim3A_367 : vector<16xi1>, vector<16xi32>
      %add3A_1834 = arith.addi %add3A_1812, %select_n3A_1833 : vector<16xi32>
      %slice3A_1835 = vector.extract_strided_slice %add3A_678 {offsets = [2], sizes = [1], strides = [1]} : vector<16xi32> to vector<1xi32>
      %squeeze3A_1836 = vector.extract %slice3A_1835[0] : i32 from vector<1xi32>
      %broadcast_in_dim3A_1837 = vector.broadcast %squeeze3A_1836 : i32 to vector<16xi32>
      %slice3A_1838 = vector.extract_strided_slice %add3A_684 {offsets = [2], sizes = [1], strides = [1]} : vector<16xi32> to vector<1xi32>
      %squeeze3A_1839 = vector.extract %slice3A_1838[0] : i32 from vector<1xi32>
      %broadcast_in_dim3A_1840 = vector.broadcast %squeeze3A_1839 : i32 to vector<16xi32>
      %gt3A_1841 = arith.constant 2 : i32
      %gt3A_1842 = vector.broadcast %gt3A_1841 : i32 to vector<16xi32>
      %gt3A_1843 = arith.cmpi sgt, %iota3A, %gt3A_1842 : vector<16xi32>
      %select_n3A_1844 = arith.select %gt3A_1843, %broadcast_in_dim3A_369, %broadcast_in_dim3A_367 : vector<16xi1>, vector<16xi32>
      %eq3A_1845 = arith.cmpi eq, %add3A_678, %broadcast_in_dim3A_1837 : vector<16xi32>
      %select_n3A_1846 = arith.select %eq3A_1845, %select_n3A_1844, %broadcast_in_dim3A_367 : vector<16xi1>, vector<16xi32>
      %add3A_1847 = arith.addi %add3A_1825, %select_n3A_1846 : vector<16xi32>
      %eq3A_1848 = arith.cmpi eq, %add3A_684, %broadcast_in_dim3A_1840 : vector<16xi32>
      %select_n3A_1849 = arith.select %eq3A_1848, %select_n3A_1844, %broadcast_in_dim3A_367 : vector<16xi1>, vector<16xi32>
      %add3A_1850 = arith.addi %add3A_1828, %select_n3A_1849 : vector<16xi32>
      %eq3A_1851 = arith.cmpi eq, %add3A_784, %broadcast_in_dim3A_1837 : vector<16xi32>
      %select_n3A_1852 = arith.select %eq3A_1851, %broadcast_in_dim3A_369, %broadcast_in_dim3A_367 : vector<16xi1>, vector<16xi32>
      %add3A_1853 = arith.addi %add3A_1831, %select_n3A_1852 : vector<16xi32>
      %eq3A_1854 = arith.cmpi eq, %add3A_790, %broadcast_in_dim3A_1840 : vector<16xi32>
      %select_n3A_1855 = arith.select %eq3A_1854, %broadcast_in_dim3A_369, %broadcast_in_dim3A_367 : vector<16xi1>, vector<16xi32>
      %add3A_1856 = arith.addi %add3A_1834, %select_n3A_1855 : vector<16xi32>
      %slice3A_1857 = vector.extract_strided_slice %add3A_678 {offsets = [3], sizes = [1], strides = [1]} : vector<16xi32> to vector<1xi32>
      %squeeze3A_1858 = vector.extract %slice3A_1857[0] : i32 from vector<1xi32>
      %broadcast_in_dim3A_1859 = vector.broadcast %squeeze3A_1858 : i32 to vector<16xi32>
      %slice3A_1860 = vector.extract_strided_slice %add3A_684 {offsets = [3], sizes = [1], strides = [1]} : vector<16xi32> to vector<1xi32>
      %squeeze3A_1861 = vector.extract %slice3A_1860[0] : i32 from vector<1xi32>
      %broadcast_in_dim3A_1862 = vector.broadcast %squeeze3A_1861 : i32 to vector<16xi32>
      %gt3A_1863 = arith.constant 3 : i32
      %gt3A_1864 = vector.broadcast %gt3A_1863 : i32 to vector<16xi32>
      %gt3A_1865 = arith.cmpi sgt, %iota3A, %gt3A_1864 : vector<16xi32>
      %select_n3A_1866 = arith.select %gt3A_1865, %broadcast_in_dim3A_369, %broadcast_in_dim3A_367 : vector<16xi1>, vector<16xi32>
      %eq3A_1867 = arith.cmpi eq, %add3A_678, %broadcast_in_dim3A_1859 : vector<16xi32>
      %select_n3A_1868 = arith.select %eq3A_1867, %select_n3A_1866, %broadcast_in_dim3A_367 : vector<16xi1>, vector<16xi32>
      %add3A_1869 = arith.addi %add3A_1847, %select_n3A_1868 : vector<16xi32>
      %eq3A_1870 = arith.cmpi eq, %add3A_684, %broadcast_in_dim3A_1862 : vector<16xi32>
      %select_n3A_1871 = arith.select %eq3A_1870, %select_n3A_1866, %broadcast_in_dim3A_367 : vector<16xi1>, vector<16xi32>
      %add3A_1872 = arith.addi %add3A_1850, %select_n3A_1871 : vector<16xi32>
      %eq3A_1873 = arith.cmpi eq, %add3A_784, %broadcast_in_dim3A_1859 : vector<16xi32>
      %select_n3A_1874 = arith.select %eq3A_1873, %broadcast_in_dim3A_369, %broadcast_in_dim3A_367 : vector<16xi1>, vector<16xi32>
      %add3A_1875 = arith.addi %add3A_1853, %select_n3A_1874 : vector<16xi32>
      %eq3A_1876 = arith.cmpi eq, %add3A_790, %broadcast_in_dim3A_1862 : vector<16xi32>
      %select_n3A_1877 = arith.select %eq3A_1876, %broadcast_in_dim3A_369, %broadcast_in_dim3A_367 : vector<16xi1>, vector<16xi32>
      %add3A_1878 = arith.addi %add3A_1856, %select_n3A_1877 : vector<16xi32>
      %slice3A_1879 = vector.extract_strided_slice %add3A_678 {offsets = [4], sizes = [1], strides = [1]} : vector<16xi32> to vector<1xi32>
      %squeeze3A_1880 = vector.extract %slice3A_1879[0] : i32 from vector<1xi32>
      %broadcast_in_dim3A_1881 = vector.broadcast %squeeze3A_1880 : i32 to vector<16xi32>
      %slice3A_1882 = vector.extract_strided_slice %add3A_684 {offsets = [4], sizes = [1], strides = [1]} : vector<16xi32> to vector<1xi32>
      %squeeze3A_1883 = vector.extract %slice3A_1882[0] : i32 from vector<1xi32>
      %broadcast_in_dim3A_1884 = vector.broadcast %squeeze3A_1883 : i32 to vector<16xi32>
      %gt3A_1885 = arith.constant 4 : i32
      %gt3A_1886 = vector.broadcast %gt3A_1885 : i32 to vector<16xi32>
      %gt3A_1887 = arith.cmpi sgt, %iota3A, %gt3A_1886 : vector<16xi32>
      %select_n3A_1888 = arith.select %gt3A_1887, %broadcast_in_dim3A_369, %broadcast_in_dim3A_367 : vector<16xi1>, vector<16xi32>
      %eq3A_1889 = arith.cmpi eq, %add3A_678, %broadcast_in_dim3A_1881 : vector<16xi32>
      %select_n3A_1890 = arith.select %eq3A_1889, %select_n3A_1888, %broadcast_in_dim3A_367 : vector<16xi1>, vector<16xi32>
      %add3A_1891 = arith.addi %add3A_1869, %select_n3A_1890 : vector<16xi32>
      %eq3A_1892 = arith.cmpi eq, %add3A_684, %broadcast_in_dim3A_1884 : vector<16xi32>
      %select_n3A_1893 = arith.select %eq3A_1892, %select_n3A_1888, %broadcast_in_dim3A_367 : vector<16xi1>, vector<16xi32>
      %add3A_1894 = arith.addi %add3A_1872, %select_n3A_1893 : vector<16xi32>
      %eq3A_1895 = arith.cmpi eq, %add3A_784, %broadcast_in_dim3A_1881 : vector<16xi32>
      %select_n3A_1896 = arith.select %eq3A_1895, %broadcast_in_dim3A_369, %broadcast_in_dim3A_367 : vector<16xi1>, vector<16xi32>
      %add3A_1897 = arith.addi %add3A_1875, %select_n3A_1896 : vector<16xi32>
      %eq3A_1898 = arith.cmpi eq, %add3A_790, %broadcast_in_dim3A_1884 : vector<16xi32>
      %select_n3A_1899 = arith.select %eq3A_1898, %broadcast_in_dim3A_369, %broadcast_in_dim3A_367 : vector<16xi1>, vector<16xi32>
      %add3A_1900 = arith.addi %add3A_1878, %select_n3A_1899 : vector<16xi32>
      %slice3A_1901 = vector.extract_strided_slice %add3A_678 {offsets = [5], sizes = [1], strides = [1]} : vector<16xi32> to vector<1xi32>
      %squeeze3A_1902 = vector.extract %slice3A_1901[0] : i32 from vector<1xi32>
      %broadcast_in_dim3A_1903 = vector.broadcast %squeeze3A_1902 : i32 to vector<16xi32>
      %slice3A_1904 = vector.extract_strided_slice %add3A_684 {offsets = [5], sizes = [1], strides = [1]} : vector<16xi32> to vector<1xi32>
      %squeeze3A_1905 = vector.extract %slice3A_1904[0] : i32 from vector<1xi32>
      %broadcast_in_dim3A_1906 = vector.broadcast %squeeze3A_1905 : i32 to vector<16xi32>
      %gt3A_1907 = arith.constant 5 : i32
      %gt3A_1908 = vector.broadcast %gt3A_1907 : i32 to vector<16xi32>
      %gt3A_1909 = arith.cmpi sgt, %iota3A, %gt3A_1908 : vector<16xi32>
      %select_n3A_1910 = arith.select %gt3A_1909, %broadcast_in_dim3A_369, %broadcast_in_dim3A_367 : vector<16xi1>, vector<16xi32>
      %eq3A_1911 = arith.cmpi eq, %add3A_678, %broadcast_in_dim3A_1903 : vector<16xi32>
      %select_n3A_1912 = arith.select %eq3A_1911, %select_n3A_1910, %broadcast_in_dim3A_367 : vector<16xi1>, vector<16xi32>
      %add3A_1913 = arith.addi %add3A_1891, %select_n3A_1912 : vector<16xi32>
      %eq3A_1914 = arith.cmpi eq, %add3A_684, %broadcast_in_dim3A_1906 : vector<16xi32>
      %select_n3A_1915 = arith.select %eq3A_1914, %select_n3A_1910, %broadcast_in_dim3A_367 : vector<16xi1>, vector<16xi32>
      %add3A_1916 = arith.addi %add3A_1894, %select_n3A_1915 : vector<16xi32>
      %eq3A_1917 = arith.cmpi eq, %add3A_784, %broadcast_in_dim3A_1903 : vector<16xi32>
      %select_n3A_1918 = arith.select %eq3A_1917, %broadcast_in_dim3A_369, %broadcast_in_dim3A_367 : vector<16xi1>, vector<16xi32>
      %add3A_1919 = arith.addi %add3A_1897, %select_n3A_1918 : vector<16xi32>
      %eq3A_1920 = arith.cmpi eq, %add3A_790, %broadcast_in_dim3A_1906 : vector<16xi32>
      %select_n3A_1921 = arith.select %eq3A_1920, %broadcast_in_dim3A_369, %broadcast_in_dim3A_367 : vector<16xi1>, vector<16xi32>
      %add3A_1922 = arith.addi %add3A_1900, %select_n3A_1921 : vector<16xi32>
      %slice3A_1923 = vector.extract_strided_slice %add3A_678 {offsets = [6], sizes = [1], strides = [1]} : vector<16xi32> to vector<1xi32>
      %squeeze3A_1924 = vector.extract %slice3A_1923[0] : i32 from vector<1xi32>
      %broadcast_in_dim3A_1925 = vector.broadcast %squeeze3A_1924 : i32 to vector<16xi32>
      %slice3A_1926 = vector.extract_strided_slice %add3A_684 {offsets = [6], sizes = [1], strides = [1]} : vector<16xi32> to vector<1xi32>
      %squeeze3A_1927 = vector.extract %slice3A_1926[0] : i32 from vector<1xi32>
      %broadcast_in_dim3A_1928 = vector.broadcast %squeeze3A_1927 : i32 to vector<16xi32>
      %gt3A_1929 = arith.constant 6 : i32
      %gt3A_1930 = vector.broadcast %gt3A_1929 : i32 to vector<16xi32>
      %gt3A_1931 = arith.cmpi sgt, %iota3A, %gt3A_1930 : vector<16xi32>
      %select_n3A_1932 = arith.select %gt3A_1931, %broadcast_in_dim3A_369, %broadcast_in_dim3A_367 : vector<16xi1>, vector<16xi32>
      %eq3A_1933 = arith.cmpi eq, %add3A_678, %broadcast_in_dim3A_1925 : vector<16xi32>
      %select_n3A_1934 = arith.select %eq3A_1933, %select_n3A_1932, %broadcast_in_dim3A_367 : vector<16xi1>, vector<16xi32>
      %add3A_1935 = arith.addi %add3A_1913, %select_n3A_1934 : vector<16xi32>
      %eq3A_1936 = arith.cmpi eq, %add3A_684, %broadcast_in_dim3A_1928 : vector<16xi32>
      %select_n3A_1937 = arith.select %eq3A_1936, %select_n3A_1932, %broadcast_in_dim3A_367 : vector<16xi1>, vector<16xi32>
      %add3A_1938 = arith.addi %add3A_1916, %select_n3A_1937 : vector<16xi32>
      %eq3A_1939 = arith.cmpi eq, %add3A_784, %broadcast_in_dim3A_1925 : vector<16xi32>
      %select_n3A_1940 = arith.select %eq3A_1939, %broadcast_in_dim3A_369, %broadcast_in_dim3A_367 : vector<16xi1>, vector<16xi32>
      %add3A_1941 = arith.addi %add3A_1919, %select_n3A_1940 : vector<16xi32>
      %eq3A_1942 = arith.cmpi eq, %add3A_790, %broadcast_in_dim3A_1928 : vector<16xi32>
      %select_n3A_1943 = arith.select %eq3A_1942, %broadcast_in_dim3A_369, %broadcast_in_dim3A_367 : vector<16xi1>, vector<16xi32>
      %add3A_1944 = arith.addi %add3A_1922, %select_n3A_1943 : vector<16xi32>
      %slice3A_1945 = vector.extract_strided_slice %add3A_678 {offsets = [7], sizes = [1], strides = [1]} : vector<16xi32> to vector<1xi32>
      %squeeze3A_1946 = vector.extract %slice3A_1945[0] : i32 from vector<1xi32>
      %broadcast_in_dim3A_1947 = vector.broadcast %squeeze3A_1946 : i32 to vector<16xi32>
      %slice3A_1948 = vector.extract_strided_slice %add3A_684 {offsets = [7], sizes = [1], strides = [1]} : vector<16xi32> to vector<1xi32>
      %squeeze3A_1949 = vector.extract %slice3A_1948[0] : i32 from vector<1xi32>
      %broadcast_in_dim3A_1950 = vector.broadcast %squeeze3A_1949 : i32 to vector<16xi32>
      %gt3A_1951 = arith.constant 7 : i32
      %gt3A_1952 = vector.broadcast %gt3A_1951 : i32 to vector<16xi32>
      %gt3A_1953 = arith.cmpi sgt, %iota3A, %gt3A_1952 : vector<16xi32>
      %select_n3A_1954 = arith.select %gt3A_1953, %broadcast_in_dim3A_369, %broadcast_in_dim3A_367 : vector<16xi1>, vector<16xi32>
      %eq3A_1955 = arith.cmpi eq, %add3A_678, %broadcast_in_dim3A_1947 : vector<16xi32>
      %select_n3A_1956 = arith.select %eq3A_1955, %select_n3A_1954, %broadcast_in_dim3A_367 : vector<16xi1>, vector<16xi32>
      %add3A_1957 = arith.addi %add3A_1935, %select_n3A_1956 : vector<16xi32>
      %eq3A_1958 = arith.cmpi eq, %add3A_684, %broadcast_in_dim3A_1950 : vector<16xi32>
      %select_n3A_1959 = arith.select %eq3A_1958, %select_n3A_1954, %broadcast_in_dim3A_367 : vector<16xi1>, vector<16xi32>
      %add3A_1960 = arith.addi %add3A_1938, %select_n3A_1959 : vector<16xi32>
      %eq3A_1961 = arith.cmpi eq, %add3A_784, %broadcast_in_dim3A_1947 : vector<16xi32>
      %select_n3A_1962 = arith.select %eq3A_1961, %broadcast_in_dim3A_369, %broadcast_in_dim3A_367 : vector<16xi1>, vector<16xi32>
      %add3A_1963 = arith.addi %add3A_1941, %select_n3A_1962 : vector<16xi32>
      %eq3A_1964 = arith.cmpi eq, %add3A_790, %broadcast_in_dim3A_1950 : vector<16xi32>
      %select_n3A_1965 = arith.select %eq3A_1964, %broadcast_in_dim3A_369, %broadcast_in_dim3A_367 : vector<16xi1>, vector<16xi32>
      %add3A_1966 = arith.addi %add3A_1944, %select_n3A_1965 : vector<16xi32>
      %slice3A_1967 = vector.extract_strided_slice %add3A_678 {offsets = [8], sizes = [1], strides = [1]} : vector<16xi32> to vector<1xi32>
      %squeeze3A_1968 = vector.extract %slice3A_1967[0] : i32 from vector<1xi32>
      %broadcast_in_dim3A_1969 = vector.broadcast %squeeze3A_1968 : i32 to vector<16xi32>
      %slice3A_1970 = vector.extract_strided_slice %add3A_684 {offsets = [8], sizes = [1], strides = [1]} : vector<16xi32> to vector<1xi32>
      %squeeze3A_1971 = vector.extract %slice3A_1970[0] : i32 from vector<1xi32>
      %broadcast_in_dim3A_1972 = vector.broadcast %squeeze3A_1971 : i32 to vector<16xi32>
      %gt3A_1973 = arith.constant 8 : i32
      %gt3A_1974 = vector.broadcast %gt3A_1973 : i32 to vector<16xi32>
      %gt3A_1975 = arith.cmpi sgt, %iota3A, %gt3A_1974 : vector<16xi32>
      %select_n3A_1976 = arith.select %gt3A_1975, %broadcast_in_dim3A_369, %broadcast_in_dim3A_367 : vector<16xi1>, vector<16xi32>
      %eq3A_1977 = arith.cmpi eq, %add3A_678, %broadcast_in_dim3A_1969 : vector<16xi32>
      %select_n3A_1978 = arith.select %eq3A_1977, %select_n3A_1976, %broadcast_in_dim3A_367 : vector<16xi1>, vector<16xi32>
      %add3A_1979 = arith.addi %add3A_1957, %select_n3A_1978 : vector<16xi32>
      %eq3A_1980 = arith.cmpi eq, %add3A_684, %broadcast_in_dim3A_1972 : vector<16xi32>
      %select_n3A_1981 = arith.select %eq3A_1980, %select_n3A_1976, %broadcast_in_dim3A_367 : vector<16xi1>, vector<16xi32>
      %add3A_1982 = arith.addi %add3A_1960, %select_n3A_1981 : vector<16xi32>
      %eq3A_1983 = arith.cmpi eq, %add3A_784, %broadcast_in_dim3A_1969 : vector<16xi32>
      %select_n3A_1984 = arith.select %eq3A_1983, %broadcast_in_dim3A_369, %broadcast_in_dim3A_367 : vector<16xi1>, vector<16xi32>
      %add3A_1985 = arith.addi %add3A_1963, %select_n3A_1984 : vector<16xi32>
      %eq3A_1986 = arith.cmpi eq, %add3A_790, %broadcast_in_dim3A_1972 : vector<16xi32>
      %select_n3A_1987 = arith.select %eq3A_1986, %broadcast_in_dim3A_369, %broadcast_in_dim3A_367 : vector<16xi1>, vector<16xi32>
      %add3A_1988 = arith.addi %add3A_1966, %select_n3A_1987 : vector<16xi32>
      %slice3A_1989 = vector.extract_strided_slice %add3A_678 {offsets = [9], sizes = [1], strides = [1]} : vector<16xi32> to vector<1xi32>
      %squeeze3A_1990 = vector.extract %slice3A_1989[0] : i32 from vector<1xi32>
      %broadcast_in_dim3A_1991 = vector.broadcast %squeeze3A_1990 : i32 to vector<16xi32>
      %slice3A_1992 = vector.extract_strided_slice %add3A_684 {offsets = [9], sizes = [1], strides = [1]} : vector<16xi32> to vector<1xi32>
      %squeeze3A_1993 = vector.extract %slice3A_1992[0] : i32 from vector<1xi32>
      %broadcast_in_dim3A_1994 = vector.broadcast %squeeze3A_1993 : i32 to vector<16xi32>
      %gt3A_1995 = arith.constant 9 : i32
      %gt3A_1996 = vector.broadcast %gt3A_1995 : i32 to vector<16xi32>
      %gt3A_1997 = arith.cmpi sgt, %iota3A, %gt3A_1996 : vector<16xi32>
      %select_n3A_1998 = arith.select %gt3A_1997, %broadcast_in_dim3A_369, %broadcast_in_dim3A_367 : vector<16xi1>, vector<16xi32>
      %eq3A_1999 = arith.cmpi eq, %add3A_678, %broadcast_in_dim3A_1991 : vector<16xi32>
      %select_n3A_2000 = arith.select %eq3A_1999, %select_n3A_1998, %broadcast_in_dim3A_367 : vector<16xi1>, vector<16xi32>
      %add3A_2001 = arith.addi %add3A_1979, %select_n3A_2000 : vector<16xi32>
      %eq3A_2002 = arith.cmpi eq, %add3A_684, %broadcast_in_dim3A_1994 : vector<16xi32>
      %select_n3A_2003 = arith.select %eq3A_2002, %select_n3A_1998, %broadcast_in_dim3A_367 : vector<16xi1>, vector<16xi32>
      %add3A_2004 = arith.addi %add3A_1982, %select_n3A_2003 : vector<16xi32>
      %eq3A_2005 = arith.cmpi eq, %add3A_784, %broadcast_in_dim3A_1991 : vector<16xi32>
      %select_n3A_2006 = arith.select %eq3A_2005, %broadcast_in_dim3A_369, %broadcast_in_dim3A_367 : vector<16xi1>, vector<16xi32>
      %add3A_2007 = arith.addi %add3A_1985, %select_n3A_2006 : vector<16xi32>
      %eq3A_2008 = arith.cmpi eq, %add3A_790, %broadcast_in_dim3A_1994 : vector<16xi32>
      %select_n3A_2009 = arith.select %eq3A_2008, %broadcast_in_dim3A_369, %broadcast_in_dim3A_367 : vector<16xi1>, vector<16xi32>
      %add3A_2010 = arith.addi %add3A_1988, %select_n3A_2009 : vector<16xi32>
      %slice3A_2011 = vector.extract_strided_slice %add3A_678 {offsets = [10], sizes = [1], strides = [1]} : vector<16xi32> to vector<1xi32>
      %squeeze3A_2012 = vector.extract %slice3A_2011[0] : i32 from vector<1xi32>
      %broadcast_in_dim3A_2013 = vector.broadcast %squeeze3A_2012 : i32 to vector<16xi32>
      %slice3A_2014 = vector.extract_strided_slice %add3A_684 {offsets = [10], sizes = [1], strides = [1]} : vector<16xi32> to vector<1xi32>
      %squeeze3A_2015 = vector.extract %slice3A_2014[0] : i32 from vector<1xi32>
      %broadcast_in_dim3A_2016 = vector.broadcast %squeeze3A_2015 : i32 to vector<16xi32>
      %gt3A_2017 = arith.constant 10 : i32
      %gt3A_2018 = vector.broadcast %gt3A_2017 : i32 to vector<16xi32>
      %gt3A_2019 = arith.cmpi sgt, %iota3A, %gt3A_2018 : vector<16xi32>
      %select_n3A_2020 = arith.select %gt3A_2019, %broadcast_in_dim3A_369, %broadcast_in_dim3A_367 : vector<16xi1>, vector<16xi32>
      %eq3A_2021 = arith.cmpi eq, %add3A_678, %broadcast_in_dim3A_2013 : vector<16xi32>
      %select_n3A_2022 = arith.select %eq3A_2021, %select_n3A_2020, %broadcast_in_dim3A_367 : vector<16xi1>, vector<16xi32>
      %add3A_2023 = arith.addi %add3A_2001, %select_n3A_2022 : vector<16xi32>
      %eq3A_2024 = arith.cmpi eq, %add3A_684, %broadcast_in_dim3A_2016 : vector<16xi32>
      %select_n3A_2025 = arith.select %eq3A_2024, %select_n3A_2020, %broadcast_in_dim3A_367 : vector<16xi1>, vector<16xi32>
      %add3A_2026 = arith.addi %add3A_2004, %select_n3A_2025 : vector<16xi32>
      %eq3A_2027 = arith.cmpi eq, %add3A_784, %broadcast_in_dim3A_2013 : vector<16xi32>
      %select_n3A_2028 = arith.select %eq3A_2027, %broadcast_in_dim3A_369, %broadcast_in_dim3A_367 : vector<16xi1>, vector<16xi32>
      %add3A_2029 = arith.addi %add3A_2007, %select_n3A_2028 : vector<16xi32>
      %eq3A_2030 = arith.cmpi eq, %add3A_790, %broadcast_in_dim3A_2016 : vector<16xi32>
      %select_n3A_2031 = arith.select %eq3A_2030, %broadcast_in_dim3A_369, %broadcast_in_dim3A_367 : vector<16xi1>, vector<16xi32>
      %add3A_2032 = arith.addi %add3A_2010, %select_n3A_2031 : vector<16xi32>
      %slice3A_2033 = vector.extract_strided_slice %add3A_678 {offsets = [11], sizes = [1], strides = [1]} : vector<16xi32> to vector<1xi32>
      %squeeze3A_2034 = vector.extract %slice3A_2033[0] : i32 from vector<1xi32>
      %broadcast_in_dim3A_2035 = vector.broadcast %squeeze3A_2034 : i32 to vector<16xi32>
      %slice3A_2036 = vector.extract_strided_slice %add3A_684 {offsets = [11], sizes = [1], strides = [1]} : vector<16xi32> to vector<1xi32>
      %squeeze3A_2037 = vector.extract %slice3A_2036[0] : i32 from vector<1xi32>
      %broadcast_in_dim3A_2038 = vector.broadcast %squeeze3A_2037 : i32 to vector<16xi32>
      %gt3A_2039 = arith.constant 11 : i32
      %gt3A_2040 = vector.broadcast %gt3A_2039 : i32 to vector<16xi32>
      %gt3A_2041 = arith.cmpi sgt, %iota3A, %gt3A_2040 : vector<16xi32>
      %select_n3A_2042 = arith.select %gt3A_2041, %broadcast_in_dim3A_369, %broadcast_in_dim3A_367 : vector<16xi1>, vector<16xi32>
      %eq3A_2043 = arith.cmpi eq, %add3A_678, %broadcast_in_dim3A_2035 : vector<16xi32>
      %select_n3A_2044 = arith.select %eq3A_2043, %select_n3A_2042, %broadcast_in_dim3A_367 : vector<16xi1>, vector<16xi32>
      %add3A_2045 = arith.addi %add3A_2023, %select_n3A_2044 : vector<16xi32>
      %eq3A_2046 = arith.cmpi eq, %add3A_684, %broadcast_in_dim3A_2038 : vector<16xi32>
      %select_n3A_2047 = arith.select %eq3A_2046, %select_n3A_2042, %broadcast_in_dim3A_367 : vector<16xi1>, vector<16xi32>
      %add3A_2048 = arith.addi %add3A_2026, %select_n3A_2047 : vector<16xi32>
      %eq3A_2049 = arith.cmpi eq, %add3A_784, %broadcast_in_dim3A_2035 : vector<16xi32>
      %select_n3A_2050 = arith.select %eq3A_2049, %broadcast_in_dim3A_369, %broadcast_in_dim3A_367 : vector<16xi1>, vector<16xi32>
      %add3A_2051 = arith.addi %add3A_2029, %select_n3A_2050 : vector<16xi32>
      %eq3A_2052 = arith.cmpi eq, %add3A_790, %broadcast_in_dim3A_2038 : vector<16xi32>
      %select_n3A_2053 = arith.select %eq3A_2052, %broadcast_in_dim3A_369, %broadcast_in_dim3A_367 : vector<16xi1>, vector<16xi32>
      %add3A_2054 = arith.addi %add3A_2032, %select_n3A_2053 : vector<16xi32>
      %slice3A_2055 = vector.extract_strided_slice %add3A_678 {offsets = [12], sizes = [1], strides = [1]} : vector<16xi32> to vector<1xi32>
      %squeeze3A_2056 = vector.extract %slice3A_2055[0] : i32 from vector<1xi32>
      %broadcast_in_dim3A_2057 = vector.broadcast %squeeze3A_2056 : i32 to vector<16xi32>
      %slice3A_2058 = vector.extract_strided_slice %add3A_684 {offsets = [12], sizes = [1], strides = [1]} : vector<16xi32> to vector<1xi32>
      %squeeze3A_2059 = vector.extract %slice3A_2058[0] : i32 from vector<1xi32>
      %broadcast_in_dim3A_2060 = vector.broadcast %squeeze3A_2059 : i32 to vector<16xi32>
      %gt3A_2061 = arith.constant 12 : i32
      %gt3A_2062 = vector.broadcast %gt3A_2061 : i32 to vector<16xi32>
      %gt3A_2063 = arith.cmpi sgt, %iota3A, %gt3A_2062 : vector<16xi32>
      %select_n3A_2064 = arith.select %gt3A_2063, %broadcast_in_dim3A_369, %broadcast_in_dim3A_367 : vector<16xi1>, vector<16xi32>
      %eq3A_2065 = arith.cmpi eq, %add3A_678, %broadcast_in_dim3A_2057 : vector<16xi32>
      %select_n3A_2066 = arith.select %eq3A_2065, %select_n3A_2064, %broadcast_in_dim3A_367 : vector<16xi1>, vector<16xi32>
      %add3A_2067 = arith.addi %add3A_2045, %select_n3A_2066 : vector<16xi32>
      %eq3A_2068 = arith.cmpi eq, %add3A_684, %broadcast_in_dim3A_2060 : vector<16xi32>
      %select_n3A_2069 = arith.select %eq3A_2068, %select_n3A_2064, %broadcast_in_dim3A_367 : vector<16xi1>, vector<16xi32>
      %add3A_2070 = arith.addi %add3A_2048, %select_n3A_2069 : vector<16xi32>
      %eq3A_2071 = arith.cmpi eq, %add3A_784, %broadcast_in_dim3A_2057 : vector<16xi32>
      %select_n3A_2072 = arith.select %eq3A_2071, %broadcast_in_dim3A_369, %broadcast_in_dim3A_367 : vector<16xi1>, vector<16xi32>
      %add3A_2073 = arith.addi %add3A_2051, %select_n3A_2072 : vector<16xi32>
      %eq3A_2074 = arith.cmpi eq, %add3A_790, %broadcast_in_dim3A_2060 : vector<16xi32>
      %select_n3A_2075 = arith.select %eq3A_2074, %broadcast_in_dim3A_369, %broadcast_in_dim3A_367 : vector<16xi1>, vector<16xi32>
      %add3A_2076 = arith.addi %add3A_2054, %select_n3A_2075 : vector<16xi32>
      %slice3A_2077 = vector.extract_strided_slice %add3A_678 {offsets = [13], sizes = [1], strides = [1]} : vector<16xi32> to vector<1xi32>
      %squeeze3A_2078 = vector.extract %slice3A_2077[0] : i32 from vector<1xi32>
      %broadcast_in_dim3A_2079 = vector.broadcast %squeeze3A_2078 : i32 to vector<16xi32>
      %slice3A_2080 = vector.extract_strided_slice %add3A_684 {offsets = [13], sizes = [1], strides = [1]} : vector<16xi32> to vector<1xi32>
      %squeeze3A_2081 = vector.extract %slice3A_2080[0] : i32 from vector<1xi32>
      %broadcast_in_dim3A_2082 = vector.broadcast %squeeze3A_2081 : i32 to vector<16xi32>
      %gt3A_2083 = arith.constant 13 : i32
      %gt3A_2084 = vector.broadcast %gt3A_2083 : i32 to vector<16xi32>
      %gt3A_2085 = arith.cmpi sgt, %iota3A, %gt3A_2084 : vector<16xi32>
      %select_n3A_2086 = arith.select %gt3A_2085, %broadcast_in_dim3A_369, %broadcast_in_dim3A_367 : vector<16xi1>, vector<16xi32>
      %eq3A_2087 = arith.cmpi eq, %add3A_678, %broadcast_in_dim3A_2079 : vector<16xi32>
      %select_n3A_2088 = arith.select %eq3A_2087, %select_n3A_2086, %broadcast_in_dim3A_367 : vector<16xi1>, vector<16xi32>
      %add3A_2089 = arith.addi %add3A_2067, %select_n3A_2088 : vector<16xi32>
      %eq3A_2090 = arith.cmpi eq, %add3A_684, %broadcast_in_dim3A_2082 : vector<16xi32>
      %select_n3A_2091 = arith.select %eq3A_2090, %select_n3A_2086, %broadcast_in_dim3A_367 : vector<16xi1>, vector<16xi32>
      %add3A_2092 = arith.addi %add3A_2070, %select_n3A_2091 : vector<16xi32>
      %eq3A_2093 = arith.cmpi eq, %add3A_784, %broadcast_in_dim3A_2079 : vector<16xi32>
      %select_n3A_2094 = arith.select %eq3A_2093, %broadcast_in_dim3A_369, %broadcast_in_dim3A_367 : vector<16xi1>, vector<16xi32>
      %add3A_2095 = arith.addi %add3A_2073, %select_n3A_2094 : vector<16xi32>
      %eq3A_2096 = arith.cmpi eq, %add3A_790, %broadcast_in_dim3A_2082 : vector<16xi32>
      %select_n3A_2097 = arith.select %eq3A_2096, %broadcast_in_dim3A_369, %broadcast_in_dim3A_367 : vector<16xi1>, vector<16xi32>
      %add3A_2098 = arith.addi %add3A_2076, %select_n3A_2097 : vector<16xi32>
      %slice3A_2099 = vector.extract_strided_slice %add3A_678 {offsets = [14], sizes = [1], strides = [1]} : vector<16xi32> to vector<1xi32>
      %squeeze3A_2100 = vector.extract %slice3A_2099[0] : i32 from vector<1xi32>
      %broadcast_in_dim3A_2101 = vector.broadcast %squeeze3A_2100 : i32 to vector<16xi32>
      %slice3A_2102 = vector.extract_strided_slice %add3A_684 {offsets = [14], sizes = [1], strides = [1]} : vector<16xi32> to vector<1xi32>
      %squeeze3A_2103 = vector.extract %slice3A_2102[0] : i32 from vector<1xi32>
      %broadcast_in_dim3A_2104 = vector.broadcast %squeeze3A_2103 : i32 to vector<16xi32>
      %gt3A_2105 = arith.constant 14 : i32
      %gt3A_2106 = vector.broadcast %gt3A_2105 : i32 to vector<16xi32>
      %gt3A_2107 = arith.cmpi sgt, %iota3A, %gt3A_2106 : vector<16xi32>
      %select_n3A_2108 = arith.select %gt3A_2107, %broadcast_in_dim3A_369, %broadcast_in_dim3A_367 : vector<16xi1>, vector<16xi32>
      %eq3A_2109 = arith.cmpi eq, %add3A_678, %broadcast_in_dim3A_2101 : vector<16xi32>
      %select_n3A_2110 = arith.select %eq3A_2109, %select_n3A_2108, %broadcast_in_dim3A_367 : vector<16xi1>, vector<16xi32>
      %add3A_2111 = arith.addi %add3A_2089, %select_n3A_2110 : vector<16xi32>
      %eq3A_2112 = arith.cmpi eq, %add3A_684, %broadcast_in_dim3A_2104 : vector<16xi32>
      %select_n3A_2113 = arith.select %eq3A_2112, %select_n3A_2108, %broadcast_in_dim3A_367 : vector<16xi1>, vector<16xi32>
      %add3A_2114 = arith.addi %add3A_2092, %select_n3A_2113 : vector<16xi32>
      %eq3A_2115 = arith.cmpi eq, %add3A_784, %broadcast_in_dim3A_2101 : vector<16xi32>
      %select_n3A_2116 = arith.select %eq3A_2115, %broadcast_in_dim3A_369, %broadcast_in_dim3A_367 : vector<16xi1>, vector<16xi32>
      %add3A_2117 = arith.addi %add3A_2095, %select_n3A_2116 : vector<16xi32>
      %eq3A_2118 = arith.cmpi eq, %add3A_790, %broadcast_in_dim3A_2104 : vector<16xi32>
      %select_n3A_2119 = arith.select %eq3A_2118, %broadcast_in_dim3A_369, %broadcast_in_dim3A_367 : vector<16xi1>, vector<16xi32>
      %add3A_2120 = arith.addi %add3A_2098, %select_n3A_2119 : vector<16xi32>
      %slice3A_2121 = vector.extract_strided_slice %add3A_678 {offsets = [15], sizes = [1], strides = [1]} : vector<16xi32> to vector<1xi32>
      %squeeze3A_2122 = vector.extract %slice3A_2121[0] : i32 from vector<1xi32>
      %broadcast_in_dim3A_2123 = vector.broadcast %squeeze3A_2122 : i32 to vector<16xi32>
      %slice3A_2124 = vector.extract_strided_slice %add3A_684 {offsets = [15], sizes = [1], strides = [1]} : vector<16xi32> to vector<1xi32>
      %squeeze3A_2125 = vector.extract %slice3A_2124[0] : i32 from vector<1xi32>
      %broadcast_in_dim3A_2126 = vector.broadcast %squeeze3A_2125 : i32 to vector<16xi32>
      %gt3A_2127 = arith.constant 15 : i32
      %gt3A_2128 = vector.broadcast %gt3A_2127 : i32 to vector<16xi32>
      %gt3A_2129 = arith.cmpi sgt, %iota3A, %gt3A_2128 : vector<16xi32>
      %select_n3A_2130 = arith.select %gt3A_2129, %broadcast_in_dim3A_369, %broadcast_in_dim3A_367 : vector<16xi1>, vector<16xi32>
      %eq3A_2131 = arith.cmpi eq, %add3A_678, %broadcast_in_dim3A_2123 : vector<16xi32>
      %select_n3A_2132 = arith.select %eq3A_2131, %select_n3A_2130, %broadcast_in_dim3A_367 : vector<16xi1>, vector<16xi32>
      %add3A_2133 = arith.addi %add3A_2111, %select_n3A_2132 : vector<16xi32>
      %eq3A_2134 = arith.cmpi eq, %add3A_684, %broadcast_in_dim3A_2126 : vector<16xi32>
      %select_n3A_2135 = arith.select %eq3A_2134, %select_n3A_2130, %broadcast_in_dim3A_367 : vector<16xi1>, vector<16xi32>
      %add3A_2136 = arith.addi %add3A_2114, %select_n3A_2135 : vector<16xi32>
      %eq3A_2137 = arith.cmpi eq, %add3A_784, %broadcast_in_dim3A_2123 : vector<16xi32>
      %select_n3A_2138 = arith.select %eq3A_2137, %broadcast_in_dim3A_369, %broadcast_in_dim3A_367 : vector<16xi1>, vector<16xi32>
      %add3A_2139 = arith.addi %add3A_2117, %select_n3A_2138 : vector<16xi32>
      %eq3A_2140 = arith.cmpi eq, %add3A_790, %broadcast_in_dim3A_2126 : vector<16xi32>
      %select_n3A_2141 = arith.select %eq3A_2140, %broadcast_in_dim3A_369, %broadcast_in_dim3A_367 : vector<16xi1>, vector<16xi32>
      %add3A_2142 = arith.addi %add3A_2120, %select_n3A_2141 : vector<16xi32>
      %slice3A_2143 = vector.extract_strided_slice %add3A_784 {offsets = [0], sizes = [1], strides = [1]} : vector<16xi32> to vector<1xi32>
      %squeeze3A_2144 = vector.extract %slice3A_2143[0] : i32 from vector<1xi32>
      %broadcast_in_dim3A_2145 = vector.broadcast %squeeze3A_2144 : i32 to vector<16xi32>
      %slice3A_2146 = vector.extract_strided_slice %add3A_790 {offsets = [0], sizes = [1], strides = [1]} : vector<16xi32> to vector<1xi32>
      %squeeze3A_2147 = vector.extract %slice3A_2146[0] : i32 from vector<1xi32>
      %broadcast_in_dim3A_2148 = vector.broadcast %squeeze3A_2147 : i32 to vector<16xi32>
      %gt3A_2149 = arith.constant 0 : i32
      %gt3A_2150 = vector.broadcast %gt3A_2149 : i32 to vector<16xi32>
      %gt3A_2151 = arith.cmpi sgt, %iota3A, %gt3A_2150 : vector<16xi32>
      %select_n3A_2152 = arith.select %gt3A_2151, %broadcast_in_dim3A_369, %broadcast_in_dim3A_367 : vector<16xi1>, vector<16xi32>
      %eq3A_2153 = arith.cmpi eq, %add3A_784, %broadcast_in_dim3A_2145 : vector<16xi32>
      %select_n3A_2154 = arith.select %eq3A_2153, %select_n3A_2152, %broadcast_in_dim3A_367 : vector<16xi1>, vector<16xi32>
      %add3A_2155 = arith.addi %add3A_2139, %select_n3A_2154 : vector<16xi32>
      %eq3A_2156 = arith.cmpi eq, %add3A_790, %broadcast_in_dim3A_2148 : vector<16xi32>
      %select_n3A_2157 = arith.select %eq3A_2156, %select_n3A_2152, %broadcast_in_dim3A_367 : vector<16xi1>, vector<16xi32>
      %add3A_2158 = arith.addi %add3A_2142, %select_n3A_2157 : vector<16xi32>
      %slice3A_2159 = vector.extract_strided_slice %add3A_784 {offsets = [1], sizes = [1], strides = [1]} : vector<16xi32> to vector<1xi32>
      %squeeze3A_2160 = vector.extract %slice3A_2159[0] : i32 from vector<1xi32>
      %broadcast_in_dim3A_2161 = vector.broadcast %squeeze3A_2160 : i32 to vector<16xi32>
      %slice3A_2162 = vector.extract_strided_slice %add3A_790 {offsets = [1], sizes = [1], strides = [1]} : vector<16xi32> to vector<1xi32>
      %squeeze3A_2163 = vector.extract %slice3A_2162[0] : i32 from vector<1xi32>
      %broadcast_in_dim3A_2164 = vector.broadcast %squeeze3A_2163 : i32 to vector<16xi32>
      %gt3A_2165 = arith.constant 1 : i32
      %gt3A_2166 = vector.broadcast %gt3A_2165 : i32 to vector<16xi32>
      %gt3A_2167 = arith.cmpi sgt, %iota3A, %gt3A_2166 : vector<16xi32>
      %select_n3A_2168 = arith.select %gt3A_2167, %broadcast_in_dim3A_369, %broadcast_in_dim3A_367 : vector<16xi1>, vector<16xi32>
      %eq3A_2169 = arith.cmpi eq, %add3A_784, %broadcast_in_dim3A_2161 : vector<16xi32>
      %select_n3A_2170 = arith.select %eq3A_2169, %select_n3A_2168, %broadcast_in_dim3A_367 : vector<16xi1>, vector<16xi32>
      %add3A_2171 = arith.addi %add3A_2155, %select_n3A_2170 : vector<16xi32>
      %eq3A_2172 = arith.cmpi eq, %add3A_790, %broadcast_in_dim3A_2164 : vector<16xi32>
      %select_n3A_2173 = arith.select %eq3A_2172, %select_n3A_2168, %broadcast_in_dim3A_367 : vector<16xi1>, vector<16xi32>
      %add3A_2174 = arith.addi %add3A_2158, %select_n3A_2173 : vector<16xi32>
      %broadcast_in_dim3A_2175 = arith.constant 0.000000e+00 : f32
      %broadcast_in_dim3A_2176 = vector.broadcast %broadcast_in_dim3A_2175 : f32 to vector<16xf32>
      %broadcast_in_dim3A_2177 = arith.constant 1.000000e+00 : f32
      %broadcast_in_dim3A_2178 = vector.broadcast %broadcast_in_dim3A_2177 : f32 to vector<16xf32>
      %add3A_2179 = arith.constant 0 : i32
      %add3A_2180 = vector.broadcast %add3A_2179 : i32 to vector<16xi32>
      %add3A_2181 = arith.addi %iota3A, %add3A_2180 : vector<16xi32>
      %lt3A_2182 = arith.constant 50 : i32
      %lt3A_2183 = vector.broadcast %lt3A_2182 : i32 to vector<16xi32>
      %lt3A_2184 = arith.cmpi slt, %add3A_2181, %lt3A_2183 : vector<16xi32>
      %select_n3A_2185 = arith.select %lt3A_2184, %broadcast_in_dim3A_2178, %broadcast_in_dim3A_2176 : vector<16xi1>, vector<16xf32>
      %eq3A_2186 = arith.constant 0 : i32
      %eq3A_2187 = vector.broadcast %eq3A_2186 : i32 to vector<16xi32>
      %eq3A_2188 = arith.cmpi eq, %add3A_1321, %eq3A_2187 : vector<16xi32>
      %select_n3A_2189 = arith.select %eq3A_2188, %select_n3A_2185, %broadcast_in_dim3A_2176 : vector<16xi1>, vector<16xf32>
      %eq3A_2190 = arith.constant 0 : i32
      %eq3A_2191 = vector.broadcast %eq3A_2190 : i32 to vector<16xi32>
      %eq3A_2192 = arith.cmpi eq, %add3A_1324, %eq3A_2191 : vector<16xi32>
      %select_n3A_2193 = arith.select %eq3A_2192, %select_n3A_2185, %broadcast_in_dim3A_2176 : vector<16xi1>, vector<16xf32>
      %add3A_2194 = arith.constant 16 : i32
      %add3A_2195 = vector.broadcast %add3A_2194 : i32 to vector<16xi32>
      %add3A_2196 = arith.addi %iota3A, %add3A_2195 : vector<16xi32>
      %lt3A_2197 = arith.constant 50 : i32
      %lt3A_2198 = vector.broadcast %lt3A_2197 : i32 to vector<16xi32>
      %lt3A_2199 = arith.cmpi slt, %add3A_2196, %lt3A_2198 : vector<16xi32>
      %select_n3A_2200 = arith.select %lt3A_2199, %broadcast_in_dim3A_2178, %broadcast_in_dim3A_2176 : vector<16xi1>, vector<16xf32>
      %eq3A_2201 = arith.constant 0 : i32
      %eq3A_2202 = vector.broadcast %eq3A_2201 : i32 to vector<16xi32>
      %eq3A_2203 = arith.cmpi eq, %add3A_1775, %eq3A_2202 : vector<16xi32>
      %select_n3A_2204 = arith.select %eq3A_2203, %select_n3A_2200, %broadcast_in_dim3A_2176 : vector<16xi1>, vector<16xf32>
      %eq3A_2205 = arith.constant 0 : i32
      %eq3A_2206 = vector.broadcast %eq3A_2205 : i32 to vector<16xi32>
      %eq3A_2207 = arith.cmpi eq, %add3A_1778, %eq3A_2206 : vector<16xi32>
      %select_n3A_2208 = arith.select %eq3A_2207, %select_n3A_2200, %broadcast_in_dim3A_2176 : vector<16xi1>, vector<16xf32>
      %add3A_2209 = arith.constant 32 : i32
      %add3A_2210 = vector.broadcast %add3A_2209 : i32 to vector<16xi32>
      %add3A_2211 = arith.addi %iota3A, %add3A_2210 : vector<16xi32>
      %lt3A_2212 = arith.constant 50 : i32
      %lt3A_2213 = vector.broadcast %lt3A_2212 : i32 to vector<16xi32>
      %lt3A_2214 = arith.cmpi slt, %add3A_2211, %lt3A_2213 : vector<16xi32>
      %select_n3A_2215 = arith.select %lt3A_2214, %broadcast_in_dim3A_2178, %broadcast_in_dim3A_2176 : vector<16xi1>, vector<16xf32>
      %eq3A_2216 = arith.constant 0 : i32
      %eq3A_2217 = vector.broadcast %eq3A_2216 : i32 to vector<16xi32>
      %eq3A_2218 = arith.cmpi eq, %add3A_2133, %eq3A_2217 : vector<16xi32>
      %select_n3A_2219 = arith.select %eq3A_2218, %select_n3A_2215, %broadcast_in_dim3A_2176 : vector<16xi1>, vector<16xf32>
      %eq3A_2220 = arith.constant 0 : i32
      %eq3A_2221 = vector.broadcast %eq3A_2220 : i32 to vector<16xi32>
      %eq3A_2222 = arith.cmpi eq, %add3A_2136, %eq3A_2221 : vector<16xi32>
      %select_n3A_2223 = arith.select %eq3A_2222, %select_n3A_2215, %broadcast_in_dim3A_2176 : vector<16xi1>, vector<16xf32>
      %add3A_2224 = arith.constant 48 : i32
      %add3A_2225 = vector.broadcast %add3A_2224 : i32 to vector<16xi32>
      %add3A_2226 = arith.addi %iota3A, %add3A_2225 : vector<16xi32>
      %lt3A_2227 = arith.constant 50 : i32
      %lt3A_2228 = vector.broadcast %lt3A_2227 : i32 to vector<16xi32>
      %lt3A_2229 = arith.cmpi slt, %add3A_2226, %lt3A_2228 : vector<16xi32>
      %select_n3A_2230 = arith.select %lt3A_2229, %broadcast_in_dim3A_2178, %broadcast_in_dim3A_2176 : vector<16xi1>, vector<16xf32>
      %eq3A_2231 = arith.constant 0 : i32
      %eq3A_2232 = vector.broadcast %eq3A_2231 : i32 to vector<16xi32>
      %eq3A_2233 = arith.cmpi eq, %add3A_2171, %eq3A_2232 : vector<16xi32>
      %select_n3A_2234 = arith.select %eq3A_2233, %select_n3A_2230, %broadcast_in_dim3A_2176 : vector<16xi1>, vector<16xf32>
      %eq3A_2235 = arith.constant 0 : i32
      %eq3A_2236 = vector.broadcast %eq3A_2235 : i32 to vector<16xi32>
      %eq3A_2237 = arith.cmpi eq, %add3A_2174, %eq3A_2236 : vector<16xi32>
      %select_n3A_2238 = arith.select %eq3A_2237, %select_n3A_2230, %broadcast_in_dim3A_2176 : vector<16xi1>, vector<16xf32>
      %dma_wait3A_2239 = arith.constant 0 : i32
      %dma_wait3A_2240 = tpu.memref_slice %arg2[%dma_wait3A_2239] : memref<22282240xf32, #tpu.memory_space<hbm>> -> memref<22282240xf32, #tpu.memory_space<hbm>>
      tpu.wait_indirect_dma semaphore(%arg20 : memref<!tpu.dma_semaphore, #tpu.memory_space<semaphore_mem>>) src(%dma_wait3A_2240 : memref<22282240xf32, #tpu.memory_space<hbm>>) dst(%arg13 : memref<64xf32, #tpu.memory_space<vmem>>)
      %dma_wait3A_2241 = arith.constant 0 : i32
      %dma_wait3A_2242 = tpu.memref_slice %arg2[%dma_wait3A_2241] : memref<22282240xf32, #tpu.memory_space<hbm>> -> memref<22282240xf32, #tpu.memory_space<hbm>>
      tpu.wait_indirect_dma semaphore(%arg20 : memref<!tpu.dma_semaphore, #tpu.memory_space<semaphore_mem>>) src(%dma_wait3A_2242 : memref<22282240xf32, #tpu.memory_space<hbm>>) dst(%arg14 : memref<64xf32, #tpu.memory_space<vmem>>)
      %dma_wait3A_2243 = arith.constant 0 : i32
      %dma_wait3A_2244 = tpu.memref_slice %arg2[%dma_wait3A_2243] : memref<22282240xf32, #tpu.memory_space<hbm>> -> memref<22282240xf32, #tpu.memory_space<hbm>>
      tpu.wait_indirect_dma semaphore(%arg20 : memref<!tpu.dma_semaphore, #tpu.memory_space<semaphore_mem>>) src(%dma_wait3A_2244 : memref<22282240xf32, #tpu.memory_space<hbm>>) dst(%arg15 : memref<64xf32, #tpu.memory_space<vmem>>)
      %dma_wait3A_2245 = arith.constant 0 : i32
      %dma_wait3A_2246 = tpu.memref_slice %arg2[%dma_wait3A_2245] : memref<22282240xf32, #tpu.memory_space<hbm>> -> memref<22282240xf32, #tpu.memory_space<hbm>>
      tpu.wait_indirect_dma semaphore(%arg20 : memref<!tpu.dma_semaphore, #tpu.memory_space<semaphore_mem>>) src(%dma_wait3A_2246 : memref<22282240xf32, #tpu.memory_space<hbm>>) dst(%arg16 : memref<64xf32, #tpu.memory_space<vmem>>)
      %dma_wait3A_2247 = arith.constant 0 : i32
      %dma_wait3A_2248 = tpu.memref_slice %arg2[%dma_wait3A_2247] : memref<22282240xf32, #tpu.memory_space<hbm>> -> memref<22282240xf32, #tpu.memory_space<hbm>>
      tpu.wait_indirect_dma semaphore(%arg20 : memref<!tpu.dma_semaphore, #tpu.memory_space<semaphore_mem>>) src(%dma_wait3A_2248 : memref<22282240xf32, #tpu.memory_space<hbm>>) dst(%arg17 : memref<64xf32, #tpu.memory_space<vmem>>)
      %dma_wait3A_2249 = arith.constant 0 : i32
      %dma_wait3A_2250 = tpu.memref_slice %arg2[%dma_wait3A_2249] : memref<22282240xf32, #tpu.memory_space<hbm>> -> memref<22282240xf32, #tpu.memory_space<hbm>>
      tpu.wait_indirect_dma semaphore(%arg20 : memref<!tpu.dma_semaphore, #tpu.memory_space<semaphore_mem>>) src(%dma_wait3A_2250 : memref<22282240xf32, #tpu.memory_space<hbm>>) dst(%arg18 : memref<64xf32, #tpu.memory_space<vmem>>)
      %broadcast_in_dim3A_2251 = arith.constant 0.000000e+00 : f32
      %broadcast_in_dim3A_2252 = vector.broadcast %broadcast_in_dim3A_2251 : f32 to vector<16xf32>
      %broadcast_in_dim3A_2253 = arith.constant 0.000000e+00 : f32
      %broadcast_in_dim3A_2254 = vector.broadcast %broadcast_in_dim3A_2253 : f32 to vector<16xf32>
      %broadcast_in_dim3A_2255 = arith.constant 0.000000e+00 : f32
      %broadcast_in_dim3A_2256 = vector.broadcast %broadcast_in_dim3A_2255 : f32 to vector<16xf32>
      %get3A_2257 = arith.constant 0 : index
      %get3A_2258 = tpu.vector_load %arg13[%get3A_2257] {strides = array<i32>} : memref<64xf32, #tpu.memory_space<vmem>>, vector<16xf32>,
      %get3A_2259 = vector.shape_cast %get3A_2258 : vector<16xf32> to vector<16xf32>
      %get3A_2260 = arith.constant 0 : index
      %get3A_2261 = tpu.vector_load %arg14[%get3A_2260] {strides = array<i32>} : memref<64xf32, #tpu.memory_space<vmem>>, vector<16xf32>,
      %get3A_2262 = vector.shape_cast %get3A_2261 : vector<16xf32> to vector<16xf32>
      %get3A_2263 = arith.constant 0 : index
      %get3A_2264 = tpu.vector_load %arg15[%get3A_2263] {strides = array<i32>} : memref<64xf32, #tpu.memory_space<vmem>>, vector<16xf32>,
      %get3A_2265 = vector.shape_cast %get3A_2264 : vector<16xf32> to vector<16xf32>
      %get3A_2266 = arith.constant 0 : index
      %get3A_2267 = tpu.vector_load %arg16[%get3A_2266] {strides = array<i32>} : memref<64xf32, #tpu.memory_space<vmem>>, vector<16xf32>,
      %get3A_2268 = vector.shape_cast %get3A_2267 : vector<16xf32> to vector<16xf32>
      %get3A_2269 = arith.constant 0 : index
      %get3A_2270 = tpu.vector_load %arg17[%get3A_2269] {strides = array<i32>} : memref<64xf32, #tpu.memory_space<vmem>>, vector<16xf32>,
      %get3A_2271 = vector.shape_cast %get3A_2270 : vector<16xf32> to vector<16xf32>
      %get3A_2272 = arith.constant 0 : index
      %get3A_2273 = tpu.vector_load %arg18[%get3A_2272] {strides = array<i32>} : memref<64xf32, #tpu.memory_space<vmem>>, vector<16xf32>,
      %get3A_2274 = vector.shape_cast %get3A_2273 : vector<16xf32> to vector<16xf32>
      %mul3A_2275 = arith.constant 5.000000e-01 : f32
      %mul3A_2276 = vector.broadcast %mul3A_2275 : f32 to vector<16xf32>
      %mul3A_2277 = arith.mulf %get3A_2265, %mul3A_2276 : vector<16xf32>
      %sub3A_2278 = arith.subf %get3A_2259, %mul3A_2277 : vector<16xf32>
      %mul3A_2279 = arith.constant 5.000000e-01 : f32
      %mul3A_2280 = vector.broadcast %mul3A_2279 : f32 to vector<16xf32>
      %mul3A_2281 = arith.mulf %get3A_2268, %mul3A_2280 : vector<16xf32>
      %sub3A_2282 = arith.subf %get3A_2262, %mul3A_2281 : vector<16xf32>
      %mul3A_2283 = arith.constant 5.000000e-01 : f32
      %mul3A_2284 = vector.broadcast %mul3A_2283 : f32 to vector<16xf32>
      %mul3A_2285 = arith.mulf %get3A_2265, %mul3A_2284 : vector<16xf32>
      %add3A_2286 = arith.addf %get3A_2259, %mul3A_2285 : vector<16xf32>
      %mul3A_2287 = arith.constant 5.000000e-01 : f32
      %mul3A_2288 = vector.broadcast %mul3A_2287 : f32 to vector<16xf32>
      %mul3A_2289 = arith.mulf %get3A_2268, %mul3A_2288 : vector<16xf32>
      %add3A_2290 = arith.addf %get3A_2262, %mul3A_2289 : vector<16xf32>
      %mul3A_2291 = arith.constant 5.000000e-01 : f32
      %mul3A_2292 = vector.broadcast %mul3A_2291 : f32 to vector<16xf32>
      %mul3A_2293 = arith.mulf %get3A_392, %mul3A_2292 : vector<16xf32>
      %sub3A_2294 = arith.subf %get3A_386, %mul3A_2293 : vector<16xf32>
      %mul3A_2295 = arith.constant 1.280000e+02 : f32
      %mul3A_2296 = vector.broadcast %mul3A_2295 : f32 to vector<16xf32>
      %mul3A_2297 = arith.mulf %sub3A_2294, %mul3A_2296 : vector<16xf32>
      %mul3A_2298 = arith.constant 5.000000e-01 : f32
      %mul3A_2299 = vector.broadcast %mul3A_2298 : f32 to vector<16xf32>
      %mul3A_2300 = arith.mulf %get3A_395, %mul3A_2299 : vector<16xf32>
      %sub3A_2301 = arith.subf %get3A_389, %mul3A_2300 : vector<16xf32>
      %mul3A_2302 = arith.constant 1.280000e+02 : f32
      %mul3A_2303 = vector.broadcast %mul3A_2302 : f32 to vector<16xf32>
      %mul3A_2304 = arith.mulf %sub3A_2301, %mul3A_2303 : vector<16xf32>
      %mul3A_2305 = arith.constant 5.000000e-01 : f32
      %mul3A_2306 = vector.broadcast %mul3A_2305 : f32 to vector<16xf32>
      %mul3A_2307 = arith.mulf %get3A_392, %mul3A_2306 : vector<16xf32>
      %add3A_2308 = arith.addf %get3A_386, %mul3A_2307 : vector<16xf32>
      %mul3A_2309 = arith.constant 1.280000e+02 : f32
      %mul3A_2310 = vector.broadcast %mul3A_2309 : f32 to vector<16xf32>
      %mul3A_2311 = arith.mulf %add3A_2308, %mul3A_2310 : vector<16xf32>
      %mul3A_2312 = arith.constant 5.000000e-01 : f32
      %mul3A_2313 = vector.broadcast %mul3A_2312 : f32 to vector<16xf32>
      %mul3A_2314 = arith.mulf %get3A_395, %mul3A_2313 : vector<16xf32>
      %add3A_2315 = arith.addf %get3A_389, %mul3A_2314 : vector<16xf32>
      %mul3A_2316 = arith.constant 1.280000e+02 : f32
      %mul3A_2317 = vector.broadcast %mul3A_2316 : f32 to vector<16xf32>
      %mul3A_2318 = arith.mulf %add3A_2315, %mul3A_2317 : vector<16xf32>
      %max3A = arith.maximumf %sub3A_2278, %mul3A_2297 : vector<16xf32>
      %max3A_2319 = arith.maximumf %sub3A_2282, %mul3A_2304 : vector<16xf32>
      %min3A_2320 = arith.minimumf %add3A_2286, %mul3A_2311 : vector<16xf32>
      %min3A_2321 = arith.minimumf %add3A_2290, %mul3A_2318 : vector<16xf32>
      %sub3A_2322 = arith.subf %min3A_2320, %max3A : vector<16xf32>
      %max3A_2323 = arith.constant 0.000000e+00 : f32
      %max3A_2324 = vector.broadcast %max3A_2323 : f32 to vector<16xf32>
      %max3A_2325 = arith.maximumf %sub3A_2322, %max3A_2324 : vector<16xf32>
      %sub3A_2326 = arith.subf %min3A_2321, %max3A_2319 : vector<16xf32>
      %max3A_2327 = arith.constant 0.000000e+00 : f32
      %max3A_2328 = vector.broadcast %max3A_2327 : f32 to vector<16xf32>
      %max3A_2329 = arith.maximumf %sub3A_2326, %max3A_2328 : vector<16xf32>
      %mul3A_2330 = arith.mulf %max3A_2325, %max3A_2329 : vector<16xf32>
      %sub3A_2331 = arith.subf %add3A_2286, %sub3A_2278 : vector<16xf32>
      %sub3A_2332 = arith.subf %add3A_2290, %sub3A_2282 : vector<16xf32>
      %mul3A_2333 = arith.mulf %sub3A_2331, %sub3A_2332 : vector<16xf32>
      %sub3A_2334 = arith.subf %mul3A_2311, %mul3A_2297 : vector<16xf32>
      %sub3A_2335 = arith.subf %mul3A_2318, %mul3A_2304 : vector<16xf32>
      %mul3A_2336 = arith.mulf %sub3A_2334, %sub3A_2335 : vector<16xf32>
      %add3A_2337 = arith.addf %mul3A_2333, %mul3A_2336 : vector<16xf32>
      %sub3A_2338 = arith.subf %add3A_2337, %mul3A_2330 : vector<16xf32>
      %add3A_2339 = arith.constant 1.000000e-07 : f32
      %add3A_2340 = vector.broadcast %add3A_2339 : f32 to vector<16xf32>
      %add3A_2341 = arith.addf %sub3A_2338, %add3A_2340 : vector<16xf32>
      %div3A = arith.divf %mul3A_2330, %add3A_2341 : vector<16xf32>
      %sub3A_2342 = arith.constant 1.000000e+00 : f32
      %sub3A_2343 = vector.broadcast %sub3A_2342 : f32 to vector<16xf32>
      %sub3A_2344 = arith.subf %sub3A_2343, %div3A : vector<16xf32>
      %mul3A_2345 = arith.mulf %select_n3A_2185, %sub3A_2344 : vector<16xf32>
      %add3A_2346 = arith.addf %broadcast_in_dim3A_2252, %mul3A_2345 : vector<16xf32>
      %mul3A_2347 = arith.mulf %select_n3A_2189, %get3A_2271 : vector<16xf32>
      %add3A_2348 = arith.addf %broadcast_in_dim3A_2254, %mul3A_2347 : vector<16xf32>
      %mul3A_2349 = arith.mulf %select_n3A_2193, %get3A_2274 : vector<16xf32>
      %add3A_2350 = arith.addf %broadcast_in_dim3A_2256, %mul3A_2349 : vector<16xf32>
      %get3A_2351 = arith.constant 16 : index
      %get3A_2352 = tpu.vector_load %arg13[%get3A_2351] {strides = array<i32>} : memref<64xf32, #tpu.memory_space<vmem>>, vector<16xf32>,
      %get3A_2353 = vector.shape_cast %get3A_2352 : vector<16xf32> to vector<16xf32>
      %get3A_2354 = arith.constant 16 : index
      %get3A_2355 = tpu.vector_load %arg14[%get3A_2354] {strides = array<i32>} : memref<64xf32, #tpu.memory_space<vmem>>, vector<16xf32>,
      %get3A_2356 = vector.shape_cast %get3A_2355 : vector<16xf32> to vector<16xf32>
      %get3A_2357 = arith.constant 16 : index
      %get3A_2358 = tpu.vector_load %arg15[%get3A_2357] {strides = array<i32>} : memref<64xf32, #tpu.memory_space<vmem>>, vector<16xf32>,
      %get3A_2359 = vector.shape_cast %get3A_2358 : vector<16xf32> to vector<16xf32>
      %get3A_2360 = arith.constant 16 : index
      %get3A_2361 = tpu.vector_load %arg16[%get3A_2360] {strides = array<i32>} : memref<64xf32, #tpu.memory_space<vmem>>, vector<16xf32>,
      %get3A_2362 = vector.shape_cast %get3A_2361 : vector<16xf32> to vector<16xf32>
      %get3A_2363 = arith.constant 16 : index
      %get3A_2364 = tpu.vector_load %arg17[%get3A_2363] {strides = array<i32>} : memref<64xf32, #tpu.memory_space<vmem>>, vector<16xf32>,
      %get3A_2365 = vector.shape_cast %get3A_2364 : vector<16xf32> to vector<16xf32>
      %get3A_2366 = arith.constant 16 : index
      %get3A_2367 = tpu.vector_load %arg18[%get3A_2366] {strides = array<i32>} : memref<64xf32, #tpu.memory_space<vmem>>, vector<16xf32>,
      %get3A_2368 = vector.shape_cast %get3A_2367 : vector<16xf32> to vector<16xf32>
      %mul3A_2369 = arith.constant 5.000000e-01 : f32
      %mul3A_2370 = vector.broadcast %mul3A_2369 : f32 to vector<16xf32>
      %mul3A_2371 = arith.mulf %get3A_2359, %mul3A_2370 : vector<16xf32>
      %sub3A_2372 = arith.subf %get3A_2353, %mul3A_2371 : vector<16xf32>
      %mul3A_2373 = arith.constant 5.000000e-01 : f32
      %mul3A_2374 = vector.broadcast %mul3A_2373 : f32 to vector<16xf32>
      %mul3A_2375 = arith.mulf %get3A_2362, %mul3A_2374 : vector<16xf32>
      %sub3A_2376 = arith.subf %get3A_2356, %mul3A_2375 : vector<16xf32>
      %mul3A_2377 = arith.constant 5.000000e-01 : f32
      %mul3A_2378 = vector.broadcast %mul3A_2377 : f32 to vector<16xf32>
      %mul3A_2379 = arith.mulf %get3A_2359, %mul3A_2378 : vector<16xf32>
      %add3A_2380 = arith.addf %get3A_2353, %mul3A_2379 : vector<16xf32>
      %mul3A_2381 = arith.constant 5.000000e-01 : f32
      %mul3A_2382 = vector.broadcast %mul3A_2381 : f32 to vector<16xf32>
      %mul3A_2383 = arith.mulf %get3A_2362, %mul3A_2382 : vector<16xf32>
      %add3A_2384 = arith.addf %get3A_2356, %mul3A_2383 : vector<16xf32>
      %mul3A_2385 = arith.constant 5.000000e-01 : f32
      %mul3A_2386 = vector.broadcast %mul3A_2385 : f32 to vector<16xf32>
      %mul3A_2387 = arith.mulf %get3A_498, %mul3A_2386 : vector<16xf32>
      %sub3A_2388 = arith.subf %get3A_492, %mul3A_2387 : vector<16xf32>
      %mul3A_2389 = arith.constant 1.280000e+02 : f32
      %mul3A_2390 = vector.broadcast %mul3A_2389 : f32 to vector<16xf32>
      %mul3A_2391 = arith.mulf %sub3A_2388, %mul3A_2390 : vector<16xf32>
      %mul3A_2392 = arith.constant 5.000000e-01 : f32
      %mul3A_2393 = vector.broadcast %mul3A_2392 : f32 to vector<16xf32>
      %mul3A_2394 = arith.mulf %get3A_501, %mul3A_2393 : vector<16xf32>
      %sub3A_2395 = arith.subf %get3A_495, %mul3A_2394 : vector<16xf32>
      %mul3A_2396 = arith.constant 1.280000e+02 : f32
      %mul3A_2397 = vector.broadcast %mul3A_2396 : f32 to vector<16xf32>
      %mul3A_2398 = arith.mulf %sub3A_2395, %mul3A_2397 : vector<16xf32>
      %mul3A_2399 = arith.constant 5.000000e-01 : f32
      %mul3A_2400 = vector.broadcast %mul3A_2399 : f32 to vector<16xf32>
      %mul3A_2401 = arith.mulf %get3A_498, %mul3A_2400 : vector<16xf32>
      %add3A_2402 = arith.addf %get3A_492, %mul3A_2401 : vector<16xf32>
      %mul3A_2403 = arith.constant 1.280000e+02 : f32
      %mul3A_2404 = vector.broadcast %mul3A_2403 : f32 to vector<16xf32>
      %mul3A_2405 = arith.mulf %add3A_2402, %mul3A_2404 : vector<16xf32>
      %mul3A_2406 = arith.constant 5.000000e-01 : f32
      %mul3A_2407 = vector.broadcast %mul3A_2406 : f32 to vector<16xf32>
      %mul3A_2408 = arith.mulf %get3A_501, %mul3A_2407 : vector<16xf32>
      %add3A_2409 = arith.addf %get3A_495, %mul3A_2408 : vector<16xf32>
      %mul3A_2410 = arith.constant 1.280000e+02 : f32
      %mul3A_2411 = vector.broadcast %mul3A_2410 : f32 to vector<16xf32>
      %mul3A_2412 = arith.mulf %add3A_2409, %mul3A_2411 : vector<16xf32>
      %max3A_2413 = arith.maximumf %sub3A_2372, %mul3A_2391 : vector<16xf32>
      %max3A_2414 = arith.maximumf %sub3A_2376, %mul3A_2398 : vector<16xf32>
      %min3A_2415 = arith.minimumf %add3A_2380, %mul3A_2405 : vector<16xf32>
      %min3A_2416 = arith.minimumf %add3A_2384, %mul3A_2412 : vector<16xf32>
      %sub3A_2417 = arith.subf %min3A_2415, %max3A_2413 : vector<16xf32>
      %max3A_2418 = arith.constant 0.000000e+00 : f32
      %max3A_2419 = vector.broadcast %max3A_2418 : f32 to vector<16xf32>
      %max3A_2420 = arith.maximumf %sub3A_2417, %max3A_2419 : vector<16xf32>
      %sub3A_2421 = arith.subf %min3A_2416, %max3A_2414 : vector<16xf32>
      %max3A_2422 = arith.constant 0.000000e+00 : f32
      %max3A_2423 = vector.broadcast %max3A_2422 : f32 to vector<16xf32>
      %max3A_2424 = arith.maximumf %sub3A_2421, %max3A_2423 : vector<16xf32>
      %mul3A_2425 = arith.mulf %max3A_2420, %max3A_2424 : vector<16xf32>
      %sub3A_2426 = arith.subf %add3A_2380, %sub3A_2372 : vector<16xf32>
      %sub3A_2427 = arith.subf %add3A_2384, %sub3A_2376 : vector<16xf32>
      %mul3A_2428 = arith.mulf %sub3A_2426, %sub3A_2427 : vector<16xf32>
      %sub3A_2429 = arith.subf %mul3A_2405, %mul3A_2391 : vector<16xf32>
      %sub3A_2430 = arith.subf %mul3A_2412, %mul3A_2398 : vector<16xf32>
      %mul3A_2431 = arith.mulf %sub3A_2429, %sub3A_2430 : vector<16xf32>
      %add3A_2432 = arith.addf %mul3A_2428, %mul3A_2431 : vector<16xf32>
      %sub3A_2433 = arith.subf %add3A_2432, %mul3A_2425 : vector<16xf32>
      %add3A_2434 = arith.constant 1.000000e-07 : f32
      %add3A_2435 = vector.broadcast %add3A_2434 : f32 to vector<16xf32>
      %add3A_2436 = arith.addf %sub3A_2433, %add3A_2435 : vector<16xf32>
      %div3A_2437 = arith.divf %mul3A_2425, %add3A_2436 : vector<16xf32>
      %sub3A_2438 = arith.constant 1.000000e+00 : f32
      %sub3A_2439 = vector.broadcast %sub3A_2438 : f32 to vector<16xf32>
      %sub3A_2440 = arith.subf %sub3A_2439, %div3A_2437 : vector<16xf32>
      %mul3A_2441 = arith.mulf %select_n3A_2200, %sub3A_2440 : vector<16xf32>
      %add3A_2442 = arith.addf %add3A_2346, %mul3A_2441 : vector<16xf32>
      %mul3A_2443 = arith.mulf %select_n3A_2204, %get3A_2365 : vector<16xf32>
      %add3A_2444 = arith.addf %add3A_2348, %mul3A_2443 : vector<16xf32>
      %mul3A_2445 = arith.mulf %select_n3A_2208, %get3A_2368 : vector<16xf32>
      %add3A_2446 = arith.addf %add3A_2350, %mul3A_2445 : vector<16xf32>
      %get3A_2447 = arith.constant 32 : index
      %get3A_2448 = tpu.vector_load %arg13[%get3A_2447] {strides = array<i32>} : memref<64xf32, #tpu.memory_space<vmem>>, vector<16xf32>,
      %get3A_2449 = vector.shape_cast %get3A_2448 : vector<16xf32> to vector<16xf32>
      %get3A_2450 = arith.constant 32 : index
      %get3A_2451 = tpu.vector_load %arg14[%get3A_2450] {strides = array<i32>} : memref<64xf32, #tpu.memory_space<vmem>>, vector<16xf32>,
      %get3A_2452 = vector.shape_cast %get3A_2451 : vector<16xf32> to vector<16xf32>
      %get3A_2453 = arith.constant 32 : index
      %get3A_2454 = tpu.vector_load %arg15[%get3A_2453] {strides = array<i32>} : memref<64xf32, #tpu.memory_space<vmem>>, vector<16xf32>,
      %get3A_2455 = vector.shape_cast %get3A_2454 : vector<16xf32> to vector<16xf32>
      %get3A_2456 = arith.constant 32 : index
      %get3A_2457 = tpu.vector_load %arg16[%get3A_2456] {strides = array<i32>} : memref<64xf32, #tpu.memory_space<vmem>>, vector<16xf32>,
      %get3A_2458 = vector.shape_cast %get3A_2457 : vector<16xf32> to vector<16xf32>
      %get3A_2459 = arith.constant 32 : index
      %get3A_2460 = tpu.vector_load %arg17[%get3A_2459] {strides = array<i32>} : memref<64xf32, #tpu.memory_space<vmem>>, vector<16xf32>,
      %get3A_2461 = vector.shape_cast %get3A_2460 : vector<16xf32> to vector<16xf32>
      %get3A_2462 = arith.constant 32 : index
      %get3A_2463 = tpu.vector_load %arg18[%get3A_2462] {strides = array<i32>} : memref<64xf32, #tpu.memory_space<vmem>>, vector<16xf32>,
      %get3A_2464 = vector.shape_cast %get3A_2463 : vector<16xf32> to vector<16xf32>
      %mul3A_2465 = arith.constant 5.000000e-01 : f32
      %mul3A_2466 = vector.broadcast %mul3A_2465 : f32 to vector<16xf32>
      %mul3A_2467 = arith.mulf %get3A_2455, %mul3A_2466 : vector<16xf32>
      %sub3A_2468 = arith.subf %get3A_2449, %mul3A_2467 : vector<16xf32>
      %mul3A_2469 = arith.constant 5.000000e-01 : f32
      %mul3A_2470 = vector.broadcast %mul3A_2469 : f32 to vector<16xf32>
      %mul3A_2471 = arith.mulf %get3A_2458, %mul3A_2470 : vector<16xf32>
      %sub3A_2472 = arith.subf %get3A_2452, %mul3A_2471 : vector<16xf32>
      %mul3A_2473 = arith.constant 5.000000e-01 : f32
      %mul3A_2474 = vector.broadcast %mul3A_2473 : f32 to vector<16xf32>
      %mul3A_2475 = arith.mulf %get3A_2455, %mul3A_2474 : vector<16xf32>
      %add3A_2476 = arith.addf %get3A_2449, %mul3A_2475 : vector<16xf32>
      %mul3A_2477 = arith.constant 5.000000e-01 : f32
      %mul3A_2478 = vector.broadcast %mul3A_2477 : f32 to vector<16xf32>
      %mul3A_2479 = arith.mulf %get3A_2458, %mul3A_2478 : vector<16xf32>
      %add3A_2480 = arith.addf %get3A_2452, %mul3A_2479 : vector<16xf32>
      %mul3A_2481 = arith.constant 5.000000e-01 : f32
      %mul3A_2482 = vector.broadcast %mul3A_2481 : f32 to vector<16xf32>
      %mul3A_2483 = arith.mulf %get3A_604, %mul3A_2482 : vector<16xf32>
      %sub3A_2484 = arith.subf %get3A_598, %mul3A_2483 : vector<16xf32>
      %mul3A_2485 = arith.constant 1.280000e+02 : f32
      %mul3A_2486 = vector.broadcast %mul3A_2485 : f32 to vector<16xf32>
      %mul3A_2487 = arith.mulf %sub3A_2484, %mul3A_2486 : vector<16xf32>
      %mul3A_2488 = arith.constant 5.000000e-01 : f32
      %mul3A_2489 = vector.broadcast %mul3A_2488 : f32 to vector<16xf32>
      %mul3A_2490 = arith.mulf %get3A_607, %mul3A_2489 : vector<16xf32>
      %sub3A_2491 = arith.subf %get3A_601, %mul3A_2490 : vector<16xf32>
      %mul3A_2492 = arith.constant 1.280000e+02 : f32
      %mul3A_2493 = vector.broadcast %mul3A_2492 : f32 to vector<16xf32>
      %mul3A_2494 = arith.mulf %sub3A_2491, %mul3A_2493 : vector<16xf32>
      %mul3A_2495 = arith.constant 5.000000e-01 : f32
      %mul3A_2496 = vector.broadcast %mul3A_2495 : f32 to vector<16xf32>
      %mul3A_2497 = arith.mulf %get3A_604, %mul3A_2496 : vector<16xf32>
      %add3A_2498 = arith.addf %get3A_598, %mul3A_2497 : vector<16xf32>
      %mul3A_2499 = arith.constant 1.280000e+02 : f32
      %mul3A_2500 = vector.broadcast %mul3A_2499 : f32 to vector<16xf32>
      %mul3A_2501 = arith.mulf %add3A_2498, %mul3A_2500 : vector<16xf32>
      %mul3A_2502 = arith.constant 5.000000e-01 : f32
      %mul3A_2503 = vector.broadcast %mul3A_2502 : f32 to vector<16xf32>
      %mul3A_2504 = arith.mulf %get3A_607, %mul3A_2503 : vector<16xf32>
      %add3A_2505 = arith.addf %get3A_601, %mul3A_2504 : vector<16xf32>
      %mul3A_2506 = arith.constant 1.280000e+02 : f32
      %mul3A_2507 = vector.broadcast %mul3A_2506 : f32 to vector<16xf32>
      %mul3A_2508 = arith.mulf %add3A_2505, %mul3A_2507 : vector<16xf32>
      %max3A_2509 = arith.maximumf %sub3A_2468, %mul3A_2487 : vector<16xf32>
      %max3A_2510 = arith.maximumf %sub3A_2472, %mul3A_2494 : vector<16xf32>
      %min3A_2511 = arith.minimumf %add3A_2476, %mul3A_2501 : vector<16xf32>
      %min3A_2512 = arith.minimumf %add3A_2480, %mul3A_2508 : vector<16xf32>
      %sub3A_2513 = arith.subf %min3A_2511, %max3A_2509 : vector<16xf32>
      %max3A_2514 = arith.constant 0.000000e+00 : f32
      %max3A_2515 = vector.broadcast %max3A_2514 : f32 to vector<16xf32>
      %max3A_2516 = arith.maximumf %sub3A_2513, %max3A_2515 : vector<16xf32>
      %sub3A_2517 = arith.subf %min3A_2512, %max3A_2510 : vector<16xf32>
      %max3A_2518 = arith.constant 0.000000e+00 : f32
      %max3A_2519 = vector.broadcast %max3A_2518 : f32 to vector<16xf32>
      %max3A_2520 = arith.maximumf %sub3A_2517, %max3A_2519 : vector<16xf32>
      %mul3A_2521 = arith.mulf %max3A_2516, %max3A_2520 : vector<16xf32>
      %sub3A_2522 = arith.subf %add3A_2476, %sub3A_2468 : vector<16xf32>
      %sub3A_2523 = arith.subf %add3A_2480, %sub3A_2472 : vector<16xf32>
      %mul3A_2524 = arith.mulf %sub3A_2522, %sub3A_2523 : vector<16xf32>
      %sub3A_2525 = arith.subf %mul3A_2501, %mul3A_2487 : vector<16xf32>
      %sub3A_2526 = arith.subf %mul3A_2508, %mul3A_2494 : vector<16xf32>
      %mul3A_2527 = arith.mulf %sub3A_2525, %sub3A_2526 : vector<16xf32>
      %add3A_2528 = arith.addf %mul3A_2524, %mul3A_2527 : vector<16xf32>
      %sub3A_2529 = arith.subf %add3A_2528, %mul3A_2521 : vector<16xf32>
      %add3A_2530 = arith.constant 1.000000e-07 : f32
      %add3A_2531 = vector.broadcast %add3A_2530 : f32 to vector<16xf32>
      %add3A_2532 = arith.addf %sub3A_2529, %add3A_2531 : vector<16xf32>
      %div3A_2533 = arith.divf %mul3A_2521, %add3A_2532 : vector<16xf32>
      %sub3A_2534 = arith.constant 1.000000e+00 : f32
      %sub3A_2535 = vector.broadcast %sub3A_2534 : f32 to vector<16xf32>
      %sub3A_2536 = arith.subf %sub3A_2535, %div3A_2533 : vector<16xf32>
      %mul3A_2537 = arith.mulf %select_n3A_2215, %sub3A_2536 : vector<16xf32>
      %add3A_2538 = arith.addf %add3A_2442, %mul3A_2537 : vector<16xf32>
      %mul3A_2539 = arith.mulf %select_n3A_2219, %get3A_2461 : vector<16xf32>
      %add3A_2540 = arith.addf %add3A_2444, %mul3A_2539 : vector<16xf32>
      %mul3A_2541 = arith.mulf %select_n3A_2223, %get3A_2464 : vector<16xf32>
      %add3A_2542 = arith.addf %add3A_2446, %mul3A_2541 : vector<16xf32>
      %get3A_2543 = arith.constant 48 : index
      %get3A_2544 = tpu.vector_load %arg13[%get3A_2543] {strides = array<i32>} : memref<64xf32, #tpu.memory_space<vmem>>, vector<16xf32>,
      %get3A_2545 = vector.shape_cast %get3A_2544 : vector<16xf32> to vector<16xf32>
      %get3A_2546 = arith.constant 48 : index
      %get3A_2547 = tpu.vector_load %arg14[%get3A_2546] {strides = array<i32>} : memref<64xf32, #tpu.memory_space<vmem>>, vector<16xf32>,
      %get3A_2548 = vector.shape_cast %get3A_2547 : vector<16xf32> to vector<16xf32>
      %get3A_2549 = arith.constant 48 : index
      %get3A_2550 = tpu.vector_load %arg15[%get3A_2549] {strides = array<i32>} : memref<64xf32, #tpu.memory_space<vmem>>, vector<16xf32>,
      %get3A_2551 = vector.shape_cast %get3A_2550 : vector<16xf32> to vector<16xf32>
      %get3A_2552 = arith.constant 48 : index
      %get3A_2553 = tpu.vector_load %arg16[%get3A_2552] {strides = array<i32>} : memref<64xf32, #tpu.memory_space<vmem>>, vector<16xf32>,
      %get3A_2554 = vector.shape_cast %get3A_2553 : vector<16xf32> to vector<16xf32>
      %get3A_2555 = arith.constant 48 : index
      %get3A_2556 = tpu.vector_load %arg17[%get3A_2555] {strides = array<i32>} : memref<64xf32, #tpu.memory_space<vmem>>, vector<16xf32>,
      %get3A_2557 = vector.shape_cast %get3A_2556 : vector<16xf32> to vector<16xf32>
      %get3A_2558 = arith.constant 48 : index
      %get3A_2559 = tpu.vector_load %arg18[%get3A_2558] {strides = array<i32>} : memref<64xf32, #tpu.memory_space<vmem>>, vector<16xf32>,
      %get3A_2560 = vector.shape_cast %get3A_2559 : vector<16xf32> to vector<16xf32>
      %mul3A_2561 = arith.constant 5.000000e-01 : f32
      %mul3A_2562 = vector.broadcast %mul3A_2561 : f32 to vector<16xf32>
      %mul3A_2563 = arith.mulf %get3A_2551, %mul3A_2562 : vector<16xf32>
      %sub3A_2564 = arith.subf %get3A_2545, %mul3A_2563 : vector<16xf32>
      %mul3A_2565 = arith.constant 5.000000e-01 : f32
      %mul3A_2566 = vector.broadcast %mul3A_2565 : f32 to vector<16xf32>
      %mul3A_2567 = arith.mulf %get3A_2554, %mul3A_2566 : vector<16xf32>
      %sub3A_2568 = arith.subf %get3A_2548, %mul3A_2567 : vector<16xf32>
      %mul3A_2569 = arith.constant 5.000000e-01 : f32
      %mul3A_2570 = vector.broadcast %mul3A_2569 : f32 to vector<16xf32>
      %mul3A_2571 = arith.mulf %get3A_2551, %mul3A_2570 : vector<16xf32>
      %add3A_2572 = arith.addf %get3A_2545, %mul3A_2571 : vector<16xf32>
      %mul3A_2573 = arith.constant 5.000000e-01 : f32
      %mul3A_2574 = vector.broadcast %mul3A_2573 : f32 to vector<16xf32>
      %mul3A_2575 = arith.mulf %get3A_2554, %mul3A_2574 : vector<16xf32>
      %add3A_2576 = arith.addf %get3A_2548, %mul3A_2575 : vector<16xf32>
      %mul3A_2577 = arith.constant 5.000000e-01 : f32
      %mul3A_2578 = vector.broadcast %mul3A_2577 : f32 to vector<16xf32>
      %mul3A_2579 = arith.mulf %get3A_710, %mul3A_2578 : vector<16xf32>
      %sub3A_2580 = arith.subf %get3A_704, %mul3A_2579 : vector<16xf32>
      %mul3A_2581 = arith.constant 1.280000e+02 : f32
      %mul3A_2582 = vector.broadcast %mul3A_2581 : f32 to vector<16xf32>
      %mul3A_2583 = arith.mulf %sub3A_2580, %mul3A_2582 : vector<16xf32>
      %mul3A_2584 = arith.constant 5.000000e-01 : f32
      %mul3A_2585 = vector.broadcast %mul3A_2584 : f32 to vector<16xf32>
      %mul3A_2586 = arith.mulf %get3A_713, %mul3A_2585 : vector<16xf32>
      %sub3A_2587 = arith.subf %get3A_707, %mul3A_2586 : vector<16xf32>
      %mul3A_2588 = arith.constant 1.280000e+02 : f32
      %mul3A_2589 = vector.broadcast %mul3A_2588 : f32 to vector<16xf32>
      %mul3A_2590 = arith.mulf %sub3A_2587, %mul3A_2589 : vector<16xf32>
      %mul3A_2591 = arith.constant 5.000000e-01 : f32
      %mul3A_2592 = vector.broadcast %mul3A_2591 : f32 to vector<16xf32>
      %mul3A_2593 = arith.mulf %get3A_710, %mul3A_2592 : vector<16xf32>
      %add3A_2594 = arith.addf %get3A_704, %mul3A_2593 : vector<16xf32>
      %mul3A_2595 = arith.constant 1.280000e+02 : f32
      %mul3A_2596 = vector.broadcast %mul3A_2595 : f32 to vector<16xf32>
      %mul3A_2597 = arith.mulf %add3A_2594, %mul3A_2596 : vector<16xf32>
      %mul3A_2598 = arith.constant 5.000000e-01 : f32
      %mul3A_2599 = vector.broadcast %mul3A_2598 : f32 to vector<16xf32>
      %mul3A_2600 = arith.mulf %get3A_713, %mul3A_2599 : vector<16xf32>
      %add3A_2601 = arith.addf %get3A_707, %mul3A_2600 : vector<16xf32>
      %mul3A_2602 = arith.constant 1.280000e+02 : f32
      %mul3A_2603 = vector.broadcast %mul3A_2602 : f32 to vector<16xf32>
      %mul3A_2604 = arith.mulf %add3A_2601, %mul3A_2603 : vector<16xf32>
      %max3A_2605 = arith.maximumf %sub3A_2564, %mul3A_2583 : vector<16xf32>
      %max3A_2606 = arith.maximumf %sub3A_2568, %mul3A_2590 : vector<16xf32>
      %min3A_2607 = arith.minimumf %add3A_2572, %mul3A_2597 : vector<16xf32>
      %min3A_2608 = arith.minimumf %add3A_2576, %mul3A_2604 : vector<16xf32>
      %sub3A_2609 = arith.subf %min3A_2607, %max3A_2605 : vector<16xf32>
      %max3A_2610 = arith.constant 0.000000e+00 : f32
      %max3A_2611 = vector.broadcast %max3A_2610 : f32 to vector<16xf32>
      %max3A_2612 = arith.maximumf %sub3A_2609, %max3A_2611 : vector<16xf32>
      %sub3A_2613 = arith.subf %min3A_2608, %max3A_2606 : vector<16xf32>
      %max3A_2614 = arith.constant 0.000000e+00 : f32
      %max3A_2615 = vector.broadcast %max3A_2614 : f32 to vector<16xf32>
      %max3A_2616 = arith.maximumf %sub3A_2613, %max3A_2615 : vector<16xf32>
      %mul3A_2617 = arith.mulf %max3A_2612, %max3A_2616 : vector<16xf32>
      %sub3A_2618 = arith.subf %add3A_2572, %sub3A_2564 : vector<16xf32>
      %sub3A_2619 = arith.subf %add3A_2576, %sub3A_2568 : vector<16xf32>
      %mul3A_2620 = arith.mulf %sub3A_2618, %sub3A_2619 : vector<16xf32>
      %sub3A_2621 = arith.subf %mul3A_2597, %mul3A_2583 : vector<16xf32>
      %sub3A_2622 = arith.subf %mul3A_2604, %mul3A_2590 : vector<16xf32>
      %mul3A_2623 = arith.mulf %sub3A_2621, %sub3A_2622 : vector<16xf32>
      %add3A_2624 = arith.addf %mul3A_2620, %mul3A_2623 : vector<16xf32>
      %sub3A_2625 = arith.subf %add3A_2624, %mul3A_2617 : vector<16xf32>
      %add3A_2626 = arith.constant 1.000000e-07 : f32
      %add3A_2627 = vector.broadcast %add3A_2626 : f32 to vector<16xf32>
      %add3A_2628 = arith.addf %sub3A_2625, %add3A_2627 : vector<16xf32>
      %div3A_2629 = arith.divf %mul3A_2617, %add3A_2628 : vector<16xf32>
      %sub3A_2630 = arith.constant 1.000000e+00 : f32
      %sub3A_2631 = vector.broadcast %sub3A_2630 : f32 to vector<16xf32>
      %sub3A_2632 = arith.subf %sub3A_2631, %div3A_2629 : vector<16xf32>
      %mul3A_2633 = arith.mulf %select_n3A_2230, %sub3A_2632 : vector<16xf32>
      %add3A_2634 = arith.addf %add3A_2538, %mul3A_2633 : vector<16xf32>
      %mul3A_2635 = arith.mulf %select_n3A_2234, %get3A_2557 : vector<16xf32>
      %add3A_2636 = arith.addf %add3A_2540, %mul3A_2635 : vector<16xf32>
      %mul3A_2637 = arith.mulf %select_n3A_2238, %get3A_2560 : vector<16xf32>
      %add3A_2638 = arith.addf %add3A_2542, %mul3A_2637 : vector<16xf32>
      %mul3A_2639 = arith.constant 5.000000e-02 : f32
      %mul3A_2640 = vector.broadcast %mul3A_2639 : f32 to vector<16xf32>
      %mul3A_2641 = arith.mulf %mul3A_2640, %add3A_2634 : vector<16xf32>
      %mul3A_2642 = arith.constant 6.10351563E-5 : f32
      %mul3A_2643 = vector.broadcast %mul3A_2642 : f32 to vector<16xf32>
      %mul3A_2644 = arith.mulf %mul3A_2643, %add3A_2636 : vector<16xf32>
      %sub3A_2645 = arith.subf %mul3A_2641, %mul3A_2644 : vector<16xf32>
      %mul3A_2646 = arith.constant 3.81469732E-7 : f32
      %mul3A_2647 = vector.broadcast %mul3A_2646 : f32 to vector<16xf32>
      %mul3A_2648 = arith.mulf %mul3A_2647, %add3A_2638 : vector<16xf32>
      %sub3A_2649 = arith.subf %sub3A_2645, %mul3A_2648 : vector<16xf32>
      %swap3A_2650 = arith.constant 0 : index
      %swap3A_2651 = tpu.vector_load %arg19[%swap3A_2650] {strides = array<i32>} : memref<16xf32, #tpu.memory_space<vmem>>, vector<16xf32>,
      %swap3A_2652 = vector.shape_cast %swap3A_2651 : vector<16xf32> to vector<16xf32>
      %swap3A_2653 = vector.shape_cast %sub3A_2649 : vector<16xf32> to vector<16xf32>
      tpu.vector_store %arg19[%swap3A_2650], %swap3A_2653 {strides = array<i32>} : memref<16xf32, #tpu.memory_space<vmem>>, vector<16xf32>,
      "tpu.region"() ({
        %run_scoped3A = tpu.sem_alloc : memref<!tpu.dma_semaphore, #tpu.memory_space<semaphore_mem>>
        %dma_start3A_2654 = arith.constant 0 : i32
        %dma_start3A_2655 = tpu.memref_slice %arg4[%add3A, %dma_start3A_2654] : memref<16x16xf32, #tpu.memory_space<hbm>> -> memref<1x16xf32, #tpu.memory_space<hbm>>
        %dma_start3A_2656 = tpu.memref_squeeze %dma_start3A_2655 : memref<1x16xf32, #tpu.memory_space<hbm>> -> memref<16xf32, #tpu.memory_space<hbm>>
        %dma_start3A_2657 = arith.constant 0 : i32
        %dma_start3A_2658 = tpu.memref_slice %arg4[%add3A, %dma_start3A_2657] : memref<16x16xf32, #tpu.memory_space<hbm>> -> memref<1x16xf32, #tpu.memory_space<hbm>>
        %dma_start3A_2659 = tpu.memref_squeeze %dma_start3A_2658 : memref<1x16xf32, #tpu.memory_space<hbm>> -> memref<16xf32, #tpu.memory_space<hbm>>
        tpu.enqueue_dma source(%arg19 : memref<16xf32, #tpu.memory_space<vmem>>) target(%dma_start3A_2659 : memref<16xf32, #tpu.memory_space<hbm>>) target_semaphore(%run_scoped3A : memref<!tpu.dma_semaphore, #tpu.memory_space<semaphore_mem>>)
        %dma_wait3A_2660 = arith.constant 0 : i32
        %dma_wait3A_2661 = tpu.memref_slice %arg4[%add3A, %dma_wait3A_2660] : memref<16x16xf32, #tpu.memory_space<hbm>> -> memref<1x16xf32, #tpu.memory_space<hbm>>
        %dma_wait3A_2662 = tpu.memref_squeeze %dma_wait3A_2661 : memref<1x16xf32, #tpu.memory_space<hbm>> -> memref<16xf32, #tpu.memory_space<hbm>>
        %dma_wait3A_2663 = arith.constant 0 : i32
        %dma_wait3A_2664 = tpu.memref_slice %arg4[%add3A, %dma_wait3A_2663] : memref<16x16xf32, #tpu.memory_space<hbm>> -> memref<1x16xf32, #tpu.memory_space<hbm>>
        %dma_wait3A_2665 = tpu.memref_squeeze %dma_wait3A_2664 : memref<1x16xf32, #tpu.memory_space<hbm>> -> memref<16xf32, #tpu.memory_space<hbm>>
        tpu.wait_dma2 semaphore(%run_scoped3A : memref<!tpu.dma_semaphore, #tpu.memory_space<semaphore_mem>>) src(%arg19 : memref<16xf32, #tpu.memory_space<vmem>>) dst(%dma_wait3A_2665 : memref<16xf32, #tpu.memory_space<hbm>>)
        tpu.yield
      }) : () -> ()
    } else {
    }
    return
  }
}

module attributes {stable_mosaic.version = 14 : i64} {
  func.func @_dense_body(%arg0: i32, %arg1: memref<2x85x128x128xf32, #tpu.memory_space<vmem>>, %arg2: memref<1x8x128xf32, #tpu.memory_space<vmem>>) attributes {dimension_semantics = [#tpu.dimension_semantics<parallel>], iteration_bounds = array<i64: 8>, scalar_prefetch = 0 : i64, scratch_operands = 0 : i64, tpu.core_type = #tpu.core_type<tc>, window_params = [{transform_indices = @transform_0, window_bounds = array<i64: 2, 85, 128, 128>}, {transform_indices = @transform_1, window_bounds = array<i64: 1, 8, 128>}]} {
    %get3A = arith.constant 0 : index
    %get3A_0 = arith.constant 0 : index
    %get3A_1 = arith.constant 0 : index
    %get3A_2 = arith.constant 0 : index
    %get3A_3 = vector.load %arg1[%get3A, %get3A_0, %get3A_1, %get3A_2] : memref<2x85x128x128xf32, #tpu.memory_space<vmem>>, vector<2x85x128x128xf32>
    %slice3A = vector.extract_strided_slice %get3A_3 {offsets = [0, 4, 0, 0], sizes = [2, 1, 128, 128], strides = [1, 1, 1, 1]} : vector<2x85x128x128xf32> to vector<2x1x128x128xf32>
    %slice3A_4 = vector.extract_strided_slice %get3A_3 {offsets = [0, 5, 0, 0], sizes = [2, 80, 128, 128], strides = [1, 1, 1, 1]} : vector<2x85x128x128xf32> to vector<2x80x128x128xf32>
    %mul3A = arith.constant 1.44269502 : f32
    %mul3A_5 = vector.broadcast %mul3A : f32 to vector<2x1x128x128xf32>
    %mul3A_6 = arith.mulf %slice3A, %mul3A_5 : vector<2x1x128x128xf32>
    %exp23A = math.exp2 %mul3A_6 : vector<2x1x128x128xf32>
    %add3A = arith.constant 1.000000e+00 : f32
    %add3A_7 = vector.broadcast %add3A : f32 to vector<2x1x128x128xf32>
    %add3A_8 = arith.addf %add3A_7, %exp23A : vector<2x1x128x128xf32>
    %log3A = math.log %add3A_8 : vector<2x1x128x128xf32>
    %log3A_9 = arith.constant 2.000000e+00 : f32
    %log3A_10 = math.log %log3A_9 : f32
    %div3A = vector.broadcast %log3A_10 : f32 to vector<2x1x128x128xf32>
    %div3A_11 = arith.divf %log3A, %div3A : vector<2x1x128x128xf32>
    %reduce_sum3A = vector.shape_cast %div3A_11 : vector<2x1x128x128xf32> to vector<1x2x1x128x128xf32>
    %reduce_sum3A_12 = arith.constant dense<0.000000e+00> : vector<1xf32>
    %reduce_sum3A_13 = vector.multi_reduction <add>, %reduce_sum3A, %reduce_sum3A_12 [1, 2, 3, 4] : vector<1x2x1x128x128xf32> to vector<1xf32>
    %reduce_sum3A_14 = vector.shape_cast %reduce_sum3A_13 : vector<1xf32> to vector<1x1x1x1x1xf32>
    %reduce_sum3A_15 = vector.extract %reduce_sum3A_14[0, 0, 0, 0, 0] : f32 from vector<1x1x1x1x1xf32>
    %mul3A_16 = arith.constant 1.44269502 : f32
    %mul3A_17 = vector.broadcast %mul3A_16 : f32 to vector<2x80x128x128xf32>
    %mul3A_18 = arith.mulf %slice3A_4, %mul3A_17 : vector<2x80x128x128xf32>
    %exp23A_19 = math.exp2 %mul3A_18 : vector<2x80x128x128xf32>
    %add3A_20 = arith.constant 1.000000e+00 : f32
    %add3A_21 = vector.broadcast %add3A_20 : f32 to vector<2x80x128x128xf32>
    %add3A_22 = arith.addf %add3A_21, %exp23A_19 : vector<2x80x128x128xf32>
    %log3A_23 = math.log %add3A_22 : vector<2x80x128x128xf32>
    %log3A_24 = arith.constant 2.000000e+00 : f32
    %log3A_25 = math.log %log3A_24 : f32
    %div3A_26 = vector.broadcast %log3A_25 : f32 to vector<2x80x128x128xf32>
    %div3A_27 = arith.divf %log3A_23, %div3A_26 : vector<2x80x128x128xf32>
    %reduce_sum3A_28 = vector.shape_cast %div3A_27 : vector<2x80x128x128xf32> to vector<1x2x80x128x128xf32>
    %reduce_sum3A_29 = arith.constant dense<0.000000e+00> : vector<1xf32>
    %reduce_sum3A_30 = vector.multi_reduction <add>, %reduce_sum3A_28, %reduce_sum3A_29 [1, 2, 3, 4] : vector<1x2x80x128x128xf32> to vector<1xf32>
    %reduce_sum3A_31 = vector.shape_cast %reduce_sum3A_30 : vector<1xf32> to vector<1x1x1x1x1xf32>
    %reduce_sum3A_32 = vector.extract %reduce_sum3A_31[0, 0, 0, 0, 0] : f32 from vector<1x1x1x1x1xf32>
    %mul3A_33 = arith.constant 4.23063466E-5 : f32
    %mul3A_34 = arith.mulf %mul3A_33, %reduce_sum3A_15 : f32
    %mul3A_35 = arith.constant 2.64414666E-7 : f32
    %mul3A_36 = arith.mulf %mul3A_35, %reduce_sum3A_32 : f32
    %add3A_37 = arith.addf %mul3A_34, %mul3A_36 : f32
    %broadcast_in_dim3A = arith.constant 0.000000e+00 : f32
    %broadcast_in_dim3A_38 = vector.broadcast %broadcast_in_dim3A : f32 to vector<8x128xf32>
    %add3A_39 = vector.broadcast %add3A_37 : f32 to vector<8x128xf32>
    %add3A_40 = arith.addf %broadcast_in_dim3A_38, %add3A_39 : vector<8x128xf32>
    %swap3A = arith.constant 0 : index
    %swap3A_41 = arith.constant 0 : index
    %swap3A_42 = arith.constant 0 : index
    %swap3A_43 = vector.load %arg2[%swap3A, %swap3A_41, %swap3A_42] : memref<1x8x128xf32, #tpu.memory_space<vmem>>, vector<1x8x128xf32>
    %swap3A_44 = vector.shape_cast %swap3A_43 : vector<1x8x128xf32> to vector<8x128xf32>
    %swap3A_45 = vector.shape_cast %add3A_40 : vector<8x128xf32> to vector<1x8x128xf32>
    tpu.vector_store %arg2[%swap3A, %swap3A_41, %swap3A_42], %swap3A_45 {strides = array<i32>} : memref<1x8x128xf32, #tpu.memory_space<vmem>>, vector<1x8x128xf32>,
    return
  }
  func.func @transform_0(%arg0: i32) -> (i32, i32, i32, i32) {
    %c0_i32 = arith.constant 0 : i32
    %c0_i32_0 = arith.constant 0 : i32
    %c0_i32_1 = arith.constant 0 : i32
    %c0_i32_2 = arith.constant 0 : i32
    return %arg0, %c0_i32, %c0_i32_0, %c0_i32_1 : i32, i32, i32, i32
  }
  func.func @transform_1(%arg0: i32) -> (i32, i32, i32) {
    %c0_i32 = arith.constant 0 : i32
    %c0_i32_0 = arith.constant 0 : i32
    %c0_i32_1 = arith.constant 0 : i32
    return %arg0, %c0_i32, %c0_i32_0 : i32, i32, i32
  }
}

</mosaic_0001>

<sc_bundles>
// kernel: kernel.4.cloned.1.call-start
scs
__scs_entry_jumppad:
0x0: {  	(pc) =	sbr.rel $0x88, $3  }
0x1: {  	(tag) =	ssettag $0x0;
	lr =	simm.s32 $0x1  }
0x2: {  	[smem:$0x3F9F] =	sst lr;
	_ =	strace $0xD0000000  }
0x3: {  	_ = 	snop  }
0x4: {  	_ = 	snop  }
0x5: {  	_ = 	snop  }
0x6: {  	_ = 	snop  }
0x7: {  	_ = 	snop  }
__scs_overlays_trampoline_lowered:
0x8: {  	[smem:$0x3FAE] =	sst s0  }
0x9: {  	[smem:$0x3FAF] =	sst s1  }
0xa: {  	[smem:$0x3FB0] =	sst s2  }
0xb: {  	[smem:$0x3FB1] =	sst s3  }
0xc: {  	[smem:$0x3FB2] =	sst s4  }
0xd: {  	[smem:$0x3FB3] =	sst s5  }
0xe: {  	[smem:$0x3FB4] =	sst s6  }
0xf: {  	[smem:$0x3FB5] =	sst s7  }
0x10: {  	[smem:$0x3FB6] =	sst s8  }
0x11: {  	[smem:$0x3FB7] =	sst s9;
	s0 =	simm.s32 @!p0 $0x0  }
0x12: {  	s1 =	sld [smem:$0x3F9D];
	s0 =	simm.s32 @p0 $0x1  }
0x13: {  	[smem:$0x3FB8] =	sst s0;
	s0 =	simm.s32 @!p1 $0x0  }
0x14: {  	s2 =	sld [smem:$0x3F9C];
	s0 =	simm.s32 @p1 $0x1  }
0x15: {  	[smem:$0x3FB9] =	sst s0;
	s0 =	simm.s32 @!p2 $0x0  }
0x16: {  	s3 =	sld [smem:$0x3FDB];
	s0 =	simm.s32 @p2 $0x1  }
0x17: {  	s4 =	simm.s32 $0x1BF5;
	[smem:$0x3FBB] =	sst s0  }
0x18: {  	s0 =	sld [smem:$0x3F9E];
	_ =	swait.ge [sflag:s4], $0x0  }
0x19: {  	s7 =	sld [smem:$0x3F9F]  }
0x1a: {  	s8 =	sadd.s32 $0xFFFFE003, lr  }
0x1b: {  	s9 =	sadd.s32 $0xFFFFFEF7, lr;
	s5 =	simm.s32 $0xFFFFFFFF;
	p2 =	slt.u32 s8, $0xFFFFF086  }
0x1c: {  	p1 =	slt.u32 s9, $0xF7A;
	s5 =	simm.s32 @!p2 $0x0  }
0x1d: {  	s5 =	simm.s32 @p1 $0x1;
	p0 =	seq.s32 s7, s2  }
0x1e: {  	s7 =	smul.u32 @!p0 $0xF7A, s2;
	p2 =	seq.s32 @!p0 s5, $0x0  }
0x1f: {  	s9 =	smul.u32 $0xF7A, s1;
	s8 =	simm.s32 @!p0 $0x1BF5;
	p2 =	por !p2, p0  }
0x20: {  	[sflag:s8] =	ssyncset.s32 @!p0 $0xFFFFF086;
	s6 =	sadd.s32 @!p0 s3, s7;
	s7 =	simm.s32 @!p0 $0x108  }
0x21: {  	s3 =	sadd.s32 s3, s9;
	s6 =	sadd.s32 @!p0 $0x88, s6;
	s7 =	simm.s32 @p2 $0x1082  }
0x22: {  	[simem:s7], [sflag:s8] =	dma.local @!p0 [hbm:s6], $0xF7A  }
0x23: {  	s9 =	sor.u32 $0xD0000000, s2;
	s6 =	simm.s32 $0x108;
	_ =	swait.ge @!p0 [sflag:s8], $0x0  }
0x24: {  	s3 =	sadd.s32 $0x88, s3;
	s6 =	simm.s32 @!p1 $0x1082;
	[sflag:s4] =	ssyncset.s32 $0xFFFFF086  }
0x25: {  	[simem:s6], [sflag:s4] =	dma.local [hbm:s3], $0xF7A  }
0x26: {  	[smem:$0x3F9F] =	sst s1;
	(tag) =	ssettag s2;
	_ =	strace s9  }
0x27: {  	s1 =	sld [smem:$0x3FAF]  }
0x28: {  	s2 =	sld [smem:$0x3FB0]  }
0x29: {  	s4 =	sld [smem:$0x3FB2]  }
0x2a: {  	p0 =	seq.s32 s5, $0x0;
	s5 =	sld [smem:$0x3FB3]  }
0x2b: {  	s6 =	sld [smem:$0x3FB4]  }
0x2c: {  	s7 =	sld [smem:$0x3FB5]  }
0x2d: {  	s3 =	simm.s32 $0x108;
	s8 =	sld [smem:$0x3FB6]  }
0x2e: {  	s3 =	simm.s32 @!p0 $0x1082;
	s9 =	sld [smem:$0x3FB7]  }
0x2f: {  	lr =	sadd.s32 s0, s3;
	s0 =	sld [smem:$0x3FAE]  }
0x30: {  	s3 =	sld [smem:$0x3FB1]  }
0x31: {  	[smem:$0x3FBA] =	sst s10  }
0x32: {  	s10 =	sld [smem:$0x3FB8];
	_ =	sdelay $0x3  }
0x33: {  	p0 =	seq.s32 s10, $0x1;
	s10 =	sld [smem:$0x3FBA];
	_ =	sdelay $0x3  }
0x34: {  	[smem:$0x3FBA] =	sst s10  }
0x35: {  	s10 =	sld [smem:$0x3FB9];
	_ =	sdelay $0x3  }
0x36: {  	p1 =	seq.s32 s10, $0x1;
	s10 =	sld [smem:$0x3FBA];
	_ =	sdelay $0x3  }
0x37: {  	[smem:$0x3FBA] =	sst s10  }
0x38: {  	s10 =	sld [smem:$0x3FBB]  }
0x39: {  	_ = 	snop;
	(pc) =	sbr.ind lr, $3  }
0x3a: {  	_ = 	snop  }
0x3b: {  	_ = 	snop  }
0x3c: {  	p2 =	seq.s32 s10, $0x1;
	s10 =	sld [smem:$0x3FBA]  }
0x3d: {  	_ =	shalt  }
0x3e: {  	_ =	shalt  }
0x3f: {  	_ =	shalt  }
0x40: {  	_ =	shalt  }
0x41: {  	_ =	shalt  }
0x42: {  	_ =	shalt  }
0x43: {  	_ =	shalt  }
0x44: {  	_ =	shalt  }
0x45: {  	_ =	shalt  }
0x46: {  	_ =	shalt  }
0x47: {  	_ =	shalt  }
0x48: {  	_ =	shalt  }
0x49: {  	_ =	shalt  }
0x4a: {  	_ =	shalt  }
0x4b: {  	_ =	shalt  }
0x4c: {  	_ =	shalt  }
0x4d: {  	_ =	shalt  }
0x4e: {  	_ =	shalt  }
0x4f: {  	_ =	shalt  }
0x50: {  	_ =	shalt  }
0x51: {  	_ =	shalt  }
0x52: {  	_ =	shalt  }
0x53: {  	_ =	shalt  }
0x54: {  	_ =	shalt  }
0x55: {  	_ =	shalt  }
0x56: {  	_ =	shalt  }
0x57: {  	_ =	shalt  }
0x58: {  	_ =	shalt  }
0x59: {  	_ =	shalt  }
0x5a: {  	_ =	shalt  }
0x5b: {  	_ =	shalt  }
0x5c: {  	_ =	shalt  }
0x5d: {  	_ =	shalt  }
0x5e: {  	_ =	shalt  }
0x5f: {  	_ =	shalt  }
0x60: {  	_ =	shalt  }
0x61: {  	_ =	shalt  }
0x62: {  	_ =	shalt  }
0x63: {  	_ =	shalt  }
0x64: {  	_ =	shalt  }
0x65: {  	_ =	shalt  }
0x66: {  	_ =	shalt  }
0x67: {  	_ =	shalt  }
0x68: {  	_ =	shalt  }
0x69: {  	_ =	shalt  }
0x6a: {  	_ =	shalt  }
0x6b: {  	_ =	shalt  }
0x6c: {  	_ =	shalt  }
0x6d: {  	_ =	shalt  }
0x6e: {  	_ =	shalt  }
0x6f: {  	_ =	shalt  }
0x70: {  	_ =	shalt  }
0x71: {  	_ =	shalt  }
0x72: {  	_ =	shalt  }
0x73: {  	_ =	shalt  }
0x74: {  	_ =	shalt  }
0x75: {  	_ =	shalt  }
0x76: {  	_ =	shalt  }
0x77: {  	_ =	shalt  }
0x78: {  	_ =	shalt  }
0x79: {  	_ =	shalt  }
0x7a: {  	_ =	shalt  }
0x7b: {  	_ =	shalt  }
0x7c: {  	_ =	shalt  }
0x7d: {  	_ =	shalt  }
0x7e: {  	_ =	shalt  }
0x7f: {  	_ =	shalt  }
0x80: {  	_ =	shalt  }
0x81: {  	_ =	shalt  }
0x82: {  	_ =	shalt  }
0x83: {  	_ =	shalt  }
0x84: {  	_ =	shalt  }
0x85: {  	_ =	shalt  }
0x86: {  	_ =	shalt  }
0x87: {  	_ =	shalt  }
.Lfunc_end0:
.L_simem_size_0:
called_computation_lowered:
.L_overlay_start_0:
0x88: {  	s2 =	sld [smem:$0x3FD9]  }
0x89: {  	s3 =	sld [smem:$0x3FFE];
	_ =	sdelay $0x1  }
0x8a: {  	s1 =	srdreg.scid  }
0x8b: {  	s0 =	sand.u32 $0x1, s1  }
0x8c: {  	s17 =	sshll.u32 s0, $0xA;
	s2 =	sadd.s32 s3, s2  }
0x8d: {  	s2 =	sadd.s32 s2, s17  }
0x8e: {  	[smem:$0x3FC6] =	sst s2  }
0x8f: {  	_ = 	snop  }
0x90: {  	s2 =	sld [smem:$0x3FC9];
	(tm) =	ssettm $0x1  }
0x91: {  	s18 =	sld [smem:$0x3FFB];
	_ =	sdelay $0x3  }
0x92: {  	_ =	strace s18  }
0x93: {  	s3 =	sld [smem:$0x3FFC];
	_ =	sdelay $0x3  }
0x94: {  	_ =	strace s3  }
0x95: {  	s3 =	sld [smem:$0x3FFD];
	_ =	sdelay $0x3  }
0x96: {  	_ =	strace s3  }
0x97: {  	_ =	strace $0x8FFFFFFF  }
0x98: {  	s19 =	sld [smem:$0x3FDB];
	_ =	sdelay $0x1  }
0x99: {  	s4 =	simm.s32 $_scs_section_size  }
0x9a: {  	s5 =	simm.s32 $_size__tile_overlayer_lowered;
	s6 =	simm.s32 $_tile_overlayer_lowered  }
0x9b: {  	s22 =	simm.s32 $0x1BFF;
	s21 =	sshll.u32 s6, $0x1;
	s3 =	sadd.s32 s4, s19  }
0x9c: {  	s7 =	simm.s32 $0x0;
	s20 =	sshll.u32 s5, $0x1;
	s5 =	sadd.s32 s21, s3  }
0x9d: {  	[timem:s7], [sflag:s22] =	dma.local [hbm:s5], s20  }
0x9e: {  	_ =	swait.ge [sflag:s22], s20  }
0x9f: {  	s4 =	ssub.s32 $0x0, s20;
	[sflag:s22] =	ssyncset.done $0x0  }
0xa0: {  	[sflag:s22] =	ssyncadd.s32 s4;
	_ =	sdelay $0x1  }
0xa1: {  	s23 =	simm.s32 $0x1B8B  }
0xa2: {  	_ =	swait.ge [sflag:s23], $0x1  }
0xa3: {  	[sflag:s23] =	ssyncset.done $0x0  }
0xa4: {  	s25 =	simm.s32 $0x1B8E;
	s24 =	sld [smem:$0x3FFE];
	[sflag:s23] =	ssyncadd.s32 $0xFFFFFFFF  }
0xa5: {  	s26 =	simm.s32 $execute0_lowered;
	[smem:$0x3FD2] =	sst s25  }
0xa6: {  	s5 =	sshll.u32 s26, $0x1;
	_ =	strace $0x80000046;
	[dreg:$0x1] =	wrdreg $0xFFFFFFFF  }
0xa7: {  	s28 =	simm.s32 $_size_execute0_lowered;
	s3 =	sadd.s32 s3, s5;
	[dreg:$0x0] =	wrdreg $0x0  }
0xa8: {  	s5 =	sshll.u32 s28, $0x1;
	[dreg:$0x2] =	wrdreg s3  }
0xa9: {  	[dreg:$0x3] =	wrdreg s5  }
0xaa: {  	[dreg:$0x4] =	wrdreg $0xC0  }
0xab: {  	_ =	task [dreg:s7], $0x5FFFF  }
0xac: {  	[dreg:$0x1] =	wrdreg $0xFFFFFFFF  }
0xad: {  	[dreg:$0x0] =	wrdreg $0x60  }
0xae: {  	[dreg:$0x2] =	wrdreg s2  }
0xaf: {  	[dreg:$0x3] =	wrdreg s24  }
0xb0: {  	[dreg:$0x4] =	wrdreg $0x9  }
0xb1: {  	_ =	task.clear_ibuf [dreg:s7], $0x5FFFF;
	_ =	strace $0x90000046  }
0xb2: {  	s29 =	simm.s32 $0x9;
	_ =	strace $0x80000048  }
0xb3: {  	_ =	swait.ge [sflag:s29], $0x1  }
0xb4: {  	[sflag:s29] =	ssyncadd.s32 $0xFFFFFFFF  }
0xb5: {  	_ =	strace $0x90000048  }
0xb6: {  	_ =	sfence  }
0xb7: {  	s30 =	sld [smem:$0x0];
	_ =	sdelay $0x2  }
0xb8: {  	s31 =	sshll.u32 s1, $0xD;
	s1 =	sshrl.u32 s1, $0x2  }
0xb9: {  	s3 =	sand.u32 $0x4000, s31;
	s1 =	sadd.s32 s1, s30  }
0xba: {  	s0 =	sor.u32 s3, s0;
	s1 =	sshll.u32 s1, $0x11  }
0xbb: {  	s0 =	sor.u32 s1, s0  }
0xbc: {  	s0 =	sadd.s32 $0x8F2B, s0  }
0xbd: {  	[sflag:s0] =	ssyncadd.remote.s32 $0x1  }
0xbe: {  	_ =	sfence.sel $0xFFFF  }
0xbf: {  	[dreg:$0x0] =	wrdreg $0xFFFFFFFF;
	(pc) =	sbr.abs _section_cstart, $3  }
0xc0: {  	[dreg:$0x1] =	wrdreg $0xFFFFFFFF  }
0xc1: {  	_ =	task.clear_ibuf [dreg:s7], $0x2FFFF;
	_ =	strace $0x9FFFFFFF  }
0xc2: {  	(tm) =	ssettm $0x7FFFFFFF  }
0xc3: {  	_ =	shalt  }
tec
execute0_lowered:
.L_overlay_start_1:
0x0: {  	(tag) =	ssettag $0x1  }
0x1: {  	s1 =	stileid.u32  }
0x2: {  	p0 =	sgt.u32 s1, $0x7  }
.Ltmp0:
0x3: {  	_ = 	snop;
	(pc) =	sbr.rel @p0 .LBB2_3-.Ltmp0, $4  }
0x4: {  	s2 =	rddreg [dreg:$0x0]  }
0x5: {  	s3 =	rddreg [dreg:$0x1];
	s4 =	simm.s32 $0x0  }
0x6: {  	[smem:$0x7FF] =	sst s4  }
0x7: {  	s0 =	rddreg [dreg:$0x2];
	_ =	strace $0x80000047  }
0x8: {  	v0 =	vlaneseq.u32  }
0x9: {  	v4 =	vimm.s32 $0xF5;
	vm0 =	vcmask $0x300;
	v35 =	vimm.s32 $0xF6  }
0xa: {  	v41 =	vimm.s32 $0xF7;
	v47 =	vimm.s32 $0xF8;
	v52 =	vimm.s32 $0xF9  }
0xb: {  	v54 =	vimm.s32 $0xC4C5C6C7;
	v55 =	vimm.s32 $0xC0C1C2C3;
	v56 =	vimm.s32 $0xCCCD0000  }
0xc: {  	v57 =	vimm.s32 $0xC8C9CACB;
	vm1 =	vcmask $0x700;
	v26 =	vimm.s32 $0x0  }
0xd: {  	vm2 =	vcmask $0x1F10;
	v59 =	vimm.s32 $0x1;
	vm4 =	vcmask $0xB00  }
0xe: {  	s5 =	srdreg.scid;
	vm5 =	vcmask $0xF00;
	vm6 =	vcmask $0x1300;
	vm7 =	vcmask $0x1700  }
0xf: {  	s26 =	sshll.u32 s1, $0x1;
	vm8 =	vcmask $0x1B00;
	vm9 =	vcmask $0x2300;
	vm10 =	vcmask $0x2700;
	s6 =	sand.u32 $0x1, s5  }
0x10: {  	vm11 =	vcmask $0x2B00;
	vm12 =	vcmask $0x2F00;
	vm13 =	vcmask $0x3300;
	s5 =	sor.u32 s6, s26  }
0x11: {  	v62 =	vimm.f32 $0.0e+00;
	v1 =	vmul.u32 $0x5, v0;
	v60 =	vsel vm1, $0xFFFFFFFF, v26;
	s7 =	smul.u32 $0xFA, s5  }
0x12: {  	vm14 =	vcmask $0x3700;
	vm15 =	vcmask $0x3B00;
	v63 =	vsel vm1, $0x3F800000, v62;
	[tilespmem:$0x1FFC0] =	vst v60  }
0x13: {  	v61 =	vimm.s32 $0xFFFFFFFF;
	[tilespmem:$0x1FFF0] =	vst v63;
	v3 =	vadd.s32 $0xA0, v1;
	v2 =	vadd.s32 s7, v1  }
0x14: {  	v17 =	vsel vm0, $0xF0, v4;
	v33 =	vadd.s32 $0x51, v1;
	v16 =	vadd.s32 s7, v3;
	[tilespmem:$0x1FE80] =	vst v2  }
0x15: {  	v43 =	vsel vm0, $0xF2, v41;
	v36 =	vadd.s32 $0xA1, v1;
	v34 =	vadd.s32 s7, v33;
	[tilespmem:$0x1FEA0] =	vst v16  }
0x16: {  	v53 =	vsel vm0, $0xF4, v52;
	v37 =	vadd.s32 $0x2, v1;
	v3 =	vadd.s32 s7, v36;
	[tilespmem:$0x1FED0] =	vst v34  }
0x17: {  	v15 =	vadd.s32 $0x50, v1;
	v32 =	vadd.s32 $0x1, v1;
	v38 =	vadd.s32 s7, v37;
	[tilespmem:$0x1FEE0] =	vst v3  }
0x18: {  	v39 =	vadd.s32 $0x52, v1;
	v48 =	vadd.s32 $0xA3, v1;
	v2 =	vadd.s32 s7, v15;
	[tilespmem:$0x1FF00] =	vst v38  }
0x19: {  	v40 =	vadd.s32 $0xA2, v1;
	v44 =	vadd.s32 $0x3, v1;
	v3 =	vadd.s32 s7, v48;
	[tilespmem:$0x1FE90] =	vst v2  }
0x1a: {  	v45 =	vadd.s32 $0x53, v1;
	v49 =	vadd.s32 $0x4, v1;
	v2 =	vadd.s32 s7, v17;
	[tilespmem:$0x1FF60] =	vst v3  }
0x1b: {  	v51 =	vadd.s32 $0x54, v1;
	v1 =	vadd.s32 $0xA4, v1;
	[tilespmem:$0x1FEB0] =	vst v2;
	v2 =	vadd.s32 s7, v32  }
0x1c: {  	v4 =	vunpack.c.0.s8.s32 v57;
	v1 =	vadd.s32 s7, v1;
	[tilespmem:$0x1FEC0] =	vst v2;
	v2 =	vsel vm0, $0xF1, v35  }
0x1d: {  	v29 =	vsel vm0, $0x0, v59;
	v30 =	vsel vm1, $0x0, v59;
	[tilespmem:$0x1FFA0] =	vst v1;
	v2 =	vadd.s32 s7, v2  }
0x1e: {  	v31 =	vsel vm4, $0x0, v59;
	v41 =	vsel vm13, $0x0, v59;
	s8 =	smul.u32 $0x154000, s5;
	[tilespmem:$0x1FEF0] =	vst v2;
	v2 =	vadd.s32 s7, v39  }
0x1f: {  	v42 =	vadd.s32 s7, v40;
	v46 =	vadd.s32 s7, v45;
	[tilespmem:$0x1FF10] =	vst v2;
	v2 =	vadd.s32 s7, v43  }
0x20: {  	s10 =	simm.s32 $0x40;
	s11 =	simm.s32 $0x300;
	v50 =	vadd.s32 s7, v49;
	v20 =	vmov s8;
	[tilespmem:$0x1FF30] =	vst v2;
	v2 =	vadd.s32 s7, v44  }
0x21: {  	s12 =	simm.s32 $0x600;
	s13 =	simm.s32 $0x380;
	s14 =	simm.s32 $0x680;
	v33 =	vsel vm6, $0x0, v59;
	v1 =	vadd.s32 s7, v53;
	[tilespmem:$0x1FF40] =	vst v2;
	v2 =	vsel vm0, $0xF3, v47  }
0x22: {  	s15 =	simm.s32 $0x400;
	s16 =	simm.s32 $0x700;
	s17 =	simm.s32 $0x480;
	v36 =	vsel vm9, $0x0, v59;
	v37 =	vsel vm10, $0x0, v59;
	[tilespmem:$0x1FFB0] =	vst v1;
	v2 =	vadd.s32 s7, v2  }
0x23: {  	s18 =	simm.s32 $0x780;
	s19 =	simm.s32 $0x500;
	s20 =	simm.s32 $0x800;
	v40 =	vshrl.u32 v0, $0x3;
	v0 =	vsel vm1, $0x0, v61;
	[tilespmem:$0x1FF70] =	vst v2;
	v2 =	vadd.s32 s7, v51  }
0x24: {  	s9 =	sadd.s32 $0x4000, s8;
	s28 =	sadd.s32 $0x8000, s8;
	s29 =	sadd.s32 $0xC000, s8;
	v3 =	vunpack.c.0.s8.s32 v56;
	v1 =	vunpack.c.0.s8.s32 v54;
	[tilespmem:$0x1FF90] =	vst v2;
	v2 =	vunpack.c.0.s8.s32 v55  }
0x25: {  	s21 =	simm.s32 $0x580;
	s6 =	ssub.s32 $0x2, s6;
	s30 =	sadd.s32 $0x10000, s8;
	[tilespmem:$0x1FF20] =	vst v42;
	v21 =	vmov s9;
	v22 =	vmov s28;
	v23 =	vmov s29  }
0x26: {  	s22 =	simm.s32 $0x880;
	s5 =	sshll.u32 s5, $0x4;
	s31 =	sshrl.u32 s6, $0x1;
	[tilespmem:$0x1FF50] =	vst v46;
	v24 =	vmov s30;
	v58 =	vsel vm2, v4, v3;
	v1 =	vsel vm2, v2, v1  }
0x27: {  	s23 =	simm.s32 $0x900;
	s5 =	sadd.s32 s5, s3;
	s6 =	ssub.s32 s6, s31;
	[tilespmem:$0x1FF80] =	vst v50;
	v25 =	vadd.s32 $0x14000, v20;
	v34 =	vsel vm7, $0x0, v59;
	v1 =	vcombine.low v58, v1  }
0x28: {  	s24 =	simm.s32 $0x2;
	s5 =	sadd.s32 $0x200, s5;
	s6 =	smax.u32 s6, $0x1;
	v38 =	vsel vm11, $0x0, v59;
	v42 =	vsel vm14, $0x0, v59;
	[tilespmem:$0x1FFE0] =	vst v0;
	v32 =	vsel vm5, $0x0, v59  }
0x29: {  	s8 =	simm.s32 $0x180;
	s9 =	simm.s32 $0x1;
	v35 =	vsel vm8, $0x0, v59;
	v39 =	vsel vm12, $0x0, v59;
	v44 =	vsel vm15, $0x0, v61;
	s7 =	simm.s32 $0x140;
	[tilespmem:$0x1FFD0] =	vst v1  }
.LBB2_2:
0x2a: {  	v0 =	vld [tilespmem:$0x1FE80]  }
0x2b: {  	v52 =	vld [tilespmem:$0x1FE90]  }
0x2c: {  	v53 =	vld [tilespmem:$0x1FEA0]  }
0x2d: {  	v54 =	vld [tilespmem:$0x1FEB0]  }
0x2e: {  	v55 =	vld [tilespmem:$0x1FEC0]  }
0x2f: {  	v56 =	vld [tilespmem:$0x1FED0];
	[tilespmem:$0x0] =	vst v0  }
0x30: {  	v57 =	vld [tilespmem:$0x1FEE0];
	[tilespmem:$0x10] =	vst v52  }
0x31: {  	v58 =	vld [tilespmem:$0x1FEF0];
	[tilespmem:$0x20] =	vst v53  }
0x32: {  	v59 =	vld [tilespmem:$0x1FF00];
	[tilespmem:$0x30] =	vst v54  }
0x33: {  	v60 =	vld [tilespmem:$0x1FF10];
	[tilespmem:$0x40] =	vst v55  }
0x34: {  	v61 =	vld [tilespmem:$0x1FF20];
	[tilespmem:$0x50] =	vst v56  }
0x35: {  	v62 =	vld [tilespmem:$0x1FF30];
	[tilespmem:$0x60] =	vst v57  }
0x36: {  	v63 =	vld [tilespmem:$0x1FF40];
	[tilespmem:$0x70] =	vst v58  }
0x37: {  	v4 =	vld [tilespmem:$0x1FF50];
	[tilespmem:$0x80] =	vst v59  }
0x38: {  	v5 =	vld [tilespmem:$0x1FF60];
	[tilespmem:$0x90] =	vst v60  }
0x39: {  	v6 =	vld [tilespmem:$0x1FF70];
	[tilespmem:$0xA0] =	vst v61  }
0x3a: {  	v7 =	vld [tilespmem:$0x1FF80];
	[tilespmem:$0xB0] =	vst v62  }
0x3b: {  	v8 =	vld [tilespmem:$0x1FF90];
	[tilespmem:$0xC0] =	vst v63  }
0x3c: {  	v9 =	vld [tilespmem:$0x1FFA0];
	[tilespmem:$0xD0] =	vst v4  }
0x3d: {  	v10 =	vld [tilespmem:$0x1FFB0];
	[tilespmem:$0xE0] =	vst v5  }
0x3e: {  	[tilespmem:$0xF0] =	vst v6  }
0x3f: {  	[tilespmem:$0x100] =	vst v7  }
0x40: {  	[tilespmem:$0x110] =	vst v8  }
0x41: {  	[tilespmem:$0x120] =	vst v9  }
0x42: {  	[tilespmem:$0x130] =	vst v10  }
0x43: {  	[tilespmem:s8], [sflag:$0x1] =	stream.indirect.gather [hbm4b:s3+s7], $0x1, s4, s7, $0xb8;
	[tilespmem:$0x980] =	vst v63  }
0x44: {  	_ =	swait.ge [sflag:s9], $0x140  }
0x45: {  	[sflag:s9] =	ssyncset.done $0x0  }
0x46: {  	[sflag:s9] =	ssyncadd.s32 $0xFFFFFEC0  }
0x47: {  	v53 =	vld [tilespmem:$0x200]  }
0x48: {  	v54 =	vld [tilespmem:$0x1C0]  }
0x49: {  	v11 =	vld [tilespmem:$0x180]  }
0x4a: {  	v51 =	vld [tilespmem:$0x210]  }
0x4b: {  	v52 =	vld [tilespmem:$0x1D0]  }
0x4c: {  	v6 =	vld [tilespmem:$0x190]  }
0x4d: {  	v49 =	vld [tilespmem:$0x1E0];
	_ =	sdelay $0x1  }
0x4e: {  	v1 =	vmul.f32 $1.280000000e+02, v53;
	v2 =	vmul.f32 $1.280000000e+02, v54  }
0x4f: {  	v13 =	vmul.f32 $1.280000000e+02, v51;
	v0 =	vtrunc.f32 v11  }
0x50: {  	v15 =	vmul.f32 $1.280000000e+02, v52;
	v48 =	vtrunc.f32 v6  }
0x51: {  	v11 =	vmul.f32 $1.280000000e+02, v49;
	v3 =	vcvt.f32.s32 v0  }
0x52: {  	v10 =	vcvt.f32.s32 v48;
	v1 =	vtrunc.f32 v1  }
0x53: {  	v50 =	vld [tilespmem:$0x220];
	v2 =	vtrunc.f32 v2;
	v7 =	vtrunc.f32 v15  }
0x54: {  	v0 =	vld [tilespmem:$0x1B0];
	v15 =	vtrunc.f32 v11;
	v1 =	vcvt.f32.s32 v1  }
0x55: {  	v2 =	vcvt.f32.s32 v2;
	v7 =	vcvt.f32.s32 v7  }
0x56: {  	v8 =	vshll.u32 v3, $0xE;
	v12 =	vshll.u32 v10, $0xE;
	v15 =	vcvt.f32.s32 v15  }
0x57: {  	v8 =	vadd.s32 v8, v25;
	v12 =	vadd.s32 v12, v25;
	v1 =	vshll.u32 v1, $0x7  }
0x58: {  	v14 =	vadd.s32 v2, v1;
	v1 =	vtrunc.f32 v13;
	v13 =	vmul.f32 $1.280000000e+02, v50  }
0x59: {  	v48 =	vld [tilespmem:$0x1F0];
	v0 =	vtrunc.f32 v0;
	vm0 =	vlt.s32 v14, $0x3FFF;
	v1 =	vcvt.f32.s32 v1  }
0x5a: {  	v43 =	vld [tilespmem:$0x1A0];
	v17 =	vshll.u32 v14, $0x7;
	v28 =	vbroadcast v14, $0x1;
	v16 =	vnsel vm0, $0x3FFF, v14  }
0x5b: {  	v47 =	vld [tilespmem:$0x230];
	v58 =	vtrunc.f32 v13;
	v13 =	vbroadcast v14, $0x0;
	v4 =	vadd.s32 v20, v16  }
0x5c: {  	v5 =	vadd.s32 v21, v16;
	v2 =	vadd.s32 v22, v16;
	v62 =	vadd.s32 v23, v16  }
0x5d: {  	v1 =	vshll.u32 v1, $0x7;
	v63 =	vadd.s32 v24, v16;
	v59 =	vadd.s32 v16, v8  }
0x5e: {  	v16 =	vadd.s32 v3, v17;
	v8 =	vcvt.f32.s32 v58;
	v17 =	vmul.f32 $1.280000000e+02, v48  }
0x5f: {  	vm6 =	veq.s32 v14, v28;
	v9 =	vadd.s32 v7, v1;
	v7 =	vtrunc.f32 v43  }
0x60: {  	v1 =	vmul.f32 $1.280000000e+02, v47;
	vm1 =	veq.s32 v14, v13;
	vm11 =	vlt.s32 v9, $0x3FFF  }
0x61: {  	v43 =	vshll.u32 v9, $0x7;
	v8 =	vshll.u32 v8, $0x7;
	v46 =	vtrunc.f32 v17  }
0x62: {  	vm13 =	veq.s32 v9, v13;
	vm8 =	veq.s32 v9, v28;
	v55 =	vnsel vm11, $0x3FFF, v9  }
0x63: {  	v11 =	vadd.s32 v10, v43;
	v45 =	vtrunc.f32 v1;
	v10 =	vcvt.f32.s32 v7  }
0x64: {  	v58 =	vcvt.f32.s32 v46;
	v7 =	vcvt.f32.s32 v0;
	v6 =	vadd.s32 v20, v55  }
0x65: {  	v3 =	vadd.s32 v21, v55;
	v60 =	vadd.s32 v22, v55;
	v56 =	vadd.s32 v23, v55  }
0x66: {  	v57 =	vadd.s32 v24, v55;
	v61 =	vadd.s32 v55, v12;
	v55 =	vcvt.f32.s32 v45  }
0x67: {  	v43 =	vld [tilespmem:$0x1FFC0];
	v0 =	vnsel vm1, $0x0, v29;
	v18 =	vsel vm13, $0x1, v26;
	[tilespmem:$0x1FE70] =	vst v57;
	v57 =	vadd.s32 v15, v8  }
0x68: {  	v46 =	vld [tilespmem:$0x1FFD0];
	vm0 =	vlt.s32 v57, $0x3FFF;
	v1 =	vshll.u32 v55, $0x7;
	v17 =	vshll.u32 v57, $0x7  }
0x69: {  	[tilespmem:$0x410] =	vst v60;
	vm14 =	veq.s32 v57, v13;
	vm10 =	veq.s32 v57, v28;
	v60 =	vbroadcast v57, $0x5  }
0x6a: {  	v8 =	vadd.s32 v58, v1;
	v58 =	vadd.s32 v10, v17;
	v17 =	vbroadcast v16, $0x0  }
0x6b: {  	v27 =	vsel vm14, $0x1, v26;
	v10 =	vshll.u32 v10, $0xE;
	v12 =	vshll.u32 v8, $0x7  }
0x6c: {  	v45 =	vand.u32 v43, v8;
	v10 =	vadd.s32 v10, v25;
	v12 =	vadd.s32 v7, v12  }
0x6d: {  	[tilespmem:$0x1FE60] =	vst v56;
	v56 =	vadd.s32 v46, v45;
	vm12 =	veq.s32 v16, v17;
	vm2 =	veq.s32 v11, v17  }
0x6e: {  	vm15 =	veq.s32 v58, v17;
	v7 =	vshll.u32 v7, $0xE;
	v12 =	vand.u32 v43, v12  }
0x6f: {  	v1 =	vnsel vm12, $0x0, v29;
	v19 =	vsel vm2, $0x1, v26;
	v45 =	vsel vm15, $0x1, v26  }
0x70: {  	vm4 =	veq.s32 v56, v13;
	v13 =	vbroadcast v16, $0x1;
	vm12 =	veq.s32 v56, v28  }
0x71: {  	v28 =	vbroadcast v14, $0x2;
	v7 =	vadd.s32 v7, v25;
	v55 =	vadd.s32 v46, v12  }
0x72: {  	v43 =	vsel vm4, $0x1, v26;
	v46 =	vnsel vm6, $0x0, v30;
	vm5 =	veq.s32 v55, v17  }
0x73: {  	vm7 =	veq.s32 v16, v13;
	v12 =	vadd.s32 v46, v0;
	vm9 =	veq.s32 v11, v13  }
0x74: {  	v46 =	vsel vm10, $0x1, v26;
	vm11 =	veq.s32 v58, v13;
	vm13 =	veq.s32 v55, v13  }
0x75: {  	v13 =	vbroadcast v16, $0x2;
	vm14 =	veq.s32 v14, v28;
	vm4 =	veq.s32 v9, v28  }
0x76: {  	vm6 =	veq.s32 v57, v28;
	v17 =	vsel vm5, $0x1, v26;
	v0 =	vnsel vm7, $0x0, v30  }
0x77: {  	v27 =	vadd.s32 v46, v27;
	v46 =	vbroadcast v16, $0x3;
	v15 =	vadd.s32 v0, v1  }
0x78: {  	v1 =	vsel vm8, $0x1, v26;
	v0 =	vsel vm9, $0x1, v26;
	vm15 =	veq.s32 v16, v13  }
0x79: {  	vm5 =	veq.s32 v11, v13;
	vm7 =	veq.s32 v58, v13;
	vm8 =	veq.s32 v56, v28  }
0x7a: {  	vm9 =	veq.s32 v55, v13;
	v13 =	vbroadcast v14, $0x3;
	v18 =	vadd.s32 v1, v18  }
0x7b: {  	v19 =	vadd.s32 v0, v19;
	v0 =	vsel vm11, $0x1, v26;
	v1 =	vsel vm12, $0x1, v26  }
0x7c: {  	v28 =	vsel vm7, $0x1, v26;
	vm11 =	veq.s32 v16, v46;
	v0 =	vadd.s32 v0, v45  }
0x7d: {  	v43 =	vadd.s32 v1, v43;
	v45 =	vsel vm13, $0x1, v26;
	v1 =	vnsel vm14, $0x0, v31  }
0x7e: {  	vm10 =	veq.s32 v14, v13;
	vm12 =	veq.s32 v9, v13;
	vm13 =	veq.s32 v11, v46  }
0x7f: {  	vm14 =	veq.s32 v57, v13;
	v17 =	vadd.s32 v45, v17;
	v12 =	vadd.s32 v1, v12  }
0x80: {  	v1 =	vnsel vm15, $0x0, v31;
	v45 =	vsel vm4, $0x1, v26;
	v0 =	vadd.s32 v28, v0  }
0x81: {  	vm15 =	veq.s32 v58, v46;
	vm4 =	veq.s32 v56, v13;
	v13 =	vbroadcast v14, $0x4  }
0x82: {  	v15 =	vadd.s32 v1, v15;
	v1 =	vsel vm5, $0x1, v26;
	v18 =	vadd.s32 v45, v18  }
0x83: {  	v45 =	vsel vm8, $0x1, v26;
	vm5 =	veq.s32 v55, v46;
	v19 =	vadd.s32 v1, v19  }
0x84: {  	v1 =	vsel vm6, $0x1, v26;
	v28 =	vadd.s32 v45, v43;
	v45 =	vsel vm9, $0x1, v26  }
0x85: {  	v43 =	vnsel vm10, $0x0, v32;
	v46 =	vsel vm5, $0x1, v26;
	vm6 =	veq.s32 v14, v13  }
0x86: {  	vm8 =	veq.s32 v9, v13;
	vm10 =	veq.s32 v57, v13;
	v27 =	vadd.s32 v1, v27  }
0x87: {  	v17 =	vadd.s32 v45, v17;
	v1 =	vnsel vm11, $0x0, v32;
	v12 =	vadd.s32 v43, v12  }
0x88: {  	v45 =	vsel vm12, $0x1, v26;
	v43 =	vsel vm13, $0x1, v26;
	vm12 =	veq.s32 v56, v13  }
0x89: {  	v13 =	vbroadcast v14, $0x5;
	v15 =	vadd.s32 v1, v15;
	v18 =	vadd.s32 v45, v18  }
0x8a: {  	v1 =	vsel vm14, $0x1, v26;
	v19 =	vadd.s32 v43, v19;
	v45 =	vsel vm15, $0x1, v26  }
0x8b: {  	v17 =	vadd.s32 v46, v17;
	v43 =	vsel vm10, $0x1, v26;
	v27 =	vadd.s32 v1, v27  }
0x8c: {  	v0 =	vadd.s32 v45, v0;
	v1 =	vsel vm4, $0x1, v26;
	v45 =	vbroadcast v16, $0x4  }
0x8d: {  	vm14 =	veq.s32 v14, v13;
	vm4 =	veq.s32 v9, v13;
	v28 =	vadd.s32 v1, v28  }
0x8e: {  	v1 =	vnsel vm6, $0x0, v33;
	v27 =	vadd.s32 v43, v27;
	vm6 =	veq.s32 v57, v13  }
0x8f: {  	vm7 =	veq.s32 v16, v45;
	v12 =	vadd.s32 v1, v12;
	v1 =	vsel vm8, $0x1, v26  }
0x90: {  	vm9 =	veq.s32 v11, v45;
	vm11 =	veq.s32 v58, v45;
	vm13 =	veq.s32 v55, v45  }
0x91: {  	v45 =	vbroadcast v16, $0x5;
	vm8 =	veq.s32 v56, v13;
	v46 =	vnsel vm7, $0x0, v33  }
0x92: {  	v18 =	vadd.s32 v1, v18;
	v1 =	vsel vm11, $0x1, v26;
	v43 =	vsel vm13, $0x1, v26  }
0x93: {  	v15 =	vadd.s32 v46, v15;
	v46 =	vsel vm9, $0x1, v26;
	v0 =	vadd.s32 v1, v0  }
0x94: {  	v1 =	vsel vm12, $0x1, v26;
	v17 =	vadd.s32 v43, v17;
	vm15 =	veq.s32 v16, v45  }
0x95: {  	vm5 =	veq.s32 v11, v45;
	v43 =	vsel vm4, $0x1, v26;
	vm7 =	veq.s32 v58, v45  }
0x96: {  	vm9 =	veq.s32 v55, v45;
	v45 =	vbroadcast v14, $0x6;
	v19 =	vadd.s32 v46, v19  }
0x97: {  	v28 =	vadd.s32 v1, v28;
	v1 =	vnsel vm14, $0x0, v34;
	v46 =	vnsel vm15, $0x0, v34  }
0x98: {  	v18 =	vadd.s32 v43, v18;
	v43 =	vsel vm8, $0x1, v26;
	v12 =	vadd.s32 v1, v12  }
0x99: {  	v15 =	vadd.s32 v46, v15;
	v1 =	vsel vm5, $0x1, v26;
	v46 =	vsel vm6, $0x1, v26  }
0x9a: {  	vm10 =	veq.s32 v14, v45;
	vm12 =	veq.s32 v9, v45;
	vm14 =	veq.s32 v57, v45  }
0x9b: {  	vm4 =	veq.s32 v56, v45;
	v45 =	vbroadcast v16, $0x7;
	v19 =	vadd.s32 v1, v19  }
0x9c: {  	v13 =	vadd.s32 v46, v27;
	v27 =	vsel vm7, $0x1, v26;
	v46 =	vbroadcast v16, $0x6  }
0x9d: {  	v0 =	vadd.s32 v27, v0;
	v27 =	vadd.s32 v43, v28;
	v28 =	vsel vm9, $0x1, v26  }
0x9e: {  	vm7 =	veq.s32 v16, v45;
	vm9 =	veq.s32 v11, v45;
	v17 =	vadd.s32 v28, v17  }
0x9f: {  	vm11 =	veq.s32 v16, v46;
	v28 =	vnsel vm10, $0x0, v35;
	vm13 =	veq.s32 v11, v46  }
0xa0: {  	vm15 =	veq.s32 v58, v46;
	vm5 =	veq.s32 v55, v46;
	v1 =	vnsel vm11, $0x0, v35  }
0xa1: {  	v12 =	vadd.s32 v28, v12;
	v28 =	vsel vm12, $0x1, v26;
	v46 =	vsel vm5, $0x1, v26  }
0xa2: {  	vm11 =	veq.s32 v58, v45;
	v15 =	vadd.s32 v1, v15;
	v18 =	vadd.s32 v28, v18  }
0xa3: {  	v28 =	vsel vm13, $0x1, v26;
	v1 =	vsel vm14, $0x1, v26;
	v17 =	vadd.s32 v46, v17  }
0xa4: {  	v46 =	vnsel vm7, $0x0, v40;
	vm13 =	veq.s32 v55, v45;
	v45 =	vbroadcast v16, $0x8  }
0xa5: {  	v19 =	vadd.s32 v28, v19;
	v13 =	vadd.s32 v1, v13;
	v28 =	vsel vm15, $0x1, v26  }
0xa6: {  	v1 =	vsel vm4, $0x1, v26;
	v15 =	vadd.s32 v46, v15;
	v46 =	vsel vm9, $0x1, v26  }
0xa7: {  	v0 =	vadd.s32 v28, v0;
	v28 =	vbroadcast v14, $0x7;
	v27 =	vadd.s32 v1, v27  }
0xa8: {  	v19 =	vadd.s32 v46, v19;
	vm15 =	veq.s32 v16, v45;
	vm5 =	veq.s32 v11, v45  }
0xa9: {  	vm7 =	veq.s32 v58, v45;
	vm9 =	veq.s32 v55, v45;
	v45 =	vbroadcast v14, $0x9  }
0xaa: {  	v46 =	vnsel vm15, $0x0, v36;
	vm6 =	veq.s32 v14, v28;
	vm8 =	veq.s32 v9, v28  }
0xab: {  	vm10 =	veq.s32 v57, v28;
	vm12 =	veq.s32 v56, v28;
	v28 =	vbroadcast v14, $0x8  }
0xac: {  	v15 =	vadd.s32 v46, v15;
	v1 =	vnsel vm6, $0x0, v40;
	v43 =	vsel vm10, $0x1, v26  }
0xad: {  	vm10 =	veq.s32 v14, v45;
	v12 =	vadd.s32 v1, v12;
	v1 =	vsel vm8, $0x1, v26  }
0xae: {  	v13 =	vadd.s32 v43, v13;
	vm14 =	veq.s32 v14, v28;
	v43 =	vsel vm13, $0x1, v26  }
0xaf: {  	vm4 =	veq.s32 v9, v28;
	vm6 =	veq.s32 v57, v28;
	vm8 =	veq.s32 v56, v28  }
0xb0: {  	v28 =	vsel vm7, $0x1, v26;
	v18 =	vadd.s32 v1, v18;
	v1 =	vsel vm11, $0x1, v26  }
0xb1: {  	v17 =	vadd.s32 v43, v17;
	v43 =	vsel vm4, $0x1, v26;
	v46 =	vsel vm6, $0x1, v26  }
0xb2: {  	vm4 =	veq.s32 v56, v45;
	v0 =	vadd.s32 v1, v0;
	v1 =	vsel vm12, $0x1, v26  }
0xb3: {  	v18 =	vadd.s32 v43, v18;
	v13 =	vadd.s32 v46, v13;
	v43 =	vsel vm8, $0x1, v26  }
0xb4: {  	v46 =	vbroadcast v16, $0x9;
	vm12 =	veq.s32 v9, v45;
	v27 =	vadd.s32 v1, v27  }
0xb5: {  	v1 =	vnsel vm14, $0x0, v36;
	v0 =	vadd.s32 v28, v0;
	v28 =	vsel vm9, $0x1, v26  }
0xb6: {  	vm14 =	veq.s32 v57, v45;
	v45 =	vbroadcast v16, $0xA;
	v12 =	vadd.s32 v1, v12  }
0xb7: {  	v1 =	vsel vm5, $0x1, v26;
	v27 =	vadd.s32 v43, v27;
	v17 =	vadd.s32 v28, v17  }
0xb8: {  	vm11 =	veq.s32 v16, v46;
	v28 =	vnsel vm10, $0x0, v37;
	vm13 =	veq.s32 v11, v46  }
0xb9: {  	vm15 =	veq.s32 v58, v46;
	vm5 =	veq.s32 v55, v46;
	v19 =	vadd.s32 v1, v19  }
0xba: {  	v1 =	vnsel vm11, $0x0, v37;
	v12 =	vadd.s32 v28, v12;
	v28 =	vsel vm12, $0x1, v26  }
0xbb: {  	v46 =	vsel vm5, $0x1, v26;
	vm7 =	veq.s32 v16, v45;
	vm9 =	veq.s32 v11, v45  }
0xbc: {  	vm11 =	veq.s32 v58, v45;
	v15 =	vadd.s32 v1, v15;
	v18 =	vadd.s32 v28, v18  }
0xbd: {  	v28 =	vsel vm13, $0x1, v26;
	v1 =	vsel vm14, $0x1, v26;
	v17 =	vadd.s32 v46, v17  }
0xbe: {  	v46 =	vnsel vm7, $0x0, v38;
	vm13 =	veq.s32 v55, v45;
	v45 =	vbroadcast v16, $0xB  }
0xbf: {  	v19 =	vadd.s32 v28, v19;
	v13 =	vadd.s32 v1, v13;
	v28 =	vsel vm15, $0x1, v26  }
0xc0: {  	v1 =	vsel vm4, $0x1, v26;
	v15 =	vadd.s32 v46, v15;
	v46 =	vsel vm9, $0x1, v26  }
0xc1: {  	v0 =	vadd.s32 v28, v0;
	v28 =	vbroadcast v14, $0xA;
	v27 =	vadd.s32 v1, v27  }
0xc2: {  	v19 =	vadd.s32 v46, v19;
	vm15 =	veq.s32 v16, v45;
	vm5 =	veq.s32 v11, v45  }
0xc3: {  	vm7 =	veq.s32 v58, v45;
	vm9 =	veq.s32 v55, v45;
	v45 =	vbroadcast v14, $0xC  }
0xc4: {  	v46 =	vnsel vm15, $0x0, v39;
	vm6 =	veq.s32 v14, v28;
	vm8 =	veq.s32 v9, v28  }
0xc5: {  	vm10 =	veq.s32 v57, v28;
	vm12 =	veq.s32 v56, v28;
	v28 =	vbroadcast v14, $0xB  }
0xc6: {  	v15 =	vadd.s32 v46, v15;
	v1 =	vnsel vm6, $0x0, v38;
	v43 =	vsel vm10, $0x1, v26  }
0xc7: {  	vm10 =	veq.s32 v14, v45;
	v12 =	vadd.s32 v1, v12;
	v1 =	vsel vm8, $0x1, v26  }
0xc8: {  	v13 =	vadd.s32 v43, v13;
	vm14 =	veq.s32 v14, v28;
	v43 =	vsel vm13, $0x1, v26  }
0xc9: {  	vm4 =	veq.s32 v9, v28;
	vm6 =	veq.s32 v57, v28;
	vm8 =	veq.s32 v56, v28  }
0xca: {  	v28 =	vsel vm7, $0x1, v26;
	v18 =	vadd.s32 v1, v18;
	v1 =	vsel vm11, $0x1, v26  }
0xcb: {  	v17 =	vadd.s32 v43, v17;
	v43 =	vsel vm4, $0x1, v26;
	v46 =	vsel vm6, $0x1, v26  }
0xcc: {  	vm4 =	veq.s32 v56, v45;
	v0 =	vadd.s32 v1, v0;
	v1 =	vsel vm12, $0x1, v26  }
0xcd: {  	v18 =	vadd.s32 v43, v18;
	v13 =	vadd.s32 v46, v13;
	v43 =	vsel vm8, $0x1, v26  }
0xce: {  	v46 =	vbroadcast v16, $0xC;
	vm12 =	veq.s32 v9, v45;
	v27 =	vadd.s32 v1, v27  }
0xcf: {  	v1 =	vnsel vm14, $0x0, v39;
	v0 =	vadd.s32 v28, v0;
	v28 =	vsel vm9, $0x1, v26  }
0xd0: {  	vm14 =	veq.s32 v57, v45;
	v45 =	vbroadcast v16, $0xD;
	v12 =	vadd.s32 v1, v12  }
0xd1: {  	v1 =	vsel vm5, $0x1, v26;
	v27 =	vadd.s32 v43, v27;
	v17 =	vadd.s32 v28, v17  }
0xd2: {  	vm11 =	veq.s32 v16, v46;
	v28 =	vnsel vm10, $0x0, v41;
	vm13 =	veq.s32 v11, v46  }
0xd3: {  	vm15 =	veq.s32 v58, v46;
	vm5 =	veq.s32 v55, v46;
	v19 =	vadd.s32 v1, v19  }
0xd4: {  	v1 =	vnsel vm11, $0x0, v41;
	v12 =	vadd.s32 v28, v12;
	v28 =	vsel vm12, $0x1, v26  }
0xd5: {  	v43 =	vsel vm15, $0x1, v26;
	v46 =	vsel vm5, $0x1, v26;
	vm7 =	veq.s32 v16, v45  }
0xd6: {  	vm9 =	veq.s32 v11, v45;
	vm11 =	veq.s32 v58, v45;
	v15 =	vadd.s32 v1, v15  }
0xd7: {  	v18 =	vadd.s32 v28, v18;
	v28 =	vsel vm13, $0x1, v26;
	v1 =	vsel vm14, $0x1, v26  }
0xd8: {  	v0 =	vadd.s32 v43, v0;
	v43 =	vbroadcast v14, $0xD;
	v17 =	vadd.s32 v46, v17  }
0xd9: {  	v46 =	vnsel vm7, $0x0, v42;
	vm13 =	veq.s32 v55, v45;
	v45 =	vbroadcast v16, $0xE  }
0xda: {  	v19 =	vadd.s32 v28, v19;
	v28 =	vadd.s32 v1, v13;
	v1 =	vsel vm4, $0x1, v26  }
0xdb: {  	v27 =	vadd.s32 v1, v27;
	vm6 =	veq.s32 v14, v43;
	vm8 =	veq.s32 v9, v43  }
0xdc: {  	vm10 =	veq.s32 v57, v43;
	vm12 =	veq.s32 v56, v43;
	v43 =	vbroadcast v14, $0xE  }
0xdd: {  	vm15 =	veq.s32 v11, v45;
	vm5 =	veq.s32 v58, v45;
	v1 =	vnsel vm6, $0x0, v42  }
0xde: {  	vm7 =	veq.s32 v55, v45;
	v13 =	vadd.s32 v1, v12;
	v12 =	vadd.s32 v46, v15  }
0xdf: {  	v1 =	vsel vm8, $0x1, v26;
	v46 =	vsel vm9, $0x1, v26;
	v15 =	vnsel vm0, $0x3FFF, v57  }
0xe0: {  	vm14 =	veq.s32 v9, v43;
	vm4 =	veq.s32 v57, v43;
	vm1 =	veq.s32 v14, v43  }
0xe1: {  	vm0 =	veq.s32 v16, v45;
	vm6 =	veq.s32 v56, v43;
	v14 =	vbroadcast v14, $0xF  }
0xe2: {  	v16 =	vbroadcast v16, $0xF;
	v45 =	vbroadcast v11, $0x1;
	v18 =	vadd.s32 v1, v18  }
0xe3: {  	v19 =	vadd.s32 v46, v19;
	v1 =	vsel vm10, $0x1, v26;
	v43 =	vsel vm6, $0x1, v26  }
0xe4: {  	v28 =	vadd.s32 v1, v28;
	v1 =	vsel vm11, $0x1, v26;
	vm3 =	veq.s32 v9, v14  }
0xe5: {  	vm8 =	veq.s32 v11, v16;
	vm9 =	veq.s32 v57, v14;
	vm10 =	veq.s32 v58, v16  }
0xe6: {  	vm11 =	veq.s32 v56, v14;
	v0 =	vadd.s32 v1, v0;
	v1 =	vsel vm12, $0x1, v26  }
0xe7: {  	v46 =	vsel vm8, $0x1, v26;
	v14 =	vsel vm11, $0x1, v26;
	vm12 =	veq.s32 v55, v16  }
0xe8: {  	vm11 =	veq.s32 v11, v45;
	v27 =	vadd.s32 v1, v27;
	v1 =	vsel vm13, $0x1, v26  }
0xe9: {  	v16 =	vsel vm12, $0x1, v26;
	v17 =	vadd.s32 v1, v17;
	v1 =	vsel vm14, $0x1, v26  }
0xea: {  	v27 =	vadd.s32 v43, v27;
	v43 =	vsel vm7, $0x1, v26;
	v18 =	vadd.s32 v1, v18  }
0xeb: {  	v1 =	vsel vm15, $0x1, v26;
	v17 =	vadd.s32 v43, v17;
	v43 =	vsel vm9, $0x1, v26  }
0xec: {  	v14 =	vadd.s32 v14, v27;
	v19 =	vadd.s32 v1, v19;
	v1 =	vsel vm4, $0x1, v26  }
0xed: {  	v16 =	vadd.s32 v16, v17;
	v28 =	vadd.s32 v1, v28;
	v1 =	vsel vm5, $0x1, v26  }
0xee: {  	v19 =	vadd.s32 v46, v19;
	v46 =	vbroadcast v9, $0x0;
	v0 =	vadd.s32 v1, v0  }
0xef: {  	v1 =	vsel vm3, $0x1, v26;
	v28 =	vadd.s32 v43, v28;
	v43 =	vbroadcast v11, $0x0  }
0xf0: {  	v18 =	vadd.s32 v1, v18;
	v1 =	vsel vm10, $0x1, v26;
	vm13 =	veq.s32 v9, v46  }
0xf1: {  	vm15 =	veq.s32 v57, v46;
	vm8 =	veq.s32 v56, v46;
	v0 =	vadd.s32 v1, v0  }
0xf2: {  	v1 =	vnsel vm13, $0x0, v29;
	vm14 =	veq.s32 v11, v43;
	vm4 =	veq.s32 v58, v43  }
0xf3: {  	v27 =	vsel vm15, $0x1, v26;
	vm9 =	veq.s32 v55, v43;
	vm13 =	veq.s32 v58, v45  }
0xf4: {  	vm15 =	veq.s32 v55, v45;
	v45 =	vbroadcast v11, $0x4;
	v17 =	vadd.s32 v1, v18  }
0xf5: {  	v18 =	vnsel vm14, $0x0, v29;
	v1 =	vsel vm4, $0x1, v26;
	v43 =	vsel vm9, $0x1, v26  }
0xf6: {  	v18 =	vadd.s32 v18, v19;
	v19 =	vadd.s32 v27, v28;
	v27 =	vbroadcast v9, $0x1  }
0xf7: {  	v0 =	vadd.s32 v1, v0;
	v28 =	vsel vm8, $0x1, v26;
	v16 =	vadd.s32 v43, v16  }
0xf8: {  	v43 =	vbroadcast v11, $0x2;
	v14 =	vadd.s32 v28, v14;
	vm10 =	veq.s32 v9, v27  }
0xf9: {  	vm12 =	veq.s32 v57, v27;
	vm14 =	veq.s32 v56, v27;
	v27 =	vbroadcast v9, $0x2  }
0xfa: {  	vm7 =	veq.s32 v11, v43;
	vm9 =	veq.s32 v58, v43;
	v28 =	vnsel vm10, $0x0, v30  }
0xfb: {  	v46 =	vsel vm12, $0x1, v26;
	v17 =	vadd.s32 v28, v17;
	v28 =	vnsel vm11, $0x0, v30  }
0xfc: {  	v19 =	vadd.s32 v46, v19;
	vm6 =	veq.s32 v9, v27;
	vm8 =	veq.s32 v57, v27  }
0xfd: {  	v46 =	vbroadcast v9, $0x3;
	vm10 =	veq.s32 v56, v27;
	vm11 =	veq.s32 v55, v43  }
0xfe: {  	v43 =	vbroadcast v11, $0x3;
	v18 =	vadd.s32 v28, v18;
	v28 =	vsel vm13, $0x1, v26  }
0xff: {  	v1 =	vnsel vm6, $0x0, v31;
	v27 =	vsel vm10, $0x1, v26;
	vm10 =	veq.s32 v11, v45  }
0x100: {  	v0 =	vadd.s32 v28, v0;
	v28 =	vsel vm14, $0x1, v26;
	v17 =	vadd.s32 v1, v17  }
0x101: {  	v1 =	vsel vm9, $0x1, v26;
	vm12 =	veq.s32 v9, v46;
	vm13 =	veq.s32 v11, v43  }
0x102: {  	vm14 =	veq.s32 v57, v46;
	v14 =	vadd.s32 v28, v14;
	v28 =	vsel vm15, $0x1, v26  }
0x103: {  	v0 =	vadd.s32 v1, v0;
	v1 =	vnsel vm12, $0x0, v32;
	vm15 =	veq.s32 v58, v43  }
0x104: {  	vm12 =	veq.s32 v58, v45;
	v16 =	vadd.s32 v28, v16;
	v28 =	vnsel vm7, $0x0, v31  }
0x105: {  	v14 =	vadd.s32 v27, v14;
	v17 =	vadd.s32 v1, v17;
	v27 =	vnsel vm13, $0x0, v32  }
0x106: {  	v1 =	vsel vm15, $0x1, v26;
	vm7 =	veq.s32 v56, v46;
	v18 =	vadd.s32 v28, v18  }
0x107: {  	v28 =	vsel vm8, $0x1, v26;
	v0 =	vadd.s32 v1, v0;
	vm8 =	veq.s32 v55, v43  }
0x108: {  	v19 =	vadd.s32 v28, v19;
	v28 =	vsel vm11, $0x1, v26;
	v18 =	vadd.s32 v27, v18  }
0x109: {  	v27 =	vbroadcast v9, $0x4;
	v43 =	vsel vm8, $0x1, v26;
	v16 =	vadd.s32 v28, v16  }
0x10a: {  	v28 =	vsel vm14, $0x1, v26;
	vm14 =	veq.s32 v55, v45;
	v45 =	vbroadcast v11, $0x7  }
0x10b: {  	v19 =	vadd.s32 v28, v19;
	v28 =	vsel vm7, $0x1, v26;
	v16 =	vadd.s32 v43, v16  }
0x10c: {  	vm9 =	veq.s32 v9, v27;
	vm11 =	veq.s32 v57, v27;
	vm13 =	veq.s32 v56, v27  }
0x10d: {  	v27 =	vbroadcast v9, $0x5;
	v14 =	vadd.s32 v28, v14;
	v28 =	vnsel vm9, $0x0, v33  }
0x10e: {  	v43 =	vbroadcast v11, $0x5;
	v46 =	vsel vm11, $0x1, v26;
	v17 =	vadd.s32 v28, v17  }
0x10f: {  	v28 =	vnsel vm10, $0x0, v33;
	v19 =	vadd.s32 v46, v19;
	vm15 =	veq.s32 v9, v27  }
0x110: {  	vm5 =	veq.s32 v11, v43;
	vm6 =	veq.s32 v57, v27;
	vm7 =	veq.s32 v58, v43  }
0x111: {  	v46 =	vbroadcast v9, $0x6;
	vm8 =	veq.s32 v56, v27;
	vm9 =	veq.s32 v55, v43  }
0x112: {  	v43 =	vbroadcast v11, $0x6;
	v18 =	vadd.s32 v28, v18;
	v28 =	vsel vm12, $0x1, v26  }
0x113: {  	v1 =	vnsel vm15, $0x0, v34;
	v27 =	vsel vm8, $0x1, v26;
	v0 =	vadd.s32 v28, v0  }
0x114: {  	v28 =	vsel vm13, $0x1, v26;
	v17 =	vadd.s32 v1, v17;
	v1 =	vsel vm7, $0x1, v26  }
0x115: {  	vm10 =	veq.s32 v9, v46;
	vm11 =	veq.s32 v11, v43;
	vm12 =	veq.s32 v57, v46  }
0x116: {  	vm13 =	veq.s32 v58, v43;
	vm15 =	veq.s32 v55, v43;
	vm7 =	veq.s32 v11, v45  }
0x117: {  	v14 =	vadd.s32 v28, v14;
	v28 =	vsel vm14, $0x1, v26;
	v0 =	vadd.s32 v1, v0  }
0x118: {  	v1 =	vnsel vm10, $0x0, v35;
	vm14 =	veq.s32 v56, v46;
	v43 =	vsel vm15, $0x1, v26  }
0x119: {  	v16 =	vadd.s32 v28, v16;
	v28 =	vnsel vm5, $0x0, v34;
	v14 =	vadd.s32 v27, v14  }
0x11a: {  	v17 =	vadd.s32 v1, v17;
	v27 =	vnsel vm11, $0x0, v35;
	v1 =	vsel vm13, $0x1, v26  }
0x11b: {  	vm11 =	veq.s32 v55, v45;
	v18 =	vadd.s32 v28, v18;
	v28 =	vsel vm6, $0x1, v26  }
0x11c: {  	v0 =	vadd.s32 v1, v0;
	v19 =	vadd.s32 v28, v19;
	v28 =	vsel vm9, $0x1, v26  }
0x11d: {  	v18 =	vadd.s32 v27, v18;
	v27 =	vbroadcast v9, $0x7;
	vm9 =	veq.s32 v58, v45  }
0x11e: {  	v45 =	vbroadcast v11, $0xA;
	v16 =	vadd.s32 v28, v16;
	v28 =	vsel vm12, $0x1, v26  }
0x11f: {  	v19 =	vadd.s32 v28, v19;
	v28 =	vsel vm14, $0x1, v26;
	v16 =	vadd.s32 v43, v16  }
0x120: {  	vm6 =	veq.s32 v9, v27;
	vm8 =	veq.s32 v57, v27;
	vm10 =	veq.s32 v56, v27  }
0x121: {  	v27 =	vbroadcast v9, $0x8;
	v43 =	vbroadcast v11, $0x8;
	vm4 =	veq.s32 v58, v45  }
0x122: {  	v14 =	vadd.s32 v28, v14;
	v28 =	vnsel vm6, $0x0, v40;
	v46 =	vsel vm8, $0x1, v26  }
0x123: {  	v17 =	vadd.s32 v28, v17;
	v28 =	vnsel vm7, $0x0, v40;
	v19 =	vadd.s32 v46, v19  }
0x124: {  	vm12 =	veq.s32 v9, v27;
	vm13 =	veq.s32 v11, v43;
	vm14 =	veq.s32 v57, v27  }
0x125: {  	vm15 =	veq.s32 v58, v43;
	v46 =	vbroadcast v9, $0x9;
	vm5 =	veq.s32 v56, v27  }
0x126: {  	vm6 =	veq.s32 v55, v43;
	v43 =	vbroadcast v11, $0x9;
	v18 =	vadd.s32 v28, v18  }
0x127: {  	v28 =	vsel vm9, $0x1, v26;
	v1 =	vnsel vm12, $0x0, v36;
	v27 =	vsel vm5, $0x1, v26  }
0x128: {  	v0 =	vadd.s32 v28, v0;
	v28 =	vsel vm10, $0x1, v26;
	v17 =	vadd.s32 v1, v17  }
0x129: {  	v1 =	vsel vm15, $0x1, v26;
	vm7 =	veq.s32 v9, v46;
	vm8 =	veq.s32 v11, v43  }
0x12a: {  	vm9 =	veq.s32 v57, v46;
	vm10 =	veq.s32 v58, v43;
	vm12 =	veq.s32 v55, v43  }
0x12b: {  	v14 =	vadd.s32 v28, v14;
	v28 =	vsel vm11, $0x1, v26;
	v0 =	vadd.s32 v1, v0  }
0x12c: {  	v1 =	vnsel vm7, $0x0, v37;
	vm11 =	veq.s32 v56, v46;
	v43 =	vsel vm12, $0x1, v26  }
0x12d: {  	v16 =	vadd.s32 v28, v16;
	v28 =	vnsel vm13, $0x0, v36;
	v14 =	vadd.s32 v27, v14  }
0x12e: {  	v17 =	vadd.s32 v1, v17;
	v27 =	vnsel vm8, $0x0, v37;
	v1 =	vsel vm10, $0x1, v26  }
0x12f: {  	v18 =	vadd.s32 v28, v18;
	v28 =	vsel vm14, $0x1, v26;
	v0 =	vadd.s32 v1, v0  }
0x130: {  	vm14 =	veq.s32 v11, v45;
	v19 =	vadd.s32 v28, v19;
	v28 =	vsel vm6, $0x1, v26  }
0x131: {  	v18 =	vadd.s32 v27, v18;
	v27 =	vbroadcast v9, $0xA;
	vm6 =	veq.s32 v55, v45  }
0x132: {  	v45 =	vbroadcast v11, $0xB;
	v16 =	vadd.s32 v28, v16;
	v28 =	vsel vm9, $0x1, v26  }
0x133: {  	v1 =	vsel vm6, $0x1, v26;
	v19 =	vadd.s32 v28, v19;
	v28 =	vsel vm11, $0x1, v26  }
0x134: {  	v16 =	vadd.s32 v43, v16;
	vm13 =	veq.s32 v9, v27;
	vm15 =	veq.s32 v57, v27  }
0x135: {  	vm5 =	veq.s32 v56, v27;
	v27 =	vbroadcast v9, $0xB;
	vm8 =	veq.s32 v11, v45  }
0x136: {  	vm10 =	veq.s32 v58, v45;
	vm12 =	veq.s32 v55, v45;
	v43 =	vbroadcast v11, $0xC  }
0x137: {  	v14 =	vadd.s32 v28, v14;
	v28 =	vnsel vm13, $0x0, v38;
	v46 =	vsel vm15, $0x1, v26  }
0x138: {  	v16 =	vadd.s32 v1, v16;
	v17 =	vadd.s32 v28, v17;
	v28 =	vnsel vm14, $0x0, v38  }
0x139: {  	v19 =	vadd.s32 v46, v19;
	vm7 =	veq.s32 v9, v27;
	vm9 =	veq.s32 v57, v27  }
0x13a: {  	vm11 =	veq.s32 v56, v27;
	v27 =	vbroadcast v9, $0xC;
	vm14 =	veq.s32 v11, v43  }
0x13b: {  	vm6 =	veq.s32 v55, v43;
	v18 =	vadd.s32 v28, v18;
	v28 =	vsel vm4, $0x1, v26  }
0x13c: {  	v46 =	vsel vm9, $0x1, v26;
	vm4 =	veq.s32 v58, v43;
	v43 =	vbroadcast v11, $0xD  }
0x13d: {  	v0 =	vadd.s32 v28, v0;
	v28 =	vsel vm5, $0x1, v26;
	v19 =	vadd.s32 v46, v19  }
0x13e: {  	vm13 =	veq.s32 v9, v27;
	vm15 =	veq.s32 v57, v27;
	vm5 =	veq.s32 v56, v27  }
0x13f: {  	v27 =	vbroadcast v9, $0xD;
	v14 =	vadd.s32 v28, v14;
	v28 =	vnsel vm7, $0x0, v39  }
0x140: {  	v1 =	vsel vm4, $0x1, v26;
	v17 =	vadd.s32 v28, v17;
	v28 =	vnsel vm8, $0x0, v39  }
0x141: {  	vm7 =	veq.s32 v9, v27;
	vm8 =	veq.s32 v11, v43;
	vm9 =	veq.s32 v57, v27  }
0x142: {  	v18 =	vadd.s32 v28, v18;
	v28 =	vsel vm10, $0x1, v26;
	vm10 =	veq.s32 v58, v43  }
0x143: {  	v45 =	vsel vm9, $0x1, v26;
	v0 =	vadd.s32 v28, v0;
	v28 =	vsel vm11, $0x1, v26  }
0x144: {  	vm11 =	veq.s32 v56, v27;
	v27 =	vbroadcast v9, $0xE;
	v14 =	vadd.s32 v28, v14  }
0x145: {  	v28 =	vsel vm12, $0x1, v26;
	v0 =	vadd.s32 v1, v0;
	v1 =	vnsel vm7, $0x0, v42  }
0x146: {  	vm12 =	veq.s32 v55, v43;
	v16 =	vadd.s32 v28, v16;
	v28 =	vnsel vm13, $0x0, v41  }
0x147: {  	vm13 =	veq.s32 v57, v27;
	vm3 =	veq.s32 v9, v27;
	v9 =	vbroadcast v9, $0xF  }
0x148: {  	v17 =	vadd.s32 v28, v17;
	v28 =	vnsel vm14, $0x0, v41;
	v43 =	vsel vm13, $0x1, v26  }
0x149: {  	v18 =	vadd.s32 v28, v18;
	v28 =	vsel vm15, $0x1, v26;
	vm15 =	veq.s32 v56, v27  }
0x14a: {  	v27 =	vadd.s32 v23, v15;
	v19 =	vadd.s32 v28, v19;
	v28 =	vsel vm5, $0x1, v26  }
0x14b: {  	[tilespmem:$0x4A0] =	vst v27;
	v27 =	vbroadcast v58, $0xE;
	v28 =	vadd.s32 v28, v14;
	v14 =	vsel vm6, $0x1, v26  }
0x14c: {  	v19 =	vadd.s32 v45, v19;
	v45 =	vbroadcast v11, $0xE;
	v46 =	vadd.s32 v14, v16  }
0x14d: {  	v14 =	vadd.s32 v1, v17;
	v1 =	vnsel vm8, $0x0, v42;
	v17 =	vadd.s32 v20, v15  }
0x14e: {  	v19 =	vadd.s32 v43, v19;
	v43 =	vadd.s32 v21, v15;
	vm8 =	veq.s32 v57, v9  }
0x14f: {  	vm4 =	veq.s32 v58, v27;
	v16 =	vadd.s32 v1, v18;
	v18 =	vsel vm10, $0x1, v26  }
0x150: {  	vm14 =	veq.s32 v58, v45;
	vm2 =	veq.s32 v11, v45;
	vm5 =	veq.s32 v55, v45  }
0x151: {  	v11 =	vbroadcast v11, $0xF;
	vm10 =	veq.s32 v56, v9;
	v9 =	vbroadcast v57, $0x0  }
0x152: {  	v0 =	vadd.s32 v18, v0;
	v18 =	vsel vm11, $0x1, v26;
	v1 =	vsel vm14, $0x1, v26  }
0x153: {  	v18 =	vadd.s32 v18, v28;
	v28 =	vsel vm12, $0x1, v26;
	v0 =	vadd.s32 v1, v0  }
0x154: {  	v1 =	vsel vm15, $0x1, v26;
	vm9 =	veq.s32 v58, v11;
	vm11 =	veq.s32 v55, v11  }
0x155: {  	v11 =	vbroadcast v58, $0x0;
	vm12 =	veq.s32 v57, v9;
	vm14 =	veq.s32 v56, v9  }
0x156: {  	v9 =	vbroadcast v57, $0x1;
	v28 =	vadd.s32 v28, v46;
	v46 =	vadd.s32 v22, v15  }
0x157: {  	v18 =	vadd.s32 v1, v18;
	v1 =	vsel vm5, $0x1, v26;
	vm5 =	veq.s32 v55, v27  }
0x158: {  	v27 =	vbroadcast v55, $0x0;
	v28 =	vadd.s32 v1, v28;
	v1 =	vsel vm8, $0x1, v26  }
0x159: {  	vm13 =	veq.s32 v58, v11;
	vm15 =	veq.s32 v55, v11;
	v11 =	vbroadcast v58, $0x1  }
0x15a: {  	vm8 =	veq.s32 v57, v9;
	v19 =	vadd.s32 v1, v19;
	v1 =	vsel vm9, $0x1, v26  }
0x15b: {  	v45 =	vnsel vm8, $0x0, v30;
	v0 =	vadd.s32 v1, v0;
	v1 =	vsel vm10, $0x1, v26  }
0x15c: {  	vm9 =	veq.s32 v58, v11;
	vm10 =	veq.s32 v56, v9;
	v9 =	vbroadcast v57, $0x2  }
0x15d: {  	v18 =	vadd.s32 v1, v18;
	v1 =	vsel vm11, $0x1, v26;
	vm11 =	veq.s32 v55, v11  }
0x15e: {  	v11 =	vbroadcast v58, $0x3;
	v28 =	vadd.s32 v1, v28;
	v1 =	vnsel vm12, $0x0, v29  }
0x15f: {  	vm12 =	veq.s32 v57, v9;
	v19 =	vadd.s32 v1, v19;
	v1 =	vnsel vm13, $0x0, v29  }
0x160: {  	v0 =	vadd.s32 v1, v0;
	v1 =	vsel vm14, $0x1, v26;
	vm14 =	vlt.s32 v8, $0x3FFF  }
0x161: {  	v18 =	vadd.s32 v1, v18;
	v1 =	vsel vm15, $0x1, v26;
	vm15 =	veq.s32 v56, v9  }
0x162: {  	[tilespmem:$0x400] =	vst v2;
	v9 =	vbroadcast v57, $0x3;
	v2 =	vnsel vm14, $0x3FFF, v8;
	v28 =	vadd.s32 v1, v28  }
0x163: {  	v1 =	vadd.s32 v15, v10;
	v10 =	vadd.s32 v45, v19;
	v19 =	vnsel vm9, $0x0, v30  }
0x164: {  	v45 =	vbroadcast v58, $0x2;
	v15 =	vadd.s32 v24, v15;
	v7 =	vadd.s32 v2, v7  }
0x165: {  	v0 =	vadd.s32 v19, v0;
	v19 =	vsel vm10, $0x1, v26;
	vm9 =	veq.s32 v57, v9  }
0x166: {  	vm10 =	veq.s32 v58, v11;
	v18 =	vadd.s32 v19, v18;
	v19 =	vsel vm11, $0x1, v26  }
0x167: {  	vm13 =	veq.s32 v58, v45;
	vm8 =	veq.s32 v55, v45;
	vm11 =	veq.s32 v56, v9  }
0x168: {  	v9 =	vbroadcast v57, $0x4;
	v19 =	vadd.s32 v19, v28;
	v28 =	vnsel vm12, $0x0, v31  }
0x169: {  	[tilespmem:$0x5A0] =	vst v1;
	v1 =	vld [tilespmem:$0x270];
	v45 =	vnsel vm10, $0x0, v32;
	vm12 =	veq.s32 v55, v11;
	v10 =	vadd.s32 v28, v10  }
0x16a: {  	[tilespmem:$0x580] =	vst v59;
	v28 =	vnsel vm13, $0x0, v31;
	v59 =	vsel vm12, $0x1, v26;
	vm13 =	veq.s32 v57, v9  }
0x16b: {  	[tilespmem:$0x480] =	vst v62;
	v0 =	vadd.s32 v28, v0;
	v28 =	vsel vm15, $0x1, v26;
	v62 =	vnsel vm13, $0x0, v33  }
0x16c: {  	[tilespmem:$0x300] =	vst v4;
	vm15 =	veq.s32 v56, v9;
	v4 =	vadd.s32 v28, v18;
	v18 =	vsel vm8, $0x1, v26  }
0x16d: {  	v11 =	vld [tilespmem:$0x280];
	v0 =	vadd.s32 v45, v0;
	v45 =	vsel vm11, $0x1, v26;
	v28 =	vadd.s32 v23, v2  }
0x16e: {  	[tilespmem:$0x590] =	vst v61;
	v61 =	vsel vm15, $0x1, v26;
	vm11 =	veq.s32 v56, v60;
	v1 =	vmul.f32 $5.000000000e-01, v1  }
0x16f: {  	[tilespmem:$0x380] =	vst v5;
	v5 =	vadd.s32 v18, v19;
	v18 =	vnsel vm9, $0x0, v32;
	v19 =	vadd.s32 v21, v2  }
0x170: {  	[tilespmem:$0x500] =	vst v63;
	v63 =	vld [tilespmem:$0x1FE60];
	v4 =	vadd.s32 v45, v4;
	vm9 =	veq.s32 v57, v60;
	v60 =	vsel vm11, $0x1, v26  }
0x171: {  	[tilespmem:$0x390] =	vst v3;
	v45 =	vld [tilespmem:$0x1FE70];
	v8 =	vadd.s32 v18, v10;
	v18 =	vadd.s32 v20, v2;
	v3 =	vadd.s32 v59, v5  }
0x172: {  	[tilespmem:$0x320] =	vst v17;
	v5 =	vbroadcast v58, $0x4;
	v17 =	vnsel vm9, $0x0, v34;
	v11 =	vmul.f32 $5.000000000e-01, v11  }
0x173: {  	[tilespmem:$0x310] =	vst v6;
	v6 =	vadd.s32 v62, v8;
	v8 =	vadd.s32 v22, v2;
	v62 =	vbroadcast v58, $0x5  }
0x174: {  	[tilespmem:$0x3A0] =	vst v43;
	vm14 =	veq.s32 v58, v5;
	vm8 =	veq.s32 v55, v5;
	v43 =	vadd.s32 v17, v6  }
0x175: {  	[tilespmem:$0x490] =	vst v63;
	v10 =	vld [tilespmem:$0x240];
	v59 =	vnsel vm14, $0x0, v33;
	v63 =	vsel vm8, $0x1, v26;
	vm10 =	veq.s32 v58, v62  }
0x176: {  	vm12 =	veq.s32 v55, v62;
	[tilespmem:$0x510] =	vst v45;
	v45 =	vadd.s32 v24, v2;
	v0 =	vadd.s32 v59, v0  }
0x177: {  	[tilespmem:$0x420] =	vst v46;
	v2 =	vadd.s32 v61, v4;
	v3 =	vadd.s32 v63, v3;
	v46 =	vnsel vm10, $0x0, v34  }
0x178: {  	v6 =	vld [tilespmem:$0x250];
	v59 =	vbroadcast v57, $0x6;
	v61 =	vbroadcast v58, $0x6;
	v62 =	vsel vm12, $0x1, v26  }
0x179: {  	[tilespmem:$0x330] =	vst v18;
	v5 =	vld [tilespmem:$0x290];
	v0 =	vadd.s32 v46, v0;
	v17 =	vadd.s32 v60, v2;
	v18 =	vadd.s32 v62, v3  }
0x17a: {  	[tilespmem:$0x530] =	vst v45;
	v45 =	vbroadcast v57, $0x9;
	v10 =	vmul.f32 $5.000000000e-01, v10;
	vm13 =	veq.s32 v57, v59  }
0x17b: {  	vm14 =	veq.s32 v58, v61;
	vm15 =	veq.s32 v56, v59;
	v59 =	vbroadcast v57, $0x7  }
0x17c: {  	vm8 =	veq.s32 v55, v61;
	v61 =	vbroadcast v58, $0x7;
	v63 =	vnsel vm13, $0x0, v35  }
0x17d: {  	[tilespmem:$0x3B0] =	vst v19;
	v60 =	vsel vm15, $0x1, v26;
	v19 =	vsel vm8, $0x1, v26;
	v6 =	vmul.f32 $5.000000000e-01, v6  }
0x17e: {  	[tilespmem:$0x520] =	vst v15;
	v5 =	vmul.f32 $5.000000000e-01, v5;
	v4 =	vadd.s32 v63, v43;
	v43 =	vnsel vm14, $0x0, v35  }
0x17f: {  	[tilespmem:$0x5B0] =	vst v7;
	v17 =	vadd.s32 v60, v17;
	vm9 =	veq.s32 v57, v59;
	v62 =	vadd.s32 v19, v18  }
0x180: {  	[tilespmem:$0x4B0] =	vst v28;
	v2 =	vld [tilespmem:$0x260];
	vm10 =	veq.s32 v58, v61;
	vm11 =	veq.s32 v56, v59;
	v63 =	vbroadcast v57, $0x8  }
0x181: {  	[tilespmem:$0x430] =	vst v8;
	v3 =	vld [tilespmem:$0x2A0];
	vm12 =	veq.s32 v55, v61;
	v59 =	vbroadcast v57, $0xA;
	v46 =	vadd.s32 v43, v0  }
0x182: {  	v0 =	vld [tilespmem:$0x2B0];
	v18 =	vnsel vm9, $0x0, v40;
	[tilespmem:s12], [sflag:$0x1] =	stream.indirect.gather [hbm4b:s2+s10], $0x1, s11, s10, $0xb8;
	v19 =	vnsel vm10, $0x0, v40;
	v43 =	vbroadcast v58, $0x8  }
0x183: {  	vm9 =	veq.s32 v57, v45;
	v4 =	vadd.s32 v18, v4;
	v8 =	vadd.s32 v19, v46  }
0x184: {  	v18 =	vsel vm11, $0x1, v26;
	vm13 =	veq.s32 v57, v63;
	vm15 =	veq.s32 v56, v63;
	[tilespmem:s14], [sflag:$0x1] =	stream.indirect.gather [hbm4b:s2+s10], $0x1, s13, s10, $0xb8;
	[tilespmem:$0x980] =	vst v63  }
0x185: {  	vm11 =	veq.s32 v56, v45;
	v63 =	vbroadcast v57, $0xB;
	v2 =	vmul.f32 $5.000000000e-01, v2  }
0x186: {  	v3 =	vmul.f32 $5.000000000e-01, v3;
	v17 =	vadd.s32 v18, v17;
	v18 =	vsel vm12, $0x1, v26;
	[tilespmem:s16], [sflag:$0x1] =	stream.indirect.gather [hbm4b:s2+s10], $0x1, s15, s10, $0xb8;
	[tilespmem:$0x980] =	vst v63  }
0x187: {  	v19 =	vnsel vm13, $0x0, v36;
	vm14 =	veq.s32 v58, v43;
	vm8 =	veq.s32 v55, v43  }
0x188: {  	v60 =	vsel vm11, $0x1, v26;
	vm13 =	veq.s32 v57, v59;
	v7 =	vadd.s32 v18, v62;
	[tilespmem:s18], [sflag:$0x1] =	stream.indirect.gather [hbm4b:s2+s10], $0x1, s17, s10, $0xb8;
	[tilespmem:$0x980] =	vst v63  }
0x189: {  	v4 =	vadd.s32 v19, v4;
	v18 =	vnsel vm14, $0x0, v36;
	v19 =	vbroadcast v58, $0x9  }
0x18a: {  	v15 =	vsel vm8, $0x1, v26;
	v62 =	vnsel vm13, $0x0, v38;
	vm11 =	veq.s32 v56, v63;
	[tilespmem:s20], [sflag:$0x1] =	stream.indirect.gather [hbm4b:s2+s10], $0x1, s19, s10, $0xb8;
	[tilespmem:$0x980] =	vst v63  }
0x18b: {  	v8 =	vadd.s32 v18, v8;
	v18 =	vsel vm15, $0x1, v26;
	v7 =	vadd.s32 v15, v7  }
0x18c: {  	vm15 =	veq.s32 v56, v59;
	v59 =	vbroadcast v57, $0xC;
	v17 =	vadd.s32 v18, v17;
	[tilespmem:s22], [sflag:$0x1] =	stream.indirect.gather [hbm4b:s2+s10], $0x1, s21, s10, $0xb8;
	[tilespmem:$0x980] =	vst v63  }
0x18d: {  	v18 =	vnsel vm9, $0x0, v37;
	vm10 =	veq.s32 v58, v19;
	vm12 =	veq.s32 v55, v19;
	_ =	swait.ge [sflag:s9], $0x40  }
0x18e: {  	v43 =	vsel vm15, $0x1, v26;
	vm9 =	veq.s32 v57, v63;
	v63 =	vbroadcast v57, $0xD;
	[sflag:s9] =	ssyncset.done $0x0  }
0x18f: {  	v0 =	vmul.f32 $5.000000000e-01, v0;
	v4 =	vadd.s32 v18, v4;
	v46 =	vnsel vm10, $0x0, v37;
	[sflag:s9] =	ssyncadd.s32 $0xFFFFFFC0  }
0x190: {  	v18 =	vbroadcast v58, $0xA;
	v15 =	vadd.s32 v60, v17;
	v61 =	vsel vm12, $0x1, v26;
	_ =	swait.ge [sflag:s9], $0x40  }
0x191: {  	v60 =	vsel vm11, $0x1, v26;
	vm13 =	veq.s32 v57, v59;
	vm15 =	veq.s32 v56, v59;
	[sflag:s9] =	ssyncset.done $0x0  }
0x192: {  	v8 =	vadd.s32 v46, v8;
	v7 =	vadd.s32 v61, v7;
	v4 =	vadd.s32 v62, v4;
	[sflag:s9] =	ssyncadd.s32 $0xFFFFFFC0  }
0x193: {  	v15 =	vadd.s32 v43, v15;
	v43 =	vsel vm15, $0x1, v26;
	vm11 =	veq.s32 v56, v63;
	_ =	swait.ge [sflag:s9], $0x40  }
0x194: {  	vm14 =	veq.s32 v58, v18;
	vm8 =	veq.s32 v55, v18;
	v18 =	vbroadcast v58, $0xB;
	[sflag:s9] =	ssyncset.done $0x0  }
0x195: {  	v15 =	vadd.s32 v60, v15;
	v9 =	vsel vm11, $0x1, v26;
	v60 =	vbroadcast v57, $0xF;
	[sflag:s9] =	ssyncadd.s32 $0xFFFFFFC0  }
0x196: {  	v19 =	vnsel vm14, $0x0, v38;
	v45 =	vsel vm8, $0x1, v26;
	v15 =	vadd.s32 v43, v15;
	_ =	swait.ge [sflag:s9], $0x40  }
0x197: {  	v8 =	vadd.s32 v19, v8;
	v19 =	vnsel vm9, $0x0, v39;
	v7 =	vadd.s32 v45, v7;
	[sflag:s9] =	ssyncset.done $0x0  }
0x198: {  	vm10 =	veq.s32 v58, v18;
	vm12 =	veq.s32 v55, v18;
	v18 =	vnsel vm13, $0x0, v41;
	[sflag:s9] =	ssyncadd.s32 $0xFFFFFFC0  }
0x199: {  	vm9 =	veq.s32 v57, v63;
	v9 =	vadd.s32 v9, v15;
	vm6 =	veq.s32 v56, v60;
	_ =	swait.ge [sflag:s9], $0x40  }
0x19a: {  	v63 =	vnsel vm1, $0x0, v44;
	v4 =	vadd.s32 v19, v4;
	v46 =	vnsel vm10, $0x0, v39;
	[sflag:s9] =	ssyncset.done $0x0  }
0x19b: {  	v19 =	vbroadcast v58, $0xC;
	v61 =	vsel vm12, $0x1, v26;
	v8 =	vadd.s32 v46, v8;
	[sflag:s9] =	ssyncadd.s32 $0xFFFFFFC0  }
0x19c: {  	v7 =	vadd.s32 v61, v7;
	v4 =	vadd.s32 v18, v4;
	v18 =	vbroadcast v58, $0xD;
	_ =	swait.ge [sflag:s9], $0x40  }
0x19d: {  	v46 =	vnsel vm9, $0x0, v42;
	vm9 =	veq.s32 v55, v27;
	vm14 =	veq.s32 v58, v19;
	[sflag:s9] =	ssyncset.done $0x0  }
0x19e: {  	vm8 =	veq.s32 v55, v19;
	v4 =	vadd.s32 v46, v4;
	v19 =	vbroadcast v57, $0xE;
	[sflag:s9] =	ssyncadd.s32 $0xFFFFFFC0  }
0x19f: {  	v46 =	vbroadcast v56, $0x1;
	v62 =	vnsel vm14, $0x0, v41;
	v45 =	vsel vm8, $0x1, v26;
	v28 =	vld [tilespmem:$0x700]  }
0x1a0: {  	vm10 =	veq.s32 v58, v18;
	vm11 =	veq.s32 v55, v18;
	v18 =	vbroadcast v58, $0xF;
	v61 =	vld [tilespmem:$0x600]  }
0x1a1: {  	v58 =	vbroadcast v55, $0x1;
	vm7 =	veq.s32 v57, v19;
	vm8 =	veq.s32 v56, v19;
	v19 =	vld [tilespmem:$0x780]  }
0x1a2: {  	vm14 =	veq.s32 v13, v63;
	v17 =	vadd.s32 v62, v8;
	v8 =	vadd.s32 v45, v7  }
0x1a3: {  	v62 =	vbroadcast v56, $0x0;
	v57 =	vsub.f32 v53, v11;
	vm1 =	veq.s32 v55, v18;
	v18 =	vld [tilespmem:$0x680]  }
0x1a4: {  	v59 =	vnsel vm10, $0x0, v42;
	v11 =	vadd.f32 v11, v53;
	v28 =	vmul.f32 $5.000000000e-01, v28  }
0x1a5: {  	v7 =	vadd.s32 v59, v17;
	vm12 =	veq.s32 v56, v62;
	v15 =	vmul.f32 $1.280000000e+02, v57  }
0x1a6: {  	v62 =	vld [tilespmem:$0x790];
	v19 =	vmul.f32 $5.000000000e-01, v19;
	v27 =	vsub.f32 v61, v28;
	v17 =	vadd.f32 v28, v61  }
0x1a7: {  	v11 =	vmul.f32 $1.280000000e+02, v11;
	v28 =	vsub.f32 v54, v10;
	v10 =	vadd.f32 v10, v54  }
0x1a8: {  	vm13 =	veq.s32 v55, v58;
	v58 =	vld [tilespmem:$0x690];
	v59 =	vsub.f32 v18, v19;
	v18 =	vadd.f32 v19, v18  }
0x1a9: {  	vm10 =	veq.s32 v56, v46;
	v63 =	vsub.f32 v11, v15;
	v55 =	vld [tilespmem:$0x7A0];
	v19 =	vmul.f32 $1.280000000e+02, v28  }
0x1aa: {  	v10 =	vmul.f32 $1.280000000e+02, v10;
	v60 =	vsub.f32 v17, v27;
	v61 =	vsub.f32 v18, v59  }
0x1ab: {  	v15 =	vmax.f32 v59, v15;
	v11 =	vmin.f32 v18, v11;
	v59 =	vmul.f32 $5.000000000e-01, v62  }
0x1ac: {  	v28 =	vld [tilespmem:$0x710];
	v11 =	vsub.f32 v11, v15;
	v27 =	vmax.f32 v27, v19;
	v19 =	vsub.f32 v10, v19  }
0x1ad: {  	v10 =	vmin.f32 v17, v10;
	v13 =	vmul.f32 v61, v60;
	v60 =	vsub.f32 v58, v59  }
0x1ae: {  	v57 =	vld [tilespmem:$0x610];
	v15 =	vadd.f32 v59, v58;
	v58 =	vmul.f32 $5.000000000e-01, v55;
	v59 =	vsub.f32 v49, v2  }
0x1af: {  	v2 =	vadd.f32 v2, v49;
	v49 =	vnsel vm7, $0x0, v44;
	v10 =	vsub.f32 v10, v27  }
0x1b0: {  	v11 =	vmax.f32 v11, $0.0e+00;
	v18 =	vmul.f32 v63, v19;
	v19 =	vnsel vm0, $0x0, v44  }
0x1b1: {  	v2 =	vmul.f32 $1.280000000e+02, v2;
	v27 =	vmul.f32 $5.000000000e-01, v28;
	v28 =	vsub.f32 v52, v6  }
0x1b2: {  	vm0 =	veq.s32 v12, v19;
	v6 =	vadd.f32 v6, v52;
	v10 =	vmax.f32 v10, $0.0e+00  }
0x1b3: {  	v13 =	vadd.f32 v13, v18;
	v10 =	vmul.f32 v11, v10;
	v18 =	vsub.f32 v57, v27  }
0x1b4: {  	v19 =	vmul.f32 $1.280000000e+02, v28;
	v28 =	vsub.f32 v51, v5;
	v5 =	vadd.f32 v5, v51  }
0x1b5: {  	v61 =	vld [tilespmem:$0x720];
	v27 =	vadd.f32 v27, v57;
	v6 =	vmul.f32 $1.280000000e+02, v6;
	v13 =	vsub.f32 v13, v10  }
0x1b6: {  	v62 =	vmul.f32 $1.280000000e+02, v28;
	v5 =	vmul.f32 $1.280000000e+02, v5;
	v28 =	vmax.f32 v18, v19  }
0x1b7: {  	v54 =	vmin.f32 v27, v6;
	v18 =	vsub.f32 v27, v18;
	v27 =	vsub.f32 v15, v60  }
0x1b8: {  	v63 =	vld [tilespmem:$0x620];
	v6 =	vsub.f32 v6, v19;
	v19 =	vnsel vm3, $0x0, v44;
	v28 =	vsub.f32 v54, v28  }
0x1b9: {  	v46 =	vadd.f32 $1.000000010e-07, v13;
	v12 =	vmax.f32 v60, v62;
	v15 =	vmin.f32 v15, v5  }
0x1ba: {  	v56 =	vmul.f32 v27, v18;
	v27 =	vmul.f32 $5.000000000e-01, v61;
	v5 =	vsub.f32 v5, v62  }
0x1bb: {  	v60 =	vsub.f32 v50, v3;
	v61 =	vnsel vm2, $0x0, v44;
	v3 =	vadd.f32 v3, v50  }
0x1bc: {  	vm2 =	veq.s32 v14, v19;
	v12 =	vsub.f32 v15, v12;
	vm3 =	veq.s32 v16, v61  }
0x1bd: {  	v18 =	vld [tilespmem:$0x6A0];
	(erf) = vrcp.f32 v46;
	v57 =	vsub.f32 v63, v27;
	v5 =	vmul.f32 v5, v6  }
0x1be: {  	v27 =	vadd.f32 v27, v63;
	v63 =	vmul.f32 $1.280000000e+02, v59;
	v6 =	vmul.f32 $1.280000000e+02, v60  }
0x1bf: {  	v19 =	vld [tilespmem:$0x730];
	v3 =	vmul.f32 $1.280000000e+02, v3;
	v59 =	vsub.f32 v48, v1;
	v1 =	vadd.f32 v1, v48  }
0x1c0: {  	v12 =	vmax.f32 v12, $0.0e+00;
	v5 =	vadd.f32 v56, v5;
	v50 =	vsub.f32 v27, v57  }
0x1c1: {  	v54 =	vld [tilespmem:$0x630];
	v52 =	vsub.f32 v2, v63;
	v53 =	vsub.f32 v3, v6;
	v17 =	vmax.f32 v57, v63  }
0x1c2: {  	v2 =	vmin.f32 v27, v2;
	v27 =	vld [tilespmem:$0x7B0];
	v62 =	vsub.f32 v18, v58;
	v18 =	vadd.f32 v58, v18  }
0x1c3: {  	v15 =	vmul.f32 $1.280000000e+02, v59;
	v1 =	vmul.f32 $1.280000000e+02, v1;
	v2 =	vsub.f32 v2, v17  }
0x1c4: {  	v56 =	vld [tilespmem:$0x6B0];
	v58 =	vmul.f32 $5.000000000e-01, v19;
	v19 =	vsub.f32 v47, v0;
	v51 =	vsub.f32 v18, v62  }
0x1c5: {  	v0 =	vadd.f32 v0, v47;
	v55 =	vmul.f32 v53, v52;
	v6 =	vmax.f32 v62, v6  }
0x1c6: {  	v3 =	vmin.f32 v18, v3;
	v60 =	vsub.f32 v54, v58;
	v14 =	vmul.f32 v51, v50  }
0x1c7: {  	v19 =	vmul.f32 $1.280000000e+02, v19;
	v3 =	vsub.f32 v3, v6;
	v18 =	vmul.f32 $5.000000000e-01, v27  }
0x1c8: {  	v0 =	vmul.f32 $1.280000000e+02, v0;
	v57 =	vadd.f32 v14, v55;
	v14 =	vadd.f32 v58, v54  }
0x1c9: {  	v27 =	vmax.f32 v60, v15;
	v61 =	vsub.f32 v56, v18;
	v16 =	vadd.f32 v18, v56  }
0x1ca: {  	v62 =	vmin.f32 v14, v1;
	v14 =	vsub.f32 v14, v60;
	v1 =	vsub.f32 v1, v15  }
0x1cb: {  	v63 =	vmax.f32 v61, v19;
	v11 =	vsub.f32 v16, v61;
	v16 =	vmin.f32 v16, v0  }
0x1cc: {  	v0 =	vsub.f32 v0, v19;
	v18 =	vsub.f32 v62, v27;
	v27 =	vmax.f32 v28, $0.0e+00  }
0x1cd: {  	v2 =	vmax.f32 v2, $0.0e+00;
	v43 =	vsub.f32 v16, v63;
	v12 =	vmul.f32 v12, v27  }
0x1ce: {  	v3 =	vmax.f32 v3, $0.0e+00;
	v11 =	vmul.f32 v11, v14;
	v0 =	vmul.f32 v0, v1  }
0x1cf: {  	v2 =	vmul.f32 v3, v2;
	v47 =	vmax.f32 v18, $0.0e+00;
	v3 =	vmax.f32 v43, $0.0e+00  }
0x1d0: {  	v45 =	vsub.f32 v5, v12;
	v3 =	vmul.f32 v3, v47;
	v0 =	vadd.f32 v11, v0  }
0x1d1: {  	v48 =	vsel vm11, $0x1, v26;
	v59 =	vld [tilespmem:$0x1FFE0];
	v52 =	vsel vm6, $0x1, v26;
	v6 =	vsub.f32 v57, v2  }
0x1d2: {  	v53 =	vsel vm1, $0x1, v26;
	v1 =	vadd.f32 $1.000000010e-07, v45;
	v0 =	vsub.f32 v0, v3  }
0x1d3: {  	v50 =	vsel vm8, $0x1, v26;
	v51 =	vsel vm5, $0x1, v26;
	v6 =	vadd.f32 $1.000000010e-07, v6  }
0x1d4: {  	v54 =	vnsel vm12, $0x0, v29;
	(erf) = vrcp.f32 v1;
	v0 =	vadd.f32 $1.000000010e-07, v0  }
0x1d5: {  	v55 =	vnsel vm9, $0x0, v29;
	vm12 =	veq.s32 v4, v49;
	(erf) = vrcp.f32 v6  }
0x1d6: {  	v57 =	vnsel vm4, $0x0, v44;
	v60 =	vnsel vm10, $0x0, v59;
	v61 =	vld [tilespmem:$0x810];
	(erf) = vrcp.f32 v0  }
0x1d7: {  	vm4 =	veq.s32 v7, v57;
	v63 =	vnsel vm13, $0x0, v59;
	v16 =	vimm.f32 $0.0e+00  }
0x1d8: {  	v56 =	vld [tilespmem:$0x800];
	v17 =	vsel vm14, $0x3F800000, v16;
	v49 =	vsel vm3, $0x3F800000, v16;
	v57 =	vsel vm4, $0x3F800000, v16;
	v62 =	vpop (erf)  }
0x1d9: {  	v58 =	vld [tilespmem:$0x880];
	v5 =	vadd.s32 v48, v8;
	v8 =	vadd.s32 v50, v9;
	v7 =	vmul.f32 v62, v10  }
0x1da: {  	v43 =	vld [tilespmem:$0x890];
	v47 =	vsel vm2, $0x3F800000, v16;
	v5 =	vadd.s32 v51, v5;
	v8 =	vadd.s32 v52, v8  }
0x1db: {  	v59 =	vld [tilespmem:$0x1FFF0];
	v4 =	vmul.f32 v61, v47;
	v5 =	vadd.s32 v53, v5;
	v45 =	vsel vm0, $0x3F800000, v16  }
0x1dc: {  	v50 =	vld [tilespmem:$0x820];
	v7 =	vsub.f32 $1.000000000e+00, v7;
	v5 =	vadd.s32 v55, v5;
	v0 =	vadd.s32 v54, v8  }
0x1dd: {  	v52 =	vld [tilespmem:$0x8A0];
	v55 =	vsel vm12, $0x3F800000, v16;
	vm13 =	veq.s32 v0, v60;
	v0 =	vmul.f32 v56, v17;
	v46 =	vpop (erf)  }
0x1de: {  	v53 =	vld [tilespmem:$0x830];
	vm15 =	veq.s32 v5, v63;
	v5 =	vmul.f32 v58, v45;
	v48 =	vmul.f32 v46, v12;
	v51 =	vpop (erf)  }
0x1df: {  	v1 =	vmul.f32 v43, v49;
	v0 =	vadd.f32 $0.0e+00, v0;
	v2 =	vmul.f32 v51, v2;
	v54 =	vpop (erf)  }
0x1e0: {  	v5 =	vadd.f32 $0.0e+00, v5;
	v6 =	vsub.f32 $1.000000000e+00, v48;
	v3 =	vmul.f32 v54, v3  }
0x1e1: {  	v56 =	vld [tilespmem:$0x8B0];
	v60 =	vnsel vm13, $0x0, v59;
	v0 =	vadd.f32 v4, v0;
	v2 =	vsub.f32 $1.000000000e+00, v2  }
0x1e2: {  	v4 =	vmul.f32 v50, v55;
	v6 =	vadd.f32 v6, v7;
	v3 =	vsub.f32 $1.000000000e+00, v3  }
0x1e3: {  	v58 =	vmul.f32 v52, v57;
	v1 =	vadd.f32 v1, v5;
	v61 =	vmul.f32 v60, v53  }
0x1e4: {  	v0 =	vadd.f32 v4, v0;
	v2 =	vadd.f32 v2, v6;
	v3 =	vmul.f32 v59, v3  }
0x1e5: {  	v62 =	vnsel vm15, $0x0, v59;
	v1 =	vadd.f32 v58, v1  }
0x1e6: {  	v63 =	vmul.f32 v62, v56;
	v0 =	vadd.f32 v61, v0;
	v2 =	vadd.f32 v3, v2;
	_ =	sdelay $0x1  }
0x1e7: {  	v1 =	vadd.f32 v63, v1;
	v0 =	vmul.f32 $-6.103515630e-05, v0;
	v2 =	vmul.f32 $5.000000070e-02, v2;
	_ =	sdelay $0x1  }
0x1e8: {  	v1 =	vmul.f32 $-3.814697320e-07, v1;
	v0 =	vadd.f32 v0, v2;
	_ =	sdelay $0x1  }
0x1e9: {  	v0 =	vadd.f32 v1, v0  }
0x1ea: {  	p0 =	sne.s32 s6, $0x1  }
.Ltmp1:
0x1eb: {  	[tilespmem:$0x900] =	vst v0;
	(pc) =	sbr.rel @p0 .LBB2_2-.Ltmp1, $4  }
0x1ec: {  	[hbm4b:s5+s4] =	stream.linear.scatter [tilespmem:s23], [sflag:$0x2], $0x80, $0x38;
	[tilespmem:$0x980] =	vst v63  }
0x1ed: {  	_ =	swait.ge [sflag:s24], $0x80  }
0x1ee: {  	[sflag:s24] =	ssyncset.done $0x0  }
0x1ef: {  	s6 =	sadd.s32 $0xFFFFFFFF, s6;
	[sflag:s24] =	ssyncadd.s32 $0xFFFFFF80  }
.LBB2_3:
0x1f0: {  	_ =	sfence.sel $0x180000  }
0x1f1: {  	[bflag:$0x0] =	sbarrier.arrive $0xFFFF  }
0x1f2: {  	p0 =	sne.s32 s1, $0x0;
	_ =	strace $0x90000047  }
0x1f3: {  	s0 =	sadd.s32 @!p0 $0x100000, s0;
	[bflag:$0x2] =	sbarrier.arrive $0xFFFF  }
0x1f4: {  	[sflag:s0] =	ssyncadd.tile.s32 @!p0 $0x1;
	_ =	shalt  }
.Lfunc_end2:
_tile_overlayer_lowered:
.L_overlay_start_2:
0x1f5: {  	(tag) =	ssettag $0x2  }
0x1f6: {  	s0 =	rddreg [dreg:$0x0];
	s2 =	stileid.u32  }
0x1f7: {  	s1 =	rddreg [dreg:$0x1];
	p0 =	sne.s32 s2, $0x0  }
0x1f8: {  	s3 =	rddreg [dreg:$0x2];
	[bflag:$0x3] =	sbarrier.arrive $0xFFFF;
	s2 =	simm.s32 @!p0 $0x1C02  }
0x1f9: {  	[timem:s3], [sflag:s2] =	dma.local @!p0 [hbm:s0], s1  }
0x1fa: {  	s0 =	simm.s32 @!p0 $0x2  }
0x1fb: {  	_ =	swait.ge @!p0 [sflag:s0], s1  }
0x1fc: {  	s1 =	ssub.s32 @!p0 $0x0, s1;
	[sflag:s0] =	ssyncset.done @!p0 $0x0  }
0x1fd: {  	[sflag:s0] =	ssyncadd.s32 @!p0 s1  }
0x1fe: {  	[bflag:$0x3] =	sbarrier.arrive $0xFFFF  }
0x1ff: {  	_ =	shalt  }

</sc_bundles>
